<compile_context>
chip_gen: v7x
topology: tpu7x:2x2x1
jax: 0.10.2.dev20260603
libtpu: 0.0.44.dev20260713+nightly
codegen_flags: <defaults>
</compile_context>

<pallas_src>
import jax
import jax.numpy as jnp
from jax import lax
from jax.experimental import pallas as pl
from jax.experimental.pallas import tpu as pltpu
from jax.experimental.pallas import tpu_sc as plsc

ROWS = 128
COLS = 32768
KEEP = 16384
L = 16
ONE_F32_BITS = 0x3F800000

_info = plsc.get_sparse_core_info()
NC = _info.num_cores
NS = _info.num_subcores
NW = NC * NS
RPW = ROWS // NW
UN = 8


def _level_select(hist_v, width, k):

    @plsc.parallel_loop(0, width, L, unroll=UN,
                        carry=(jnp.int32(0), jnp.int32(0), jnp.int32(0)))
    def blk(j, c):
        tot, jb, cbb = c
        s = jnp.sum(hist_v[pl.ds(j, L)])
        tot = tot + s
        below = tot < k
        jb = jnp.where(below, jb + 1, jb)
        cbb = jnp.where(below, tot, cbb)
        return (tot, jb, cbb)

    _, jb, cbb = blk
    h = hist_v[pl.ds(jb * L, L)]
    cum = plsc.cumsum(h) + cbb
    lt = cum < k
    nb = jnp.sum(jnp.where(lt, 1, 0))
    b = jb * L + nb
    cb = jnp.maximum(cbb, jnp.max(jnp.where(lt, cum, 0)))
    return b, cb


def _find_threshold(buf, hist_v, ones, zeros_i):

    @plsc.parallel_loop(0, 2048, L, unroll=UN)
    def _(j):
        hist_v[pl.ds(j, L)] = zeros_i

    @plsc.parallel_loop(0, COLS, L, unroll=UN)
    def _(j):
        a = lax.bitcast_convert_type(buf[pl.ds(j, L)],
                                     jnp.int32) & jnp.int32(0x7FFFFFFF)
        plsc.addupdate_scatter(hist_v, [a >> 20], ones)

    b1, cb1 = _level_select(hist_v, 2048, jnp.int32(KEEP))
    k2 = jnp.int32(KEEP) - cb1

    @plsc.parallel_loop(0, 2048, L, unroll=UN)
    def _(j):
        hist_v[pl.ds(j, L)] = zeros_i

    @plsc.parallel_loop(0, COLS, L, unroll=UN)
    def _(j):
        a = lax.bitcast_convert_type(buf[pl.ds(j, L)],
                                     jnp.int32) & jnp.int32(0x7FFFFFFF)
        m = (a >> 20) == b1
        plsc.addupdate_scatter(
            hist_v, [(a >> 9) & jnp.int32(0x7FF)], ones, mask=m)

    b2, cb2 = _level_select(hist_v, 2048, k2)
    k3 = k2 - cb2
    pref2 = (b1 << 11) | b2

    @plsc.parallel_loop(0, 512, L, unroll=UN)
    def _(j):
        hist_v[pl.ds(j, L)] = zeros_i

    @plsc.parallel_loop(0, COLS, L, unroll=UN)
    def _(j):
        a = lax.bitcast_convert_type(buf[pl.ds(j, L)],
                                     jnp.int32) & jnp.int32(0x7FFFFFFF)
        m = (a >> 9) == pref2
        plsc.addupdate_scatter(hist_v, [a & jnp.int32(0x1FF)], ones, mask=m)

    b3, _ = _level_select(hist_v, 512, k3)
    return (pref2 << 9) | b3


def _sc_body(x_hbm, thr_hbm, buf0, buf1, thr_v, hist_v, in_sem0, in_sem1):
    w = lax.axis_index("s") * NC + lax.axis_index("c")
    ones = jnp.ones((L,), jnp.int32)
    zeros_i = jnp.zeros((L,), jnp.int32)
    bufs = (buf0, buf1)
    in_sems = (in_sem0, in_sem1)
    r0 = w * RPW

    pltpu.make_async_copy(x_hbm.at[r0], buf0, in_sem0).start()
    pltpu.make_async_copy(x_hbm.at[r0 + 1], buf1, in_sem1).start()
    for i in range(RPW):
        buf = bufs[i % 2]
        r = r0 + i
        pltpu.make_async_copy(x_hbm.at[r], buf, in_sems[i % 2]).wait()

        thr = _find_threshold(buf, hist_v, ones, zeros_i)

        if i + 2 < RPW:
            pltpu.make_async_copy(x_hbm.at[r + 2], buf,
                                  in_sems[i % 2]).start()
        thr_v[pl.ds(0, L)] = jnp.broadcast_to(thr, (L,))
        pltpu.sync_copy(thr_v, thr_hbm.at[r])


def _tc_apply(x_ref, thr_ref, out_ref, mask_ref):
    x = x_ref[...]
    tb = thr_ref[...]
    t = lax.bitcast_convert_type(tb[:, :1], jnp.float32)
    m = jnp.abs(x) >= t
    out_ref[...] = jnp.where(m, x, jnp.float32(0.0))
    mask_ref[...] = m.astype(jnp.float32)


@jax.jit
def kernel(x):
    mesh = plsc.VectorSubcoreMesh(core_axis_name="c", subcore_axis_name="s")
    sc_f = pl.kernel(
        _sc_body,
        out_type=jax.ShapeDtypeStruct((ROWS, L), jnp.int32),
        mesh=mesh,
        scratch_types=[
            pltpu.VMEM((COLS,), jnp.float32),
            pltpu.VMEM((COLS,), jnp.float32),
            pltpu.VMEM((L,), jnp.int32),
            pltpu.VMEM((2048,), jnp.int32),
            pltpu.SemaphoreType.DMA,
            pltpu.SemaphoreType.DMA,
        ],
        compiler_params=pltpu.CompilerParams(needs_layout_passes=False),
    )
    thr_bits = sc_f(x)

    br = 8
    out, mask = pl.pallas_call(
        _tc_apply,
        grid=(ROWS // br,),
        in_specs=[
            pl.BlockSpec((br, COLS), lambda i: (i, 0)),
            pl.BlockSpec((br, L), lambda i: (i, 0)),
        ],
        out_specs=[
            pl.BlockSpec((br, COLS), lambda i: (i, 0)),
            pl.BlockSpec((br, COLS), lambda i: (i, 0)),
        ],
        out_shape=[
            jax.ShapeDtypeStruct((ROWS, COLS), jnp.float32),
            jax.ShapeDtypeStruct((ROWS, COLS), jnp.float32),
        ],
    )(x, thr_bits)
    return (out, mask)

# --- scband reference (transcript-rebuilt; emitter-appended) ---
"""Pipeline reference for scband-top-ksparsifier-26611617366613 (READ-ONLY COPY).

The authoritative reference and input builder live on the scoring server;
editing this copy changes nothing except your own understanding.
"""

import jax, jax.numpy as jnp
import numpy as np

K_FRAC = 0.5

def setup_inputs(seed: int = 0) -> dict:
    key = jax.random.key(seed)
    x = jax.random.normal(key, (128, 32768), dtype=jnp.float32)
    return {"x": x}

def reference(x):
    # Faithful translation of TopKSparsifier.forward
    abs_x = jnp.abs(x)
    num_keep = int(K_FRAC * x.shape[-1])
    # torch.kthvalue(k=num_keep) returns the num_keep-th smallest value along dim
    sorted_abs = jnp.sort(abs_x, axis=-1)
    threshold = sorted_abs[..., num_keep - 1:num_keep]  # keepdim=True
    mask = (abs_x >= threshold).astype(jnp.float32)
    return (x * mask, mask)

if __name__ == "__main__":
    import jax
    _d = setup_inputs()
    print(jax.jit(kernel)(*tuple(_d.values())))

</pallas_src>

<mosaic_0001>
#map = affine_map<(d0, d1) -> (0, 0)>
module attributes {stable_mosaic.version = 14 : i64} {
  func.func @_sc_body(%arg0: i32, %arg1: i32, %arg2: memref<128x32768xf32, #tpu.memory_space<hbm>>, %arg3: memref<128x16xi32, #tpu.memory_space<hbm>>, %arg4: memref<32768xf32, #tpu.memory_space<vmem>>, %arg5: memref<32768xf32, #tpu.memory_space<vmem>>, %arg6: memref<16xi32, #tpu.memory_space<vmem>>, %arg7: memref<2048xi32, #tpu.memory_space<vmem>>, %arg8: memref<!tpu.dma_semaphore, #tpu.memory_space<semaphore_mem>>, %arg9: memref<!tpu.dma_semaphore, #tpu.memory_space<semaphore_mem>>) attributes {dimension_semantics = [#tpu.dimension_semantics<core_parallel>, #tpu.dimension_semantics<subcore_parallel>], iteration_bounds = array<i64: 2, 16>, scalar_prefetch = 0 : i64, scratch_operands = 6 : i64, tpu.core_type = #tpu.core_type<sc_vector_subcore>, window_params = [{transform_indices = #map}, {transform_indices = #map}]} {
    %mul3A = arith.constant 2 : i32
    %mul3A_0 = arith.muli %arg1, %mul3A : i32
    %add3A = arith.addi %mul3A_0, %arg0 : i32
    %broadcast_in_dim3A = arith.constant 1 : i32
    %broadcast_in_dim3A_1 = vector.broadcast %broadcast_in_dim3A : i32 to vector<16xi32>
    %broadcast_in_dim3A_2 = arith.constant 0 : i32
    %broadcast_in_dim3A_3 = vector.broadcast %broadcast_in_dim3A_2 : i32 to vector<16xi32>
    %mul3A_4 = arith.constant 4 : i32
    %mul3A_5 = arith.muli %add3A, %mul3A_4 : i32
    %dma_start3A = arith.constant 0 : i32
    %dma_start3A_6 = tpu.memref_slice %arg2[%mul3A_5, %dma_start3A] : memref<128x32768xf32, #tpu.memory_space<hbm>> -> memref<1x32768xf32, #tpu.memory_space<hbm>>
    %dma_start3A_7 = tpu.memref_squeeze %dma_start3A_6 : memref<1x32768xf32, #tpu.memory_space<hbm>> -> memref<32768xf32, #tpu.memory_space<hbm>>
    %dma_start3A_8 = arith.constant 0 : i32
    %dma_start3A_9 = tpu.memref_slice %arg2[%mul3A_5, %dma_start3A_8] : memref<128x32768xf32, #tpu.memory_space<hbm>> -> memref<1x32768xf32, #tpu.memory_space<hbm>>
    %dma_start3A_10 = tpu.memref_squeeze %dma_start3A_9 : memref<1x32768xf32, #tpu.memory_space<hbm>> -> memref<32768xf32, #tpu.memory_space<hbm>>
    tpu.enqueue_dma source(%dma_start3A_10 : memref<32768xf32, #tpu.memory_space<hbm>>) target(%arg4 : memref<32768xf32, #tpu.memory_space<vmem>>) target_semaphore(%arg8 : memref<!tpu.dma_semaphore, #tpu.memory_space<semaphore_mem>>)
    %add3A_11 = arith.constant 1 : i32
    %add3A_12 = arith.addi %mul3A_5, %add3A_11 : i32
    %dma_start3A_13 = arith.constant 0 : i32
    %dma_start3A_14 = tpu.memref_slice %arg2[%add3A_12, %dma_start3A_13] : memref<128x32768xf32, #tpu.memory_space<hbm>> -> memref<1x32768xf32, #tpu.memory_space<hbm>>
    %dma_start3A_15 = tpu.memref_squeeze %dma_start3A_14 : memref<1x32768xf32, #tpu.memory_space<hbm>> -> memref<32768xf32, #tpu.memory_space<hbm>>
    %dma_start3A_16 = arith.constant 0 : i32
    %dma_start3A_17 = tpu.memref_slice %arg2[%add3A_12, %dma_start3A_16] : memref<128x32768xf32, #tpu.memory_space<hbm>> -> memref<1x32768xf32, #tpu.memory_space<hbm>>
    %dma_start3A_18 = tpu.memref_squeeze %dma_start3A_17 : memref<1x32768xf32, #tpu.memory_space<hbm>> -> memref<32768xf32, #tpu.memory_space<hbm>>
    tpu.enqueue_dma source(%dma_start3A_18 : memref<32768xf32, #tpu.memory_space<hbm>>) target(%arg5 : memref<32768xf32, #tpu.memory_space<vmem>>) target_semaphore(%arg9 : memref<!tpu.dma_semaphore, #tpu.memory_space<semaphore_mem>>)
    %add3A_19 = arith.constant 0 : i32
    %add3A_20 = arith.addi %mul3A_5, %add3A_19 : i32
    %dma_wait3A = arith.constant 0 : i32
    %dma_wait3A_21 = tpu.memref_slice %arg2[%add3A_20, %dma_wait3A] : memref<128x32768xf32, #tpu.memory_space<hbm>> -> memref<1x32768xf32, #tpu.memory_space<hbm>>
    %dma_wait3A_22 = tpu.memref_squeeze %dma_wait3A_21 : memref<1x32768xf32, #tpu.memory_space<hbm>> -> memref<32768xf32, #tpu.memory_space<hbm>>
    %dma_wait3A_23 = arith.constant 0 : i32
    %dma_wait3A_24 = tpu.memref_slice %arg2[%add3A_20, %dma_wait3A_23] : memref<128x32768xf32, #tpu.memory_space<hbm>> -> memref<1x32768xf32, #tpu.memory_space<hbm>>
    %dma_wait3A_25 = tpu.memref_squeeze %dma_wait3A_24 : memref<1x32768xf32, #tpu.memory_space<hbm>> -> memref<32768xf32, #tpu.memory_space<hbm>>
    tpu.wait_dma2 semaphore(%arg8 : memref<!tpu.dma_semaphore, #tpu.memory_space<semaphore_mem>>) src(%dma_wait3A_25 : memref<32768xf32, #tpu.memory_space<hbm>>) dst(%arg4 : memref<32768xf32, #tpu.memory_space<vmem>>)
    %parallel_loop3A = arith.constant 0 : i32
    %parallel_loop3A_26 = arith.constant 2048 : i32
    %parallel_loop3A_27 = arith.constant 16 : i32
    scf.for %parallel_loop3A_685 = %parallel_loop3A to %parallel_loop3A_26 step %parallel_loop3A_27  : i32 {
      %parallel_loop3A_686 = arith.index_cast %parallel_loop3A_685 : i32 to index
      %parallel_loop3A_687 = tpu.vector_load %arg7[%parallel_loop3A_686] {strides = array<i32>} : memref<2048xi32, #tpu.memory_space<vmem>>, vector<16xi32>,
      tpu.vector_store %arg7[%parallel_loop3A_686], %broadcast_in_dim3A_3 {strides = array<i32>} : memref<2048xi32, #tpu.memory_space<vmem>>, vector<16xi32>,
    } {sc.loop_unroll_factor = 8 : i64, sc.parallel_access}
    %parallel_loop3A_28 = arith.constant 0 : i32
    %parallel_loop3A_29 = arith.constant 32768 : i32
    %parallel_loop3A_30 = arith.constant 16 : i32
    scf.for %parallel_loop3A_685 = %parallel_loop3A_28 to %parallel_loop3A_29 step %parallel_loop3A_30  : i32 {
      %parallel_loop3A_686 = arith.index_cast %parallel_loop3A_685 : i32 to index
      %parallel_loop3A_687 = tpu.vector_load %arg4[%parallel_loop3A_686] {strides = array<i32>} : memref<32768xf32, #tpu.memory_space<vmem>>, vector<16xf32>,
      %parallel_loop3A_688 = tpu.bitcast %parallel_loop3A_687 : vector<16xf32> -> vector<16xi32>
      %parallel_loop3A_689 = arith.constant 2147483647 : i32
      %parallel_loop3A_690 = vector.broadcast %parallel_loop3A_689 : i32 to vector<16xi32>
      %parallel_loop3A_691 = arith.andi %parallel_loop3A_688, %parallel_loop3A_690 : vector<16xi32>
      %parallel_loop3A_692 = arith.constant 20 : i32
      %parallel_loop3A_693 = vector.broadcast %parallel_loop3A_692 : i32 to vector<16xi32>
      %parallel_loop3A_694 = arith.shrsi %parallel_loop3A_691, %parallel_loop3A_693 : vector<16xi32>
      tpu.vector_store_idx %arg7[%parallel_loop3A_694], %broadcast_in_dim3A_1 {add = true} : memref<2048xi32, #tpu.memory_space<vmem>>[vector<16xi32>], vector<16xi32>,
    } {sc.loop_unroll_factor = 8 : i64, sc.parallel_access}
    %parallel_loop3A_31 = arith.constant 0 : i32
    %parallel_loop3A_32 = arith.constant 2048 : i32
    %parallel_loop3A_33 = arith.constant 16 : i32
    %parallel_loop3A_34 = arith.constant 16384 : i32
    %parallel_loop3A_35 = arith.constant 0 : i32
    %parallel_loop3A_36 = arith.constant 0 : i32
    %parallel_loop3A_37 = arith.constant 0 : i32
    %parallel_loop3A_38:3 = scf.for %parallel_loop3A_685 = %parallel_loop3A_31 to %parallel_loop3A_32 step %parallel_loop3A_33 iter_args(%parallel_loop3A_686 = %parallel_loop3A_35, %parallel_loop3A_687 = %parallel_loop3A_36, %parallel_loop3A_688 = %parallel_loop3A_37) -> (i32, i32, i32)  : i32 {
      %parallel_loop3A_689 = arith.index_cast %parallel_loop3A_685 : i32 to index
      %parallel_loop3A_690 = tpu.vector_load %arg7[%parallel_loop3A_689] {strides = array<i32>} : memref<2048xi32, #tpu.memory_space<vmem>>, vector<16xi32>,
      %parallel_loop3A_691 = arith.constant true
      %parallel_loop3A_692 = vector.broadcast %parallel_loop3A_691 : i1 to vector<16xi1>
      %parallel_loop3A_693 = tpu.scan <sum>, %parallel_loop3A_690 masked %parallel_loop3A_692 : vector<16xi32>, vector<16xi1> -> vector<16xi32>
      %parallel_loop3A_694 = vector.extract %parallel_loop3A_693[15] : i32 from vector<16xi32>
      %parallel_loop3A_695 = arith.addi %parallel_loop3A_686, %parallel_loop3A_694 : i32
      %parallel_loop3A_696 = arith.cmpi slt, %parallel_loop3A_695, %parallel_loop3A_34 : i32
      %parallel_loop3A_697 = arith.constant 1 : i32
      %parallel_loop3A_698 = arith.addi %parallel_loop3A_687, %parallel_loop3A_697 : i32
      %parallel_loop3A_699 = arith.select %parallel_loop3A_696, %parallel_loop3A_698, %parallel_loop3A_687 : i32
      %parallel_loop3A_700 = arith.select %parallel_loop3A_696, %parallel_loop3A_695, %parallel_loop3A_688 : i32
      scf.yield %parallel_loop3A_695, %parallel_loop3A_699, %parallel_loop3A_700 : i32, i32, i32
    } {sc.loop_unroll_factor = 8 : i64, sc.parallel_access}
    %mul3A_39 = arith.constant 16 : i32
    %mul3A_40 = arith.muli %parallel_loop3A_38#1, %mul3A_39 : i32
    %get3A = arith.index_cast %mul3A_40 : i32 to index
    %get3A_41 = tpu.vector_load %arg7[%get3A] {strides = array<i32>} : memref<2048xi32, #tpu.memory_space<vmem>>, vector<16xi32>,
    %broadcast_in_dim3A_42 = arith.constant true
    %broadcast_in_dim3A_43 = vector.broadcast %broadcast_in_dim3A_42 : i1 to vector<16xi1>
    %masked_cumsum3A = tpu.scan <sum>, %get3A_41 masked %broadcast_in_dim3A_43 : vector<16xi32>, vector<16xi1> -> vector<16xi32>
    %add3A_44 = vector.broadcast %parallel_loop3A_38#2 : i32 to vector<16xi32>
    %add3A_45 = arith.addi %masked_cumsum3A, %add3A_44 : vector<16xi32>
    %lt3A = arith.constant 16384 : i32
    %lt3A_46 = vector.broadcast %lt3A : i32 to vector<16xi32>
    %lt3A_47 = arith.cmpi slt, %add3A_45, %lt3A_46 : vector<16xi32>
    %jit3A = arith.constant 1 : i32
    %jit3A_48 = arith.constant 0 : i32
    %broadcast_in_dim3A_49 = vector.broadcast %jit3A : i32 to vector<16xi32>
    %broadcast_in_dim3A_50 = vector.broadcast %jit3A_48 : i32 to vector<16xi32>
    %select_n3A = arith.select %lt3A_47, %broadcast_in_dim3A_49, %broadcast_in_dim3A_50 : vector<16xi1>, vector<16xi32>
    %reduce_sum3A = arith.constant true
    %reduce_sum3A_51 = vector.broadcast %reduce_sum3A : i1 to vector<16xi1>
    %reduce_sum3A_52 = tpu.scan <sum>, %select_n3A masked %reduce_sum3A_51 : vector<16xi32>, vector<16xi1> -> vector<16xi32>
    %reduce_sum3A_53 = vector.extract %reduce_sum3A_52[15] : i32 from vector<16xi32>
    %mul3A_54 = arith.constant 16 : i32
    %mul3A_55 = arith.muli %parallel_loop3A_38#1, %mul3A_54 : i32
    %add3A_56 = arith.addi %mul3A_55, %reduce_sum3A_53 : i32
    %jit3A_57 = arith.constant 0 : i32
    %broadcast_in_dim3A_58 = vector.broadcast %jit3A_57 : i32 to vector<16xi32>
    %select_n3A_59 = arith.select %lt3A_47, %add3A_45, %broadcast_in_dim3A_58 : vector<16xi1>, vector<16xi32>
    %reduce_max3A = arith.constant true
    %reduce_max3A_60 = vector.broadcast %reduce_max3A : i1 to vector<16xi1>
    %reduce_max3A_61 = arith.constant -2147483648 : i32
    %reduce_max3A_62 = vector.broadcast %reduce_max3A_61 : i32 to vector<16xi32>
    %reduce_max3A_63 = arith.xori %select_n3A_59, %reduce_max3A_62 : vector<16xi32>
    %reduce_max3A_64 = tpu.scan <max>, %reduce_max3A_63 masked %reduce_max3A_60 : vector<16xi32>, vector<16xi1> -> vector<16xi32>
    %reduce_max3A_65 = arith.xori %reduce_max3A_64, %reduce_max3A_62 : vector<16xi32>
    %reduce_max3A_66 = vector.extract %reduce_max3A_65[15] : i32 from vector<16xi32>
    %max3A = arith.maxsi %parallel_loop3A_38#2, %reduce_max3A_66 : i32
    %sub3A = arith.constant 16384 : i32
    %sub3A_67 = arith.subi %sub3A, %max3A : i32
    %parallel_loop3A_68 = arith.constant 0 : i32
    %parallel_loop3A_69 = arith.constant 2048 : i32
    %parallel_loop3A_70 = arith.constant 16 : i32
    scf.for %parallel_loop3A_685 = %parallel_loop3A_68 to %parallel_loop3A_69 step %parallel_loop3A_70  : i32 {
      %parallel_loop3A_686 = arith.index_cast %parallel_loop3A_685 : i32 to index
      %parallel_loop3A_687 = tpu.vector_load %arg7[%parallel_loop3A_686] {strides = array<i32>} : memref<2048xi32, #tpu.memory_space<vmem>>, vector<16xi32>,
      tpu.vector_store %arg7[%parallel_loop3A_686], %broadcast_in_dim3A_3 {strides = array<i32>} : memref<2048xi32, #tpu.memory_space<vmem>>, vector<16xi32>,
    } {sc.loop_unroll_factor = 8 : i64, sc.parallel_access}
    %parallel_loop3A_71 = arith.constant 0 : i32
    %parallel_loop3A_72 = arith.constant 32768 : i32
    %parallel_loop3A_73 = arith.constant 16 : i32
    scf.for %parallel_loop3A_685 = %parallel_loop3A_71 to %parallel_loop3A_72 step %parallel_loop3A_73  : i32 {
      %parallel_loop3A_686 = arith.index_cast %parallel_loop3A_685 : i32 to index
      %parallel_loop3A_687 = tpu.vector_load %arg4[%parallel_loop3A_686] {strides = array<i32>} : memref<32768xf32, #tpu.memory_space<vmem>>, vector<16xf32>,
      %parallel_loop3A_688 = tpu.bitcast %parallel_loop3A_687 : vector<16xf32> -> vector<16xi32>
      %parallel_loop3A_689 = arith.constant 2147483647 : i32
      %parallel_loop3A_690 = vector.broadcast %parallel_loop3A_689 : i32 to vector<16xi32>
      %parallel_loop3A_691 = arith.andi %parallel_loop3A_688, %parallel_loop3A_690 : vector<16xi32>
      %parallel_loop3A_692 = arith.constant 20 : i32
      %parallel_loop3A_693 = vector.broadcast %parallel_loop3A_692 : i32 to vector<16xi32>
      %parallel_loop3A_694 = arith.shrsi %parallel_loop3A_691, %parallel_loop3A_693 : vector<16xi32>
      %parallel_loop3A_695 = vector.broadcast %add3A_56 : i32 to vector<16xi32>
      %parallel_loop3A_696 = arith.cmpi eq, %parallel_loop3A_694, %parallel_loop3A_695 : vector<16xi32>
      %parallel_loop3A_697 = arith.constant 9 : i32
      %parallel_loop3A_698 = vector.broadcast %parallel_loop3A_697 : i32 to vector<16xi32>
      %parallel_loop3A_699 = arith.shrsi %parallel_loop3A_691, %parallel_loop3A_698 : vector<16xi32>
      %parallel_loop3A_700 = arith.constant 2047 : i32
      %parallel_loop3A_701 = vector.broadcast %parallel_loop3A_700 : i32 to vector<16xi32>
      %parallel_loop3A_702 = arith.andi %parallel_loop3A_699, %parallel_loop3A_701 : vector<16xi32>
      tpu.vector_store_idx %arg7[%parallel_loop3A_702], %broadcast_in_dim3A_1 masked %parallel_loop3A_696 {add = true} : memref<2048xi32, #tpu.memory_space<vmem>>[vector<16xi32>], vector<16xi32>, vector<16xi1>
    } {sc.loop_unroll_factor = 8 : i64, sc.parallel_access}
    %parallel_loop3A_74 = arith.constant 0 : i32
    %parallel_loop3A_75 = arith.constant 2048 : i32
    %parallel_loop3A_76 = arith.constant 16 : i32
    %parallel_loop3A_77 = arith.constant 0 : i32
    %parallel_loop3A_78 = arith.constant 0 : i32
    %parallel_loop3A_79 = arith.constant 0 : i32
    %parallel_loop3A_80:3 = scf.for %parallel_loop3A_685 = %parallel_loop3A_74 to %parallel_loop3A_75 step %parallel_loop3A_76 iter_args(%parallel_loop3A_686 = %parallel_loop3A_77, %parallel_loop3A_687 = %parallel_loop3A_78, %parallel_loop3A_688 = %parallel_loop3A_79) -> (i32, i32, i32)  : i32 {
      %parallel_loop3A_689 = arith.index_cast %parallel_loop3A_685 : i32 to index
      %parallel_loop3A_690 = tpu.vector_load %arg7[%parallel_loop3A_689] {strides = array<i32>} : memref<2048xi32, #tpu.memory_space<vmem>>, vector<16xi32>,
      %parallel_loop3A_691 = arith.constant true
      %parallel_loop3A_692 = vector.broadcast %parallel_loop3A_691 : i1 to vector<16xi1>
      %parallel_loop3A_693 = tpu.scan <sum>, %parallel_loop3A_690 masked %parallel_loop3A_692 : vector<16xi32>, vector<16xi1> -> vector<16xi32>
      %parallel_loop3A_694 = vector.extract %parallel_loop3A_693[15] : i32 from vector<16xi32>
      %parallel_loop3A_695 = arith.addi %parallel_loop3A_686, %parallel_loop3A_694 : i32
      %parallel_loop3A_696 = arith.cmpi slt, %parallel_loop3A_695, %sub3A_67 : i32
      %parallel_loop3A_697 = arith.constant 1 : i32
      %parallel_loop3A_698 = arith.addi %parallel_loop3A_687, %parallel_loop3A_697 : i32
      %parallel_loop3A_699 = arith.select %parallel_loop3A_696, %parallel_loop3A_698, %parallel_loop3A_687 : i32
      %parallel_loop3A_700 = arith.select %parallel_loop3A_696, %parallel_loop3A_695, %parallel_loop3A_688 : i32
      scf.yield %parallel_loop3A_695, %parallel_loop3A_699, %parallel_loop3A_700 : i32, i32, i32
    } {sc.loop_unroll_factor = 8 : i64, sc.parallel_access}
    %mul3A_81 = arith.constant 16 : i32
    %mul3A_82 = arith.muli %parallel_loop3A_80#1, %mul3A_81 : i32
    %get3A_83 = arith.index_cast %mul3A_82 : i32 to index
    %get3A_84 = tpu.vector_load %arg7[%get3A_83] {strides = array<i32>} : memref<2048xi32, #tpu.memory_space<vmem>>, vector<16xi32>,
    %broadcast_in_dim3A_85 = arith.constant true
    %broadcast_in_dim3A_86 = vector.broadcast %broadcast_in_dim3A_85 : i1 to vector<16xi1>
    %masked_cumsum3A_87 = tpu.scan <sum>, %get3A_84 masked %broadcast_in_dim3A_86 : vector<16xi32>, vector<16xi1> -> vector<16xi32>
    %add3A_88 = vector.broadcast %parallel_loop3A_80#2 : i32 to vector<16xi32>
    %add3A_89 = arith.addi %masked_cumsum3A_87, %add3A_88 : vector<16xi32>
    %lt3A_90 = vector.broadcast %sub3A_67 : i32 to vector<16xi32>
    %lt3A_91 = arith.cmpi slt, %add3A_89, %lt3A_90 : vector<16xi32>
    %jit3A_92 = arith.constant 1 : i32
    %jit3A_93 = arith.constant 0 : i32
    %broadcast_in_dim3A_94 = vector.broadcast %jit3A_92 : i32 to vector<16xi32>
    %broadcast_in_dim3A_95 = vector.broadcast %jit3A_93 : i32 to vector<16xi32>
    %select_n3A_96 = arith.select %lt3A_91, %broadcast_in_dim3A_94, %broadcast_in_dim3A_95 : vector<16xi1>, vector<16xi32>
    %reduce_sum3A_97 = arith.constant true
    %reduce_sum3A_98 = vector.broadcast %reduce_sum3A_97 : i1 to vector<16xi1>
    %reduce_sum3A_99 = tpu.scan <sum>, %select_n3A_96 masked %reduce_sum3A_98 : vector<16xi32>, vector<16xi1> -> vector<16xi32>
    %reduce_sum3A_100 = vector.extract %reduce_sum3A_99[15] : i32 from vector<16xi32>
    %mul3A_101 = arith.constant 16 : i32
    %mul3A_102 = arith.muli %parallel_loop3A_80#1, %mul3A_101 : i32
    %add3A_103 = arith.addi %mul3A_102, %reduce_sum3A_100 : i32
    %jit3A_104 = arith.constant 0 : i32
    %broadcast_in_dim3A_105 = vector.broadcast %jit3A_104 : i32 to vector<16xi32>
    %select_n3A_106 = arith.select %lt3A_91, %add3A_89, %broadcast_in_dim3A_105 : vector<16xi1>, vector<16xi32>
    %reduce_max3A_107 = arith.constant true
    %reduce_max3A_108 = vector.broadcast %reduce_max3A_107 : i1 to vector<16xi1>
    %reduce_max3A_109 = arith.constant -2147483648 : i32
    %reduce_max3A_110 = vector.broadcast %reduce_max3A_109 : i32 to vector<16xi32>
    %reduce_max3A_111 = arith.xori %select_n3A_106, %reduce_max3A_110 : vector<16xi32>
    %reduce_max3A_112 = tpu.scan <max>, %reduce_max3A_111 masked %reduce_max3A_108 : vector<16xi32>, vector<16xi1> -> vector<16xi32>
    %reduce_max3A_113 = arith.xori %reduce_max3A_112, %reduce_max3A_110 : vector<16xi32>
    %reduce_max3A_114 = vector.extract %reduce_max3A_113[15] : i32 from vector<16xi32>
    %max3A_115 = arith.maxsi %parallel_loop3A_80#2, %reduce_max3A_114 : i32
    %sub3A_116 = arith.subi %sub3A_67, %max3A_115 : i32
    %shift_left3A = arith.constant 11 : i32
    %shift_left3A_117 = arith.shli %add3A_56, %shift_left3A : i32
    %or3A = arith.ori %shift_left3A_117, %add3A_103 : i32
    %parallel_loop3A_118 = arith.constant 0 : i32
    %parallel_loop3A_119 = arith.constant 512 : i32
    %parallel_loop3A_120 = arith.constant 16 : i32
    scf.for %parallel_loop3A_685 = %parallel_loop3A_118 to %parallel_loop3A_119 step %parallel_loop3A_120  : i32 {
      %parallel_loop3A_686 = arith.index_cast %parallel_loop3A_685 : i32 to index
      %parallel_loop3A_687 = tpu.vector_load %arg7[%parallel_loop3A_686] {strides = array<i32>} : memref<2048xi32, #tpu.memory_space<vmem>>, vector<16xi32>,
      tpu.vector_store %arg7[%parallel_loop3A_686], %broadcast_in_dim3A_3 {strides = array<i32>} : memref<2048xi32, #tpu.memory_space<vmem>>, vector<16xi32>,
    } {sc.loop_unroll_factor = 8 : i64, sc.parallel_access}
    %parallel_loop3A_121 = arith.constant 0 : i32
    %parallel_loop3A_122 = arith.constant 32768 : i32
    %parallel_loop3A_123 = arith.constant 16 : i32
    scf.for %parallel_loop3A_685 = %parallel_loop3A_121 to %parallel_loop3A_122 step %parallel_loop3A_123  : i32 {
      %parallel_loop3A_686 = arith.index_cast %parallel_loop3A_685 : i32 to index
      %parallel_loop3A_687 = tpu.vector_load %arg4[%parallel_loop3A_686] {strides = array<i32>} : memref<32768xf32, #tpu.memory_space<vmem>>, vector<16xf32>,
      %parallel_loop3A_688 = tpu.bitcast %parallel_loop3A_687 : vector<16xf32> -> vector<16xi32>
      %parallel_loop3A_689 = arith.constant 2147483647 : i32
      %parallel_loop3A_690 = vector.broadcast %parallel_loop3A_689 : i32 to vector<16xi32>
      %parallel_loop3A_691 = arith.andi %parallel_loop3A_688, %parallel_loop3A_690 : vector<16xi32>
      %parallel_loop3A_692 = arith.constant 9 : i32
      %parallel_loop3A_693 = vector.broadcast %parallel_loop3A_692 : i32 to vector<16xi32>
      %parallel_loop3A_694 = arith.shrsi %parallel_loop3A_691, %parallel_loop3A_693 : vector<16xi32>
      %parallel_loop3A_695 = vector.broadcast %or3A : i32 to vector<16xi32>
      %parallel_loop3A_696 = arith.cmpi eq, %parallel_loop3A_694, %parallel_loop3A_695 : vector<16xi32>
      %parallel_loop3A_697 = arith.constant 511 : i32
      %parallel_loop3A_698 = vector.broadcast %parallel_loop3A_697 : i32 to vector<16xi32>
      %parallel_loop3A_699 = arith.andi %parallel_loop3A_691, %parallel_loop3A_698 : vector<16xi32>
      tpu.vector_store_idx %arg7[%parallel_loop3A_699], %broadcast_in_dim3A_1 masked %parallel_loop3A_696 {add = true} : memref<2048xi32, #tpu.memory_space<vmem>>[vector<16xi32>], vector<16xi32>, vector<16xi1>
    } {sc.loop_unroll_factor = 8 : i64, sc.parallel_access}
    %parallel_loop3A_124 = arith.constant 0 : i32
    %parallel_loop3A_125 = arith.constant 512 : i32
    %parallel_loop3A_126 = arith.constant 16 : i32
    %parallel_loop3A_127 = arith.constant 0 : i32
    %parallel_loop3A_128 = arith.constant 0 : i32
    %parallel_loop3A_129 = arith.constant 0 : i32
    %parallel_loop3A_130:3 = scf.for %parallel_loop3A_685 = %parallel_loop3A_124 to %parallel_loop3A_125 step %parallel_loop3A_126 iter_args(%parallel_loop3A_686 = %parallel_loop3A_127, %parallel_loop3A_687 = %parallel_loop3A_128, %parallel_loop3A_688 = %parallel_loop3A_129) -> (i32, i32, i32)  : i32 {
      %parallel_loop3A_689 = arith.index_cast %parallel_loop3A_685 : i32 to index
      %parallel_loop3A_690 = tpu.vector_load %arg7[%parallel_loop3A_689] {strides = array<i32>} : memref<2048xi32, #tpu.memory_space<vmem>>, vector<16xi32>,
      %parallel_loop3A_691 = arith.constant true
      %parallel_loop3A_692 = vector.broadcast %parallel_loop3A_691 : i1 to vector<16xi1>
      %parallel_loop3A_693 = tpu.scan <sum>, %parallel_loop3A_690 masked %parallel_loop3A_692 : vector<16xi32>, vector<16xi1> -> vector<16xi32>
      %parallel_loop3A_694 = vector.extract %parallel_loop3A_693[15] : i32 from vector<16xi32>
      %parallel_loop3A_695 = arith.addi %parallel_loop3A_686, %parallel_loop3A_694 : i32
      %parallel_loop3A_696 = arith.cmpi slt, %parallel_loop3A_695, %sub3A_116 : i32
      %parallel_loop3A_697 = arith.constant 1 : i32
      %parallel_loop3A_698 = arith.addi %parallel_loop3A_687, %parallel_loop3A_697 : i32
      %parallel_loop3A_699 = arith.select %parallel_loop3A_696, %parallel_loop3A_698, %parallel_loop3A_687 : i32
      %parallel_loop3A_700 = arith.select %parallel_loop3A_696, %parallel_loop3A_695, %parallel_loop3A_688 : i32
      scf.yield %parallel_loop3A_695, %parallel_loop3A_699, %parallel_loop3A_700 : i32, i32, i32
    } {sc.loop_unroll_factor = 8 : i64, sc.parallel_access}
    %mul3A_131 = arith.constant 16 : i32
    %mul3A_132 = arith.muli %parallel_loop3A_130#1, %mul3A_131 : i32
    %get3A_133 = arith.index_cast %mul3A_132 : i32 to index
    %get3A_134 = tpu.vector_load %arg7[%get3A_133] {strides = array<i32>} : memref<2048xi32, #tpu.memory_space<vmem>>, vector<16xi32>,
    %broadcast_in_dim3A_135 = arith.constant true
    %broadcast_in_dim3A_136 = vector.broadcast %broadcast_in_dim3A_135 : i1 to vector<16xi1>
    %masked_cumsum3A_137 = tpu.scan <sum>, %get3A_134 masked %broadcast_in_dim3A_136 : vector<16xi32>, vector<16xi1> -> vector<16xi32>
    %add3A_138 = vector.broadcast %parallel_loop3A_130#2 : i32 to vector<16xi32>
    %add3A_139 = arith.addi %masked_cumsum3A_137, %add3A_138 : vector<16xi32>
    %lt3A_140 = vector.broadcast %sub3A_116 : i32 to vector<16xi32>
    %lt3A_141 = arith.cmpi slt, %add3A_139, %lt3A_140 : vector<16xi32>
    %jit3A_142 = arith.constant 1 : i32
    %jit3A_143 = arith.constant 0 : i32
    %broadcast_in_dim3A_144 = vector.broadcast %jit3A_142 : i32 to vector<16xi32>
    %broadcast_in_dim3A_145 = vector.broadcast %jit3A_143 : i32 to vector<16xi32>
    %select_n3A_146 = arith.select %lt3A_141, %broadcast_in_dim3A_144, %broadcast_in_dim3A_145 : vector<16xi1>, vector<16xi32>
    %reduce_sum3A_147 = arith.constant true
    %reduce_sum3A_148 = vector.broadcast %reduce_sum3A_147 : i1 to vector<16xi1>
    %reduce_sum3A_149 = tpu.scan <sum>, %select_n3A_146 masked %reduce_sum3A_148 : vector<16xi32>, vector<16xi1> -> vector<16xi32>
    %reduce_sum3A_150 = vector.extract %reduce_sum3A_149[15] : i32 from vector<16xi32>
    %mul3A_151 = arith.constant 16 : i32
    %mul3A_152 = arith.muli %parallel_loop3A_130#1, %mul3A_151 : i32
    %add3A_153 = arith.addi %mul3A_152, %reduce_sum3A_150 : i32
    %jit3A_154 = arith.constant 0 : i32
    %broadcast_in_dim3A_155 = vector.broadcast %jit3A_154 : i32 to vector<16xi32>
    %select_n3A_156 = arith.select %lt3A_141, %add3A_139, %broadcast_in_dim3A_155 : vector<16xi1>, vector<16xi32>
    %reduce_max3A_157 = arith.constant true
    %reduce_max3A_158 = vector.broadcast %reduce_max3A_157 : i1 to vector<16xi1>
    %reduce_max3A_159 = arith.constant -2147483648 : i32
    %reduce_max3A_160 = vector.broadcast %reduce_max3A_159 : i32 to vector<16xi32>
    %reduce_max3A_161 = arith.xori %select_n3A_156, %reduce_max3A_160 : vector<16xi32>
    %reduce_max3A_162 = tpu.scan <max>, %reduce_max3A_161 masked %reduce_max3A_158 : vector<16xi32>, vector<16xi1> -> vector<16xi32>
    %reduce_max3A_163 = arith.xori %reduce_max3A_162, %reduce_max3A_160 : vector<16xi32>
    %reduce_max3A_164 = vector.extract %reduce_max3A_163[15] : i32 from vector<16xi32>
    %max3A_165 = arith.maxsi %parallel_loop3A_130#2, %reduce_max3A_164 : i32
    %shift_left3A_166 = arith.constant 9 : i32
    %shift_left3A_167 = arith.shli %or3A, %shift_left3A_166 : i32
    %or3A_168 = arith.ori %shift_left3A_167, %add3A_153 : i32
    %add3A_169 = arith.constant 2 : i32
    %add3A_170 = arith.addi %add3A_20, %add3A_169 : i32
    %dma_start3A_171 = arith.constant 0 : i32
    %dma_start3A_172 = tpu.memref_slice %arg2[%add3A_170, %dma_start3A_171] : memref<128x32768xf32, #tpu.memory_space<hbm>> -> memref<1x32768xf32, #tpu.memory_space<hbm>>
    %dma_start3A_173 = tpu.memref_squeeze %dma_start3A_172 : memref<1x32768xf32, #tpu.memory_space<hbm>> -> memref<32768xf32, #tpu.memory_space<hbm>>
    %dma_start3A_174 = arith.constant 0 : i32
    %dma_start3A_175 = tpu.memref_slice %arg2[%add3A_170, %dma_start3A_174] : memref<128x32768xf32, #tpu.memory_space<hbm>> -> memref<1x32768xf32, #tpu.memory_space<hbm>>
    %dma_start3A_176 = tpu.memref_squeeze %dma_start3A_175 : memref<1x32768xf32, #tpu.memory_space<hbm>> -> memref<32768xf32, #tpu.memory_space<hbm>>
    tpu.enqueue_dma source(%dma_start3A_176 : memref<32768xf32, #tpu.memory_space<hbm>>) target(%arg4 : memref<32768xf32, #tpu.memory_space<vmem>>) target_semaphore(%arg8 : memref<!tpu.dma_semaphore, #tpu.memory_space<semaphore_mem>>)
    %broadcast_in_dim3A_177 = vector.broadcast %or3A_168 : i32 to vector<16xi32>
    %swap3A = arith.constant 0 : index
    %swap3A_178 = tpu.vector_load %arg6[%swap3A] {strides = array<i32>} : memref<16xi32, #tpu.memory_space<vmem>>, vector<16xi32>,
    tpu.vector_store %arg6[%swap3A], %broadcast_in_dim3A_177 {strides = array<i32>} : memref<16xi32, #tpu.memory_space<vmem>>, vector<16xi32>,
    "tpu.region"() ({
      %run_scoped3A = tpu.sem_alloc : memref<!tpu.dma_semaphore, #tpu.memory_space<semaphore_mem>>
      %dma_start3A_685 = arith.constant 0 : i32
      %dma_start3A_686 = tpu.memref_slice %arg3[%add3A_20, %dma_start3A_685] : memref<128x16xi32, #tpu.memory_space<hbm>> -> memref<1x16xi32, #tpu.memory_space<hbm>>
      %dma_start3A_687 = tpu.memref_squeeze %dma_start3A_686 : memref<1x16xi32, #tpu.memory_space<hbm>> -> memref<16xi32, #tpu.memory_space<hbm>>
      %dma_start3A_688 = arith.constant 0 : i32
      %dma_start3A_689 = tpu.memref_slice %arg3[%add3A_20, %dma_start3A_688] : memref<128x16xi32, #tpu.memory_space<hbm>> -> memref<1x16xi32, #tpu.memory_space<hbm>>
      %dma_start3A_690 = tpu.memref_squeeze %dma_start3A_689 : memref<1x16xi32, #tpu.memory_space<hbm>> -> memref<16xi32, #tpu.memory_space<hbm>>
      tpu.enqueue_dma source(%arg6 : memref<16xi32, #tpu.memory_space<vmem>>) target(%dma_start3A_690 : memref<16xi32, #tpu.memory_space<hbm>>) target_semaphore(%run_scoped3A : memref<!tpu.dma_semaphore, #tpu.memory_space<semaphore_mem>>)
      %dma_wait3A_691 = arith.constant 0 : i32
      %dma_wait3A_692 = tpu.memref_slice %arg3[%add3A_20, %dma_wait3A_691] : memref<128x16xi32, #tpu.memory_space<hbm>> -> memref<1x16xi32, #tpu.memory_space<hbm>>
      %dma_wait3A_693 = tpu.memref_squeeze %dma_wait3A_692 : memref<1x16xi32, #tpu.memory_space<hbm>> -> memref<16xi32, #tpu.memory_space<hbm>>
      %dma_wait3A_694 = arith.constant 0 : i32
      %dma_wait3A_695 = tpu.memref_slice %arg3[%add3A_20, %dma_wait3A_694] : memref<128x16xi32, #tpu.memory_space<hbm>> -> memref<1x16xi32, #tpu.memory_space<hbm>>
      %dma_wait3A_696 = tpu.memref_squeeze %dma_wait3A_695 : memref<1x16xi32, #tpu.memory_space<hbm>> -> memref<16xi32, #tpu.memory_space<hbm>>
      tpu.wait_dma2 semaphore(%run_scoped3A : memref<!tpu.dma_semaphore, #tpu.memory_space<semaphore_mem>>) src(%arg6 : memref<16xi32, #tpu.memory_space<vmem>>) dst(%dma_wait3A_696 : memref<16xi32, #tpu.memory_space<hbm>>)
      tpu.yield
    }) : () -> ()
    %add3A_179 = arith.constant 1 : i32
    %add3A_180 = arith.addi %mul3A_5, %add3A_179 : i32
    %dma_wait3A_181 = arith.constant 0 : i32
    %dma_wait3A_182 = tpu.memref_slice %arg2[%add3A_180, %dma_wait3A_181] : memref<128x32768xf32, #tpu.memory_space<hbm>> -> memref<1x32768xf32, #tpu.memory_space<hbm>>
    %dma_wait3A_183 = tpu.memref_squeeze %dma_wait3A_182 : memref<1x32768xf32, #tpu.memory_space<hbm>> -> memref<32768xf32, #tpu.memory_space<hbm>>
    %dma_wait3A_184 = arith.constant 0 : i32
    %dma_wait3A_185 = tpu.memref_slice %arg2[%add3A_180, %dma_wait3A_184] : memref<128x32768xf32, #tpu.memory_space<hbm>> -> memref<1x32768xf32, #tpu.memory_space<hbm>>
    %dma_wait3A_186 = tpu.memref_squeeze %dma_wait3A_185 : memref<1x32768xf32, #tpu.memory_space<hbm>> -> memref<32768xf32, #tpu.memory_space<hbm>>
    tpu.wait_dma2 semaphore(%arg9 : memref<!tpu.dma_semaphore, #tpu.memory_space<semaphore_mem>>) src(%dma_wait3A_186 : memref<32768xf32, #tpu.memory_space<hbm>>) dst(%arg5 : memref<32768xf32, #tpu.memory_space<vmem>>)
    %parallel_loop3A_187 = arith.constant 0 : i32
    %parallel_loop3A_188 = arith.constant 2048 : i32
    %parallel_loop3A_189 = arith.constant 16 : i32
    scf.for %parallel_loop3A_685 = %parallel_loop3A_187 to %parallel_loop3A_188 step %parallel_loop3A_189  : i32 {
      %parallel_loop3A_686 = arith.index_cast %parallel_loop3A_685 : i32 to index
      %parallel_loop3A_687 = tpu.vector_load %arg7[%parallel_loop3A_686] {strides = array<i32>} : memref<2048xi32, #tpu.memory_space<vmem>>, vector<16xi32>,
      tpu.vector_store %arg7[%parallel_loop3A_686], %broadcast_in_dim3A_3 {strides = array<i32>} : memref<2048xi32, #tpu.memory_space<vmem>>, vector<16xi32>,
    } {sc.loop_unroll_factor = 8 : i64, sc.parallel_access}
    %parallel_loop3A_190 = arith.constant 0 : i32
    %parallel_loop3A_191 = arith.constant 32768 : i32
    %parallel_loop3A_192 = arith.constant 16 : i32
    scf.for %parallel_loop3A_685 = %parallel_loop3A_190 to %parallel_loop3A_191 step %parallel_loop3A_192  : i32 {
      %parallel_loop3A_686 = arith.index_cast %parallel_loop3A_685 : i32 to index
      %parallel_loop3A_687 = tpu.vector_load %arg5[%parallel_loop3A_686] {strides = array<i32>} : memref<32768xf32, #tpu.memory_space<vmem>>, vector<16xf32>,
      %parallel_loop3A_688 = tpu.bitcast %parallel_loop3A_687 : vector<16xf32> -> vector<16xi32>
      %parallel_loop3A_689 = arith.constant 2147483647 : i32
      %parallel_loop3A_690 = vector.broadcast %parallel_loop3A_689 : i32 to vector<16xi32>
      %parallel_loop3A_691 = arith.andi %parallel_loop3A_688, %parallel_loop3A_690 : vector<16xi32>
      %parallel_loop3A_692 = arith.constant 20 : i32
      %parallel_loop3A_693 = vector.broadcast %parallel_loop3A_692 : i32 to vector<16xi32>
      %parallel_loop3A_694 = arith.shrsi %parallel_loop3A_691, %parallel_loop3A_693 : vector<16xi32>
      tpu.vector_store_idx %arg7[%parallel_loop3A_694], %broadcast_in_dim3A_1 {add = true} : memref<2048xi32, #tpu.memory_space<vmem>>[vector<16xi32>], vector<16xi32>,
    } {sc.loop_unroll_factor = 8 : i64, sc.parallel_access}
    %parallel_loop3A_193 = arith.constant 0 : i32
    %parallel_loop3A_194 = arith.constant 2048 : i32
    %parallel_loop3A_195 = arith.constant 16 : i32
    %parallel_loop3A_196 = arith.constant 16384 : i32
    %parallel_loop3A_197 = arith.constant 0 : i32
    %parallel_loop3A_198 = arith.constant 0 : i32
    %parallel_loop3A_199 = arith.constant 0 : i32
    %parallel_loop3A_200:3 = scf.for %parallel_loop3A_685 = %parallel_loop3A_193 to %parallel_loop3A_194 step %parallel_loop3A_195 iter_args(%parallel_loop3A_686 = %parallel_loop3A_197, %parallel_loop3A_687 = %parallel_loop3A_198, %parallel_loop3A_688 = %parallel_loop3A_199) -> (i32, i32, i32)  : i32 {
      %parallel_loop3A_689 = arith.index_cast %parallel_loop3A_685 : i32 to index
      %parallel_loop3A_690 = tpu.vector_load %arg7[%parallel_loop3A_689] {strides = array<i32>} : memref<2048xi32, #tpu.memory_space<vmem>>, vector<16xi32>,
      %parallel_loop3A_691 = arith.constant true
      %parallel_loop3A_692 = vector.broadcast %parallel_loop3A_691 : i1 to vector<16xi1>
      %parallel_loop3A_693 = tpu.scan <sum>, %parallel_loop3A_690 masked %parallel_loop3A_692 : vector<16xi32>, vector<16xi1> -> vector<16xi32>
      %parallel_loop3A_694 = vector.extract %parallel_loop3A_693[15] : i32 from vector<16xi32>
      %parallel_loop3A_695 = arith.addi %parallel_loop3A_686, %parallel_loop3A_694 : i32
      %parallel_loop3A_696 = arith.cmpi slt, %parallel_loop3A_695, %parallel_loop3A_196 : i32
      %parallel_loop3A_697 = arith.constant 1 : i32
      %parallel_loop3A_698 = arith.addi %parallel_loop3A_687, %parallel_loop3A_697 : i32
      %parallel_loop3A_699 = arith.select %parallel_loop3A_696, %parallel_loop3A_698, %parallel_loop3A_687 : i32
      %parallel_loop3A_700 = arith.select %parallel_loop3A_696, %parallel_loop3A_695, %parallel_loop3A_688 : i32
      scf.yield %parallel_loop3A_695, %parallel_loop3A_699, %parallel_loop3A_700 : i32, i32, i32
    } {sc.loop_unroll_factor = 8 : i64, sc.parallel_access}
    %mul3A_201 = arith.constant 16 : i32
    %mul3A_202 = arith.muli %parallel_loop3A_200#1, %mul3A_201 : i32
    %get3A_203 = arith.index_cast %mul3A_202 : i32 to index
    %get3A_204 = tpu.vector_load %arg7[%get3A_203] {strides = array<i32>} : memref<2048xi32, #tpu.memory_space<vmem>>, vector<16xi32>,
    %broadcast_in_dim3A_205 = arith.constant true
    %broadcast_in_dim3A_206 = vector.broadcast %broadcast_in_dim3A_205 : i1 to vector<16xi1>
    %masked_cumsum3A_207 = tpu.scan <sum>, %get3A_204 masked %broadcast_in_dim3A_206 : vector<16xi32>, vector<16xi1> -> vector<16xi32>
    %add3A_208 = vector.broadcast %parallel_loop3A_200#2 : i32 to vector<16xi32>
    %add3A_209 = arith.addi %masked_cumsum3A_207, %add3A_208 : vector<16xi32>
    %lt3A_210 = arith.constant 16384 : i32
    %lt3A_211 = vector.broadcast %lt3A_210 : i32 to vector<16xi32>
    %lt3A_212 = arith.cmpi slt, %add3A_209, %lt3A_211 : vector<16xi32>
    %jit3A_213 = arith.constant 1 : i32
    %jit3A_214 = arith.constant 0 : i32
    %broadcast_in_dim3A_215 = vector.broadcast %jit3A_213 : i32 to vector<16xi32>
    %broadcast_in_dim3A_216 = vector.broadcast %jit3A_214 : i32 to vector<16xi32>
    %select_n3A_217 = arith.select %lt3A_212, %broadcast_in_dim3A_215, %broadcast_in_dim3A_216 : vector<16xi1>, vector<16xi32>
    %reduce_sum3A_218 = arith.constant true
    %reduce_sum3A_219 = vector.broadcast %reduce_sum3A_218 : i1 to vector<16xi1>
    %reduce_sum3A_220 = tpu.scan <sum>, %select_n3A_217 masked %reduce_sum3A_219 : vector<16xi32>, vector<16xi1> -> vector<16xi32>
    %reduce_sum3A_221 = vector.extract %reduce_sum3A_220[15] : i32 from vector<16xi32>
    %mul3A_222 = arith.constant 16 : i32
    %mul3A_223 = arith.muli %parallel_loop3A_200#1, %mul3A_222 : i32
    %add3A_224 = arith.addi %mul3A_223, %reduce_sum3A_221 : i32
    %jit3A_225 = arith.constant 0 : i32
    %broadcast_in_dim3A_226 = vector.broadcast %jit3A_225 : i32 to vector<16xi32>
    %select_n3A_227 = arith.select %lt3A_212, %add3A_209, %broadcast_in_dim3A_226 : vector<16xi1>, vector<16xi32>
    %reduce_max3A_228 = arith.constant true
    %reduce_max3A_229 = vector.broadcast %reduce_max3A_228 : i1 to vector<16xi1>
    %reduce_max3A_230 = arith.constant -2147483648 : i32
    %reduce_max3A_231 = vector.broadcast %reduce_max3A_230 : i32 to vector<16xi32>
    %reduce_max3A_232 = arith.xori %select_n3A_227, %reduce_max3A_231 : vector<16xi32>
    %reduce_max3A_233 = tpu.scan <max>, %reduce_max3A_232 masked %reduce_max3A_229 : vector<16xi32>, vector<16xi1> -> vector<16xi32>
    %reduce_max3A_234 = arith.xori %reduce_max3A_233, %reduce_max3A_231 : vector<16xi32>
    %reduce_max3A_235 = vector.extract %reduce_max3A_234[15] : i32 from vector<16xi32>
    %max3A_236 = arith.maxsi %parallel_loop3A_200#2, %reduce_max3A_235 : i32
    %sub3A_237 = arith.constant 16384 : i32
    %sub3A_238 = arith.subi %sub3A_237, %max3A_236 : i32
    %parallel_loop3A_239 = arith.constant 0 : i32
    %parallel_loop3A_240 = arith.constant 2048 : i32
    %parallel_loop3A_241 = arith.constant 16 : i32
    scf.for %parallel_loop3A_685 = %parallel_loop3A_239 to %parallel_loop3A_240 step %parallel_loop3A_241  : i32 {
      %parallel_loop3A_686 = arith.index_cast %parallel_loop3A_685 : i32 to index
      %parallel_loop3A_687 = tpu.vector_load %arg7[%parallel_loop3A_686] {strides = array<i32>} : memref<2048xi32, #tpu.memory_space<vmem>>, vector<16xi32>,
      tpu.vector_store %arg7[%parallel_loop3A_686], %broadcast_in_dim3A_3 {strides = array<i32>} : memref<2048xi32, #tpu.memory_space<vmem>>, vector<16xi32>,
    } {sc.loop_unroll_factor = 8 : i64, sc.parallel_access}
    %parallel_loop3A_242 = arith.constant 0 : i32
    %parallel_loop3A_243 = arith.constant 32768 : i32
    %parallel_loop3A_244 = arith.constant 16 : i32
    scf.for %parallel_loop3A_685 = %parallel_loop3A_242 to %parallel_loop3A_243 step %parallel_loop3A_244  : i32 {
      %parallel_loop3A_686 = arith.index_cast %parallel_loop3A_685 : i32 to index
      %parallel_loop3A_687 = tpu.vector_load %arg5[%parallel_loop3A_686] {strides = array<i32>} : memref<32768xf32, #tpu.memory_space<vmem>>, vector<16xf32>,
      %parallel_loop3A_688 = tpu.bitcast %parallel_loop3A_687 : vector<16xf32> -> vector<16xi32>
      %parallel_loop3A_689 = arith.constant 2147483647 : i32
      %parallel_loop3A_690 = vector.broadcast %parallel_loop3A_689 : i32 to vector<16xi32>
      %parallel_loop3A_691 = arith.andi %parallel_loop3A_688, %parallel_loop3A_690 : vector<16xi32>
      %parallel_loop3A_692 = arith.constant 20 : i32
      %parallel_loop3A_693 = vector.broadcast %parallel_loop3A_692 : i32 to vector<16xi32>
      %parallel_loop3A_694 = arith.shrsi %parallel_loop3A_691, %parallel_loop3A_693 : vector<16xi32>
      %parallel_loop3A_695 = vector.broadcast %add3A_224 : i32 to vector<16xi32>
      %parallel_loop3A_696 = arith.cmpi eq, %parallel_loop3A_694, %parallel_loop3A_695 : vector<16xi32>
      %parallel_loop3A_697 = arith.constant 9 : i32
      %parallel_loop3A_698 = vector.broadcast %parallel_loop3A_697 : i32 to vector<16xi32>
      %parallel_loop3A_699 = arith.shrsi %parallel_loop3A_691, %parallel_loop3A_698 : vector<16xi32>
      %parallel_loop3A_700 = arith.constant 2047 : i32
      %parallel_loop3A_701 = vector.broadcast %parallel_loop3A_700 : i32 to vector<16xi32>
      %parallel_loop3A_702 = arith.andi %parallel_loop3A_699, %parallel_loop3A_701 : vector<16xi32>
      tpu.vector_store_idx %arg7[%parallel_loop3A_702], %broadcast_in_dim3A_1 masked %parallel_loop3A_696 {add = true} : memref<2048xi32, #tpu.memory_space<vmem>>[vector<16xi32>], vector<16xi32>, vector<16xi1>
    } {sc.loop_unroll_factor = 8 : i64, sc.parallel_access}
    %parallel_loop3A_245 = arith.constant 0 : i32
    %parallel_loop3A_246 = arith.constant 2048 : i32
    %parallel_loop3A_247 = arith.constant 16 : i32
    %parallel_loop3A_248 = arith.constant 0 : i32
    %parallel_loop3A_249 = arith.constant 0 : i32
    %parallel_loop3A_250 = arith.constant 0 : i32
    %parallel_loop3A_251:3 = scf.for %parallel_loop3A_685 = %parallel_loop3A_245 to %parallel_loop3A_246 step %parallel_loop3A_247 iter_args(%parallel_loop3A_686 = %parallel_loop3A_248, %parallel_loop3A_687 = %parallel_loop3A_249, %parallel_loop3A_688 = %parallel_loop3A_250) -> (i32, i32, i32)  : i32 {
      %parallel_loop3A_689 = arith.index_cast %parallel_loop3A_685 : i32 to index
      %parallel_loop3A_690 = tpu.vector_load %arg7[%parallel_loop3A_689] {strides = array<i32>} : memref<2048xi32, #tpu.memory_space<vmem>>, vector<16xi32>,
      %parallel_loop3A_691 = arith.constant true
      %parallel_loop3A_692 = vector.broadcast %parallel_loop3A_691 : i1 to vector<16xi1>
      %parallel_loop3A_693 = tpu.scan <sum>, %parallel_loop3A_690 masked %parallel_loop3A_692 : vector<16xi32>, vector<16xi1> -> vector<16xi32>
      %parallel_loop3A_694 = vector.extract %parallel_loop3A_693[15] : i32 from vector<16xi32>
      %parallel_loop3A_695 = arith.addi %parallel_loop3A_686, %parallel_loop3A_694 : i32
      %parallel_loop3A_696 = arith.cmpi slt, %parallel_loop3A_695, %sub3A_238 : i32
      %parallel_loop3A_697 = arith.constant 1 : i32
      %parallel_loop3A_698 = arith.addi %parallel_loop3A_687, %parallel_loop3A_697 : i32
      %parallel_loop3A_699 = arith.select %parallel_loop3A_696, %parallel_loop3A_698, %parallel_loop3A_687 : i32
      %parallel_loop3A_700 = arith.select %parallel_loop3A_696, %parallel_loop3A_695, %parallel_loop3A_688 : i32
      scf.yield %parallel_loop3A_695, %parallel_loop3A_699, %parallel_loop3A_700 : i32, i32, i32
    } {sc.loop_unroll_factor = 8 : i64, sc.parallel_access}
    %mul3A_252 = arith.constant 16 : i32
    %mul3A_253 = arith.muli %parallel_loop3A_251#1, %mul3A_252 : i32
    %get3A_254 = arith.index_cast %mul3A_253 : i32 to index
    %get3A_255 = tpu.vector_load %arg7[%get3A_254] {strides = array<i32>} : memref<2048xi32, #tpu.memory_space<vmem>>, vector<16xi32>,
    %broadcast_in_dim3A_256 = arith.constant true
    %broadcast_in_dim3A_257 = vector.broadcast %broadcast_in_dim3A_256 : i1 to vector<16xi1>
    %masked_cumsum3A_258 = tpu.scan <sum>, %get3A_255 masked %broadcast_in_dim3A_257 : vector<16xi32>, vector<16xi1> -> vector<16xi32>
    %add3A_259 = vector.broadcast %parallel_loop3A_251#2 : i32 to vector<16xi32>
    %add3A_260 = arith.addi %masked_cumsum3A_258, %add3A_259 : vector<16xi32>
    %lt3A_261 = vector.broadcast %sub3A_238 : i32 to vector<16xi32>
    %lt3A_262 = arith.cmpi slt, %add3A_260, %lt3A_261 : vector<16xi32>
    %jit3A_263 = arith.constant 1 : i32
    %jit3A_264 = arith.constant 0 : i32
    %broadcast_in_dim3A_265 = vector.broadcast %jit3A_263 : i32 to vector<16xi32>
    %broadcast_in_dim3A_266 = vector.broadcast %jit3A_264 : i32 to vector<16xi32>
    %select_n3A_267 = arith.select %lt3A_262, %broadcast_in_dim3A_265, %broadcast_in_dim3A_266 : vector<16xi1>, vector<16xi32>
    %reduce_sum3A_268 = arith.constant true
    %reduce_sum3A_269 = vector.broadcast %reduce_sum3A_268 : i1 to vector<16xi1>
    %reduce_sum3A_270 = tpu.scan <sum>, %select_n3A_267 masked %reduce_sum3A_269 : vector<16xi32>, vector<16xi1> -> vector<16xi32>
    %reduce_sum3A_271 = vector.extract %reduce_sum3A_270[15] : i32 from vector<16xi32>
    %mul3A_272 = arith.constant 16 : i32
    %mul3A_273 = arith.muli %parallel_loop3A_251#1, %mul3A_272 : i32
    %add3A_274 = arith.addi %mul3A_273, %reduce_sum3A_271 : i32
    %jit3A_275 = arith.constant 0 : i32
    %broadcast_in_dim3A_276 = vector.broadcast %jit3A_275 : i32 to vector<16xi32>
    %select_n3A_277 = arith.select %lt3A_262, %add3A_260, %broadcast_in_dim3A_276 : vector<16xi1>, vector<16xi32>
    %reduce_max3A_278 = arith.constant true
    %reduce_max3A_279 = vector.broadcast %reduce_max3A_278 : i1 to vector<16xi1>
    %reduce_max3A_280 = arith.constant -2147483648 : i32
    %reduce_max3A_281 = vector.broadcast %reduce_max3A_280 : i32 to vector<16xi32>
    %reduce_max3A_282 = arith.xori %select_n3A_277, %reduce_max3A_281 : vector<16xi32>
    %reduce_max3A_283 = tpu.scan <max>, %reduce_max3A_282 masked %reduce_max3A_279 : vector<16xi32>, vector<16xi1> -> vector<16xi32>
    %reduce_max3A_284 = arith.xori %reduce_max3A_283, %reduce_max3A_281 : vector<16xi32>
    %reduce_max3A_285 = vector.extract %reduce_max3A_284[15] : i32 from vector<16xi32>
    %max3A_286 = arith.maxsi %parallel_loop3A_251#2, %reduce_max3A_285 : i32
    %sub3A_287 = arith.subi %sub3A_238, %max3A_286 : i32
    %shift_left3A_288 = arith.constant 11 : i32
    %shift_left3A_289 = arith.shli %add3A_224, %shift_left3A_288 : i32
    %or3A_290 = arith.ori %shift_left3A_289, %add3A_274 : i32
    %parallel_loop3A_291 = arith.constant 0 : i32
    %parallel_loop3A_292 = arith.constant 512 : i32
    %parallel_loop3A_293 = arith.constant 16 : i32
    scf.for %parallel_loop3A_685 = %parallel_loop3A_291 to %parallel_loop3A_292 step %parallel_loop3A_293  : i32 {
      %parallel_loop3A_686 = arith.index_cast %parallel_loop3A_685 : i32 to index
      %parallel_loop3A_687 = tpu.vector_load %arg7[%parallel_loop3A_686] {strides = array<i32>} : memref<2048xi32, #tpu.memory_space<vmem>>, vector<16xi32>,
      tpu.vector_store %arg7[%parallel_loop3A_686], %broadcast_in_dim3A_3 {strides = array<i32>} : memref<2048xi32, #tpu.memory_space<vmem>>, vector<16xi32>,
    } {sc.loop_unroll_factor = 8 : i64, sc.parallel_access}
    %parallel_loop3A_294 = arith.constant 0 : i32
    %parallel_loop3A_295 = arith.constant 32768 : i32
    %parallel_loop3A_296 = arith.constant 16 : i32
    scf.for %parallel_loop3A_685 = %parallel_loop3A_294 to %parallel_loop3A_295 step %parallel_loop3A_296  : i32 {
      %parallel_loop3A_686 = arith.index_cast %parallel_loop3A_685 : i32 to index
      %parallel_loop3A_687 = tpu.vector_load %arg5[%parallel_loop3A_686] {strides = array<i32>} : memref<32768xf32, #tpu.memory_space<vmem>>, vector<16xf32>,
      %parallel_loop3A_688 = tpu.bitcast %parallel_loop3A_687 : vector<16xf32> -> vector<16xi32>
      %parallel_loop3A_689 = arith.constant 2147483647 : i32
      %parallel_loop3A_690 = vector.broadcast %parallel_loop3A_689 : i32 to vector<16xi32>
      %parallel_loop3A_691 = arith.andi %parallel_loop3A_688, %parallel_loop3A_690 : vector<16xi32>
      %parallel_loop3A_692 = arith.constant 9 : i32
      %parallel_loop3A_693 = vector.broadcast %parallel_loop3A_692 : i32 to vector<16xi32>
      %parallel_loop3A_694 = arith.shrsi %parallel_loop3A_691, %parallel_loop3A_693 : vector<16xi32>
      %parallel_loop3A_695 = vector.broadcast %or3A_290 : i32 to vector<16xi32>
      %parallel_loop3A_696 = arith.cmpi eq, %parallel_loop3A_694, %parallel_loop3A_695 : vector<16xi32>
      %parallel_loop3A_697 = arith.constant 511 : i32
      %parallel_loop3A_698 = vector.broadcast %parallel_loop3A_697 : i32 to vector<16xi32>
      %parallel_loop3A_699 = arith.andi %parallel_loop3A_691, %parallel_loop3A_698 : vector<16xi32>
      tpu.vector_store_idx %arg7[%parallel_loop3A_699], %broadcast_in_dim3A_1 masked %parallel_loop3A_696 {add = true} : memref<2048xi32, #tpu.memory_space<vmem>>[vector<16xi32>], vector<16xi32>, vector<16xi1>
    } {sc.loop_unroll_factor = 8 : i64, sc.parallel_access}
    %parallel_loop3A_297 = arith.constant 0 : i32
    %parallel_loop3A_298 = arith.constant 512 : i32
    %parallel_loop3A_299 = arith.constant 16 : i32
    %parallel_loop3A_300 = arith.constant 0 : i32
    %parallel_loop3A_301 = arith.constant 0 : i32
    %parallel_loop3A_302 = arith.constant 0 : i32
    %parallel_loop3A_303:3 = scf.for %parallel_loop3A_685 = %parallel_loop3A_297 to %parallel_loop3A_298 step %parallel_loop3A_299 iter_args(%parallel_loop3A_686 = %parallel_loop3A_300, %parallel_loop3A_687 = %parallel_loop3A_301, %parallel_loop3A_688 = %parallel_loop3A_302) -> (i32, i32, i32)  : i32 {
      %parallel_loop3A_689 = arith.index_cast %parallel_loop3A_685 : i32 to index
      %parallel_loop3A_690 = tpu.vector_load %arg7[%parallel_loop3A_689] {strides = array<i32>} : memref<2048xi32, #tpu.memory_space<vmem>>, vector<16xi32>,
      %parallel_loop3A_691 = arith.constant true
      %parallel_loop3A_692 = vector.broadcast %parallel_loop3A_691 : i1 to vector<16xi1>
      %parallel_loop3A_693 = tpu.scan <sum>, %parallel_loop3A_690 masked %parallel_loop3A_692 : vector<16xi32>, vector<16xi1> -> vector<16xi32>
      %parallel_loop3A_694 = vector.extract %parallel_loop3A_693[15] : i32 from vector<16xi32>
      %parallel_loop3A_695 = arith.addi %parallel_loop3A_686, %parallel_loop3A_694 : i32
      %parallel_loop3A_696 = arith.cmpi slt, %parallel_loop3A_695, %sub3A_287 : i32
      %parallel_loop3A_697 = arith.constant 1 : i32
      %parallel_loop3A_698 = arith.addi %parallel_loop3A_687, %parallel_loop3A_697 : i32
      %parallel_loop3A_699 = arith.select %parallel_loop3A_696, %parallel_loop3A_698, %parallel_loop3A_687 : i32
      %parallel_loop3A_700 = arith.select %parallel_loop3A_696, %parallel_loop3A_695, %parallel_loop3A_688 : i32
      scf.yield %parallel_loop3A_695, %parallel_loop3A_699, %parallel_loop3A_700 : i32, i32, i32
    } {sc.loop_unroll_factor = 8 : i64, sc.parallel_access}
    %mul3A_304 = arith.constant 16 : i32
    %mul3A_305 = arith.muli %parallel_loop3A_303#1, %mul3A_304 : i32
    %get3A_306 = arith.index_cast %mul3A_305 : i32 to index
    %get3A_307 = tpu.vector_load %arg7[%get3A_306] {strides = array<i32>} : memref<2048xi32, #tpu.memory_space<vmem>>, vector<16xi32>,
    %broadcast_in_dim3A_308 = arith.constant true
    %broadcast_in_dim3A_309 = vector.broadcast %broadcast_in_dim3A_308 : i1 to vector<16xi1>
    %masked_cumsum3A_310 = tpu.scan <sum>, %get3A_307 masked %broadcast_in_dim3A_309 : vector<16xi32>, vector<16xi1> -> vector<16xi32>
    %add3A_311 = vector.broadcast %parallel_loop3A_303#2 : i32 to vector<16xi32>
    %add3A_312 = arith.addi %masked_cumsum3A_310, %add3A_311 : vector<16xi32>
    %lt3A_313 = vector.broadcast %sub3A_287 : i32 to vector<16xi32>
    %lt3A_314 = arith.cmpi slt, %add3A_312, %lt3A_313 : vector<16xi32>
    %jit3A_315 = arith.constant 1 : i32
    %jit3A_316 = arith.constant 0 : i32
    %broadcast_in_dim3A_317 = vector.broadcast %jit3A_315 : i32 to vector<16xi32>
    %broadcast_in_dim3A_318 = vector.broadcast %jit3A_316 : i32 to vector<16xi32>
    %select_n3A_319 = arith.select %lt3A_314, %broadcast_in_dim3A_317, %broadcast_in_dim3A_318 : vector<16xi1>, vector<16xi32>
    %reduce_sum3A_320 = arith.constant true
    %reduce_sum3A_321 = vector.broadcast %reduce_sum3A_320 : i1 to vector<16xi1>
    %reduce_sum3A_322 = tpu.scan <sum>, %select_n3A_319 masked %reduce_sum3A_321 : vector<16xi32>, vector<16xi1> -> vector<16xi32>
    %reduce_sum3A_323 = vector.extract %reduce_sum3A_322[15] : i32 from vector<16xi32>
    %mul3A_324 = arith.constant 16 : i32
    %mul3A_325 = arith.muli %parallel_loop3A_303#1, %mul3A_324 : i32
    %add3A_326 = arith.addi %mul3A_325, %reduce_sum3A_323 : i32
    %jit3A_327 = arith.constant 0 : i32
    %broadcast_in_dim3A_328 = vector.broadcast %jit3A_327 : i32 to vector<16xi32>
    %select_n3A_329 = arith.select %lt3A_314, %add3A_312, %broadcast_in_dim3A_328 : vector<16xi1>, vector<16xi32>
    %reduce_max3A_330 = arith.constant true
    %reduce_max3A_331 = vector.broadcast %reduce_max3A_330 : i1 to vector<16xi1>
    %reduce_max3A_332 = arith.constant -2147483648 : i32
    %reduce_max3A_333 = vector.broadcast %reduce_max3A_332 : i32 to vector<16xi32>
    %reduce_max3A_334 = arith.xori %select_n3A_329, %reduce_max3A_333 : vector<16xi32>
    %reduce_max3A_335 = tpu.scan <max>, %reduce_max3A_334 masked %reduce_max3A_331 : vector<16xi32>, vector<16xi1> -> vector<16xi32>
    %reduce_max3A_336 = arith.xori %reduce_max3A_335, %reduce_max3A_333 : vector<16xi32>
    %reduce_max3A_337 = vector.extract %reduce_max3A_336[15] : i32 from vector<16xi32>
    %max3A_338 = arith.maxsi %parallel_loop3A_303#2, %reduce_max3A_337 : i32
    %shift_left3A_339 = arith.constant 9 : i32
    %shift_left3A_340 = arith.shli %or3A_290, %shift_left3A_339 : i32
    %or3A_341 = arith.ori %shift_left3A_340, %add3A_326 : i32
    %add3A_342 = arith.constant 2 : i32
    %add3A_343 = arith.addi %add3A_180, %add3A_342 : i32
    %dma_start3A_344 = arith.constant 0 : i32
    %dma_start3A_345 = tpu.memref_slice %arg2[%add3A_343, %dma_start3A_344] : memref<128x32768xf32, #tpu.memory_space<hbm>> -> memref<1x32768xf32, #tpu.memory_space<hbm>>
    %dma_start3A_346 = tpu.memref_squeeze %dma_start3A_345 : memref<1x32768xf32, #tpu.memory_space<hbm>> -> memref<32768xf32, #tpu.memory_space<hbm>>
    %dma_start3A_347 = arith.constant 0 : i32
    %dma_start3A_348 = tpu.memref_slice %arg2[%add3A_343, %dma_start3A_347] : memref<128x32768xf32, #tpu.memory_space<hbm>> -> memref<1x32768xf32, #tpu.memory_space<hbm>>
    %dma_start3A_349 = tpu.memref_squeeze %dma_start3A_348 : memref<1x32768xf32, #tpu.memory_space<hbm>> -> memref<32768xf32, #tpu.memory_space<hbm>>
    tpu.enqueue_dma source(%dma_start3A_349 : memref<32768xf32, #tpu.memory_space<hbm>>) target(%arg5 : memref<32768xf32, #tpu.memory_space<vmem>>) target_semaphore(%arg9 : memref<!tpu.dma_semaphore, #tpu.memory_space<semaphore_mem>>)
    %broadcast_in_dim3A_350 = vector.broadcast %or3A_341 : i32 to vector<16xi32>
    %swap3A_351 = arith.constant 0 : index
    %swap3A_352 = tpu.vector_load %arg6[%swap3A_351] {strides = array<i32>} : memref<16xi32, #tpu.memory_space<vmem>>, vector<16xi32>,
    tpu.vector_store %arg6[%swap3A_351], %broadcast_in_dim3A_350 {strides = array<i32>} : memref<16xi32, #tpu.memory_space<vmem>>, vector<16xi32>,
    "tpu.region"() ({
      %run_scoped3A = tpu.sem_alloc : memref<!tpu.dma_semaphore, #tpu.memory_space<semaphore_mem>>
      %dma_start3A_685 = arith.constant 0 : i32
      %dma_start3A_686 = tpu.memref_slice %arg3[%add3A_180, %dma_start3A_685] : memref<128x16xi32, #tpu.memory_space<hbm>> -> memref<1x16xi32, #tpu.memory_space<hbm>>
      %dma_start3A_687 = tpu.memref_squeeze %dma_start3A_686 : memref<1x16xi32, #tpu.memory_space<hbm>> -> memref<16xi32, #tpu.memory_space<hbm>>
      %dma_start3A_688 = arith.constant 0 : i32
      %dma_start3A_689 = tpu.memref_slice %arg3[%add3A_180, %dma_start3A_688] : memref<128x16xi32, #tpu.memory_space<hbm>> -> memref<1x16xi32, #tpu.memory_space<hbm>>
      %dma_start3A_690 = tpu.memref_squeeze %dma_start3A_689 : memref<1x16xi32, #tpu.memory_space<hbm>> -> memref<16xi32, #tpu.memory_space<hbm>>
      tpu.enqueue_dma source(%arg6 : memref<16xi32, #tpu.memory_space<vmem>>) target(%dma_start3A_690 : memref<16xi32, #tpu.memory_space<hbm>>) target_semaphore(%run_scoped3A : memref<!tpu.dma_semaphore, #tpu.memory_space<semaphore_mem>>)
      %dma_wait3A_691 = arith.constant 0 : i32
      %dma_wait3A_692 = tpu.memref_slice %arg3[%add3A_180, %dma_wait3A_691] : memref<128x16xi32, #tpu.memory_space<hbm>> -> memref<1x16xi32, #tpu.memory_space<hbm>>
      %dma_wait3A_693 = tpu.memref_squeeze %dma_wait3A_692 : memref<1x16xi32, #tpu.memory_space<hbm>> -> memref<16xi32, #tpu.memory_space<hbm>>
      %dma_wait3A_694 = arith.constant 0 : i32
      %dma_wait3A_695 = tpu.memref_slice %arg3[%add3A_180, %dma_wait3A_694] : memref<128x16xi32, #tpu.memory_space<hbm>> -> memref<1x16xi32, #tpu.memory_space<hbm>>
      %dma_wait3A_696 = tpu.memref_squeeze %dma_wait3A_695 : memref<1x16xi32, #tpu.memory_space<hbm>> -> memref<16xi32, #tpu.memory_space<hbm>>
      tpu.wait_dma2 semaphore(%run_scoped3A : memref<!tpu.dma_semaphore, #tpu.memory_space<semaphore_mem>>) src(%arg6 : memref<16xi32, #tpu.memory_space<vmem>>) dst(%dma_wait3A_696 : memref<16xi32, #tpu.memory_space<hbm>>)
      tpu.yield
    }) : () -> ()
    %add3A_353 = arith.constant 2 : i32
    %add3A_354 = arith.addi %mul3A_5, %add3A_353 : i32
    %dma_wait3A_355 = arith.constant 0 : i32
    %dma_wait3A_356 = tpu.memref_slice %arg2[%add3A_354, %dma_wait3A_355] : memref<128x32768xf32, #tpu.memory_space<hbm>> -> memref<1x32768xf32, #tpu.memory_space<hbm>>
    %dma_wait3A_357 = tpu.memref_squeeze %dma_wait3A_356 : memref<1x32768xf32, #tpu.memory_space<hbm>> -> memref<32768xf32, #tpu.memory_space<hbm>>
    %dma_wait3A_358 = arith.constant 0 : i32
    %dma_wait3A_359 = tpu.memref_slice %arg2[%add3A_354, %dma_wait3A_358] : memref<128x32768xf32, #tpu.memory_space<hbm>> -> memref<1x32768xf32, #tpu.memory_space<hbm>>
    %dma_wait3A_360 = tpu.memref_squeeze %dma_wait3A_359 : memref<1x32768xf32, #tpu.memory_space<hbm>> -> memref<32768xf32, #tpu.memory_space<hbm>>
    tpu.wait_dma2 semaphore(%arg8 : memref<!tpu.dma_semaphore, #tpu.memory_space<semaphore_mem>>) src(%dma_wait3A_360 : memref<32768xf32, #tpu.memory_space<hbm>>) dst(%arg4 : memref<32768xf32, #tpu.memory_space<vmem>>)
    %parallel_loop3A_361 = arith.constant 0 : i32
    %parallel_loop3A_362 = arith.constant 2048 : i32
    %parallel_loop3A_363 = arith.constant 16 : i32
    scf.for %parallel_loop3A_685 = %parallel_loop3A_361 to %parallel_loop3A_362 step %parallel_loop3A_363  : i32 {
      %parallel_loop3A_686 = arith.index_cast %parallel_loop3A_685 : i32 to index
      %parallel_loop3A_687 = tpu.vector_load %arg7[%parallel_loop3A_686] {strides = array<i32>} : memref<2048xi32, #tpu.memory_space<vmem>>, vector<16xi32>,
      tpu.vector_store %arg7[%parallel_loop3A_686], %broadcast_in_dim3A_3 {strides = array<i32>} : memref<2048xi32, #tpu.memory_space<vmem>>, vector<16xi32>,
    } {sc.loop_unroll_factor = 8 : i64, sc.parallel_access}
    %parallel_loop3A_364 = arith.constant 0 : i32
    %parallel_loop3A_365 = arith.constant 32768 : i32
    %parallel_loop3A_366 = arith.constant 16 : i32
    scf.for %parallel_loop3A_685 = %parallel_loop3A_364 to %parallel_loop3A_365 step %parallel_loop3A_366  : i32 {
      %parallel_loop3A_686 = arith.index_cast %parallel_loop3A_685 : i32 to index
      %parallel_loop3A_687 = tpu.vector_load %arg4[%parallel_loop3A_686] {strides = array<i32>} : memref<32768xf32, #tpu.memory_space<vmem>>, vector<16xf32>,
      %parallel_loop3A_688 = tpu.bitcast %parallel_loop3A_687 : vector<16xf32> -> vector<16xi32>
      %parallel_loop3A_689 = arith.constant 2147483647 : i32
      %parallel_loop3A_690 = vector.broadcast %parallel_loop3A_689 : i32 to vector<16xi32>
      %parallel_loop3A_691 = arith.andi %parallel_loop3A_688, %parallel_loop3A_690 : vector<16xi32>
      %parallel_loop3A_692 = arith.constant 20 : i32
      %parallel_loop3A_693 = vector.broadcast %parallel_loop3A_692 : i32 to vector<16xi32>
      %parallel_loop3A_694 = arith.shrsi %parallel_loop3A_691, %parallel_loop3A_693 : vector<16xi32>
      tpu.vector_store_idx %arg7[%parallel_loop3A_694], %broadcast_in_dim3A_1 {add = true} : memref<2048xi32, #tpu.memory_space<vmem>>[vector<16xi32>], vector<16xi32>,
    } {sc.loop_unroll_factor = 8 : i64, sc.parallel_access}
    %parallel_loop3A_367 = arith.constant 0 : i32
    %parallel_loop3A_368 = arith.constant 2048 : i32
    %parallel_loop3A_369 = arith.constant 16 : i32
    %parallel_loop3A_370 = arith.constant 16384 : i32
    %parallel_loop3A_371 = arith.constant 0 : i32
    %parallel_loop3A_372 = arith.constant 0 : i32
    %parallel_loop3A_373 = arith.constant 0 : i32
    %parallel_loop3A_374:3 = scf.for %parallel_loop3A_685 = %parallel_loop3A_367 to %parallel_loop3A_368 step %parallel_loop3A_369 iter_args(%parallel_loop3A_686 = %parallel_loop3A_371, %parallel_loop3A_687 = %parallel_loop3A_372, %parallel_loop3A_688 = %parallel_loop3A_373) -> (i32, i32, i32)  : i32 {
      %parallel_loop3A_689 = arith.index_cast %parallel_loop3A_685 : i32 to index
      %parallel_loop3A_690 = tpu.vector_load %arg7[%parallel_loop3A_689] {strides = array<i32>} : memref<2048xi32, #tpu.memory_space<vmem>>, vector<16xi32>,
      %parallel_loop3A_691 = arith.constant true
      %parallel_loop3A_692 = vector.broadcast %parallel_loop3A_691 : i1 to vector<16xi1>
      %parallel_loop3A_693 = tpu.scan <sum>, %parallel_loop3A_690 masked %parallel_loop3A_692 : vector<16xi32>, vector<16xi1> -> vector<16xi32>
      %parallel_loop3A_694 = vector.extract %parallel_loop3A_693[15] : i32 from vector<16xi32>
      %parallel_loop3A_695 = arith.addi %parallel_loop3A_686, %parallel_loop3A_694 : i32
      %parallel_loop3A_696 = arith.cmpi slt, %parallel_loop3A_695, %parallel_loop3A_370 : i32
      %parallel_loop3A_697 = arith.constant 1 : i32
      %parallel_loop3A_698 = arith.addi %parallel_loop3A_687, %parallel_loop3A_697 : i32
      %parallel_loop3A_699 = arith.select %parallel_loop3A_696, %parallel_loop3A_698, %parallel_loop3A_687 : i32
      %parallel_loop3A_700 = arith.select %parallel_loop3A_696, %parallel_loop3A_695, %parallel_loop3A_688 : i32
      scf.yield %parallel_loop3A_695, %parallel_loop3A_699, %parallel_loop3A_700 : i32, i32, i32
    } {sc.loop_unroll_factor = 8 : i64, sc.parallel_access}
    %mul3A_375 = arith.constant 16 : i32
    %mul3A_376 = arith.muli %parallel_loop3A_374#1, %mul3A_375 : i32
    %get3A_377 = arith.index_cast %mul3A_376 : i32 to index
    %get3A_378 = tpu.vector_load %arg7[%get3A_377] {strides = array<i32>} : memref<2048xi32, #tpu.memory_space<vmem>>, vector<16xi32>,
    %broadcast_in_dim3A_379 = arith.constant true
    %broadcast_in_dim3A_380 = vector.broadcast %broadcast_in_dim3A_379 : i1 to vector<16xi1>
    %masked_cumsum3A_381 = tpu.scan <sum>, %get3A_378 masked %broadcast_in_dim3A_380 : vector<16xi32>, vector<16xi1> -> vector<16xi32>
    %add3A_382 = vector.broadcast %parallel_loop3A_374#2 : i32 to vector<16xi32>
    %add3A_383 = arith.addi %masked_cumsum3A_381, %add3A_382 : vector<16xi32>
    %lt3A_384 = arith.constant 16384 : i32
    %lt3A_385 = vector.broadcast %lt3A_384 : i32 to vector<16xi32>
    %lt3A_386 = arith.cmpi slt, %add3A_383, %lt3A_385 : vector<16xi32>
    %jit3A_387 = arith.constant 1 : i32
    %jit3A_388 = arith.constant 0 : i32
    %broadcast_in_dim3A_389 = vector.broadcast %jit3A_387 : i32 to vector<16xi32>
    %broadcast_in_dim3A_390 = vector.broadcast %jit3A_388 : i32 to vector<16xi32>
    %select_n3A_391 = arith.select %lt3A_386, %broadcast_in_dim3A_389, %broadcast_in_dim3A_390 : vector<16xi1>, vector<16xi32>
    %reduce_sum3A_392 = arith.constant true
    %reduce_sum3A_393 = vector.broadcast %reduce_sum3A_392 : i1 to vector<16xi1>
    %reduce_sum3A_394 = tpu.scan <sum>, %select_n3A_391 masked %reduce_sum3A_393 : vector<16xi32>, vector<16xi1> -> vector<16xi32>
    %reduce_sum3A_395 = vector.extract %reduce_sum3A_394[15] : i32 from vector<16xi32>
    %mul3A_396 = arith.constant 16 : i32
    %mul3A_397 = arith.muli %parallel_loop3A_374#1, %mul3A_396 : i32
    %add3A_398 = arith.addi %mul3A_397, %reduce_sum3A_395 : i32
    %jit3A_399 = arith.constant 0 : i32
    %broadcast_in_dim3A_400 = vector.broadcast %jit3A_399 : i32 to vector<16xi32>
    %select_n3A_401 = arith.select %lt3A_386, %add3A_383, %broadcast_in_dim3A_400 : vector<16xi1>, vector<16xi32>
    %reduce_max3A_402 = arith.constant true
    %reduce_max3A_403 = vector.broadcast %reduce_max3A_402 : i1 to vector<16xi1>
    %reduce_max3A_404 = arith.constant -2147483648 : i32
    %reduce_max3A_405 = vector.broadcast %reduce_max3A_404 : i32 to vector<16xi32>
    %reduce_max3A_406 = arith.xori %select_n3A_401, %reduce_max3A_405 : vector<16xi32>
    %reduce_max3A_407 = tpu.scan <max>, %reduce_max3A_406 masked %reduce_max3A_403 : vector<16xi32>, vector<16xi1> -> vector<16xi32>
    %reduce_max3A_408 = arith.xori %reduce_max3A_407, %reduce_max3A_405 : vector<16xi32>
    %reduce_max3A_409 = vector.extract %reduce_max3A_408[15] : i32 from vector<16xi32>
    %max3A_410 = arith.maxsi %parallel_loop3A_374#2, %reduce_max3A_409 : i32
    %sub3A_411 = arith.constant 16384 : i32
    %sub3A_412 = arith.subi %sub3A_411, %max3A_410 : i32
    %parallel_loop3A_413 = arith.constant 0 : i32
    %parallel_loop3A_414 = arith.constant 2048 : i32
    %parallel_loop3A_415 = arith.constant 16 : i32
    scf.for %parallel_loop3A_685 = %parallel_loop3A_413 to %parallel_loop3A_414 step %parallel_loop3A_415  : i32 {
      %parallel_loop3A_686 = arith.index_cast %parallel_loop3A_685 : i32 to index
      %parallel_loop3A_687 = tpu.vector_load %arg7[%parallel_loop3A_686] {strides = array<i32>} : memref<2048xi32, #tpu.memory_space<vmem>>, vector<16xi32>,
      tpu.vector_store %arg7[%parallel_loop3A_686], %broadcast_in_dim3A_3 {strides = array<i32>} : memref<2048xi32, #tpu.memory_space<vmem>>, vector<16xi32>,
    } {sc.loop_unroll_factor = 8 : i64, sc.parallel_access}
    %parallel_loop3A_416 = arith.constant 0 : i32
    %parallel_loop3A_417 = arith.constant 32768 : i32
    %parallel_loop3A_418 = arith.constant 16 : i32
    scf.for %parallel_loop3A_685 = %parallel_loop3A_416 to %parallel_loop3A_417 step %parallel_loop3A_418  : i32 {
      %parallel_loop3A_686 = arith.index_cast %parallel_loop3A_685 : i32 to index
      %parallel_loop3A_687 = tpu.vector_load %arg4[%parallel_loop3A_686] {strides = array<i32>} : memref<32768xf32, #tpu.memory_space<vmem>>, vector<16xf32>,
      %parallel_loop3A_688 = tpu.bitcast %parallel_loop3A_687 : vector<16xf32> -> vector<16xi32>
      %parallel_loop3A_689 = arith.constant 2147483647 : i32
      %parallel_loop3A_690 = vector.broadcast %parallel_loop3A_689 : i32 to vector<16xi32>
      %parallel_loop3A_691 = arith.andi %parallel_loop3A_688, %parallel_loop3A_690 : vector<16xi32>
      %parallel_loop3A_692 = arith.constant 20 : i32
      %parallel_loop3A_693 = vector.broadcast %parallel_loop3A_692 : i32 to vector<16xi32>
      %parallel_loop3A_694 = arith.shrsi %parallel_loop3A_691, %parallel_loop3A_693 : vector<16xi32>
      %parallel_loop3A_695 = vector.broadcast %add3A_398 : i32 to vector<16xi32>
      %parallel_loop3A_696 = arith.cmpi eq, %parallel_loop3A_694, %parallel_loop3A_695 : vector<16xi32>
      %parallel_loop3A_697 = arith.constant 9 : i32
      %parallel_loop3A_698 = vector.broadcast %parallel_loop3A_697 : i32 to vector<16xi32>
      %parallel_loop3A_699 = arith.shrsi %parallel_loop3A_691, %parallel_loop3A_698 : vector<16xi32>
      %parallel_loop3A_700 = arith.constant 2047 : i32
      %parallel_loop3A_701 = vector.broadcast %parallel_loop3A_700 : i32 to vector<16xi32>
      %parallel_loop3A_702 = arith.andi %parallel_loop3A_699, %parallel_loop3A_701 : vector<16xi32>
      tpu.vector_store_idx %arg7[%parallel_loop3A_702], %broadcast_in_dim3A_1 masked %parallel_loop3A_696 {add = true} : memref<2048xi32, #tpu.memory_space<vmem>>[vector<16xi32>], vector<16xi32>, vector<16xi1>
    } {sc.loop_unroll_factor = 8 : i64, sc.parallel_access}
    %parallel_loop3A_419 = arith.constant 0 : i32
    %parallel_loop3A_420 = arith.constant 2048 : i32
    %parallel_loop3A_421 = arith.constant 16 : i32
    %parallel_loop3A_422 = arith.constant 0 : i32
    %parallel_loop3A_423 = arith.constant 0 : i32
    %parallel_loop3A_424 = arith.constant 0 : i32
    %parallel_loop3A_425:3 = scf.for %parallel_loop3A_685 = %parallel_loop3A_419 to %parallel_loop3A_420 step %parallel_loop3A_421 iter_args(%parallel_loop3A_686 = %parallel_loop3A_422, %parallel_loop3A_687 = %parallel_loop3A_423, %parallel_loop3A_688 = %parallel_loop3A_424) -> (i32, i32, i32)  : i32 {
      %parallel_loop3A_689 = arith.index_cast %parallel_loop3A_685 : i32 to index
      %parallel_loop3A_690 = tpu.vector_load %arg7[%parallel_loop3A_689] {strides = array<i32>} : memref<2048xi32, #tpu.memory_space<vmem>>, vector<16xi32>,
      %parallel_loop3A_691 = arith.constant true
      %parallel_loop3A_692 = vector.broadcast %parallel_loop3A_691 : i1 to vector<16xi1>
      %parallel_loop3A_693 = tpu.scan <sum>, %parallel_loop3A_690 masked %parallel_loop3A_692 : vector<16xi32>, vector<16xi1> -> vector<16xi32>
      %parallel_loop3A_694 = vector.extract %parallel_loop3A_693[15] : i32 from vector<16xi32>
      %parallel_loop3A_695 = arith.addi %parallel_loop3A_686, %parallel_loop3A_694 : i32
      %parallel_loop3A_696 = arith.cmpi slt, %parallel_loop3A_695, %sub3A_412 : i32
      %parallel_loop3A_697 = arith.constant 1 : i32
      %parallel_loop3A_698 = arith.addi %parallel_loop3A_687, %parallel_loop3A_697 : i32
      %parallel_loop3A_699 = arith.select %parallel_loop3A_696, %parallel_loop3A_698, %parallel_loop3A_687 : i32
      %parallel_loop3A_700 = arith.select %parallel_loop3A_696, %parallel_loop3A_695, %parallel_loop3A_688 : i32
      scf.yield %parallel_loop3A_695, %parallel_loop3A_699, %parallel_loop3A_700 : i32, i32, i32
    } {sc.loop_unroll_factor = 8 : i64, sc.parallel_access}
    %mul3A_426 = arith.constant 16 : i32
    %mul3A_427 = arith.muli %parallel_loop3A_425#1, %mul3A_426 : i32
    %get3A_428 = arith.index_cast %mul3A_427 : i32 to index
    %get3A_429 = tpu.vector_load %arg7[%get3A_428] {strides = array<i32>} : memref<2048xi32, #tpu.memory_space<vmem>>, vector<16xi32>,
    %broadcast_in_dim3A_430 = arith.constant true
    %broadcast_in_dim3A_431 = vector.broadcast %broadcast_in_dim3A_430 : i1 to vector<16xi1>
    %masked_cumsum3A_432 = tpu.scan <sum>, %get3A_429 masked %broadcast_in_dim3A_431 : vector<16xi32>, vector<16xi1> -> vector<16xi32>
    %add3A_433 = vector.broadcast %parallel_loop3A_425#2 : i32 to vector<16xi32>
    %add3A_434 = arith.addi %masked_cumsum3A_432, %add3A_433 : vector<16xi32>
    %lt3A_435 = vector.broadcast %sub3A_412 : i32 to vector<16xi32>
    %lt3A_436 = arith.cmpi slt, %add3A_434, %lt3A_435 : vector<16xi32>
    %jit3A_437 = arith.constant 1 : i32
    %jit3A_438 = arith.constant 0 : i32
    %broadcast_in_dim3A_439 = vector.broadcast %jit3A_437 : i32 to vector<16xi32>
    %broadcast_in_dim3A_440 = vector.broadcast %jit3A_438 : i32 to vector<16xi32>
    %select_n3A_441 = arith.select %lt3A_436, %broadcast_in_dim3A_439, %broadcast_in_dim3A_440 : vector<16xi1>, vector<16xi32>
    %reduce_sum3A_442 = arith.constant true
    %reduce_sum3A_443 = vector.broadcast %reduce_sum3A_442 : i1 to vector<16xi1>
    %reduce_sum3A_444 = tpu.scan <sum>, %select_n3A_441 masked %reduce_sum3A_443 : vector<16xi32>, vector<16xi1> -> vector<16xi32>
    %reduce_sum3A_445 = vector.extract %reduce_sum3A_444[15] : i32 from vector<16xi32>
    %mul3A_446 = arith.constant 16 : i32
    %mul3A_447 = arith.muli %parallel_loop3A_425#1, %mul3A_446 : i32
    %add3A_448 = arith.addi %mul3A_447, %reduce_sum3A_445 : i32
    %jit3A_449 = arith.constant 0 : i32
    %broadcast_in_dim3A_450 = vector.broadcast %jit3A_449 : i32 to vector<16xi32>
    %select_n3A_451 = arith.select %lt3A_436, %add3A_434, %broadcast_in_dim3A_450 : vector<16xi1>, vector<16xi32>
    %reduce_max3A_452 = arith.constant true
    %reduce_max3A_453 = vector.broadcast %reduce_max3A_452 : i1 to vector<16xi1>
    %reduce_max3A_454 = arith.constant -2147483648 : i32
    %reduce_max3A_455 = vector.broadcast %reduce_max3A_454 : i32 to vector<16xi32>
    %reduce_max3A_456 = arith.xori %select_n3A_451, %reduce_max3A_455 : vector<16xi32>
    %reduce_max3A_457 = tpu.scan <max>, %reduce_max3A_456 masked %reduce_max3A_453 : vector<16xi32>, vector<16xi1> -> vector<16xi32>
    %reduce_max3A_458 = arith.xori %reduce_max3A_457, %reduce_max3A_455 : vector<16xi32>
    %reduce_max3A_459 = vector.extract %reduce_max3A_458[15] : i32 from vector<16xi32>
    %max3A_460 = arith.maxsi %parallel_loop3A_425#2, %reduce_max3A_459 : i32
    %sub3A_461 = arith.subi %sub3A_412, %max3A_460 : i32
    %shift_left3A_462 = arith.constant 11 : i32
    %shift_left3A_463 = arith.shli %add3A_398, %shift_left3A_462 : i32
    %or3A_464 = arith.ori %shift_left3A_463, %add3A_448 : i32
    %parallel_loop3A_465 = arith.constant 0 : i32
    %parallel_loop3A_466 = arith.constant 512 : i32
    %parallel_loop3A_467 = arith.constant 16 : i32
    scf.for %parallel_loop3A_685 = %parallel_loop3A_465 to %parallel_loop3A_466 step %parallel_loop3A_467  : i32 {
      %parallel_loop3A_686 = arith.index_cast %parallel_loop3A_685 : i32 to index
      %parallel_loop3A_687 = tpu.vector_load %arg7[%parallel_loop3A_686] {strides = array<i32>} : memref<2048xi32, #tpu.memory_space<vmem>>, vector<16xi32>,
      tpu.vector_store %arg7[%parallel_loop3A_686], %broadcast_in_dim3A_3 {strides = array<i32>} : memref<2048xi32, #tpu.memory_space<vmem>>, vector<16xi32>,
    } {sc.loop_unroll_factor = 8 : i64, sc.parallel_access}
    %parallel_loop3A_468 = arith.constant 0 : i32
    %parallel_loop3A_469 = arith.constant 32768 : i32
    %parallel_loop3A_470 = arith.constant 16 : i32
    scf.for %parallel_loop3A_685 = %parallel_loop3A_468 to %parallel_loop3A_469 step %parallel_loop3A_470  : i32 {
      %parallel_loop3A_686 = arith.index_cast %parallel_loop3A_685 : i32 to index
      %parallel_loop3A_687 = tpu.vector_load %arg4[%parallel_loop3A_686] {strides = array<i32>} : memref<32768xf32, #tpu.memory_space<vmem>>, vector<16xf32>,
      %parallel_loop3A_688 = tpu.bitcast %parallel_loop3A_687 : vector<16xf32> -> vector<16xi32>
      %parallel_loop3A_689 = arith.constant 2147483647 : i32
      %parallel_loop3A_690 = vector.broadcast %parallel_loop3A_689 : i32 to vector<16xi32>
      %parallel_loop3A_691 = arith.andi %parallel_loop3A_688, %parallel_loop3A_690 : vector<16xi32>
      %parallel_loop3A_692 = arith.constant 9 : i32
      %parallel_loop3A_693 = vector.broadcast %parallel_loop3A_692 : i32 to vector<16xi32>
      %parallel_loop3A_694 = arith.shrsi %parallel_loop3A_691, %parallel_loop3A_693 : vector<16xi32>
      %parallel_loop3A_695 = vector.broadcast %or3A_464 : i32 to vector<16xi32>
      %parallel_loop3A_696 = arith.cmpi eq, %parallel_loop3A_694, %parallel_loop3A_695 : vector<16xi32>
      %parallel_loop3A_697 = arith.constant 511 : i32
      %parallel_loop3A_698 = vector.broadcast %parallel_loop3A_697 : i32 to vector<16xi32>
      %parallel_loop3A_699 = arith.andi %parallel_loop3A_691, %parallel_loop3A_698 : vector<16xi32>
      tpu.vector_store_idx %arg7[%parallel_loop3A_699], %broadcast_in_dim3A_1 masked %parallel_loop3A_696 {add = true} : memref<2048xi32, #tpu.memory_space<vmem>>[vector<16xi32>], vector<16xi32>, vector<16xi1>
    } {sc.loop_unroll_factor = 8 : i64, sc.parallel_access}
    %parallel_loop3A_471 = arith.constant 0 : i32
    %parallel_loop3A_472 = arith.constant 512 : i32
    %parallel_loop3A_473 = arith.constant 16 : i32
    %parallel_loop3A_474 = arith.constant 0 : i32
    %parallel_loop3A_475 = arith.constant 0 : i32
    %parallel_loop3A_476 = arith.constant 0 : i32
    %parallel_loop3A_477:3 = scf.for %parallel_loop3A_685 = %parallel_loop3A_471 to %parallel_loop3A_472 step %parallel_loop3A_473 iter_args(%parallel_loop3A_686 = %parallel_loop3A_474, %parallel_loop3A_687 = %parallel_loop3A_475, %parallel_loop3A_688 = %parallel_loop3A_476) -> (i32, i32, i32)  : i32 {
      %parallel_loop3A_689 = arith.index_cast %parallel_loop3A_685 : i32 to index
      %parallel_loop3A_690 = tpu.vector_load %arg7[%parallel_loop3A_689] {strides = array<i32>} : memref<2048xi32, #tpu.memory_space<vmem>>, vector<16xi32>,
      %parallel_loop3A_691 = arith.constant true
      %parallel_loop3A_692 = vector.broadcast %parallel_loop3A_691 : i1 to vector<16xi1>
      %parallel_loop3A_693 = tpu.scan <sum>, %parallel_loop3A_690 masked %parallel_loop3A_692 : vector<16xi32>, vector<16xi1> -> vector<16xi32>
      %parallel_loop3A_694 = vector.extract %parallel_loop3A_693[15] : i32 from vector<16xi32>
      %parallel_loop3A_695 = arith.addi %parallel_loop3A_686, %parallel_loop3A_694 : i32
      %parallel_loop3A_696 = arith.cmpi slt, %parallel_loop3A_695, %sub3A_461 : i32
      %parallel_loop3A_697 = arith.constant 1 : i32
      %parallel_loop3A_698 = arith.addi %parallel_loop3A_687, %parallel_loop3A_697 : i32
      %parallel_loop3A_699 = arith.select %parallel_loop3A_696, %parallel_loop3A_698, %parallel_loop3A_687 : i32
      %parallel_loop3A_700 = arith.select %parallel_loop3A_696, %parallel_loop3A_695, %parallel_loop3A_688 : i32
      scf.yield %parallel_loop3A_695, %parallel_loop3A_699, %parallel_loop3A_700 : i32, i32, i32
    } {sc.loop_unroll_factor = 8 : i64, sc.parallel_access}
    %mul3A_478 = arith.constant 16 : i32
    %mul3A_479 = arith.muli %parallel_loop3A_477#1, %mul3A_478 : i32
    %get3A_480 = arith.index_cast %mul3A_479 : i32 to index
    %get3A_481 = tpu.vector_load %arg7[%get3A_480] {strides = array<i32>} : memref<2048xi32, #tpu.memory_space<vmem>>, vector<16xi32>,
    %broadcast_in_dim3A_482 = arith.constant true
    %broadcast_in_dim3A_483 = vector.broadcast %broadcast_in_dim3A_482 : i1 to vector<16xi1>
    %masked_cumsum3A_484 = tpu.scan <sum>, %get3A_481 masked %broadcast_in_dim3A_483 : vector<16xi32>, vector<16xi1> -> vector<16xi32>
    %add3A_485 = vector.broadcast %parallel_loop3A_477#2 : i32 to vector<16xi32>
    %add3A_486 = arith.addi %masked_cumsum3A_484, %add3A_485 : vector<16xi32>
    %lt3A_487 = vector.broadcast %sub3A_461 : i32 to vector<16xi32>
    %lt3A_488 = arith.cmpi slt, %add3A_486, %lt3A_487 : vector<16xi32>
    %jit3A_489 = arith.constant 1 : i32
    %jit3A_490 = arith.constant 0 : i32
    %broadcast_in_dim3A_491 = vector.broadcast %jit3A_489 : i32 to vector<16xi32>
    %broadcast_in_dim3A_492 = vector.broadcast %jit3A_490 : i32 to vector<16xi32>
    %select_n3A_493 = arith.select %lt3A_488, %broadcast_in_dim3A_491, %broadcast_in_dim3A_492 : vector<16xi1>, vector<16xi32>
    %reduce_sum3A_494 = arith.constant true
    %reduce_sum3A_495 = vector.broadcast %reduce_sum3A_494 : i1 to vector<16xi1>
    %reduce_sum3A_496 = tpu.scan <sum>, %select_n3A_493 masked %reduce_sum3A_495 : vector<16xi32>, vector<16xi1> -> vector<16xi32>
    %reduce_sum3A_497 = vector.extract %reduce_sum3A_496[15] : i32 from vector<16xi32>
    %mul3A_498 = arith.constant 16 : i32
    %mul3A_499 = arith.muli %parallel_loop3A_477#1, %mul3A_498 : i32
    %add3A_500 = arith.addi %mul3A_499, %reduce_sum3A_497 : i32
    %jit3A_501 = arith.constant 0 : i32
    %broadcast_in_dim3A_502 = vector.broadcast %jit3A_501 : i32 to vector<16xi32>
    %select_n3A_503 = arith.select %lt3A_488, %add3A_486, %broadcast_in_dim3A_502 : vector<16xi1>, vector<16xi32>
    %reduce_max3A_504 = arith.constant true
    %reduce_max3A_505 = vector.broadcast %reduce_max3A_504 : i1 to vector<16xi1>
    %reduce_max3A_506 = arith.constant -2147483648 : i32
    %reduce_max3A_507 = vector.broadcast %reduce_max3A_506 : i32 to vector<16xi32>
    %reduce_max3A_508 = arith.xori %select_n3A_503, %reduce_max3A_507 : vector<16xi32>
    %reduce_max3A_509 = tpu.scan <max>, %reduce_max3A_508 masked %reduce_max3A_505 : vector<16xi32>, vector<16xi1> -> vector<16xi32>
    %reduce_max3A_510 = arith.xori %reduce_max3A_509, %reduce_max3A_507 : vector<16xi32>
    %reduce_max3A_511 = vector.extract %reduce_max3A_510[15] : i32 from vector<16xi32>
    %max3A_512 = arith.maxsi %parallel_loop3A_477#2, %reduce_max3A_511 : i32
    %shift_left3A_513 = arith.constant 9 : i32
    %shift_left3A_514 = arith.shli %or3A_464, %shift_left3A_513 : i32
    %or3A_515 = arith.ori %shift_left3A_514, %add3A_500 : i32
    %broadcast_in_dim3A_516 = vector.broadcast %or3A_515 : i32 to vector<16xi32>
    %swap3A_517 = arith.constant 0 : index
    %swap3A_518 = tpu.vector_load %arg6[%swap3A_517] {strides = array<i32>} : memref<16xi32, #tpu.memory_space<vmem>>, vector<16xi32>,
    tpu.vector_store %arg6[%swap3A_517], %broadcast_in_dim3A_516 {strides = array<i32>} : memref<16xi32, #tpu.memory_space<vmem>>, vector<16xi32>,
    "tpu.region"() ({
      %run_scoped3A = tpu.sem_alloc : memref<!tpu.dma_semaphore, #tpu.memory_space<semaphore_mem>>
      %dma_start3A_685 = arith.constant 0 : i32
      %dma_start3A_686 = tpu.memref_slice %arg3[%add3A_354, %dma_start3A_685] : memref<128x16xi32, #tpu.memory_space<hbm>> -> memref<1x16xi32, #tpu.memory_space<hbm>>
      %dma_start3A_687 = tpu.memref_squeeze %dma_start3A_686 : memref<1x16xi32, #tpu.memory_space<hbm>> -> memref<16xi32, #tpu.memory_space<hbm>>
      %dma_start3A_688 = arith.constant 0 : i32
      %dma_start3A_689 = tpu.memref_slice %arg3[%add3A_354, %dma_start3A_688] : memref<128x16xi32, #tpu.memory_space<hbm>> -> memref<1x16xi32, #tpu.memory_space<hbm>>
      %dma_start3A_690 = tpu.memref_squeeze %dma_start3A_689 : memref<1x16xi32, #tpu.memory_space<hbm>> -> memref<16xi32, #tpu.memory_space<hbm>>
      tpu.enqueue_dma source(%arg6 : memref<16xi32, #tpu.memory_space<vmem>>) target(%dma_start3A_690 : memref<16xi32, #tpu.memory_space<hbm>>) target_semaphore(%run_scoped3A : memref<!tpu.dma_semaphore, #tpu.memory_space<semaphore_mem>>)
      %dma_wait3A_691 = arith.constant 0 : i32
      %dma_wait3A_692 = tpu.memref_slice %arg3[%add3A_354, %dma_wait3A_691] : memref<128x16xi32, #tpu.memory_space<hbm>> -> memref<1x16xi32, #tpu.memory_space<hbm>>
      %dma_wait3A_693 = tpu.memref_squeeze %dma_wait3A_692 : memref<1x16xi32, #tpu.memory_space<hbm>> -> memref<16xi32, #tpu.memory_space<hbm>>
      %dma_wait3A_694 = arith.constant 0 : i32
      %dma_wait3A_695 = tpu.memref_slice %arg3[%add3A_354, %dma_wait3A_694] : memref<128x16xi32, #tpu.memory_space<hbm>> -> memref<1x16xi32, #tpu.memory_space<hbm>>
      %dma_wait3A_696 = tpu.memref_squeeze %dma_wait3A_695 : memref<1x16xi32, #tpu.memory_space<hbm>> -> memref<16xi32, #tpu.memory_space<hbm>>
      tpu.wait_dma2 semaphore(%run_scoped3A : memref<!tpu.dma_semaphore, #tpu.memory_space<semaphore_mem>>) src(%arg6 : memref<16xi32, #tpu.memory_space<vmem>>) dst(%dma_wait3A_696 : memref<16xi32, #tpu.memory_space<hbm>>)
      tpu.yield
    }) : () -> ()
    %add3A_519 = arith.constant 3 : i32
    %add3A_520 = arith.addi %mul3A_5, %add3A_519 : i32
    %dma_wait3A_521 = arith.constant 0 : i32
    %dma_wait3A_522 = tpu.memref_slice %arg2[%add3A_520, %dma_wait3A_521] : memref<128x32768xf32, #tpu.memory_space<hbm>> -> memref<1x32768xf32, #tpu.memory_space<hbm>>
    %dma_wait3A_523 = tpu.memref_squeeze %dma_wait3A_522 : memref<1x32768xf32, #tpu.memory_space<hbm>> -> memref<32768xf32, #tpu.memory_space<hbm>>
    %dma_wait3A_524 = arith.constant 0 : i32
    %dma_wait3A_525 = tpu.memref_slice %arg2[%add3A_520, %dma_wait3A_524] : memref<128x32768xf32, #tpu.memory_space<hbm>> -> memref<1x32768xf32, #tpu.memory_space<hbm>>
    %dma_wait3A_526 = tpu.memref_squeeze %dma_wait3A_525 : memref<1x32768xf32, #tpu.memory_space<hbm>> -> memref<32768xf32, #tpu.memory_space<hbm>>
    tpu.wait_dma2 semaphore(%arg9 : memref<!tpu.dma_semaphore, #tpu.memory_space<semaphore_mem>>) src(%dma_wait3A_526 : memref<32768xf32, #tpu.memory_space<hbm>>) dst(%arg5 : memref<32768xf32, #tpu.memory_space<vmem>>)
    %parallel_loop3A_527 = arith.constant 0 : i32
    %parallel_loop3A_528 = arith.constant 2048 : i32
    %parallel_loop3A_529 = arith.constant 16 : i32
    scf.for %parallel_loop3A_685 = %parallel_loop3A_527 to %parallel_loop3A_528 step %parallel_loop3A_529  : i32 {
      %parallel_loop3A_686 = arith.index_cast %parallel_loop3A_685 : i32 to index
      %parallel_loop3A_687 = tpu.vector_load %arg7[%parallel_loop3A_686] {strides = array<i32>} : memref<2048xi32, #tpu.memory_space<vmem>>, vector<16xi32>,
      tpu.vector_store %arg7[%parallel_loop3A_686], %broadcast_in_dim3A_3 {strides = array<i32>} : memref<2048xi32, #tpu.memory_space<vmem>>, vector<16xi32>,
    } {sc.loop_unroll_factor = 8 : i64, sc.parallel_access}
    %parallel_loop3A_530 = arith.constant 0 : i32
    %parallel_loop3A_531 = arith.constant 32768 : i32
    %parallel_loop3A_532 = arith.constant 16 : i32
    scf.for %parallel_loop3A_685 = %parallel_loop3A_530 to %parallel_loop3A_531 step %parallel_loop3A_532  : i32 {
      %parallel_loop3A_686 = arith.index_cast %parallel_loop3A_685 : i32 to index
      %parallel_loop3A_687 = tpu.vector_load %arg5[%parallel_loop3A_686] {strides = array<i32>} : memref<32768xf32, #tpu.memory_space<vmem>>, vector<16xf32>,
      %parallel_loop3A_688 = tpu.bitcast %parallel_loop3A_687 : vector<16xf32> -> vector<16xi32>
      %parallel_loop3A_689 = arith.constant 2147483647 : i32
      %parallel_loop3A_690 = vector.broadcast %parallel_loop3A_689 : i32 to vector<16xi32>
      %parallel_loop3A_691 = arith.andi %parallel_loop3A_688, %parallel_loop3A_690 : vector<16xi32>
      %parallel_loop3A_692 = arith.constant 20 : i32
      %parallel_loop3A_693 = vector.broadcast %parallel_loop3A_692 : i32 to vector<16xi32>
      %parallel_loop3A_694 = arith.shrsi %parallel_loop3A_691, %parallel_loop3A_693 : vector<16xi32>
      tpu.vector_store_idx %arg7[%parallel_loop3A_694], %broadcast_in_dim3A_1 {add = true} : memref<2048xi32, #tpu.memory_space<vmem>>[vector<16xi32>], vector<16xi32>,
    } {sc.loop_unroll_factor = 8 : i64, sc.parallel_access}
    %parallel_loop3A_533 = arith.constant 0 : i32
    %parallel_loop3A_534 = arith.constant 2048 : i32
    %parallel_loop3A_535 = arith.constant 16 : i32
    %parallel_loop3A_536 = arith.constant 16384 : i32
    %parallel_loop3A_537 = arith.constant 0 : i32
    %parallel_loop3A_538 = arith.constant 0 : i32
    %parallel_loop3A_539 = arith.constant 0 : i32
    %parallel_loop3A_540:3 = scf.for %parallel_loop3A_685 = %parallel_loop3A_533 to %parallel_loop3A_534 step %parallel_loop3A_535 iter_args(%parallel_loop3A_686 = %parallel_loop3A_537, %parallel_loop3A_687 = %parallel_loop3A_538, %parallel_loop3A_688 = %parallel_loop3A_539) -> (i32, i32, i32)  : i32 {
      %parallel_loop3A_689 = arith.index_cast %parallel_loop3A_685 : i32 to index
      %parallel_loop3A_690 = tpu.vector_load %arg7[%parallel_loop3A_689] {strides = array<i32>} : memref<2048xi32, #tpu.memory_space<vmem>>, vector<16xi32>,
      %parallel_loop3A_691 = arith.constant true
      %parallel_loop3A_692 = vector.broadcast %parallel_loop3A_691 : i1 to vector<16xi1>
      %parallel_loop3A_693 = tpu.scan <sum>, %parallel_loop3A_690 masked %parallel_loop3A_692 : vector<16xi32>, vector<16xi1> -> vector<16xi32>
      %parallel_loop3A_694 = vector.extract %parallel_loop3A_693[15] : i32 from vector<16xi32>
      %parallel_loop3A_695 = arith.addi %parallel_loop3A_686, %parallel_loop3A_694 : i32
      %parallel_loop3A_696 = arith.cmpi slt, %parallel_loop3A_695, %parallel_loop3A_536 : i32
      %parallel_loop3A_697 = arith.constant 1 : i32
      %parallel_loop3A_698 = arith.addi %parallel_loop3A_687, %parallel_loop3A_697 : i32
      %parallel_loop3A_699 = arith.select %parallel_loop3A_696, %parallel_loop3A_698, %parallel_loop3A_687 : i32
      %parallel_loop3A_700 = arith.select %parallel_loop3A_696, %parallel_loop3A_695, %parallel_loop3A_688 : i32
      scf.yield %parallel_loop3A_695, %parallel_loop3A_699, %parallel_loop3A_700 : i32, i32, i32
    } {sc.loop_unroll_factor = 8 : i64, sc.parallel_access}
    %mul3A_541 = arith.constant 16 : i32
    %mul3A_542 = arith.muli %parallel_loop3A_540#1, %mul3A_541 : i32
    %get3A_543 = arith.index_cast %mul3A_542 : i32 to index
    %get3A_544 = tpu.vector_load %arg7[%get3A_543] {strides = array<i32>} : memref<2048xi32, #tpu.memory_space<vmem>>, vector<16xi32>,
    %broadcast_in_dim3A_545 = arith.constant true
    %broadcast_in_dim3A_546 = vector.broadcast %broadcast_in_dim3A_545 : i1 to vector<16xi1>
    %masked_cumsum3A_547 = tpu.scan <sum>, %get3A_544 masked %broadcast_in_dim3A_546 : vector<16xi32>, vector<16xi1> -> vector<16xi32>
    %add3A_548 = vector.broadcast %parallel_loop3A_540#2 : i32 to vector<16xi32>
    %add3A_549 = arith.addi %masked_cumsum3A_547, %add3A_548 : vector<16xi32>
    %lt3A_550 = arith.constant 16384 : i32
    %lt3A_551 = vector.broadcast %lt3A_550 : i32 to vector<16xi32>
    %lt3A_552 = arith.cmpi slt, %add3A_549, %lt3A_551 : vector<16xi32>
    %jit3A_553 = arith.constant 1 : i32
    %jit3A_554 = arith.constant 0 : i32
    %broadcast_in_dim3A_555 = vector.broadcast %jit3A_553 : i32 to vector<16xi32>
    %broadcast_in_dim3A_556 = vector.broadcast %jit3A_554 : i32 to vector<16xi32>
    %select_n3A_557 = arith.select %lt3A_552, %broadcast_in_dim3A_555, %broadcast_in_dim3A_556 : vector<16xi1>, vector<16xi32>
    %reduce_sum3A_558 = arith.constant true
    %reduce_sum3A_559 = vector.broadcast %reduce_sum3A_558 : i1 to vector<16xi1>
    %reduce_sum3A_560 = tpu.scan <sum>, %select_n3A_557 masked %reduce_sum3A_559 : vector<16xi32>, vector<16xi1> -> vector<16xi32>
    %reduce_sum3A_561 = vector.extract %reduce_sum3A_560[15] : i32 from vector<16xi32>
    %mul3A_562 = arith.constant 16 : i32
    %mul3A_563 = arith.muli %parallel_loop3A_540#1, %mul3A_562 : i32
    %add3A_564 = arith.addi %mul3A_563, %reduce_sum3A_561 : i32
    %jit3A_565 = arith.constant 0 : i32
    %broadcast_in_dim3A_566 = vector.broadcast %jit3A_565 : i32 to vector<16xi32>
    %select_n3A_567 = arith.select %lt3A_552, %add3A_549, %broadcast_in_dim3A_566 : vector<16xi1>, vector<16xi32>
    %reduce_max3A_568 = arith.constant true
    %reduce_max3A_569 = vector.broadcast %reduce_max3A_568 : i1 to vector<16xi1>
    %reduce_max3A_570 = arith.constant -2147483648 : i32
    %reduce_max3A_571 = vector.broadcast %reduce_max3A_570 : i32 to vector<16xi32>
    %reduce_max3A_572 = arith.xori %select_n3A_567, %reduce_max3A_571 : vector<16xi32>
    %reduce_max3A_573 = tpu.scan <max>, %reduce_max3A_572 masked %reduce_max3A_569 : vector<16xi32>, vector<16xi1> -> vector<16xi32>
    %reduce_max3A_574 = arith.xori %reduce_max3A_573, %reduce_max3A_571 : vector<16xi32>
    %reduce_max3A_575 = vector.extract %reduce_max3A_574[15] : i32 from vector<16xi32>
    %max3A_576 = arith.maxsi %parallel_loop3A_540#2, %reduce_max3A_575 : i32
    %sub3A_577 = arith.constant 16384 : i32
    %sub3A_578 = arith.subi %sub3A_577, %max3A_576 : i32
    %parallel_loop3A_579 = arith.constant 0 : i32
    %parallel_loop3A_580 = arith.constant 2048 : i32
    %parallel_loop3A_581 = arith.constant 16 : i32
    scf.for %parallel_loop3A_685 = %parallel_loop3A_579 to %parallel_loop3A_580 step %parallel_loop3A_581  : i32 {
      %parallel_loop3A_686 = arith.index_cast %parallel_loop3A_685 : i32 to index
      %parallel_loop3A_687 = tpu.vector_load %arg7[%parallel_loop3A_686] {strides = array<i32>} : memref<2048xi32, #tpu.memory_space<vmem>>, vector<16xi32>,
      tpu.vector_store %arg7[%parallel_loop3A_686], %broadcast_in_dim3A_3 {strides = array<i32>} : memref<2048xi32, #tpu.memory_space<vmem>>, vector<16xi32>,
    } {sc.loop_unroll_factor = 8 : i64, sc.parallel_access}
    %parallel_loop3A_582 = arith.constant 0 : i32
    %parallel_loop3A_583 = arith.constant 32768 : i32
    %parallel_loop3A_584 = arith.constant 16 : i32
    scf.for %parallel_loop3A_685 = %parallel_loop3A_582 to %parallel_loop3A_583 step %parallel_loop3A_584  : i32 {
      %parallel_loop3A_686 = arith.index_cast %parallel_loop3A_685 : i32 to index
      %parallel_loop3A_687 = tpu.vector_load %arg5[%parallel_loop3A_686] {strides = array<i32>} : memref<32768xf32, #tpu.memory_space<vmem>>, vector<16xf32>,
      %parallel_loop3A_688 = tpu.bitcast %parallel_loop3A_687 : vector<16xf32> -> vector<16xi32>
      %parallel_loop3A_689 = arith.constant 2147483647 : i32
      %parallel_loop3A_690 = vector.broadcast %parallel_loop3A_689 : i32 to vector<16xi32>
      %parallel_loop3A_691 = arith.andi %parallel_loop3A_688, %parallel_loop3A_690 : vector<16xi32>
      %parallel_loop3A_692 = arith.constant 20 : i32
      %parallel_loop3A_693 = vector.broadcast %parallel_loop3A_692 : i32 to vector<16xi32>
      %parallel_loop3A_694 = arith.shrsi %parallel_loop3A_691, %parallel_loop3A_693 : vector<16xi32>
      %parallel_loop3A_695 = vector.broadcast %add3A_564 : i32 to vector<16xi32>
      %parallel_loop3A_696 = arith.cmpi eq, %parallel_loop3A_694, %parallel_loop3A_695 : vector<16xi32>
      %parallel_loop3A_697 = arith.constant 9 : i32
      %parallel_loop3A_698 = vector.broadcast %parallel_loop3A_697 : i32 to vector<16xi32>
      %parallel_loop3A_699 = arith.shrsi %parallel_loop3A_691, %parallel_loop3A_698 : vector<16xi32>
      %parallel_loop3A_700 = arith.constant 2047 : i32
      %parallel_loop3A_701 = vector.broadcast %parallel_loop3A_700 : i32 to vector<16xi32>
      %parallel_loop3A_702 = arith.andi %parallel_loop3A_699, %parallel_loop3A_701 : vector<16xi32>
      tpu.vector_store_idx %arg7[%parallel_loop3A_702], %broadcast_in_dim3A_1 masked %parallel_loop3A_696 {add = true} : memref<2048xi32, #tpu.memory_space<vmem>>[vector<16xi32>], vector<16xi32>, vector<16xi1>
    } {sc.loop_unroll_factor = 8 : i64, sc.parallel_access}
    %parallel_loop3A_585 = arith.constant 0 : i32
    %parallel_loop3A_586 = arith.constant 2048 : i32
    %parallel_loop3A_587 = arith.constant 16 : i32
    %parallel_loop3A_588 = arith.constant 0 : i32
    %parallel_loop3A_589 = arith.constant 0 : i32
    %parallel_loop3A_590 = arith.constant 0 : i32
    %parallel_loop3A_591:3 = scf.for %parallel_loop3A_685 = %parallel_loop3A_585 to %parallel_loop3A_586 step %parallel_loop3A_587 iter_args(%parallel_loop3A_686 = %parallel_loop3A_588, %parallel_loop3A_687 = %parallel_loop3A_589, %parallel_loop3A_688 = %parallel_loop3A_590) -> (i32, i32, i32)  : i32 {
      %parallel_loop3A_689 = arith.index_cast %parallel_loop3A_685 : i32 to index
      %parallel_loop3A_690 = tpu.vector_load %arg7[%parallel_loop3A_689] {strides = array<i32>} : memref<2048xi32, #tpu.memory_space<vmem>>, vector<16xi32>,
      %parallel_loop3A_691 = arith.constant true
      %parallel_loop3A_692 = vector.broadcast %parallel_loop3A_691 : i1 to vector<16xi1>
      %parallel_loop3A_693 = tpu.scan <sum>, %parallel_loop3A_690 masked %parallel_loop3A_692 : vector<16xi32>, vector<16xi1> -> vector<16xi32>
      %parallel_loop3A_694 = vector.extract %parallel_loop3A_693[15] : i32 from vector<16xi32>
      %parallel_loop3A_695 = arith.addi %parallel_loop3A_686, %parallel_loop3A_694 : i32
      %parallel_loop3A_696 = arith.cmpi slt, %parallel_loop3A_695, %sub3A_578 : i32
      %parallel_loop3A_697 = arith.constant 1 : i32
      %parallel_loop3A_698 = arith.addi %parallel_loop3A_687, %parallel_loop3A_697 : i32
      %parallel_loop3A_699 = arith.select %parallel_loop3A_696, %parallel_loop3A_698, %parallel_loop3A_687 : i32
      %parallel_loop3A_700 = arith.select %parallel_loop3A_696, %parallel_loop3A_695, %parallel_loop3A_688 : i32
      scf.yield %parallel_loop3A_695, %parallel_loop3A_699, %parallel_loop3A_700 : i32, i32, i32
    } {sc.loop_unroll_factor = 8 : i64, sc.parallel_access}
    %mul3A_592 = arith.constant 16 : i32
    %mul3A_593 = arith.muli %parallel_loop3A_591#1, %mul3A_592 : i32
    %get3A_594 = arith.index_cast %mul3A_593 : i32 to index
    %get3A_595 = tpu.vector_load %arg7[%get3A_594] {strides = array<i32>} : memref<2048xi32, #tpu.memory_space<vmem>>, vector<16xi32>,
    %broadcast_in_dim3A_596 = arith.constant true
    %broadcast_in_dim3A_597 = vector.broadcast %broadcast_in_dim3A_596 : i1 to vector<16xi1>
    %masked_cumsum3A_598 = tpu.scan <sum>, %get3A_595 masked %broadcast_in_dim3A_597 : vector<16xi32>, vector<16xi1> -> vector<16xi32>
    %add3A_599 = vector.broadcast %parallel_loop3A_591#2 : i32 to vector<16xi32>
    %add3A_600 = arith.addi %masked_cumsum3A_598, %add3A_599 : vector<16xi32>
    %lt3A_601 = vector.broadcast %sub3A_578 : i32 to vector<16xi32>
    %lt3A_602 = arith.cmpi slt, %add3A_600, %lt3A_601 : vector<16xi32>
    %jit3A_603 = arith.constant 1 : i32
    %jit3A_604 = arith.constant 0 : i32
    %broadcast_in_dim3A_605 = vector.broadcast %jit3A_603 : i32 to vector<16xi32>
    %broadcast_in_dim3A_606 = vector.broadcast %jit3A_604 : i32 to vector<16xi32>
    %select_n3A_607 = arith.select %lt3A_602, %broadcast_in_dim3A_605, %broadcast_in_dim3A_606 : vector<16xi1>, vector<16xi32>
    %reduce_sum3A_608 = arith.constant true
    %reduce_sum3A_609 = vector.broadcast %reduce_sum3A_608 : i1 to vector<16xi1>
    %reduce_sum3A_610 = tpu.scan <sum>, %select_n3A_607 masked %reduce_sum3A_609 : vector<16xi32>, vector<16xi1> -> vector<16xi32>
    %reduce_sum3A_611 = vector.extract %reduce_sum3A_610[15] : i32 from vector<16xi32>
    %mul3A_612 = arith.constant 16 : i32
    %mul3A_613 = arith.muli %parallel_loop3A_591#1, %mul3A_612 : i32
    %add3A_614 = arith.addi %mul3A_613, %reduce_sum3A_611 : i32
    %jit3A_615 = arith.constant 0 : i32
    %broadcast_in_dim3A_616 = vector.broadcast %jit3A_615 : i32 to vector<16xi32>
    %select_n3A_617 = arith.select %lt3A_602, %add3A_600, %broadcast_in_dim3A_616 : vector<16xi1>, vector<16xi32>
    %reduce_max3A_618 = arith.constant true
    %reduce_max3A_619 = vector.broadcast %reduce_max3A_618 : i1 to vector<16xi1>
    %reduce_max3A_620 = arith.constant -2147483648 : i32
    %reduce_max3A_621 = vector.broadcast %reduce_max3A_620 : i32 to vector<16xi32>
    %reduce_max3A_622 = arith.xori %select_n3A_617, %reduce_max3A_621 : vector<16xi32>
    %reduce_max3A_623 = tpu.scan <max>, %reduce_max3A_622 masked %reduce_max3A_619 : vector<16xi32>, vector<16xi1> -> vector<16xi32>
    %reduce_max3A_624 = arith.xori %reduce_max3A_623, %reduce_max3A_621 : vector<16xi32>
    %reduce_max3A_625 = vector.extract %reduce_max3A_624[15] : i32 from vector<16xi32>
    %max3A_626 = arith.maxsi %parallel_loop3A_591#2, %reduce_max3A_625 : i32
    %sub3A_627 = arith.subi %sub3A_578, %max3A_626 : i32
    %shift_left3A_628 = arith.constant 11 : i32
    %shift_left3A_629 = arith.shli %add3A_564, %shift_left3A_628 : i32
    %or3A_630 = arith.ori %shift_left3A_629, %add3A_614 : i32
    %parallel_loop3A_631 = arith.constant 0 : i32
    %parallel_loop3A_632 = arith.constant 512 : i32
    %parallel_loop3A_633 = arith.constant 16 : i32
    scf.for %parallel_loop3A_685 = %parallel_loop3A_631 to %parallel_loop3A_632 step %parallel_loop3A_633  : i32 {
      %parallel_loop3A_686 = arith.index_cast %parallel_loop3A_685 : i32 to index
      %parallel_loop3A_687 = tpu.vector_load %arg7[%parallel_loop3A_686] {strides = array<i32>} : memref<2048xi32, #tpu.memory_space<vmem>>, vector<16xi32>,
      tpu.vector_store %arg7[%parallel_loop3A_686], %broadcast_in_dim3A_3 {strides = array<i32>} : memref<2048xi32, #tpu.memory_space<vmem>>, vector<16xi32>,
    } {sc.loop_unroll_factor = 8 : i64, sc.parallel_access}
    %parallel_loop3A_634 = arith.constant 0 : i32
    %parallel_loop3A_635 = arith.constant 32768 : i32
    %parallel_loop3A_636 = arith.constant 16 : i32
    scf.for %parallel_loop3A_685 = %parallel_loop3A_634 to %parallel_loop3A_635 step %parallel_loop3A_636  : i32 {
      %parallel_loop3A_686 = arith.index_cast %parallel_loop3A_685 : i32 to index
      %parallel_loop3A_687 = tpu.vector_load %arg5[%parallel_loop3A_686] {strides = array<i32>} : memref<32768xf32, #tpu.memory_space<vmem>>, vector<16xf32>,
      %parallel_loop3A_688 = tpu.bitcast %parallel_loop3A_687 : vector<16xf32> -> vector<16xi32>
      %parallel_loop3A_689 = arith.constant 2147483647 : i32
      %parallel_loop3A_690 = vector.broadcast %parallel_loop3A_689 : i32 to vector<16xi32>
      %parallel_loop3A_691 = arith.andi %parallel_loop3A_688, %parallel_loop3A_690 : vector<16xi32>
      %parallel_loop3A_692 = arith.constant 9 : i32
      %parallel_loop3A_693 = vector.broadcast %parallel_loop3A_692 : i32 to vector<16xi32>
      %parallel_loop3A_694 = arith.shrsi %parallel_loop3A_691, %parallel_loop3A_693 : vector<16xi32>
      %parallel_loop3A_695 = vector.broadcast %or3A_630 : i32 to vector<16xi32>
      %parallel_loop3A_696 = arith.cmpi eq, %parallel_loop3A_694, %parallel_loop3A_695 : vector<16xi32>
      %parallel_loop3A_697 = arith.constant 511 : i32
      %parallel_loop3A_698 = vector.broadcast %parallel_loop3A_697 : i32 to vector<16xi32>
      %parallel_loop3A_699 = arith.andi %parallel_loop3A_691, %parallel_loop3A_698 : vector<16xi32>
      tpu.vector_store_idx %arg7[%parallel_loop3A_699], %broadcast_in_dim3A_1 masked %parallel_loop3A_696 {add = true} : memref<2048xi32, #tpu.memory_space<vmem>>[vector<16xi32>], vector<16xi32>, vector<16xi1>
    } {sc.loop_unroll_factor = 8 : i64, sc.parallel_access}
    %parallel_loop3A_637 = arith.constant 0 : i32
    %parallel_loop3A_638 = arith.constant 512 : i32
    %parallel_loop3A_639 = arith.constant 16 : i32
    %parallel_loop3A_640 = arith.constant 0 : i32
    %parallel_loop3A_641 = arith.constant 0 : i32
    %parallel_loop3A_642 = arith.constant 0 : i32
    %parallel_loop3A_643:3 = scf.for %parallel_loop3A_685 = %parallel_loop3A_637 to %parallel_loop3A_638 step %parallel_loop3A_639 iter_args(%parallel_loop3A_686 = %parallel_loop3A_640, %parallel_loop3A_687 = %parallel_loop3A_641, %parallel_loop3A_688 = %parallel_loop3A_642) -> (i32, i32, i32)  : i32 {
      %parallel_loop3A_689 = arith.index_cast %parallel_loop3A_685 : i32 to index
      %parallel_loop3A_690 = tpu.vector_load %arg7[%parallel_loop3A_689] {strides = array<i32>} : memref<2048xi32, #tpu.memory_space<vmem>>, vector<16xi32>,
      %parallel_loop3A_691 = arith.constant true
      %parallel_loop3A_692 = vector.broadcast %parallel_loop3A_691 : i1 to vector<16xi1>
      %parallel_loop3A_693 = tpu.scan <sum>, %parallel_loop3A_690 masked %parallel_loop3A_692 : vector<16xi32>, vector<16xi1> -> vector<16xi32>
      %parallel_loop3A_694 = vector.extract %parallel_loop3A_693[15] : i32 from vector<16xi32>
      %parallel_loop3A_695 = arith.addi %parallel_loop3A_686, %parallel_loop3A_694 : i32
      %parallel_loop3A_696 = arith.cmpi slt, %parallel_loop3A_695, %sub3A_627 : i32
      %parallel_loop3A_697 = arith.constant 1 : i32
      %parallel_loop3A_698 = arith.addi %parallel_loop3A_687, %parallel_loop3A_697 : i32
      %parallel_loop3A_699 = arith.select %parallel_loop3A_696, %parallel_loop3A_698, %parallel_loop3A_687 : i32
      %parallel_loop3A_700 = arith.select %parallel_loop3A_696, %parallel_loop3A_695, %parallel_loop3A_688 : i32
      scf.yield %parallel_loop3A_695, %parallel_loop3A_699, %parallel_loop3A_700 : i32, i32, i32
    } {sc.loop_unroll_factor = 8 : i64, sc.parallel_access}
    %mul3A_644 = arith.constant 16 : i32
    %mul3A_645 = arith.muli %parallel_loop3A_643#1, %mul3A_644 : i32
    %get3A_646 = arith.index_cast %mul3A_645 : i32 to index
    %get3A_647 = tpu.vector_load %arg7[%get3A_646] {strides = array<i32>} : memref<2048xi32, #tpu.memory_space<vmem>>, vector<16xi32>,
    %broadcast_in_dim3A_648 = arith.constant true
    %broadcast_in_dim3A_649 = vector.broadcast %broadcast_in_dim3A_648 : i1 to vector<16xi1>
    %masked_cumsum3A_650 = tpu.scan <sum>, %get3A_647 masked %broadcast_in_dim3A_649 : vector<16xi32>, vector<16xi1> -> vector<16xi32>
    %add3A_651 = vector.broadcast %parallel_loop3A_643#2 : i32 to vector<16xi32>
    %add3A_652 = arith.addi %masked_cumsum3A_650, %add3A_651 : vector<16xi32>
    %lt3A_653 = vector.broadcast %sub3A_627 : i32 to vector<16xi32>
    %lt3A_654 = arith.cmpi slt, %add3A_652, %lt3A_653 : vector<16xi32>
    %jit3A_655 = arith.constant 1 : i32
    %jit3A_656 = arith.constant 0 : i32
    %broadcast_in_dim3A_657 = vector.broadcast %jit3A_655 : i32 to vector<16xi32>
    %broadcast_in_dim3A_658 = vector.broadcast %jit3A_656 : i32 to vector<16xi32>
    %select_n3A_659 = arith.select %lt3A_654, %broadcast_in_dim3A_657, %broadcast_in_dim3A_658 : vector<16xi1>, vector<16xi32>
    %reduce_sum3A_660 = arith.constant true
    %reduce_sum3A_661 = vector.broadcast %reduce_sum3A_660 : i1 to vector<16xi1>
    %reduce_sum3A_662 = tpu.scan <sum>, %select_n3A_659 masked %reduce_sum3A_661 : vector<16xi32>, vector<16xi1> -> vector<16xi32>
    %reduce_sum3A_663 = vector.extract %reduce_sum3A_662[15] : i32 from vector<16xi32>
    %mul3A_664 = arith.constant 16 : i32
    %mul3A_665 = arith.muli %parallel_loop3A_643#1, %mul3A_664 : i32
    %add3A_666 = arith.addi %mul3A_665, %reduce_sum3A_663 : i32
    %jit3A_667 = arith.constant 0 : i32
    %broadcast_in_dim3A_668 = vector.broadcast %jit3A_667 : i32 to vector<16xi32>
    %select_n3A_669 = arith.select %lt3A_654, %add3A_652, %broadcast_in_dim3A_668 : vector<16xi1>, vector<16xi32>
    %reduce_max3A_670 = arith.constant true
    %reduce_max3A_671 = vector.broadcast %reduce_max3A_670 : i1 to vector<16xi1>
    %reduce_max3A_672 = arith.constant -2147483648 : i32
    %reduce_max3A_673 = vector.broadcast %reduce_max3A_672 : i32 to vector<16xi32>
    %reduce_max3A_674 = arith.xori %select_n3A_669, %reduce_max3A_673 : vector<16xi32>
    %reduce_max3A_675 = tpu.scan <max>, %reduce_max3A_674 masked %reduce_max3A_671 : vector<16xi32>, vector<16xi1> -> vector<16xi32>
    %reduce_max3A_676 = arith.xori %reduce_max3A_675, %reduce_max3A_673 : vector<16xi32>
    %reduce_max3A_677 = vector.extract %reduce_max3A_676[15] : i32 from vector<16xi32>
    %max3A_678 = arith.maxsi %parallel_loop3A_643#2, %reduce_max3A_677 : i32
    %shift_left3A_679 = arith.constant 9 : i32
    %shift_left3A_680 = arith.shli %or3A_630, %shift_left3A_679 : i32
    %or3A_681 = arith.ori %shift_left3A_680, %add3A_666 : i32
    %broadcast_in_dim3A_682 = vector.broadcast %or3A_681 : i32 to vector<16xi32>
    %swap3A_683 = arith.constant 0 : index
    %swap3A_684 = tpu.vector_load %arg6[%swap3A_683] {strides = array<i32>} : memref<16xi32, #tpu.memory_space<vmem>>, vector<16xi32>,
    tpu.vector_store %arg6[%swap3A_683], %broadcast_in_dim3A_682 {strides = array<i32>} : memref<16xi32, #tpu.memory_space<vmem>>, vector<16xi32>,
    "tpu.region"() ({
      %run_scoped3A = tpu.sem_alloc : memref<!tpu.dma_semaphore, #tpu.memory_space<semaphore_mem>>
      %dma_start3A_685 = arith.constant 0 : i32
      %dma_start3A_686 = tpu.memref_slice %arg3[%add3A_520, %dma_start3A_685] : memref<128x16xi32, #tpu.memory_space<hbm>> -> memref<1x16xi32, #tpu.memory_space<hbm>>
      %dma_start3A_687 = tpu.memref_squeeze %dma_start3A_686 : memref<1x16xi32, #tpu.memory_space<hbm>> -> memref<16xi32, #tpu.memory_space<hbm>>
      %dma_start3A_688 = arith.constant 0 : i32
      %dma_start3A_689 = tpu.memref_slice %arg3[%add3A_520, %dma_start3A_688] : memref<128x16xi32, #tpu.memory_space<hbm>> -> memref<1x16xi32, #tpu.memory_space<hbm>>
      %dma_start3A_690 = tpu.memref_squeeze %dma_start3A_689 : memref<1x16xi32, #tpu.memory_space<hbm>> -> memref<16xi32, #tpu.memory_space<hbm>>
      tpu.enqueue_dma source(%arg6 : memref<16xi32, #tpu.memory_space<vmem>>) target(%dma_start3A_690 : memref<16xi32, #tpu.memory_space<hbm>>) target_semaphore(%run_scoped3A : memref<!tpu.dma_semaphore, #tpu.memory_space<semaphore_mem>>)
      %dma_wait3A_691 = arith.constant 0 : i32
      %dma_wait3A_692 = tpu.memref_slice %arg3[%add3A_520, %dma_wait3A_691] : memref<128x16xi32, #tpu.memory_space<hbm>> -> memref<1x16xi32, #tpu.memory_space<hbm>>
      %dma_wait3A_693 = tpu.memref_squeeze %dma_wait3A_692 : memref<1x16xi32, #tpu.memory_space<hbm>> -> memref<16xi32, #tpu.memory_space<hbm>>
      %dma_wait3A_694 = arith.constant 0 : i32
      %dma_wait3A_695 = tpu.memref_slice %arg3[%add3A_520, %dma_wait3A_694] : memref<128x16xi32, #tpu.memory_space<hbm>> -> memref<1x16xi32, #tpu.memory_space<hbm>>
      %dma_wait3A_696 = tpu.memref_squeeze %dma_wait3A_695 : memref<1x16xi32, #tpu.memory_space<hbm>> -> memref<16xi32, #tpu.memory_space<hbm>>
      tpu.wait_dma2 semaphore(%run_scoped3A : memref<!tpu.dma_semaphore, #tpu.memory_space<semaphore_mem>>) src(%arg6 : memref<16xi32, #tpu.memory_space<vmem>>) dst(%dma_wait3A_696 : memref<16xi32, #tpu.memory_space<hbm>>)
      tpu.yield
    }) : () -> ()
    return
  }
}

module attributes {stable_mosaic.version = 14 : i64} {
  func.func @_tc_apply(%arg0: i32, %arg1: memref<8x32768xf32, #tpu.memory_space<vmem>>, %arg2: memref<8x16xi32, #tpu.memory_space<vmem>>, %arg3: memref<8x32768xf32, #tpu.memory_space<vmem>>, %arg4: memref<8x32768xf32, #tpu.memory_space<vmem>>) attributes {dimension_semantics = [#tpu.dimension_semantics<arbitrary>], iteration_bounds = array<i64: 16>, scalar_prefetch = 0 : i64, scratch_operands = 0 : i64, tpu.core_type = #tpu.core_type<tc>, window_params = [{transform_indices = @transform_0, window_bounds = array<i64: 8, 32768>}, {transform_indices = @transform_1, window_bounds = array<i64: 8, 16>}, {transform_indices = @transform_2, window_bounds = array<i64: 8, 32768>}, {transform_indices = @transform_3, window_bounds = array<i64: 8, 32768>}]} {
    %get3A = arith.constant 0 : index
    %get3A_0 = arith.constant 0 : index
    %get3A_1 = vector.load %arg1[%get3A, %get3A_0] : memref<8x32768xf32, #tpu.memory_space<vmem>>, vector<8x32768xf32>
    %get3A_2 = arith.constant 0 : index
    %get3A_3 = arith.constant 0 : index
    %get3A_4 = vector.load %arg2[%get3A_2, %get3A_3] : memref<8x16xi32, #tpu.memory_space<vmem>>, vector<8x16xi32>
    %slice3A = vector.extract_strided_slice %get3A_4 {offsets = [0, 0], sizes = [8, 1], strides = [1, 1]} : vector<8x16xi32> to vector<8x1xi32>
    %bitcast_convert_type3A = tpu.bitcast %slice3A : vector<8x1xi32> -> vector<8x1xf32>
    %abs3A = math.absf %get3A_1 : vector<8x32768xf32>
    %ge3A = vector.broadcast %bitcast_convert_type3A : vector<8x1xf32> to vector<8x32768xf32>
    %ge3A_5 = arith.cmpf oge, %abs3A, %ge3A : vector<8x32768xf32>
    %jit3A = arith.constant 0.000000e+00 : f32
    %broadcast_in_dim3A = vector.broadcast %jit3A : f32 to vector<8x32768xf32>
    %select_n3A = arith.select %ge3A_5, %get3A_1, %broadcast_in_dim3A : vector<8x32768xi1>, vector<8x32768xf32>
    %swap3A = arith.constant 0 : index
    %swap3A_6 = arith.constant 0 : index
    %swap3A_7 = vector.load %arg3[%swap3A, %swap3A_6] : memref<8x32768xf32, #tpu.memory_space<vmem>>, vector<8x32768xf32>
    tpu.vector_store %arg3[%swap3A, %swap3A_6], %select_n3A {strides = array<i32>} : memref<8x32768xf32, #tpu.memory_space<vmem>>, vector<8x32768xf32>,
    %convert_element_type3A = arith.extui %ge3A_5 : vector<8x32768xi1> to vector<8x32768xi32>
    %convert_element_type3A_8 = arith.sitofp %convert_element_type3A : vector<8x32768xi32> to vector<8x32768xf32>
    %swap3A_9 = arith.constant 0 : index
    %swap3A_10 = arith.constant 0 : index
    %swap3A_11 = vector.load %arg4[%swap3A_9, %swap3A_10] : memref<8x32768xf32, #tpu.memory_space<vmem>>, vector<8x32768xf32>
    tpu.vector_store %arg4[%swap3A_9, %swap3A_10], %convert_element_type3A_8 {strides = array<i32>} : memref<8x32768xf32, #tpu.memory_space<vmem>>, vector<8x32768xf32>,
    return
  }
  func.func @transform_0(%arg0: i32) -> (i32, i32) {
    %c0_i32 = arith.constant 0 : i32
    %c0_i32_0 = arith.constant 0 : i32
    return %arg0, %c0_i32 : i32, i32
  }
  func.func @transform_1(%arg0: i32) -> (i32, i32) {
    %c0_i32 = arith.constant 0 : i32
    %c0_i32_0 = arith.constant 0 : i32
    return %arg0, %c0_i32 : i32, i32
  }
  func.func @transform_2(%arg0: i32) -> (i32, i32) {
    %c0_i32 = arith.constant 0 : i32
    %c0_i32_0 = arith.constant 0 : i32
    return %arg0, %c0_i32 : i32, i32
  }
  func.func @transform_3(%arg0: i32) -> (i32, i32) {
    %c0_i32 = arith.constant 0 : i32
    %c0_i32_0 = arith.constant 0 : i32
    return %arg0, %c0_i32 : i32, i32
  }
}

</mosaic_0001>

<sc_bundles>
// kernel: kernel.4.cloned.1.call-start
scs
__scs_entry_jumppad:
0x0: {  	(pc) =	sbr.rel $0x88, $3  }
0x1: {  	(tag) =	ssettag $0x0;
	lr =	simm.s32 $0x1  }
0x2: {  	[smem:$0x3FA0] =	sst lr;
	_ =	strace $0xD0000000  }
0x3: {  	_ = 	snop  }
0x4: {  	_ = 	snop  }
0x5: {  	_ = 	snop  }
0x6: {  	_ = 	snop  }
0x7: {  	_ = 	snop  }
__scs_overlays_trampoline_lowered:
0x8: {  	[smem:$0x3FAF] =	sst s0  }
0x9: {  	[smem:$0x3FB0] =	sst s1  }
0xa: {  	[smem:$0x3FB1] =	sst s2  }
0xb: {  	[smem:$0x3FB2] =	sst s3  }
0xc: {  	[smem:$0x3FB3] =	sst s4  }
0xd: {  	[smem:$0x3FB4] =	sst s5  }
0xe: {  	[smem:$0x3FB5] =	sst s6  }
0xf: {  	[smem:$0x3FB6] =	sst s7  }
0x10: {  	[smem:$0x3FB7] =	sst s8  }
0x11: {  	[smem:$0x3FB8] =	sst s9;
	s0 =	simm.s32 @!p0 $0x0  }
0x12: {  	s1 =	sld [smem:$0x3F9E];
	s0 =	simm.s32 @p0 $0x1  }
0x13: {  	[smem:$0x3FB9] =	sst s0;
	s0 =	simm.s32 @!p1 $0x0  }
0x14: {  	s2 =	sld [smem:$0x3F9D];
	s0 =	simm.s32 @p1 $0x1  }
0x15: {  	[smem:$0x3FBA] =	sst s0;
	s0 =	simm.s32 @!p2 $0x0  }
0x16: {  	s3 =	sld [smem:$0x3FDB];
	s0 =	simm.s32 @p2 $0x1  }
0x17: {  	s4 =	simm.s32 $0x1BF5;
	[smem:$0x3FBC] =	sst s0  }
0x18: {  	s0 =	sld [smem:$0x3F9F];
	_ =	swait.ge [sflag:s4], $0x0  }
0x19: {  	s7 =	sld [smem:$0x3FA0]  }
0x1a: {  	s8 =	sadd.s32 $0xFFFFE003, lr  }
0x1b: {  	s9 =	sadd.s32 $0xFFFFFEF7, lr;
	s5 =	simm.s32 $0xFFFFFFFF;
	p2 =	slt.u32 s8, $0xFFFFF086  }
0x1c: {  	p1 =	slt.u32 s9, $0xF7A;
	s5 =	simm.s32 @!p2 $0x0  }
0x1d: {  	s5 =	simm.s32 @p1 $0x1;
	p0 =	seq.s32 s7, s2  }
0x1e: {  	s7 =	smul.u32 @!p0 $0xF7A, s2;
	p2 =	seq.s32 @!p0 s5, $0x0  }
0x1f: {  	s9 =	smul.u32 $0xF7A, s1;
	s8 =	simm.s32 @!p0 $0x1BF5;
	p2 =	por !p2, p0  }
0x20: {  	[sflag:s8] =	ssyncset.s32 @!p0 $0xFFFFF086;
	s6 =	sadd.s32 @!p0 s3, s7;
	s7 =	simm.s32 @!p0 $0x108  }
0x21: {  	s3 =	sadd.s32 s3, s9;
	s6 =	sadd.s32 @!p0 $0x88, s6;
	s7 =	simm.s32 @p2 $0x1082  }
0x22: {  	[simem:s7], [sflag:s8] =	dma.local @!p0 [hbm:s6], $0xF7A  }
0x23: {  	s9 =	sor.u32 $0xD0000000, s2;
	s6 =	simm.s32 $0x108;
	_ =	swait.ge @!p0 [sflag:s8], $0x0  }
0x24: {  	s3 =	sadd.s32 $0x88, s3;
	s6 =	simm.s32 @!p1 $0x1082;
	[sflag:s4] =	ssyncset.s32 $0xFFFFF086  }
0x25: {  	[simem:s6], [sflag:s4] =	dma.local [hbm:s3], $0xF7A  }
0x26: {  	[smem:$0x3FA0] =	sst s1;
	(tag) =	ssettag s2;
	_ =	strace s9  }
0x27: {  	s1 =	sld [smem:$0x3FB0]  }
0x28: {  	s2 =	sld [smem:$0x3FB1]  }
0x29: {  	s4 =	sld [smem:$0x3FB3]  }
0x2a: {  	p0 =	seq.s32 s5, $0x0;
	s5 =	sld [smem:$0x3FB4]  }
0x2b: {  	s6 =	sld [smem:$0x3FB5]  }
0x2c: {  	s7 =	sld [smem:$0x3FB6]  }
0x2d: {  	s3 =	simm.s32 $0x108;
	s8 =	sld [smem:$0x3FB7]  }
0x2e: {  	s3 =	simm.s32 @!p0 $0x1082;
	s9 =	sld [smem:$0x3FB8]  }
0x2f: {  	lr =	sadd.s32 s0, s3;
	s0 =	sld [smem:$0x3FAF]  }
0x30: {  	s3 =	sld [smem:$0x3FB2]  }
0x31: {  	[smem:$0x3FBB] =	sst s10  }
0x32: {  	s10 =	sld [smem:$0x3FB9];
	_ =	sdelay $0x3  }
0x33: {  	p0 =	seq.s32 s10, $0x1;
	s10 =	sld [smem:$0x3FBB];
	_ =	sdelay $0x3  }
0x34: {  	[smem:$0x3FBB] =	sst s10  }
0x35: {  	s10 =	sld [smem:$0x3FBA];
	_ =	sdelay $0x3  }
0x36: {  	p1 =	seq.s32 s10, $0x1;
	s10 =	sld [smem:$0x3FBB];
	_ =	sdelay $0x3  }
0x37: {  	[smem:$0x3FBB] =	sst s10  }
0x38: {  	s10 =	sld [smem:$0x3FBC]  }
0x39: {  	_ = 	snop;
	(pc) =	sbr.ind lr, $3  }
0x3a: {  	_ = 	snop  }
0x3b: {  	_ = 	snop  }
0x3c: {  	p2 =	seq.s32 s10, $0x1;
	s10 =	sld [smem:$0x3FBB]  }
0x3d: {  	_ =	shalt  }
0x3e: {  	_ =	shalt  }
0x3f: {  	_ =	shalt  }
0x40: {  	_ =	shalt  }
0x41: {  	_ =	shalt  }
0x42: {  	_ =	shalt  }
0x43: {  	_ =	shalt  }
0x44: {  	_ =	shalt  }
0x45: {  	_ =	shalt  }
0x46: {  	_ =	shalt  }
0x47: {  	_ =	shalt  }
0x48: {  	_ =	shalt  }
0x49: {  	_ =	shalt  }
0x4a: {  	_ =	shalt  }
0x4b: {  	_ =	shalt  }
0x4c: {  	_ =	shalt  }
0x4d: {  	_ =	shalt  }
0x4e: {  	_ =	shalt  }
0x4f: {  	_ =	shalt  }
0x50: {  	_ =	shalt  }
0x51: {  	_ =	shalt  }
0x52: {  	_ =	shalt  }
0x53: {  	_ =	shalt  }
0x54: {  	_ =	shalt  }
0x55: {  	_ =	shalt  }
0x56: {  	_ =	shalt  }
0x57: {  	_ =	shalt  }
0x58: {  	_ =	shalt  }
0x59: {  	_ =	shalt  }
0x5a: {  	_ =	shalt  }
0x5b: {  	_ =	shalt  }
0x5c: {  	_ =	shalt  }
0x5d: {  	_ =	shalt  }
0x5e: {  	_ =	shalt  }
0x5f: {  	_ =	shalt  }
0x60: {  	_ =	shalt  }
0x61: {  	_ =	shalt  }
0x62: {  	_ =	shalt  }
0x63: {  	_ =	shalt  }
0x64: {  	_ =	shalt  }
0x65: {  	_ =	shalt  }
0x66: {  	_ =	shalt  }
0x67: {  	_ =	shalt  }
0x68: {  	_ =	shalt  }
0x69: {  	_ =	shalt  }
0x6a: {  	_ =	shalt  }
0x6b: {  	_ =	shalt  }
0x6c: {  	_ =	shalt  }
0x6d: {  	_ =	shalt  }
0x6e: {  	_ =	shalt  }
0x6f: {  	_ =	shalt  }
0x70: {  	_ =	shalt  }
0x71: {  	_ =	shalt  }
0x72: {  	_ =	shalt  }
0x73: {  	_ =	shalt  }
0x74: {  	_ =	shalt  }
0x75: {  	_ =	shalt  }
0x76: {  	_ =	shalt  }
0x77: {  	_ =	shalt  }
0x78: {  	_ =	shalt  }
0x79: {  	_ =	shalt  }
0x7a: {  	_ =	shalt  }
0x7b: {  	_ =	shalt  }
0x7c: {  	_ =	shalt  }
0x7d: {  	_ =	shalt  }
0x7e: {  	_ =	shalt  }
0x7f: {  	_ =	shalt  }
0x80: {  	_ =	shalt  }
0x81: {  	_ =	shalt  }
0x82: {  	_ =	shalt  }
0x83: {  	_ =	shalt  }
0x84: {  	_ =	shalt  }
0x85: {  	_ =	shalt  }
0x86: {  	_ =	shalt  }
0x87: {  	_ =	shalt  }
.Lfunc_end0:
.L_simem_size_0:
called_computation_lowered:
.L_overlay_start_0:
0x88: {  	s2 =	sld [smem:$0x3FD9]  }
0x89: {  	s3 =	sld [smem:$0x3FFE];
	_ =	sdelay $0x1  }
0x8a: {  	s1 =	srdreg.scid  }
0x8b: {  	s0 =	sand.u32 $0x1, s1  }
0x8c: {  	s15 =	sshll.u32 s0, $0xA;
	s2 =	sadd.s32 s3, s2  }
0x8d: {  	s2 =	sadd.s32 s2, s15  }
0x8e: {  	[smem:$0x3FC7] =	sst s2  }
0x8f: {  	_ = 	snop  }
0x90: {  	s2 =	sld [smem:$0x3FD0];
	_ =	sdelay $0x2  }
0x91: {  	s4 =	simm.s32 $0xA;
	s5 =	simm.s32 $0x10;
	s16 =	sld [smem:$0x3FC9]  }
0x92: {  	[smem:s5], [sflag:s4] =	dma.local [hbm:s2], $0x1  }
0x93: {  	_ =	swait.eq [sflag:s4], $0x1  }
0x94: {  	[sflag:s4] =	ssyncset.done $0x0  }
0x95: {  	[sflag:s4] =	ssyncadd.s32 $0xFFFFFFFF  }
0x96: {  	s17 =	sld [smem:$0x11];
	(tm) =	ssettm $0x1  }
0x97: {  	s18 =	sld [smem:$0x3FFB];
	_ =	sdelay $0x3  }
0x98: {  	_ =	strace s18  }
0x99: {  	s4 =	sld [smem:$0x3FFC];
	_ =	sdelay $0x3  }
0x9a: {  	_ =	strace s4  }
0x9b: {  	s4 =	sld [smem:$0x3FFD];
	_ =	sdelay $0x3  }
0x9c: {  	_ =	strace s4  }
0x9d: {  	_ =	strace $0x8FFFFFFF  }
0x9e: {  	s19 =	sld [smem:$0x3FDB];
	_ =	sdelay $0x1  }
0x9f: {  	s20 =	simm.s32 $_scs_section_size  }
0xa0: {  	s6 =	simm.s32 $_size__tile_overlayer_lowered;
	s7 =	simm.s32 $_tile_overlayer_lowered  }
0xa1: {  	s23 =	simm.s32 $0x1BFF;
	s22 =	sshll.u32 s7, $0x1;
	s4 =	sadd.s32 s20, s19  }
0xa2: {  	s8 =	simm.s32 $0x0;
	s21 =	sshll.u32 s6, $0x1;
	s6 =	sadd.s32 s22, s4  }
0xa3: {  	[timem:s8], [sflag:s23] =	dma.local [hbm:s6], s21  }
0xa4: {  	_ =	swait.ge [sflag:s23], s21  }
0xa5: {  	s5 =	ssub.s32 $0x0, s21;
	[sflag:s23] =	ssyncset.done $0x0  }
0xa6: {  	[sflag:s23] =	ssyncadd.s32 s5;
	_ =	sdelay $0x1  }
0xa7: {  	s24 =	simm.s32 $0x1B8B  }
0xa8: {  	_ =	swait.ge [sflag:s24], $0x1  }
0xa9: {  	[sflag:s24] =	ssyncset.done $0x0  }
0xaa: {  	s25 =	simm.s32 $0x1B8E;
	[sflag:s24] =	ssyncadd.s32 $0xFFFFFFFF  }
0xab: {  	s26 =	simm.s32 $execute0_lowered;
	[smem:$0x3FD2] =	sst s25  }
0xac: {  	s5 =	sshll.u32 s26, $0x1;
	_ =	strace $0x80000046;
	[dreg:$0x1] =	wrdreg $0xFFFFFFFF  }
0xad: {  	s28 =	simm.s32 $_size_execute0_lowered;
	s4 =	sadd.s32 s4, s5;
	[dreg:$0x0] =	wrdreg $0x0  }
0xae: {  	s5 =	sshll.u32 s28, $0x1;
	[dreg:$0x2] =	wrdreg s4  }
0xaf: {  	[dreg:$0x3] =	wrdreg s5  }
0xb0: {  	[dreg:$0x4] =	wrdreg $0xC0  }
0xb1: {  	_ =	task [dreg:s8], $0x5FFFF  }
0xb2: {  	[dreg:$0x1] =	wrdreg $0xFFFFFFFF  }
0xb3: {  	[dreg:$0x0] =	wrdreg $0x60  }
0xb4: {  	[dreg:$0x2] =	wrdreg s16  }
0xb5: {  	[dreg:$0x3] =	wrdreg s17  }
0xb6: {  	[dreg:$0x4] =	wrdreg $0x9  }
0xb7: {  	_ =	task.clear_ibuf [dreg:s8], $0x5FFFF;
	_ =	strace $0x90000046  }
0xb8: {  	s29 =	simm.s32 $0x9;
	_ =	strace $0x80000048  }
0xb9: {  	_ =	swait.ge [sflag:s29], $0x1  }
0xba: {  	[sflag:s29] =	ssyncadd.s32 $0xFFFFFFFF  }
0xbb: {  	_ =	strace $0x90000048  }
0xbc: {  	_ =	sfence  }
0xbd: {  	s30 =	sld [smem:$0x0];
	_ =	sdelay $0x2  }
0xbe: {  	s31 =	sshll.u32 s1, $0xD;
	s1 =	sshrl.u32 s1, $0x2  }
0xbf: {  	s3 =	sand.u32 $0x4000, s31;
	s1 =	sadd.s32 s1, s30  }
0xc0: {  	s0 =	sor.u32 s3, s0;
	s1 =	sshll.u32 s1, $0x11  }
0xc1: {  	s0 =	sor.u32 s1, s0  }
0xc2: {  	s0 =	sadd.s32 $0x8F2B, s0  }
0xc3: {  	[sflag:s0] =	ssyncadd.remote.s32 $0x1  }
0xc4: {  	_ =	sfence.sel $0xFFFF  }
0xc5: {  	[dreg:$0x0] =	wrdreg $0xFFFFFFFF;
	(pc) =	sbr.abs _section_cstart, $3  }
0xc6: {  	[dreg:$0x1] =	wrdreg $0xFFFFFFFF  }
0xc7: {  	_ =	task.clear_ibuf [dreg:s8], $0x2FFFF;
	_ =	strace $0x9FFFFFFF  }
0xc8: {  	(tm) =	ssettm $0x7FFFFFFF  }
0xc9: {  	_ =	shalt  }
tec
execute0_lowered:
.L_overlay_start_1:
0x0: {  	(tag) =	ssettag $0x1  }
0x1: {  	s0 =	rddreg [dreg:$0x0]  }
0x2: {  	s10 =	rddreg [dreg:$0x1];
	s1 =	simm.s32 $0x0;
	s2 =	srdreg.scid  }
0x3: {  	s18 =	stileid.u32;
	s15 =	simm.s32 $0x1;
	s16 =	simm.s32 $0x10080  }
0x4: {  	s17 =	simm.s32 $0x10000;
	[smem:$0x7FF] =	sst s1;
	s3 =	sand.u32 $0x1, s2  }
0x5: {  	s6 =	sshll.u32 s18, $0x12;
	s12 =	sshll.u32 s18, $0xA;
	s18 =	simm.s32 $0x3  }
0x6: {  	_ =	strace $0x80000047;
	s5 =	sshll.u32 s3, $0x9;
	s3 =	ssub.s32 $0x2, s3  }
0x7: {  	s8 =	sor.u32 $0x80, s5;
	s4 =	sshrl.u32 s3, $0x1;
	s7 =	sor.u32 s5, s6  }
0x8: {  	s22 =	sor.u32 $0x100, s5;
	s13 =	sor.u32 $0x180, s5;
	s14 =	sor.u32 s5, s12  }
0x9: {  	s9 =	sor.u32 s6, s8;
	s11 =	ssub.s32 s3, s4;
	s19 =	sshrl.u32 s7, $0x3  }
0xa: {  	s23 =	sor.u32 s6, s22;
	s6 =	sor.u32 s6, s13;
	s25 =	sshrl.u32 s14, $0x3  }
0xb: {  	s29 =	sor.u32 s12, s8;
	s20 =	sshrl.u32 s9, $0x3;
	s3 =	sadd.s32 s0, s19  }
0xc: {  	s7 =	sshrl.u32 s23, $0x3;
	s26 =	sshrl.u32 s6, $0x3;
	s28 =	sadd.s32 s10, s25  }
0xd: {  	s9 =	sor.u32 s12, s22;
	s12 =	sor.u32 s12, s13;
	[dreg:$0x3] =	wrdreg s3  }
0xe: {  	s11 =	smax.u32 s11, $0x1;
	s21 =	sadd.s32 s0, s20;
	[dreg:$0x6] =	wrdreg s28  }
0xf: {  	s13 =	simm.s32 $0x400;
	s24 =	sadd.s32 s0, s7;
	[dreg:$0x4] =	wrdreg s21  }
0x10: {  	s0 =	sadd.s32 s0, s26;
	s12 =	sshrl.u32 s12, $0x3;
	[dreg:$0x5] =	wrdreg s24  }
0x11: {  	[dreg:$0x7] =	wrdreg s0;
	s0 =	sshrl.u32 s29, $0x3;
	s31 =	sadd.s32 s10, s12  }
0x12: {  	s30 =	sshrl.u32 s9, $0x3;
	s0 =	sadd.s32 s10, s0;
	[dreg:$0xa] =	wrdreg s31  }
0x13: {  	s19 =	simm.s32 $0x2;
	[dreg:$0x8] =	wrdreg s0;
	s0 =	sadd.s32 s10, s30  }
0x14: {  	v0 =	vimm.s32 $0x0;
	v1 =	vimm.s32 $0x1;
	s20 =	simm.s32 $0x0;
	s12 =	simm.s32 $0x80;
	[dreg:$0x9] =	wrdreg s0  }
.LBB2_1:
0x15: {  	s0 =	rddreg [dreg:$0x3]  }
0x16: {  	[tilespmem:s1], [sflag:$0x1] =	stream.strided.gather [hbm4b:s0+s12], $0x8000, s13, s12, $0x38;
	[tilespmem:$0x10880] =	vst v63  }
0x17: {  	s31 =	rddreg [dreg:$0x4];
	s2 =	simm.s32 $0x8000  }
0x18: {  	[tilespmem:s2], [sflag:$0x2] =	stream.strided.gather [hbm4b:s31+s12], $0x8000, s13, s12, $0x38;
	[tilespmem:$0x10880] =	vst v63  }
0x19: {  	_ =	swait.ge [sflag:s15], $0x8000  }
0x1a: {  	[sflag:s15] =	ssyncset.done $0x0  }
0x1b: {  	s21 =	simm.s32 $0x100C0;
	[sflag:s15] =	ssyncadd.s32 $0xFFFF8000  }
0x1c: {  	[tilespmem:s21+$0xFFFFFFC0] =	vst v0  }
0x1d: {  	[tilespmem:s21+$0x30] =	vst v0  }
0x1e: {  	[tilespmem:s21+$0x20] =	vst v0  }
0x1f: {  	[tilespmem:s21+$0x10] =	vst v0  }
0x20: {  	[tilespmem:s21+$0x0] =	vst v0  }
0x21: {  	[tilespmem:s21+$0xFFFFFFF0] =	vst v0  }
0x22: {  	s22 =	simm.s32 $0x0;
	[tilespmem:s21+$0xFFFFFFE0] =	vst v0  }
.LBB2_2:
0x23: {  	s22 =	sadd.s32 $0x80, s22;
	[tilespmem:s21+$0xFFFFFFD0] =	vst v0;
	s21 =	sadd.s32 $0x80, s21;
	s0 =	simm.s32 $0x40  }
0x24: {  	[tilespmem:s21+$0xFFFFFFC0] =	vst v0;
	p0 =	slt.u32 s22, $0x780  }
0x25: {  	[tilespmem:s21+$0x30] =	vst v0  }
.Ltmp0:
0x26: {  	[tilespmem:s21+$0x20] =	vst v0;
	(pc) =	sbr.rel @p0 .LBB2_2-.Ltmp0, $4  }
0x27: {  	[tilespmem:s21+$0x10] =	vst v0  }
0x28: {  	[tilespmem:s21+$0x0] =	vst v0  }
0x29: {  	[tilespmem:s21+$0xFFFFFFF0] =	vst v0  }
0x2a: {  	[tilespmem:s21+$0xFFFFFFE0] =	vst v0  }
0x2b: {  	[tilespmem:s21+$0xFFFFFFD0] =	vst v0  }
0x2c: {  	v2 =	vld [tilespmem:s0+$0x30]  }
0x2d: {  	v3 =	vld [tilespmem:s0+$0xFFFFFFD0]  }
0x2e: {  	v4 =	vld [tilespmem:s0+$0xFFFFFFE0]  }
0x2f: {  	v5 =	vld [tilespmem:s0+$0xFFFFFFF0]  }
0x30: {  	v6 =	vld [tilespmem:s0+$0x0]  }
0x31: {  	v2 =	vshrl.u32 v2, $0x14  }
0x32: {  	v3 =	vshrl.u32 v3, $0x14;
	v2 =	vand.u32 $0x7FF, v2  }
0x33: {  	v7 =	vld [tilespmem:s0+$0x10];
	v4 =	vshrl.u32 v4, $0x14;
	v3 =	vand.u32 $0x7FF, v3  }
0x34: {  	v8 =	vld [tilespmem:s0+$0x20];
	v5 =	vshrl.u32 v5, $0x14;
	v4 =	vand.u32 $0x7FF, v4  }
0x35: {  	v9 =	vld [tilespmem:s0+$0xFFFFFFC0];
	v6 =	vshrl.u32 v6, $0x14;
	v5 =	vand.u32 $0x7FF, v5  }
0x36: {  	v6 =	vand.u32 $0x7FF, v6  }
0x37: {  	[tilespmem:v2+s16+$0x0] =	vst.idx.add.s32.msk $0xffff, v1  }
0x38: {  	[tilespmem:v3+s16+$0x0] =	vst.idx.add.s32.msk $0xffff, v1  }
0x39: {  	[tilespmem:v4+s16+$0x0] =	vst.idx.add.s32.msk $0xffff, v1  }
0x3a: {  	v2 =	vshrl.u32 v7, $0x14;
	v3 =	vshrl.u32 v8, $0x14;
	v4 =	vshrl.u32 v9, $0x14;
	[tilespmem:v5+s16+$0x0] =	vst.idx.add.s32.msk $0xffff, v1  }
0x3b: {  	s22 =	simm.s32 $0x0;
	s23 =	simm.s32 $0xC0;
	[tilespmem:v6+s16+$0x0] =	vst.idx.add.s32.msk $0xffff, v1;
	v2 =	vand.u32 $0x7FF, v2;
	v3 =	vand.u32 $0x7FF, v3;
	v4 =	vand.u32 $0x7FF, v4  }
.LBB2_4:
0x3c: {  	v5 =	vld [tilespmem:s23+$0x30];
	s22 =	sadd.s32 $0x80, s22  }
0x3d: {  	v6 =	vld [tilespmem:s23+$0xFFFFFFD0];
	p0 =	slt.u32 s22, $0x7F80  }
0x3e: {  	v7 =	vld [tilespmem:s23+$0xFFFFFFE0]  }
0x3f: {  	v8 =	vld [tilespmem:s23+$0xFFFFFFF0]  }
0x40: {  	v9 =	vld [tilespmem:s23+$0x0]  }
0x41: {  	v10 =	vld [tilespmem:s23+$0x10];
	v5 =	vshrl.u32 v5, $0x14  }
0x42: {  	v6 =	vshrl.u32 v6, $0x14;
	v11 =	vld [tilespmem:s23+$0x20];
	v5 =	vand.u32 $0x7FF, v5  }
0x43: {  	v12 =	vld [tilespmem:s23+$0xFFFFFFC0];
	v6 =	vand.u32 $0x7FF, v6;
	v7 =	vshrl.u32 v7, $0x14  }
0x44: {  	v7 =	vand.u32 $0x7FF, v7;
	v8 =	vshrl.u32 v8, $0x14;
	[tilespmem:v4+s16+$0x0] =	vst.idx.add.s32.msk $0xffff, v1  }
0x45: {  	v8 =	vand.u32 $0x7FF, v8;
	v4 =	vshrl.u32 v9, $0x14;
	[tilespmem:v2+s16+$0x0] =	vst.idx.add.s32.msk $0xffff, v1  }
0x46: {  	v9 =	vand.u32 $0x7FF, v4;
	v2 =	vshrl.u32 v10, $0x14;
	[tilespmem:v3+s16+$0x0] =	vst.idx.add.s32.msk $0xffff, v1  }
.Ltmp1:
0x47: {  	s21 =	simm.s32 $0x0;
	s0 =	simm.s32 $0x100C0;
	v2 =	vand.u32 $0x7FF, v2;
	v3 =	vshrl.u32 v11, $0x14;
	[tilespmem:v5+s16+$0x0] =	vst.idx.add.s32.msk $0xffff, v1;
	(pc) =	sbr.rel @p0 .LBB2_4-.Ltmp1, $4  }
0x48: {  	v4 =	vshrl.u32 v12, $0x14;
	[tilespmem:v6+s16+$0x0] =	vst.idx.add.s32.msk $0xffff, v1;
	v3 =	vand.u32 $0x7FF, v3  }
0x49: {  	v4 =	vand.u32 $0x7FF, v4;
	[tilespmem:v7+s16+$0x0] =	vst.idx.add.s32.msk $0xffff, v1  }
0x4a: {  	[tilespmem:v8+s16+$0x0] =	vst.idx.add.s32.msk $0xffff, v1  }
0x4b: {  	s23 =	sadd.s32 $0x80, s23;
	[tilespmem:v9+s16+$0x0] =	vst.idx.add.s32.msk $0xffff, v1  }
0x4c: {  	_ =	sdelay $0x3  }
0x4d: {  	[tilespmem:v4+s16+$0x0] =	vst.idx.add.s32.msk $0xffff, v1  }
0x4e: {  	[tilespmem:v2+s16+$0x0] =	vst.idx.add.s32.msk $0xffff, v1  }
0x4f: {  	[tilespmem:v3+s16+$0x0] =	vst.idx.add.s32.msk $0xffff, v1  }
0x50: {  	v2 =	vld [tilespmem:s0+$0xFFFFFFC0]  }
0x51: {  	v3 =	vld [tilespmem:s0+$0xFFFFFFD0]  }
0x52: {  	v4 =	vld [tilespmem:s0+$0xFFFFFFE0];
	_ =	sdelay $0x1  }
0x53: {  	v5 =	vld [tilespmem:s0+$0xFFFFFFF0]  }
0x54: {  	(xrf0) =	vadd.scan.msk.s32 $0xffff, v2;
	v2 =	vld [tilespmem:s0+$0x0]  }
0x55: {  	(xrf0) =	vadd.scan.msk.s32 $0xffff, v3  }
0x56: {  	(xrf0) =	vadd.scan.msk.s32 $0xffff, v4  }
0x57: {  	v3 =	vld [tilespmem:s0+$0x10]  }
0x58: {  	v4 =	vld [tilespmem:s0+$0x20];
	(xrf0) =	vadd.scan.msk.s32 $0xffff, v5  }
0x59: {  	(xrf0) =	vadd.scan.msk.s32 $0xffff, v2  }
0x5a: {  	v2, _, _ =	vpop (xrf0)  }
0x5b: {  	(v2sf) =	vpush v2, $0xF;
	v2, _, _ =	vpop (xrf0)  }
0x5c: {  	(v2sf) =	vpush v2, $0xF;
	v2, _, _ =	vpop (xrf0);
	(xrf0) =	vadd.scan.msk.s32 $0xffff, v3  }
0x5d: {  	(xrf0) =	vadd.scan.msk.s32 $0xffff, v4  }
0x5e: {  	(v2sf) =	vpush v2, $0xF;
	v2, _, _ =	vpop (xrf0)  }
0x5f: {  	(v2sf) =	vpush v2, $0xF;
	v2, _, _ =	vpop (xrf0)  }
0x60: {  	(v2sf) =	vpush v2, $0xF;
	v2 =	vld [tilespmem:s0+$0x30]  }
0x61: {  	s24 =	simm.s32 $0x10140  }
0x62: {  	v4 =	vld [tilespmem:s24+$0xFFFFFFC0];
	v3, _, _ =	vpop (xrf0)  }
0x63: {  	v5 =	vld [tilespmem:s24+$0xFFFFFFD0];
	(v2sf) =	vpush v3, $0xF;
	v3, _, _ =	vpop (xrf0)  }
0x64: {  	(v2sf) =	vpush v3, $0xF;
	v3 =	vld [tilespmem:s24+$0xFFFFFFE0]  }
0x65: {  	v6 =	vld [tilespmem:s24+$0xFFFFFFF0];
	(xrf0) =	vadd.scan.msk.s32 $0xffff, v2  }
0x66: {  	v2 =	vld [tilespmem:s24+$0x0]  }
0x67: {  	(xrf0) =	vadd.scan.msk.s32 $0xffff, v4  }
0x68: {  	(xrf0) =	vadd.scan.msk.s32 $0xffff, v5  }
0x69: {  	(xrf0) =	vadd.scan.msk.s32 $0xffff, v3  }
0x6a: {  	(xrf0) =	vadd.scan.msk.s32 $0xffff, v6  }
0x6b: {  	v4 =	vld [tilespmem:s24+$0x10];
	(xrf0) =	vadd.scan.msk.s32 $0xffff, v2;
	v2, _, _ =	vpop (xrf0)  }
0x6c: {  	s23 =	simm.s32 $0x100;
	s22 =	simm.s32 $0x101C0;
	v5 =	vld [tilespmem:s24+$0x20];
	s30 =	spop (v2sf);
	(v2sf) =	vpush v2, $0xF  }
0x6d: {  	s28 =	simm.s32 $0x1;
	s0 =	sadd.s32 $0x0, s30;
	s25 =	spop (v2sf)  }
0x6e: {  	s29 =	simm.s32 $0x1;
	p1 =	slt.s32 s0, $0x4000;
	s25 =	sadd.s32 s25, s0  }
0x6f: {  	s26 =	spop (v2sf);
	s28 =	simm.s32 @!p1 $0x0;
	p0 =	slt.s32 s25, $0x4000  }
0x70: {  	(xrf0) =	vadd.scan.msk.s32 $0xffff, v4;
	v2, _, _ =	vpop (xrf0);
	s30 =	spop (v2sf);
	s21 =	smov.u32 @p1 s0;
	s26 =	sadd.s32 s26, s25  }
0x71: {  	v6 =	vld [tilespmem:s24+$0x30];
	(xrf0) =	vadd.scan.msk.s32 $0xffff, v5;
	v3, _, _ =	vpop (xrf0);
	(v2sf) =	vpush v2, $0xF;
	s0 =	simm.s32 $0x1;
	s28 =	sadd.s32 $0x0, s28;
	s29 =	simm.s32 @!p0 $0x0  }
0x72: {  	p1 =	slt.s32 s26, $0x4000;
	(v2sf) =	vpush v3, $0xF;
	s21 =	smov.u32 @p0 s25;
	s24 =	sadd.s32 s30, s26  }
0x73: {  	s31 =	spop (v2sf);
	s28 =	sadd.s32 s29, s28;
	s29 =	simm.s32 $0x1;
	v2, _, _ =	vpop (xrf0)  }
0x74: {  	v4 =	vld [tilespmem:s22+$0xFFFFFFD0];
	p0 =	slt.s32 s24, $0x4000;
	s29 =	simm.s32 @!p1 $0x0;
	(v2sf) =	vpush v2, $0xF;
	v2, _, _ =	vpop (xrf0);
	s25 =	sadd.s32 s31, s24  }
0x75: {  	v5 =	vld [tilespmem:s22+$0xFFFFFFC0];
	s0 =	simm.s32 @!p0 $0x0;
	(v2sf) =	vpush v2, $0xF;
	v2, _, _ =	vpop (xrf0);
	s28 =	sadd.s32 s29, s28;
	s29 =	spop (v2sf)  }
0x76: {  	v3 =	vld [tilespmem:s22+$0xFFFFFFE0];
	(v2sf) =	vpush v2, $0xF;
	v7, _, _ =	vpop (xrf0);
	s0 =	sadd.s32 s0, s28;
	(xrf0) =	vadd.scan.msk.s32 $0xffff, v6;
	s28 =	sadd.s32 s29, s25;
	s29 =	spop (v2sf)  }
0x77: {  	p4 =	slt.s32 s25, $0x4000;
	v2 =	vld [tilespmem:s22+$0xFFFFFFF0];
	(v2sf) =	vpush v7, $0xF;
	v6, _, _ =	vpop (xrf0);
	p3 =	slt.s32 s28, $0x4000;
	s29 =	sadd.s32 s29, s28  }
.LBB2_6:
0x78: {  	s21 =	smov.u32 @p1 s26;
	s26 =	simm.s32 $0x1  }
0x79: {  	p1 =	slt.s32 s29, $0x4000;
	s30 =	smov.u32 s22;
	s26 =	simm.s32 @!p4 $0x0  }
0x7a: {  	v7 =	vld [tilespmem:s22+$0x0];
	(v2sf) =	vpush v6, $0xF;
	s21 =	smov.u32 @p0 s24;
	s0 =	sadd.s32 s26, s0;
	s26 =	simm.s32 $0x1  }
0x7b: {  	s24 =	simm.s32 $0x1;
	(xrf0) =	vadd.scan.msk.s32 $0xffff, v5;
	s31 =	spop (v2sf);
	s26 =	simm.s32 @!p1 $0x0  }
0x7c: {  	s24 =	simm.s32 @!p3 $0x0;
	s21 =	smov.u32 @p4 s25;
	s31 =	sadd.s32 s31, s29;
	(xrf0) =	vadd.scan.msk.s32 $0xffff, v4;
	v4, _, _ =	vpop (xrf0)  }
0x7d: {  	s0 =	sadd.s32 s24, s0;
	s24 =	simm.s32 $0x1;
	p0 =	slt.s32 s31, $0x4000;
	(xrf0) =	vadd.scan.msk.s32 $0xffff, v3;
	(v2sf) =	vpush v4, $0xF  }
0x7e: {  	s21 =	smov.u32 @p3 s28;
	s0 =	sadd.s32 s26, s0;
	s24 =	simm.s32 @!p0 $0x0;
	v3 =	vld [tilespmem:s22+$0x10];
	(xrf0) =	vadd.scan.msk.s32 $0xffff, v2  }
0x7f: {  	s23 =	sadd.s32 $0x80, s23;
	s21 =	smov.u32 @p1 s29;
	s0 =	sadd.s32 s24, s0;
	v2 =	vld [tilespmem:s22+$0x20];
	(xrf0) =	vadd.scan.msk.s32 $0xffff, v7  }
0x80: {  	p2 =	slt.u32 s23, $0x780;
	s21 =	smov.u32 @p0 s31;
	s24 =	spop (v2sf)  }
0x81: {  	s28 =	simm.s32 $0x1;
	s24 =	sadd.s32 s31, s24;
	s25 =	spop (v2sf)  }
0x82: {  	s22 =	sadd.s32 $0x80, s22;
	v4, _, _ =	vpop (xrf0);
	p0 =	slt.s32 s24, $0x4000;
	s25 =	sadd.s32 s25, s24  }
0x83: {  	v6 =	vld [tilespmem:s30+$0x30];
	(v2sf) =	vpush v4, $0xF;
	v4, _, _ =	vpop (xrf0);
	s26 =	spop (v2sf);
	s28 =	simm.s32 @!p0 $0x0;
	p1 =	slt.s32 s25, $0x4000  }
0x84: {  	(v2sf) =	vpush v4, $0xF;
	v4, _, _ =	vpop (xrf0);
	(xrf0) =	vadd.scan.msk.s32 $0xffff, v3;
	s29 =	spop (v2sf);
	s21 =	smov.u32 @p0 s24;
	s26 =	sadd.s32 s26, s25  }
0x85: {  	s0 =	sadd.s32 s28, s0;
	s28 =	simm.s32 $0x1;
	s30 =	spop (v2sf)  }
0x86: {  	(v2sf) =	vpush v4, $0xF;
	v3, _, _ =	vpop (xrf0);
	(xrf0) =	vadd.scan.msk.s32 $0xffff, v2;
	s21 =	smov.u32 @p1 s25;
	s24 =	sadd.s32 s29, s26;
	s28 =	simm.s32 @!p1 $0x0  }
0x87: {  	p1 =	slt.s32 s26, $0x4000;
	(v2sf) =	vpush v3, $0xF;
	v2, _, _ =	vpop (xrf0);
	s0 =	sadd.s32 s28, s0;
	s28 =	simm.s32 $0x1  }
.Ltmp2:
0x88: {  	p0 =	slt.s32 s24, $0x4000;
	(v2sf) =	vpush v2, $0xF;
	s28 =	simm.s32 @!p1 $0x0;
	(pc) =	sbr.rel @p2 .LBB2_6-.Ltmp2, $4  }
0x89: {  	s25 =	sadd.s32 s30, s24;
	v5 =	vld [tilespmem:s22+$0xFFFFFFC0];
	(xrf0) =	vadd.scan.msk.s32 $0xffff, v6;
	s0 =	sadd.s32 s28, s0;
	s28 =	simm.s32 $0x1  }
0x8a: {  	v4 =	vld [tilespmem:s22+$0xFFFFFFD0];
	s28 =	simm.s32 @!p0 $0x0;
	s29 =	spop (v2sf)  }
0x8b: {  	v3 =	vld [tilespmem:s22+$0xFFFFFFE0];
	v6, _, _ =	vpop (xrf0);
	s0 =	sadd.s32 s28, s0;
	s28 =	sadd.s32 s29, s25;
	s29 =	spop (v2sf)  }
0x8c: {  	p4 =	slt.s32 s25, $0x4000;
	v2 =	vld [tilespmem:s22+$0xFFFFFFF0];
	(v2sf) =	vpush v6, $0xF;
	v6, _, _ =	vpop (xrf0);
	p3 =	slt.s32 s28, $0x4000;
	s29 =	sadd.s32 s29, s28  }
0x8d: {  	s23 =	simm.s32 $0x1  }
0x8e: {  	p2 =	slt.s32 s29, $0x4000;
	s30 =	simm.s32 $0x1;
	s21 =	smov.u32 @p1 s26  }
0x8f: {  	s26 =	spop (v2sf);
	s23 =	simm.s32 @!p4 $0x0;
	s30 =	simm.s32 @!p2 $0x0  }
0x90: {  	s21 =	smov.u32 @p0 s24;
	s24 =	simm.s32 $0x1;
	s0 =	sadd.s32 s23, s0  }
0x91: {  	s24 =	simm.s32 @!p3 $0x0;
	s23 =	sadd.s32 s26, s29;
	s21 =	smov.u32 @p4 s25  }
0x92: {  	(v2sf) =	vpush v6, $0xF;
	v58 =	vld [tilespmem:s22+$0x0];
	(xrf0) =	vadd.scan.msk.s32 $0xffff, v5;
	s25 =	simm.s32 $0x1;
	s0 =	sadd.s32 s24, s0;
	p0 =	slt.s32 s23, $0x4000  }
0x93: {  	v63 =	vld [tilespmem:s22+$0x30];
	(xrf0) =	vadd.scan.msk.s32 $0xffff, v4;
	s24 =	simm.s32 $0x1;
	s21 =	smov.u32 @p3 s28;
	s28 =	simm.s32 $0x1  }
0x94: {  	v59, _, _ =	vpop (xrf0);
	(xrf0) =	vadd.scan.msk.s32 $0xffff, v3;
	v3 =	vld [tilespmem:s22+$0x10];
	s0 =	sadd.s32 s30, s0;
	s24 =	simm.s32 @!p0 $0x0;
	s21 =	smov.u32 @p2 s29  }
0x95: {  	(xrf0) =	vadd.scan.msk.s32 $0xffff, v2;
	v2 =	vld [tilespmem:s22+$0x20];
	s22 =	simm.s32 $0x1;
	s0 =	sadd.s32 s24, s0;
	s29 =	spop (v2sf)  }
0x96: {  	(v2sf) =	vpush v59, $0xF;
	s21 =	smov.u32 @p0 s23;
	s23 =	sadd.s32 s23, s29;
	s30 =	spop (v2sf)  }
0x97: {  	(xrf0) =	vadd.scan.msk.s32 $0xffff, v58;
	p1 =	slt.s32 s23, $0x4000;
	s24 =	sadd.s32 s30, s23;
	s30 =	simm.s32 $0x1  }
0x98: {  	v60, _, _ =	vpop (xrf0);
	s31 =	spop (v2sf);
	s25 =	simm.s32 @!p1 $0x0;
	p0 =	slt.s32 s24, $0x4000  }
0x99: {  	(v2sf) =	vpush v60, $0xF;
	v61, _, _ =	vpop (xrf0);
	s21 =	smov.u32 @p1 s23;
	s2 =	spop (v2sf);
	s0 =	sadd.s32 s25, s0  }
0x9a: {  	s25 =	simm.s32 $0x1;
	(v2sf) =	vpush v61, $0xF;
	v62, _, _ =	vpop (xrf0);
	s26 =	sadd.s32 s31, s24;
	s21 =	smov.u32 @p0 s24  }
0x9b: {  	(xrf0) =	vadd.scan.msk.s32 $0xffff, v3;
	s25 =	simm.s32 @!p0 $0x0;
	s3 =	spop (v2sf);
	(v2sf) =	vpush v62, $0xF;
	p2 =	slt.s32 s26, $0x4000;
	v3, _, _ =	vpop (xrf0)  }
0x9c: {  	s23 =	sadd.s32 s2, s26;
	s0 =	sadd.s32 s25, s0;
	s22 =	simm.s32 @!p2 $0x0;
	(v2sf) =	vpush v3, $0xF  }
0x9d: {  	(xrf0) =	vadd.scan.msk.s32 $0xffff, v2;
	v2, _, _ =	vpop (xrf0);
	p1 =	slt.s32 s23, $0x4000;
	s25 =	sadd.s32 s3, s23;
	s21 =	smov.u32 @p2 s26  }
0x9e: {  	s26 =	simm.s32 $0x1;
	(v2sf) =	vpush v2, $0xF;
	s0 =	sadd.s32 s22, s0;
	s28 =	simm.s32 @!p1 $0x0  }
0x9f: {  	(xrf0) =	vadd.scan.msk.s32 $0xffff, v63;
	p3 =	slt.s32 s25, $0x4000;
	s21 =	smov.u32 @p1 s23;
	s0 =	sadd.s32 s28, s0  }
0xa0: {  	s26 =	simm.s32 @!p3 $0x0;
	s28 =	simm.s32 $0x1;
	s4 =	spop (v2sf)  }
0xa1: {  	s21 =	smov.u32 @p3 s25;
	s22 =	sadd.s32 s4, s25;
	s5 =	spop (v2sf)  }
0xa2: {  	s0 =	sadd.s32 s26, s0;
	s26 =	simm.s32 $0x1;
	s24 =	sadd.s32 s5, s22  }
0xa3: {  	v2, _, _ =	vpop (xrf0);
	s25 =	simm.s32 $0x1;
	p0 =	slt.s32 s22, $0x4000;
	p2 =	slt.s32 s24, $0x4000  }
0xa4: {  	(v2sf) =	vpush v2, $0xF;
	v2, _, _ =	vpop (xrf0);
	s30 =	simm.s32 @!p0 $0x0;
	s21 =	smov.u32 @p0 s22;
	s22 =	simm.s32 $0x1  }
0xa5: {  	(v2sf) =	vpush v2, $0xF;
	v2, _, _ =	vpop (xrf0);
	s28 =	simm.s32 @!p2 $0x0;
	s6 =	spop (v2sf);
	s0 =	sadd.s32 s30, s0  }
0xa6: {  	(v2sf) =	vpush v2, $0xF;
	s21 =	smov.u32 @p2 s24;
	s23 =	sadd.s32 s6, s24;
	s0 =	sadd.s32 s28, s0  }
0xa7: {  	s24 =	simm.s32 $0x1;
	s28 =	simm.s32 $0x1;
	p1 =	slt.s32 s23, $0x4000  }
0xa8: {  	s22 =	simm.s32 @!p1 $0x0;
	s21 =	smov.u32 @p1 s23;
	s7 =	spop (v2sf)  }
0xa9: {  	s0 =	sadd.s32 s22, s0;
	s22 =	sadd.s32 s23, s7;
	s8 =	spop (v2sf)  }
0xaa: {  	p0 =	slt.s32 s22, $0x4000;
	s23 =	sadd.s32 s8, s22;
	s9 =	spop (v2sf)  }
0xab: {  	s25 =	simm.s32 @!p0 $0x0;
	p1 =	slt.s32 s23, $0x4000;
	s10 =	spop (v2sf)  }
0xac: {  	s21 =	smov.u32 @p0 s22;
	s22 =	sadd.s32 s9, s23;
	s0 =	sadd.s32 s25, s0  }
0xad: {  	s26 =	simm.s32 @!p1 $0x0;
	s14 =	spop (v2sf);
	p2 =	slt.s32 s22, $0x4000  }
0xae: {  	s21 =	smov.u32 @p1 s23;
	s23 =	sadd.s32 s10, s22;
	s0 =	sadd.s32 s26, s0  }
0xaf: {  	s24 =	simm.s32 @!p2 $0x0;
	p0 =	slt.s32 s23, $0x4000;
	s25 =	sadd.s32 s14, s23  }
0xb0: {  	s26 =	simm.s32 $0x1;
	s21 =	smov.u32 @p2 s22;
	s22 =	simm.s32 $0x1  }
0xb1: {  	s0 =	sadd.s32 s24, s0;
	s26 =	simm.s32 @!p0 $0x0;
	p3 =	slt.s32 s25, $0x4000  }
0xb2: {  	s21 =	smov.u32 @p0 s23;
	s0 =	sadd.s32 s26, s0;
	s28 =	simm.s32 @!p3 $0x0  }
0xb3: {  	s29 =	spop (v2sf);
	s0 =	sadd.s32 s28, s0;
	s28 =	simm.s32 $0x1  }
0xb4: {  	s24 =	sadd.s32 s29, s25;
	s30 =	spop (v2sf);
	s29 =	simm.s32 $0x1  }
0xb5: {  	p1 =	slt.s32 s24, $0x4000;
	s26 =	sadd.s32 s30, s24;
	s31 =	spop (v2sf)  }
0xb6: {  	p2 =	slt.s32 s26, $0x4000;
	s29 =	simm.s32 @!p1 $0x0;
	s23 =	sadd.s32 s31, s26  }
0xb7: {  	s22 =	simm.s32 @!p2 $0x0;
	s0 =	sadd.s32 s29, s0;
	p0 =	slt.s32 s23, $0x4000  }
0xb8: {  	s0 =	sadd.s32 s22, s0;
	s28 =	simm.s32 @!p0 $0x0  }
0xb9: {  	s0 =	sadd.s32 s28, s0  }
0xba: {  	s22 =	sshll.u32 s0, $0x4;
	s0 =	simm.s32 $0x100C0  }
0xbb: {  	v2 =	vld [tilespmem:s22+$0x10080];
	[tilespmem:s0+$0xFFFFFFC0] =	vst v0  }
0xbc: {  	[tilespmem:s0+$0x30] =	vst v0  }
0xbd: {  	[tilespmem:s0+$0x20] =	vst v0  }
0xbe: {  	s21 =	smov.u32 @p3 s25;
	[tilespmem:s0+$0x10] =	vst v0  }
0xbf: {  	s21 =	smov.u32 @p1 s24;
	[tilespmem:s0+$0x0] =	vst v0  }
0xc0: {  	s21 =	smov.u32 @p2 s26;
	[tilespmem:s0+$0xFFFFFFF0] =	vst v0  }
0xc1: {  	s21 =	smov.u32 @p0 s23;
	s23 =	simm.s32 $0x0;
	[tilespmem:s0+$0xFFFFFFE0] =	vst v0  }
.LBB2_8:
0xc2: {  	s23 =	sadd.s32 $0x80, s23;
	[tilespmem:s0+$0xFFFFFFD0] =	vst v0;
	s0 =	sadd.s32 $0x80, s0  }
0xc3: {  	[tilespmem:s0+$0xFFFFFFC0] =	vst v0;
	p0 =	slt.u32 s23, $0x780  }
0xc4: {  	[tilespmem:s0+$0x30] =	vst v0  }
.Ltmp3:
0xc5: {  	[tilespmem:s0+$0x20] =	vst v0;
	(pc) =	sbr.rel @p0 .LBB2_8-.Ltmp3, $4  }
0xc6: {  	[tilespmem:s0+$0x10] =	vst v0  }
0xc7: {  	[tilespmem:s0+$0x0] =	vst v0  }
0xc8: {  	[tilespmem:s0+$0xFFFFFFF0] =	vst v0  }
0xc9: {  	[tilespmem:s0+$0xFFFFFFE0] =	vst v0  }
0xca: {  	(xrf0) =	vadd.scan.msk.s32 $0xffff, v2;
	_ =	sdelay $0x5  }
0xcb: {  	v2, _, _ =	vpop (xrf0)  }
0xcc: {  	v2 =	vadd.s32 s21, v2  }
0xcd: {  	vm0 =	vlt.s32 v2, $0x4000  }
0xce: {  	v3 =	vsel vm0, $0x1, v0  }
0xcf: {  	(xrf0) =	vadd.scan.msk.s32 $0xffff, v3;
	_ =	sdelay $0x5  }
0xd0: {  	v3, _, _ =	vpop (xrf0)  }
0xd1: {  	(v2sf) =	vpush v3, $0xF;
	_ =	sdelay $0x9  }
0xd2: {  	[tilespmem:s0+$0xFFFFFFD0] =	vst v0;
	s31 =	simm.s32 $0x40  }
0xd3: {  	v5 =	vld [tilespmem:s31+$0x10]  }
0xd4: {  	v7 =	vld [tilespmem:s31+$0x30]  }
0xd5: {  	v8 =	vld [tilespmem:s31+$0xFFFFFFC0]  }
0xd6: {  	v4 =	vld [tilespmem:s31+$0xFFFFFFD0]  }
0xd7: {  	s30 =	spop (v2sf)  }
0xd8: {  	v9 =	vld [tilespmem:s31+$0x20];
	v6 =	vshrl.u32 v5, $0x14;
	s22 =	sadd.s32 s22, s30  }
0xd9: {  	v5 =	vshrl.u32 v5, $0x9;
	v10 =	vand.u32 $0x7FF, v6;
	v3 =	vmov s22  }
0xda: {  	v11 =	vshrl.u32 v8, $0x14;
	v12 =	vshrl.u32 v7, $0x9;
	v6 =	vld [tilespmem:s31+$0xFFFFFFE0];
	vm3 =	veq.s32 v10, v3  }
0xdb: {  	v13 =	vshrl.u32 v4, $0x14;
	v14 =	vand.u32 $0x7FF, v5;
	v5 =	vshrl.u32 v7, $0x14  }
0xdc: {  	v8 =	vshrl.u32 v8, $0x9;
	v7 =	vand.u32 $0x7FF, v11;
	v10 =	vand.u32 $0x7FF, v5  }
0xdd: {  	v11 =	vshrl.u32 v9, $0x9;
	vm1 =	veq.s32 v7, v3;
	vm2 =	veq.s32 v10, v3;
	v10 =	vld [tilespmem:s31+$0xFFFFFFF0]  }
0xde: {  	v5 =	vand.u32 $0x7FF, v8;
	v7 =	vshrl.u32 v9, $0x14;
	v8 =	vand.u32 $0x7FF, v12  }
0xdf: {  	v12 =	vshrl.u32 v6, $0x14;
	v9 =	vld [tilespmem:s31+$0x0];
	v15 =	vand.u32 $0x7FF, v7;
	v7 =	vand.u32 $0x7FF, v11  }
0xe0: {  	s23 =	simm.s32 $0x0;
	s24 =	simm.s32 $0xC0;
	v11 =	vand.u32 $0x7FF, v13;
	v12 =	vand.u32 $0x7FF, v12;
	[tilespmem:v14+s16+$0x0] =	vst.idx.add.s32.msk vm3, v1;
	vm3 =	veq.s32 v15, v3  }
.LBB2_10:
0xe1: {  	v13 =	vld [tilespmem:s24+$0x10];
	s23 =	sadd.s32 $0x80, s23;
	v14 =	vshrl.u32 v4, $0x9;
	v4 =	vshrl.u32 v6, $0x9  }
0xe2: {  	v15 =	vld [tilespmem:s24+$0x30];
	p0 =	slt.u32 s23, $0x7F80;
	v6 =	vshrl.u32 v10, $0x14;
	v10 =	vshrl.u32 v10, $0x9  }
0xe3: {  	vm5 =	veq.s32 v12, v3;
	v6 =	vand.u32 $0x7FF, v6;
	[tilespmem:v8+s16+$0x0] =	vst.idx.add.s32.msk vm2, v1  }
0xe4: {  	v12 =	vand.u32 $0x7FF, v4;
	v8 =	vld [tilespmem:s24+$0xFFFFFFC0];
	v16 =	vshrl.u32 v9, $0x14;
	v9 =	vshrl.u32 v9, $0x9  }
0xe5: {  	vm2 =	veq.s32 v6, v3;
	v4 =	vld [tilespmem:s24+$0xFFFFFFD0];
	v6 =	vand.u32 $0x7FF, v16  }
0xe6: {  	vm6 =	veq.s32 v11, v3;
	v10 =	vand.u32 $0x7FF, v10;
	vm4 =	veq.s32 v6, v3;
	[tilespmem:v7+s16+$0x0] =	vst.idx.add.s32.msk vm3, v1  }
0xe7: {  	[tilespmem:v5+s16+$0x0] =	vst.idx.add.s32.msk vm1, v1;
	v5 =	vand.u32 $0x7FF, v14  }
0xe8: {  	v9 =	vand.u32 $0x7FF, v9;
	v6 =	vshrl.u32 v13, $0x14;
	v7 =	vshrl.u32 v13, $0x9;
	v11 =	vld [tilespmem:s24+$0x20]  }
0xe9: {  	v13 =	vand.u32 $0x7FF, v6;
	[tilespmem:v12+s16+$0x0] =	vst.idx.add.s32.msk vm5, v1  }
0xea: {  	vm3 =	veq.s32 v13, v3;
	v13 =	vshrl.u32 v15, $0x9;
	v12 =	vshrl.u32 v8, $0x14;
	v6 =	vld [tilespmem:s24+$0xFFFFFFE0]  }
0xeb: {  	v16 =	vand.u32 $0x7FF, v7;
	v7 =	vshrl.u32 v15, $0x14;
	v14 =	vshrl.u32 v4, $0x14;
	[tilespmem:v10+s16+$0x0] =	vst.idx.add.s32.msk vm2, v1  }
.Ltmp4:
0xec: {  	v7 =	vand.u32 $0x7FF, v7;
	v8 =	vshrl.u32 v8, $0x9;
	v10 =	vand.u32 $0x7FF, v12;
	[tilespmem:v5+s16+$0x0] =	vst.idx.add.s32.msk vm6, v1;
	(pc) =	sbr.rel @p0 .LBB2_10-.Ltmp4, $4  }
0xed: {  	vm2 =	veq.s32 v7, v3;
	vm1 =	veq.s32 v10, v3;
	v5 =	vand.u32 $0x7FF, v8;
	v10 =	vld [tilespmem:s24+$0xFFFFFFF0]  }
0xee: {  	v8 =	vand.u32 $0x7FF, v13;
	v7 =	vshrl.u32 v11, $0x14;
	v11 =	vshrl.u32 v11, $0x9;
	[tilespmem:v9+s16+$0x0] =	vst.idx.add.s32.msk vm4, v1  }
0xef: {  	v13 =	vand.u32 $0x7FF, v7;
	v7 =	vand.u32 $0x7FF, v11;
	v12 =	vshrl.u32 v6, $0x14;
	v9 =	vld [tilespmem:s24+$0x0]  }
0xf0: {  	v11 =	vand.u32 $0x7FF, v14;
	s24 =	sadd.s32 $0x80, s24;
	v12 =	vand.u32 $0x7FF, v12;
	[tilespmem:v16+s16+$0x0] =	vst.idx.add.s32.msk vm3, v1;
	vm3 =	veq.s32 v13, v3  }
0xf1: {  	_ = 	snop  }
0xf2: {  	v4 =	vshrl.u32 v4, $0x9;
	v6 =	vshrl.u32 v6, $0x9;
	v13 =	vshrl.u32 v10, $0x14  }
0xf3: {  	vm4 =	veq.s32 v12, v3;
	v60 =	vshrl.u32 v10, $0x9;
	v61 =	vand.u32 $0x7FF, v13  }
0xf4: {  	v6 =	vand.u32 $0x7FF, v6;
	v62 =	vshrl.u32 v9, $0x14;
	vm5 =	veq.s32 v61, v3  }
0xf5: {  	vm6 =	veq.s32 v11, v3;
	v10 =	vand.u32 $0x7FF, v60;
	v63 =	vand.u32 $0x7FF, v62  }
0xf6: {  	[tilespmem:v8+s16+$0x0] =	vst.idx.add.s32.msk vm2, v1;
	v8 =	vshrl.u32 v9, $0x9;
	vm15 =	veq.s32 v63, v3;
	v3 =	vand.u32 $0x7FF, v4  }
0xf7: {  	[tilespmem:v7+s16+$0x0] =	vst.idx.add.s32.msk vm3, v1;
	v4 =	vand.u32 $0x7FF, v8  }
0xf8: {  	[tilespmem:v5+s16+$0x0] =	vst.idx.add.s32.msk vm1, v1  }
0xf9: {  	[tilespmem:v6+s16+$0x0] =	vst.idx.add.s32.msk vm4, v1  }
0xfa: {  	v2 =	vxor.u32 $0x80000000, v2;
	[tilespmem:v10+s16+$0x0] =	vst.idx.add.s32.msk vm5, v1  }
0xfb: {  	v2 =	vnsel vm0, $0x80000000, v2;
	[tilespmem:v3+s16+$0x0] =	vst.idx.add.s32.msk vm6, v1  }
0xfc: {  	s0 =	simm.s32 $0x100C0;
	(xrf0) =	vmax.scan.msk.u32 $0xffff, v2;
	[tilespmem:v4+s16+$0x0] =	vst.idx.add.s32.msk vm15, v1  }
0xfd: {  	v3 =	vld [tilespmem:s0+$0xFFFFFFC0]  }
0xfe: {  	v2 =	vld [tilespmem:s0+$0xFFFFFFD0]  }
0xff: {  	v4 =	vld [tilespmem:s0+$0xFFFFFFE0];
	_ =	sdelay $0x1  }
0x100: {  	v5 =	vld [tilespmem:s0+$0xFFFFFFF0]  }
0x101: {  	v6, _, _ =	vpop (xrf0);
	(xrf0) =	vadd.scan.msk.s32 $0xffff, v3;
	v3 =	vld [tilespmem:s0+$0x0]  }
0x102: {  	(v2sf) =	vpush v6, $0xF;
	(xrf0) =	vadd.scan.msk.s32 $0xffff, v2  }
0x103: {  	(xrf0) =	vadd.scan.msk.s32 $0xffff, v4  }
0x104: {  	v2 =	vld [tilespmem:s0+$0x10]  }
0x105: {  	v4 =	vld [tilespmem:s0+$0x20];
	(xrf0) =	vadd.scan.msk.s32 $0xffff, v5  }
0x106: {  	(xrf0) =	vadd.scan.msk.s32 $0xffff, v3  }
0x107: {  	v3, _, _ =	vpop (xrf0)  }
0x108: {  	(v2sf) =	vpush v3, $0xF;
	v3, _, _ =	vpop (xrf0)  }
0x109: {  	(v2sf) =	vpush v3, $0xF;
	v3, _, _ =	vpop (xrf0);
	(xrf0) =	vadd.scan.msk.s32 $0xffff, v2  }
0x10a: {  	(xrf0) =	vadd.scan.msk.s32 $0xffff, v4  }
0x10b: {  	(v2sf) =	vpush v3, $0xF;
	v2, _, _ =	vpop (xrf0)  }
0x10c: {  	(v2sf) =	vpush v2, $0xF;
	v2, _, _ =	vpop (xrf0)  }
0x10d: {  	(v2sf) =	vpush v2, $0xF;
	v2 =	vld [tilespmem:s0+$0x30]  }
0x10e: {  	s26 =	simm.s32 $0x10140  }
0x10f: {  	v4 =	vld [tilespmem:s26+$0xFFFFFFC0];
	v3, _, _ =	vpop (xrf0)  }
0x110: {  	v5 =	vld [tilespmem:s26+$0xFFFFFFD0];
	(v2sf) =	vpush v3, $0xF;
	v3, _, _ =	vpop (xrf0)  }
0x111: {  	s7 =	spop (v2sf);
	(v2sf) =	vpush v3, $0xF;
	v3 =	vld [tilespmem:s26+$0xFFFFFFE0]  }
0x112: {  	v6 =	vld [tilespmem:s26+$0xFFFFFFF0];
	(xrf0) =	vadd.scan.msk.s32 $0xffff, v2  }
0x113: {  	v2 =	vld [tilespmem:s26+$0x0]  }
0x114: {  	(xrf0) =	vadd.scan.msk.s32 $0xffff, v4  }
0x115: {  	(xrf0) =	vadd.scan.msk.s32 $0xffff, v5  }
0x116: {  	(xrf0) =	vadd.scan.msk.s32 $0xffff, v3  }
0x117: {  	s23 =	simm.s32 $0x0;
	s0 =	sxor.u32 $0x80000000, s7;
	(xrf0) =	vadd.scan.msk.s32 $0xffff, v6  }
0x118: {  	s25 =	simm.s32 $0x100;
	s24 =	simm.s32 $0x101C0;
	p0 =	sgt.s32 s21, s0;
	v4 =	vld [tilespmem:s26+$0x10];
	(xrf0) =	vadd.scan.msk.s32 $0xffff, v2;
	v2, _, _ =	vpop (xrf0)  }
0x119: {  	s30 =	simm.s32 $0x1;
	s0 =	smov.u32 @p0 s21;
	v5 =	vld [tilespmem:s26+$0x20];
	s8 =	spop (v2sf);
	(v2sf) =	vpush v2, $0xF  }
0x11a: {  	s21 =	ssub.s32 $0x4000, s0;
	s0 =	sadd.s32 $0x0, s8;
	s28 =	spop (v2sf)  }
0x11b: {  	s31 =	simm.s32 $0x1;
	p1 =	slt.s32 s0, s21;
	s28 =	sadd.s32 s28, s0  }
0x11c: {  	s29 =	spop (v2sf);
	s30 =	simm.s32 @!p1 $0x0;
	p0 =	slt.s32 s28, s21  }
0x11d: {  	(xrf0) =	vadd.scan.msk.s32 $0xffff, v4;
	v2, _, _ =	vpop (xrf0);
	s2 =	spop (v2sf);
	s23 =	smov.u32 @p1 s0;
	s29 =	sadd.s32 s29, s28  }
0x11e: {  	v6 =	vld [tilespmem:s26+$0x30];
	(xrf0) =	vadd.scan.msk.s32 $0xffff, v5;
	v3, _, _ =	vpop (xrf0);
	s0 =	simm.s32 $0x1;
	s30 =	sadd.s32 $0x0, s30;
	s9 =	spop (v2sf);
	(v2sf) =	vpush v2, $0xF  }
0x11f: {  	s31 =	simm.s32 @!p0 $0x0;
	p1 =	slt.s32 s29, s21;
	s23 =	smov.u32 @p0 s28;
	(v2sf) =	vpush v3, $0xF  }
0x120: {  	s26 =	sadd.s32 s2, s29;
	s30 =	sadd.s32 s31, s30;
	s31 =	simm.s32 $0x1;
	v2, _, _ =	vpop (xrf0)  }
0x121: {  	v4 =	vld [tilespmem:s24+$0xFFFFFFD0];
	p0 =	slt.s32 s26, s21;
	s31 =	simm.s32 @!p1 $0x0;
	s28 =	sadd.s32 s9, s26;
	(v2sf) =	vpush v2, $0xF;
	v2, _, _ =	vpop (xrf0)  }
0x122: {  	v5 =	vld [tilespmem:s24+$0xFFFFFFC0];
	s0 =	simm.s32 @!p0 $0x0;
	s10 =	sadd.s32 s31, s30;
	(v2sf) =	vpush v2, $0xF;
	v2, _, _ =	vpop (xrf0);
	s30 =	spop (v2sf)  }
0x123: {  	v3 =	vld [tilespmem:s24+$0xFFFFFFE0];
	p4 =	slt.s32 s28, s21;
	(v2sf) =	vpush v2, $0xF;
	v7, _, _ =	vpop (xrf0);
	s30 =	sadd.s32 s30, s28;
	s14 =	spop (v2sf);
	(xrf0) =	vadd.scan.msk.s32 $0xffff, v6  }
0x124: {  	s0 =	sadd.s32 s0, s10;
	v2 =	vld [tilespmem:s24+$0xFFFFFFF0];
	(v2sf) =	vpush v7, $0xF;
	v6, _, _ =	vpop (xrf0);
	p3 =	slt.s32 s30, s21;
	s31 =	sadd.s32 s14, s30  }
.LBB2_12:
0x125: {  	s23 =	smov.u32 @p1 s29;
	s2 =	simm.s32 $0x1;
	p1 =	slt.s32 s31, s21  }
0x126: {  	s29 =	smov.u32 s24;
	s2 =	simm.s32 @!p4 $0x0;
	s23 =	smov.u32 @p0 s26  }
0x127: {  	v7 =	vld [tilespmem:s24+$0x0];
	(v2sf) =	vpush v6, $0xF;
	s26 =	simm.s32 $0x1;
	s0 =	sadd.s32 s2, s0;
	s2 =	simm.s32 $0x1  }
0x128: {  	(xrf0) =	vadd.scan.msk.s32 $0xffff, v5;
	s14 =	spop (v2sf);
	s26 =	simm.s32 @!p3 $0x0;
	s2 =	simm.s32 @!p1 $0x0  }
0x129: {  	s23 =	smov.u32 @p4 s28;
	s14 =	sadd.s32 s14, s31;
	s0 =	sadd.s32 s26, s0;
	(xrf0) =	vadd.scan.msk.s32 $0xffff, v4;
	v4, _, _ =	vpop (xrf0)  }
0x12a: {  	p0 =	slt.s32 s14, s21;
	s0 =	sadd.s32 s2, s0;
	s2 =	simm.s32 $0x1;
	(xrf0) =	vadd.scan.msk.s32 $0xffff, v3;
	(v2sf) =	vpush v4, $0xF  }
0x12b: {  	s23 =	smov.u32 @p3 s30;
	s2 =	simm.s32 @!p0 $0x0;
	v3 =	vld [tilespmem:s24+$0x10];
	(xrf0) =	vadd.scan.msk.s32 $0xffff, v2  }
0x12c: {  	s25 =	sadd.s32 $0x80, s25;
	s23 =	smov.u32 @p1 s31;
	s0 =	sadd.s32 s2, s0;
	v2 =	vld [tilespmem:s24+$0x20];
	(xrf0) =	vadd.scan.msk.s32 $0xffff, v7  }
0x12d: {  	p2 =	slt.u32 s25, $0x780;
	s23 =	smov.u32 @p0 s14;
	s2 =	spop (v2sf)  }
0x12e: {  	s28 =	simm.s32 $0x1;
	s2 =	sadd.s32 s14, s2;
	s14 =	spop (v2sf)  }
0x12f: {  	s24 =	sadd.s32 $0x80, s24;
	v4, _, _ =	vpop (xrf0);
	p0 =	slt.s32 s2, s21;
	s14 =	sadd.s32 s14, s2  }
0x130: {  	v6 =	vld [tilespmem:s29+$0x30];
	(v2sf) =	vpush v4, $0xF;
	v4, _, _ =	vpop (xrf0);
	s26 =	spop (v2sf);
	s28 =	simm.s32 @!p0 $0x0;
	p1 =	slt.s32 s14, s21  }
0x131: {  	s30 =	spop (v2sf);
	s23 =	smov.u32 @p0 s2;
	s29 =	sadd.s32 s26, s14  }
0x132: {  	(v2sf) =	vpush v4, $0xF;
	v4, _, _ =	vpop (xrf0);
	(xrf0) =	vadd.scan.msk.s32 $0xffff, v3;
	s2 =	simm.s32 $0x1;
	s0 =	sadd.s32 s28, s0;
	s28 =	simm.s32 $0x1  }
0x133: {  	(v2sf) =	vpush v4, $0xF;
	v3, _, _ =	vpop (xrf0);
	(xrf0) =	vadd.scan.msk.s32 $0xffff, v2;
	s31 =	spop (v2sf);
	s23 =	smov.u32 @p1 s14;
	s28 =	simm.s32 @!p1 $0x0  }
0x134: {  	s26 =	sadd.s32 s30, s29;
	p1 =	slt.s32 s29, s21;
	(v2sf) =	vpush v3, $0xF;
	v2, _, _ =	vpop (xrf0);
	s0 =	sadd.s32 s28, s0  }
.Ltmp5:
0x135: {  	p0 =	slt.s32 s26, s21;
	s2 =	simm.s32 @!p1 $0x0;
	(v2sf) =	vpush v2, $0xF;
	(pc) =	sbr.rel @p2 .LBB2_12-.Ltmp5, $4  }
0x136: {  	s28 =	sadd.s32 s31, s26;
	s0 =	sadd.s32 s2, s0;
	s2 =	simm.s32 $0x1;
	v5 =	vld [tilespmem:s24+$0xFFFFFFC0];
	(xrf0) =	vadd.scan.msk.s32 $0xffff, v6  }
0x137: {  	s2 =	simm.s32 @!p0 $0x0;
	v4 =	vld [tilespmem:s24+$0xFFFFFFD0];
	s14 =	spop (v2sf)  }
0x138: {  	s0 =	sadd.s32 s2, s0;
	v3 =	vld [tilespmem:s24+$0xFFFFFFE0];
	v6, _, _ =	vpop (xrf0);
	s30 =	sadd.s32 s14, s28;
	s2 =	spop (v2sf)  }
0x139: {  	p4 =	slt.s32 s28, s21;
	v2 =	vld [tilespmem:s24+$0xFFFFFFF0];
	(v2sf) =	vpush v6, $0xF;
	v6, _, _ =	vpop (xrf0);
	p3 =	slt.s32 s30, s21;
	s31 =	sadd.s32 s2, s30  }
0x13a: {  	s2 =	simm.s32 $0x1  }
0x13b: {  	p2 =	slt.s32 s31, s21;
	s14 =	simm.s32 $0x1;
	s23 =	smov.u32 @p1 s29  }
0x13c: {  	s7 =	spop (v2sf);
	s25 =	simm.s32 $0x1;
	s2 =	simm.s32 @!p4 $0x0  }
0x13d: {  	s14 =	simm.s32 @!p2 $0x0;
	s23 =	smov.u32 @p0 s26;
	s25 =	simm.s32 @!p3 $0x0  }
0x13e: {  	s0 =	sadd.s32 s2, s0;
	s2 =	sadd.s32 s7, s31;
	s23 =	smov.u32 @p4 s28  }
0x13f: {  	(v2sf) =	vpush v6, $0xF;
	v58 =	vld [tilespmem:s24+$0x0];
	(xrf0) =	vadd.scan.msk.s32 $0xffff, v5;
	s28 =	simm.s32 $0x1;
	s0 =	sadd.s32 s25, s0;
	p0 =	slt.s32 s2, s21  }
0x140: {  	(xrf0) =	vadd.scan.msk.s32 $0xffff, v4;
	s25 =	simm.s32 $0x1;
	s23 =	smov.u32 @p3 s30;
	s0 =	sadd.s32 s14, s0  }
0x141: {  	v59, _, _ =	vpop (xrf0);
	(xrf0) =	vadd.scan.msk.s32 $0xffff, v3;
	s25 =	simm.s32 @!p0 $0x0;
	s23 =	smov.u32 @p2 s31;
	s8 =	spop (v2sf)  }
0x142: {  	(v2sf) =	vpush v59, $0xF;
	(xrf0) =	vadd.scan.msk.s32 $0xffff, v2;
	s0 =	sadd.s32 s25, s0;
	s23 =	smov.u32 @p0 s2;
	s2 =	sadd.s32 s2, s8  }
0x143: {  	v3 =	vld [tilespmem:s24+$0x10];
	s25 =	simm.s32 $0x1;
	s9 =	spop (v2sf);
	p1 =	slt.s32 s2, s21  }
0x144: {  	(xrf0) =	vadd.scan.msk.s32 $0xffff, v58;
	s14 =	sadd.s32 s9, s2;
	s10 =	spop (v2sf);
	s25 =	simm.s32 @!p1 $0x0  }
0x145: {  	v2 =	vld [tilespmem:s24+$0x20];
	v60, _, _ =	vpop (xrf0);
	s23 =	smov.u32 @p1 s2;
	s2 =	simm.s32 $0x1;
	p0 =	slt.s32 s14, s21  }
0x146: {  	(v2sf) =	vpush v60, $0xF;
	v61, _, _ =	vpop (xrf0);
	s30 =	spop (v2sf);
	s0 =	sadd.s32 s25, s0;
	s25 =	simm.s32 $0x1  }
0x147: {  	v63 =	vld [tilespmem:s24+$0x30];
	(v2sf) =	vpush v61, $0xF;
	v62, _, _ =	vpop (xrf0);
	s26 =	sadd.s32 s10, s14;
	s25 =	simm.s32 @!p0 $0x0;
	s31 =	spop (v2sf)  }
0x148: {  	(xrf0) =	vadd.scan.msk.s32 $0xffff, v3;
	(v2sf) =	vpush v62, $0xF;
	p2 =	slt.s32 s26, s21;
	v3, _, _ =	vpop (xrf0);
	s24 =	sadd.s32 s30, s26;
	s23 =	smov.u32 @p0 s14  }
0x149: {  	s30 =	simm.s32 $0x1;
	s0 =	sadd.s32 s25, s0;
	s2 =	simm.s32 @!p2 $0x0;
	(v2sf) =	vpush v3, $0xF  }
0x14a: {  	(xrf0) =	vadd.scan.msk.s32 $0xffff, v2;
	v2, _, _ =	vpop (xrf0);
	p1 =	slt.s32 s24, s21;
	s25 =	sadd.s32 s31, s24;
	s23 =	smov.u32 @p2 s26  }
0x14b: {  	s26 =	simm.s32 $0x1;
	(v2sf) =	vpush v2, $0xF;
	s0 =	sadd.s32 s2, s0;
	s28 =	simm.s32 @!p1 $0x0  }
0x14c: {  	(xrf0) =	vadd.scan.msk.s32 $0xffff, v63;
	p3 =	slt.s32 s25, s21;
	s23 =	smov.u32 @p1 s24;
	s0 =	sadd.s32 s28, s0  }
0x14d: {  	s26 =	simm.s32 @!p3 $0x0;
	s28 =	simm.s32 $0x1;
	s3 =	spop (v2sf)  }
0x14e: {  	s23 =	smov.u32 @p3 s25;
	s2 =	sadd.s32 s3, s25;
	s4 =	spop (v2sf)  }
0x14f: {  	s0 =	sadd.s32 s26, s0;
	s26 =	simm.s32 $0x1;
	s14 =	sadd.s32 s4, s2  }
0x150: {  	v2, _, _ =	vpop (xrf0);
	s25 =	simm.s32 $0x1;
	p0 =	slt.s32 s2, s21;
	p2 =	slt.s32 s14, s21  }
0x151: {  	(v2sf) =	vpush v2, $0xF;
	v2, _, _ =	vpop (xrf0);
	s30 =	simm.s32 @!p0 $0x0;
	s23 =	smov.u32 @p0 s2;
	s5 =	spop (v2sf)  }
0x152: {  	(v2sf) =	vpush v2, $0xF;
	v2, _, _ =	vpop (xrf0);
	s2 =	simm.s32 $0x1;
	s28 =	simm.s32 @!p2 $0x0;
	s24 =	sadd.s32 s5, s14  }
0x153: {  	s0 =	sadd.s32 s30, s0;
	(v2sf) =	vpush v2, $0xF;
	s23 =	smov.u32 @p2 s14;
	p1 =	slt.s32 s24, s21  }
0x154: {  	s0 =	sadd.s32 s28, s0;
	s28 =	simm.s32 $0x1;
	s2 =	simm.s32 @!p1 $0x0  }
0x155: {  	s23 =	smov.u32 @p1 s24;
	s0 =	sadd.s32 s2, s0;
	s6 =	spop (v2sf)  }
0x156: {  	s2 =	sadd.s32 s24, s6;
	s7 =	spop (v2sf);
	s24 =	simm.s32 $0x1  }
0x157: {  	p0 =	slt.s32 s2, s21;
	s14 =	sadd.s32 s7, s2;
	s8 =	spop (v2sf)  }
0x158: {  	s25 =	simm.s32 @!p0 $0x0;
	p1 =	slt.s32 s14, s21;
	s9 =	spop (v2sf)  }
0x159: {  	s23 =	smov.u32 @p0 s2;
	s2 =	sadd.s32 s8, s14;
	s0 =	sadd.s32 s25, s0  }
0x15a: {  	s26 =	simm.s32 @!p1 $0x0;
	s10 =	spop (v2sf);
	p2 =	slt.s32 s2, s21  }
0x15b: {  	s23 =	smov.u32 @p1 s14;
	s14 =	sadd.s32 s9, s2;
	s0 =	sadd.s32 s26, s0  }
0x15c: {  	s24 =	simm.s32 @!p2 $0x0;
	p0 =	slt.s32 s14, s21;
	s25 =	sadd.s32 s10, s14  }
0x15d: {  	s26 =	simm.s32 $0x1;
	s23 =	smov.u32 @p2 s2;
	s2 =	simm.s32 $0x1  }
0x15e: {  	s0 =	sadd.s32 s24, s0;
	s26 =	simm.s32 @!p0 $0x0;
	p3 =	slt.s32 s25, s21  }
0x15f: {  	s23 =	smov.u32 @p0 s14;
	s0 =	sadd.s32 s26, s0;
	s28 =	simm.s32 @!p3 $0x0  }
0x160: {  	s29 =	spop (v2sf);
	s0 =	sadd.s32 s28, s0;
	s28 =	simm.s32 $0x1  }
0x161: {  	s24 =	sadd.s32 s29, s25;
	s30 =	spop (v2sf);
	s29 =	simm.s32 $0x1  }
0x162: {  	p1 =	slt.s32 s24, s21;
	s26 =	sadd.s32 s30, s24;
	s31 =	spop (v2sf)  }
0x163: {  	p2 =	slt.s32 s26, s21;
	s29 =	simm.s32 @!p1 $0x0;
	s14 =	sadd.s32 s31, s26  }
0x164: {  	s2 =	simm.s32 @!p2 $0x0;
	s0 =	sadd.s32 s29, s0;
	p0 =	slt.s32 s14, s21  }
0x165: {  	s0 =	sadd.s32 s2, s0;
	s28 =	simm.s32 @!p0 $0x0  }
0x166: {  	s23 =	smov.u32 @p3 s25;
	s0 =	sadd.s32 s28, s0  }
0x167: {  	s23 =	smov.u32 @p1 s24;
	s24 =	sshll.u32 s0, $0x4;
	s0 =	simm.s32 $0x100C0  }
0x168: {  	v2 =	vld [tilespmem:s24+$0x10080];
	[tilespmem:s0+$0xFFFFFFC0] =	vst v0  }
0x169: {  	[tilespmem:s0+$0x30] =	vst v0  }
0x16a: {  	[tilespmem:s0+$0x20] =	vst v0  }
0x16b: {  	[tilespmem:s0+$0x10] =	vst v0  }
0x16c: {  	[tilespmem:s0+$0x0] =	vst v0  }
0x16d: {  	s23 =	smov.u32 @p2 s26;
	[tilespmem:s0+$0xFFFFFFF0] =	vst v0  }
0x16e: {  	s25 =	simm.s32 $0x0;
	s23 =	smov.u32 @p0 s14;
	[tilespmem:s0+$0xFFFFFFE0] =	vst v0  }
.LBB2_14:
0x16f: {  	s25 =	sadd.s32 $0x80, s25;
	[tilespmem:s0+$0xFFFFFFD0] =	vst v0;
	s0 =	sadd.s32 $0x80, s0  }
0x170: {  	[tilespmem:s0+$0xFFFFFFC0] =	vst v0;
	p0 =	slt.u32 s25, $0x180  }
0x171: {  	[tilespmem:s0+$0x30] =	vst v0  }
.Ltmp6:
0x172: {  	[tilespmem:s0+$0x20] =	vst v0;
	(pc) =	sbr.rel @p0 .LBB2_14-.Ltmp6, $4  }
0x173: {  	[tilespmem:s0+$0x10] =	vst v0  }
0x174: {  	[tilespmem:s0+$0x0] =	vst v0  }
0x175: {  	[tilespmem:s0+$0xFFFFFFF0] =	vst v0  }
0x176: {  	[tilespmem:s0+$0xFFFFFFE0] =	vst v0  }
0x177: {  	(xrf0) =	vadd.scan.msk.s32 $0xffff, v2;
	_ =	sdelay $0x5  }
0x178: {  	v2, _, _ =	vpop (xrf0)  }
0x179: {  	v2 =	vadd.s32 s23, v2  }
0x17a: {  	vm0 =	vlt.s32 v2, s21  }
0x17b: {  	v3 =	vsel vm0, $0x1, v0  }
0x17c: {  	(xrf0) =	vadd.scan.msk.s32 $0xffff, v3;
	_ =	sdelay $0x5  }
0x17d: {  	v3, _, _ =	vpop (xrf0)  }
0x17e: {  	(v2sf) =	vpush v3, $0xF;
	_ =	sdelay $0x7  }
0x17f: {  	[tilespmem:s0+$0xFFFFFFD0] =	vst v0;
	s31 =	simm.s32 $0x40  }
0x180: {  	v6 =	vld [tilespmem:s31+$0x30]  }
0x181: {  	v5 =	vld [tilespmem:s31+$0xFFFFFFD0]  }
0x182: {  	v7 =	vld [tilespmem:s31+$0xFFFFFFE0]  }
0x183: {  	v9 =	vld [tilespmem:s31+$0xFFFFFFF0]  }
0x184: {  	v11 =	vld [tilespmem:s31+$0x0]  }
0x185: {  	v12 =	vld [tilespmem:s31+$0x10]  }
0x186: {  	v14 =	vld [tilespmem:s31+$0xFFFFFFC0];
	s30 =	spop (v2sf)  }
0x187: {  	s2 =	sshll.u32 s22, $0xB;
	v8 =	vshrl.u32 v6, $0x9;
	v10 =	vshrl.u32 v5, $0x9;
	v13 =	vand.u32 $0x1FF, v5;
	v5 =	vld [tilespmem:s31+$0x20];
	s0 =	sadd.s32 s24, s30  }
0x188: {  	v15 =	vshrl.u32 v7, $0x9;
	v59 =	vshrl.u32 v9, $0x9;
	v6 =	vand.u32 $0x1FF, v6;
	s22 =	sor.u32 s2, s0  }
0x189: {  	v60 =	vshrl.u32 v11, $0x9;
	v8 =	vand.u32 $0x3FFFFF, v8;
	v4 =	vmov s22  }
0x18a: {  	v61 =	vshrl.u32 v12, $0x9;
	v10 =	vand.u32 $0x3FFFFF, v10;
	vm4 =	veq.s32 v8, v4  }
0x18b: {  	v16 =	vshrl.u32 v14, $0x9;
	v9 =	vand.u32 $0x1FF, v9;
	vm7 =	veq.s32 v10, v4  }
0x18c: {  	v63 =	vand.u32 $0x3FFFFF, v16;
	v62 =	vshrl.u32 v5, $0x9;
	v3 =	vmov s21  }
0x18d: {  	v8 =	vand.u32 $0x3FFFFF, v15;
	v10 =	vand.u32 $0x3FFFFF, v59;
	vm5 =	veq.s32 v63, v4  }
0x18e: {  	vm0 =	veq.s32 v8, v4;
	v8 =	vand.u32 $0x3FFFFF, v60;
	vm1 =	veq.s32 v10, v4  }
0x18f: {  	v10 =	vand.u32 $0x3FFFFF, v61;
	vm2 =	veq.s32 v8, v4;
	v8 =	vand.u32 $0x3FFFFF, v62  }
0x190: {  	vm3 =	veq.s32 v10, v4;
	v10 =	vand.u32 $0x1FF, v14;
	vm6 =	veq.s32 v8, v4;
	[tilespmem:v6+s16+$0x0] =	vst.idx.add.s32.msk vm4, v1  }
0x191: {  	s25 =	simm.s32 $0xC0;
	s24 =	simm.s32 $0x0;
	v8 =	vand.u32 $0x1FF, v7;
	v7 =	vand.u32 $0x1FF, v11;
	[tilespmem:v13+s16+$0x0] =	vst.idx.add.s32.msk vm7, v1;
	v6 =	vand.u32 $0x1FF, v12  }
.LBB2_16:
0x192: {  	v11 =	vld [tilespmem:s25+$0x30];
	s24 =	sadd.s32 $0x80, s24;
	v12 =	vand.u32 $0x1FF, v5;
	vm4 =	vmmov vm6  }
0x193: {  	v5 =	vld [tilespmem:s25+$0xFFFFFFD0];
	p0 =	slt.u32 s24, $0x7F80  }
0x194: {  	v13 =	vld [tilespmem:s25+$0xFFFFFFE0]  }
0x195: {  	v14 =	vld [tilespmem:s25+$0xFFFFFFF0]  }
0x196: {  	v15 =	vld [tilespmem:s25+$0x0]  }
0x197: {  	v16 =	vld [tilespmem:s25+$0x10];
	v17 =	vshrl.u32 v11, $0x9  }
0x198: {  	v18 =	vshrl.u32 v5, $0x9;
	v19 =	vand.u32 $0x1FF, v5;
	v5 =	vld [tilespmem:s25+$0x20];
	v17 =	vand.u32 $0x3FFFFF, v17  }
0x199: {  	v20 =	vld [tilespmem:s25+$0xFFFFFFC0];
	v18 =	vand.u32 $0x3FFFFF, v18;
	v21 =	vshrl.u32 v13, $0x9;
	vm7 =	veq.s32 v17, v4  }
0x19a: {  	v11 =	vand.u32 $0x1FF, v11;
	v17 =	vand.u32 $0x3FFFFF, v21;
	v21 =	vshrl.u32 v14, $0x9;
	[tilespmem:v10+s16+$0x0] =	vst.idx.add.s32.msk vm5, v1  }
0x19b: {  	vm8 =	veq.s32 v18, v4;
	v10 =	vand.u32 $0x3FFFFF, v21;
	v18 =	vshrl.u32 v15, $0x9;
	[tilespmem:v8+s16+$0x0] =	vst.idx.add.s32.msk vm0, v1  }
0x19c: {  	vm0 =	veq.s32 v17, v4;
	v8 =	vand.u32 $0x3FFFFF, v18;
	v17 =	vshrl.u32 v16, $0x9;
	[tilespmem:v9+s16+$0x0] =	vst.idx.add.s32.msk vm1, v1  }
.Ltmp7:
0x19d: {  	vm1 =	veq.s32 v10, v4;
	v9 =	vand.u32 $0x3FFFFF, v17;
	v10 =	vshrl.u32 v5, $0x9;
	[tilespmem:v7+s16+$0x0] =	vst.idx.add.s32.msk vm2, v1;
	(pc) =	sbr.rel @p0 .LBB2_16-.Ltmp7, $4  }
0x19e: {  	vm2 =	veq.s32 v8, v4;
	v7 =	vshrl.u32 v20, $0x9;
	v8 =	vand.u32 $0x3FFFFF, v10;
	[tilespmem:v6+s16+$0x0] =	vst.idx.add.s32.msk vm3, v1  }
0x19f: {  	vm3 =	veq.s32 v9, v4;
	v6 =	vand.u32 $0x3FFFFF, v7;
	vm6 =	veq.s32 v8, v4;
	[tilespmem:v11+s16+$0x0] =	vst.idx.add.s32.msk vm7, v1  }
0x1a0: {  	v10 =	vand.u32 $0x1FF, v20;
	v8 =	vand.u32 $0x1FF, v13;
	vm5 =	veq.s32 v6, v4;
	[tilespmem:v12+s16+$0x0] =	vst.idx.add.s32.msk vm4, v1  }
0x1a1: {  	s25 =	sadd.s32 $0x80, s25;
	v9 =	vand.u32 $0x1FF, v14;
	v7 =	vand.u32 $0x1FF, v15;
	v6 =	vand.u32 $0x1FF, v16;
	[tilespmem:v19+s16+$0x0] =	vst.idx.add.s32.msk vm8, v1  }
0x1a2: {  	_ =	sdelay $0x4  }
0x1a3: {  	v4 =	vand.u32 $0x1FF, v5;
	[tilespmem:v10+s16+$0x0] =	vst.idx.add.s32.msk vm5, v1  }
0x1a4: {  	[tilespmem:v8+s16+$0x0] =	vst.idx.add.s32.msk vm0, v1  }
0x1a5: {  	[tilespmem:v9+s16+$0x0] =	vst.idx.add.s32.msk vm1, v1  }
0x1a6: {  	[tilespmem:v7+s16+$0x0] =	vst.idx.add.s32.msk vm2, v1;
	vm15 =	vlt.s32 v2, v3;
	v2 =	vxor.u32 $0x80000000, v2  }
0x1a7: {  	[tilespmem:v6+s16+$0x0] =	vst.idx.add.s32.msk vm3, v1;
	v2 =	vnsel vm15, $0x80000000, v2  }
0x1a8: {  	s0 =	simm.s32 $0x100C0;
	(xrf0) =	vmax.scan.msk.u32 $0xffff, v2;
	[tilespmem:v4+s16+$0x0] =	vst.idx.add.s32.msk vm6, v1  }
0x1a9: {  	v3 =	vld [tilespmem:s0+$0xFFFFFFC0]  }
0x1aa: {  	v2 =	vld [tilespmem:s0+$0xFFFFFFD0]  }
0x1ab: {  	v4 =	vld [tilespmem:s0+$0xFFFFFFE0];
	_ =	sdelay $0x1  }
0x1ac: {  	v5 =	vld [tilespmem:s0+$0xFFFFFFF0]  }
0x1ad: {  	v6, _, _ =	vpop (xrf0);
	(xrf0) =	vadd.scan.msk.s32 $0xffff, v3;
	v3 =	vld [tilespmem:s0+$0x0]  }
0x1ae: {  	(v2sf) =	vpush v6, $0xF;
	(xrf0) =	vadd.scan.msk.s32 $0xffff, v2  }
0x1af: {  	(xrf0) =	vadd.scan.msk.s32 $0xffff, v4  }
0x1b0: {  	v2 =	vld [tilespmem:s0+$0x10]  }
0x1b1: {  	v4 =	vld [tilespmem:s0+$0x20];
	(xrf0) =	vadd.scan.msk.s32 $0xffff, v5  }
0x1b2: {  	(xrf0) =	vadd.scan.msk.s32 $0xffff, v3  }
0x1b3: {  	v3, _, _ =	vpop (xrf0)  }
0x1b4: {  	(v2sf) =	vpush v3, $0xF;
	v3, _, _ =	vpop (xrf0)  }
0x1b5: {  	(v2sf) =	vpush v3, $0xF;
	v3, _, _ =	vpop (xrf0);
	(xrf0) =	vadd.scan.msk.s32 $0xffff, v2  }
0x1b6: {  	(xrf0) =	vadd.scan.msk.s32 $0xffff, v4  }
0x1b7: {  	(v2sf) =	vpush v3, $0xF;
	v2, _, _ =	vpop (xrf0)  }
0x1b8: {  	(v2sf) =	vpush v2, $0xF;
	v2, _, _ =	vpop (xrf0)  }
0x1b9: {  	(v2sf) =	vpush v2, $0xF;
	v2 =	vld [tilespmem:s0+$0x30]  }
0x1ba: {  	s2 =	simm.s32 $0x10140  }
0x1bb: {  	v4 =	vld [tilespmem:s2+$0xFFFFFFC0];
	v3, _, _ =	vpop (xrf0)  }
0x1bc: {  	v5 =	vld [tilespmem:s2+$0xFFFFFFD0];
	(v2sf) =	vpush v3, $0xF;
	v3, _, _ =	vpop (xrf0)  }
0x1bd: {  	s6 =	spop (v2sf);
	(v2sf) =	vpush v3, $0xF;
	v3 =	vld [tilespmem:s2+$0xFFFFFFE0]  }
0x1be: {  	v6 =	vld [tilespmem:s2+$0xFFFFFFF0];
	(xrf0) =	vadd.scan.msk.s32 $0xffff, v2  }
0x1bf: {  	v2 =	vld [tilespmem:s2+$0x0]  }
0x1c0: {  	(xrf0) =	vadd.scan.msk.s32 $0xffff, v4  }
0x1c1: {  	(xrf0) =	vadd.scan.msk.s32 $0xffff, v5  }
0x1c2: {  	(xrf0) =	vadd.scan.msk.s32 $0xffff, v3  }
0x1c3: {  	s25 =	simm.s32 $0x100;
	s0 =	sxor.u32 $0x80000000, s6;
	(xrf0) =	vadd.scan.msk.s32 $0xffff, v6  }
0x1c4: {  	s24 =	simm.s32 $0x101C0;
	s28 =	simm.s32 $0x1;
	p0 =	sgt.s32 s23, s0;
	v4 =	vld [tilespmem:s2+$0x10];
	(xrf0) =	vadd.scan.msk.s32 $0xffff, v2;
	v2, _, _ =	vpop (xrf0)  }
0x1c5: {  	s30 =	simm.s32 $0x1;
	s0 =	smov.u32 @p0 s23;
	v5 =	vld [tilespmem:s2+$0x20];
	s7 =	spop (v2sf);
	(v2sf) =	vpush v2, $0xF  }
0x1c6: {  	s21 =	ssub.s32 s21, s0;
	s0 =	sadd.s32 $0x0, s7;
	s14 =	spop (v2sf)  }
0x1c7: {  	s23 =	simm.s32 $0x0;
	p1 =	slt.s32 s0, s21;
	s14 =	sadd.s32 s14, s0  }
0x1c8: {  	s26 =	spop (v2sf);
	s28 =	simm.s32 @!p1 $0x0;
	p0 =	slt.s32 s14, s21  }
0x1c9: {  	(xrf0) =	vadd.scan.msk.s32 $0xffff, v4;
	v2, _, _ =	vpop (xrf0);
	s31 =	spop (v2sf);
	s23 =	smov.u32 @p1 s0;
	s29 =	sadd.s32 s26, s14  }
0x1ca: {  	v6 =	vld [tilespmem:s2+$0x30];
	(xrf0) =	vadd.scan.msk.s32 $0xffff, v5;
	v3, _, _ =	vpop (xrf0);
	s0 =	simm.s32 $0x1;
	s28 =	sadd.s32 $0x0, s28;
	s8 =	spop (v2sf);
	(v2sf) =	vpush v2, $0xF  }
0x1cb: {  	s30 =	simm.s32 @!p0 $0x0;
	p2 =	slt.s32 s29, s21;
	s23 =	smov.u32 @p0 s14;
	(v2sf) =	vpush v3, $0xF  }
0x1cc: {  	s26 =	sadd.s32 s31, s29;
	s9 =	sadd.s32 s30, s28;
	s30 =	simm.s32 $0x1;
	v2, _, _ =	vpop (xrf0)  }
0x1cd: {  	v4 =	vld [tilespmem:s24+$0xFFFFFFE0];
	p0 =	slt.s32 s26, s21;
	s30 =	simm.s32 @!p2 $0x0;
	v3, _, _ =	vpop (xrf0);
	s28 =	sadd.s32 s8, s26;
	(v2sf) =	vpush v2, $0xF  }
0x1ce: {  	v5 =	vld [tilespmem:s24+$0xFFFFFFD0];
	s0 =	simm.s32 @!p0 $0x0;
	s2 =	sadd.s32 s30, s9;
	(v2sf) =	vpush v3, $0xF;
	v3, _, _ =	vpop (xrf0);
	s10 =	spop (v2sf)  }
0x1cf: {  	v2 =	vld [tilespmem:s24+$0xFFFFFFC0];
	p4 =	slt.s32 s28, s21;
	(v2sf) =	vpush v3, $0xF;
	v7, _, _ =	vpop (xrf0);
	s30 =	sadd.s32 s10, s28;
	s14 =	spop (v2sf);
	(xrf0) =	vadd.scan.msk.s32 $0xffff, v6  }
0x1d0: {  	vm4 =	vmmov vm6;
	s0 =	sadd.s32 s0, s2;
	v3 =	vld [tilespmem:s24+$0xFFFFFFF0];
	(v2sf) =	vpush v7, $0xF;
	v6, _, _ =	vpop (xrf0);
	p3 =	slt.s32 s30, s21;
	s31 =	sadd.s32 s14, s30  }
.LBB2_18:
0x1d1: {  	s23 =	smov.u32 @p2 s29;
	s2 =	simm.s32 $0x1;
	p1 =	slt.s32 s31, s21  }
0x1d2: {  	s14 =	smov.u32 s24;
	s2 =	simm.s32 @!p4 $0x0;
	s23 =	smov.u32 @p0 s26  }
0x1d3: {  	v7 =	vld [tilespmem:s24+$0x0];
	(v2sf) =	vpush v6, $0xF;
	s26 =	simm.s32 $0x1;
	s0 =	sadd.s32 s2, s0;
	s2 =	simm.s32 $0x1  }
0x1d4: {  	(xrf0) =	vadd.scan.msk.s32 $0xffff, v2;
	s29 =	spop (v2sf);
	s26 =	simm.s32 @!p3 $0x0;
	s2 =	simm.s32 @!p1 $0x0  }
0x1d5: {  	s23 =	smov.u32 @p4 s28;
	s29 =	sadd.s32 s29, s31;
	s0 =	sadd.s32 s26, s0;
	(xrf0) =	vadd.scan.msk.s32 $0xffff, v5;
	v2, _, _ =	vpop (xrf0)  }
0x1d6: {  	p0 =	slt.s32 s29, s21;
	s0 =	sadd.s32 s2, s0;
	s2 =	simm.s32 $0x1;
	(xrf0) =	vadd.scan.msk.s32 $0xffff, v4;
	(v2sf) =	vpush v2, $0xF  }
0x1d7: {  	s23 =	smov.u32 @p3 s30;
	s2 =	simm.s32 @!p0 $0x0;
	v2 =	vld [tilespmem:s24+$0x10];
	(xrf0) =	vadd.scan.msk.s32 $0xffff, v3  }
0x1d8: {  	s25 =	sadd.s32 $0x80, s25;
	s23 =	smov.u32 @p1 s31;
	s0 =	sadd.s32 s2, s0;
	v3 =	vld [tilespmem:s24+$0x20];
	(xrf0) =	vadd.scan.msk.s32 $0xffff, v7  }
0x1d9: {  	p1 =	slt.u32 s25, $0x180;
	s23 =	smov.u32 @p0 s29;
	s2 =	spop (v2sf)  }
0x1da: {  	s24 =	sadd.s32 $0x80, s24;
	v4, _, _ =	vpop (xrf0);
	s2 =	sadd.s32 s29, s2;
	s26 =	spop (v2sf)  }
0x1db: {  	s28 =	simm.s32 $0x1;
	v5 =	vld [tilespmem:s14+$0x30];
	p0 =	slt.s32 s2, s21;
	s14 =	sadd.s32 s26, s2  }
0x1dc: {  	(v2sf) =	vpush v4, $0xF;
	v4, _, _ =	vpop (xrf0);
	s26 =	spop (v2sf);
	s28 =	simm.s32 @!p0 $0x0;
	p2 =	slt.s32 s14, s21  }
0x1dd: {  	s30 =	spop (v2sf);
	s23 =	smov.u32 @p0 s2;
	s29 =	sadd.s32 s26, s14  }
0x1de: {  	(v2sf) =	vpush v4, $0xF;
	v4, _, _ =	vpop (xrf0);
	(xrf0) =	vadd.scan.msk.s32 $0xffff, v2;
	s2 =	simm.s32 $0x1;
	s0 =	sadd.s32 s28, s0;
	s28 =	simm.s32 $0x1  }
0x1df: {  	(v2sf) =	vpush v4, $0xF;
	v2, _, _ =	vpop (xrf0);
	(xrf0) =	vadd.scan.msk.s32 $0xffff, v3;
	s31 =	spop (v2sf);
	s23 =	smov.u32 @p2 s14;
	s28 =	simm.s32 @!p2 $0x0  }
0x1e0: {  	s26 =	sadd.s32 s30, s29;
	p2 =	slt.s32 s29, s21;
	(v2sf) =	vpush v2, $0xF;
	v2, _, _ =	vpop (xrf0);
	s0 =	sadd.s32 s28, s0  }
.Ltmp8:
0x1e1: {  	p0 =	slt.s32 s26, s21;
	s2 =	simm.s32 @!p2 $0x0;
	(v2sf) =	vpush v2, $0xF;
	(pc) =	sbr.rel @p1 .LBB2_18-.Ltmp8, $4  }
0x1e2: {  	s28 =	sadd.s32 s31, s26;
	s0 =	sadd.s32 s2, s0;
	s2 =	simm.s32 $0x1;
	v2 =	vld [tilespmem:s24+$0xFFFFFFC0];
	(xrf0) =	vadd.scan.msk.s32 $0xffff, v5  }
0x1e3: {  	s2 =	simm.s32 @!p0 $0x0;
	v5 =	vld [tilespmem:s24+$0xFFFFFFD0];
	s14 =	spop (v2sf)  }
0x1e4: {  	s0 =	sadd.s32 s2, s0;
	v4 =	vld [tilespmem:s24+$0xFFFFFFE0];
	v6, _, _ =	vpop (xrf0);
	s30 =	sadd.s32 s14, s28;
	s2 =	spop (v2sf)  }
0x1e5: {  	p4 =	slt.s32 s28, s21;
	v3 =	vld [tilespmem:s24+$0xFFFFFFF0];
	(v2sf) =	vpush v6, $0xF;
	v6, _, _ =	vpop (xrf0);
	p3 =	slt.s32 s30, s21;
	s31 =	sadd.s32 s2, s30  }
0x1e6: {  	s23 =	smov.u32 @p2 s29;
	s2 =	simm.s32 $0x1;
	p1 =	slt.s32 s31, s21  }
0x1e7: {  	s14 =	simm.s32 $0x1;
	s25 =	spop (v2sf);
	s29 =	simm.s32 $0x1  }
0x1e8: {  	s2 =	simm.s32 @!p4 $0x0;
	s14 =	simm.s32 @!p1 $0x0;
	s23 =	smov.u32 @p0 s26  }
0x1e9: {  	s29 =	simm.s32 @!p3 $0x0;
	s0 =	sadd.s32 s2, s0;
	s2 =	sadd.s32 s25, s31  }
0x1ea: {  	(v2sf) =	vpush v6, $0xF;
	s23 =	smov.u32 @p4 s28;
	s25 =	simm.s32 $0x1;
	s28 =	simm.s32 $0x1  }
0x1eb: {  	s0 =	sadd.s32 s29, s0;
	p0 =	slt.s32 s2, s21;
	s23 =	smov.u32 @p3 s30  }
0x1ec: {  	v7 =	vld [tilespmem:s24+$0x0];
	s0 =	sadd.s32 s14, s0;
	s25 =	simm.s32 @!p0 $0x0;
	s23 =	smov.u32 @p1 s31  }
0x1ed: {  	v62 =	vld [tilespmem:s24+$0x10];
	(xrf0) =	vadd.scan.msk.s32 $0xffff, v2;
	s31 =	simm.s32 $0x1;
	s5 =	spop (v2sf);
	s0 =	sadd.s32 s25, s0  }
0x1ee: {  	v63 =	vld [tilespmem:s24+$0x30];
	(xrf0) =	vadd.scan.msk.s32 $0xffff, v5;
	v2, _, _ =	vpop (xrf0);
	s23 =	smov.u32 @p0 s2;
	s14 =	sadd.s32 s2, s5;
	s6 =	spop (v2sf)  }
0x1ef: {  	(xrf0) =	vadd.scan.msk.s32 $0xffff, v4;
	(v2sf) =	vpush v2, $0xF;
	v2 =	vld [tilespmem:s24+$0x20];
	s25 =	simm.s32 $0x1;
	p0 =	slt.s32 s14, s21;
	s24 =	sadd.s32 s6, s14  }
0x1f0: {  	(xrf0) =	vadd.scan.msk.s32 $0xffff, v3;
	s7 =	spop (v2sf);
	s25 =	simm.s32 @!p0 $0x0;
	s23 =	smov.u32 @p0 s14  }
0x1f1: {  	s14 =	simm.s32 $0x1;
	p1 =	slt.s32 s24, s21;
	s8 =	spop (v2sf)  }
0x1f2: {  	(xrf0) =	vadd.scan.msk.s32 $0xffff, v7;
	s0 =	sadd.s32 s25, s0;
	s25 =	sadd.s32 s7, s24;
	s3 =	simm.s32 @!p1 $0x0  }
0x1f3: {  	v3, _, _ =	vpop (xrf0);
	s28 =	simm.s32 @!p1 $0x0;
	s9 =	spop (v2sf);
	p0 =	slt.s32 s25, s21  }
0x1f4: {  	(v2sf) =	vpush v3, $0xF;
	v3, _, _ =	vpop (xrf0);
	s26 =	sadd.s32 s8, s25;
	s3 =	simm.s32 @p1 $0x1;
	s2 =	simm.s32 @!p0 $0x0  }
0x1f5: {  	(v2sf) =	vpush v3, $0xF;
	v3, _, _ =	vpop (xrf0);
	s0 =	sadd.s32 s28, s0;
	[smem:$0x7F5] =	sst s3;
	s2 =	simm.s32 @p0 $0x1  }
0x1f6: {  	(xrf0) =	vadd.scan.msk.s32 $0xffff, v62;
	(v2sf) =	vpush v3, $0xF;
	v3, _, _ =	vpop (xrf0);
	s28 =	sadd.s32 s9, s26;
	[smem:$0x7F6] =	sst s2;
	s2 =	simm.s32 $0x1  }
0x1f7: {  	(v2sf) =	vpush v3, $0xF;
	s2 =	simm.s32 @!p0 $0x0;
	p0 =	slt.s32 s26, s21;
	s10 =	spop (v2sf)  }
0x1f8: {  	(xrf0) =	vadd.scan.msk.s32 $0xffff, v2;
	v2, _, _ =	vpop (xrf0);
	s3 =	simm.s32 @!p0 $0x0;
	s0 =	sadd.s32 s2, s0;
	s14 =	simm.s32 @!p0 $0x0  }
0x1f9: {  	(v2sf) =	vpush v2, $0xF;
	s29 =	sadd.s32 s10, s28;
	s30 =	spop (v2sf);
	s3 =	simm.s32 @p0 $0x1  }
0x1fa: {  	p0 =	slt.s32 s28, s21;
	s0 =	sadd.s32 s14, s0;
	s30 =	sadd.s32 s30, s29  }
0x1fb: {  	(xrf0) =	vadd.scan.msk.s32 $0xffff, v63;
	p1 =	slt.s32 s29, s21;
	[smem:$0x7F7] =	sst s3;
	s3 =	simm.s32 @!p0 $0x0  }
0x1fc: {  	v2, _, _ =	vpop (xrf0);
	s31 =	simm.s32 @!p0 $0x0;
	s2 =	simm.s32 @!p1 $0x0;
	s3 =	simm.s32 @p0 $0x1  }
0x1fd: {  	(v2sf) =	vpush v2, $0xF;
	s2 =	simm.s32 @p1 $0x1;
	p0 =	slt.s32 s30, s21;
	s0 =	sadd.s32 s31, s0  }
0x1fe: {  	s4 =	spop (v2sf);
	[smem:$0x7F9] =	sst s2;
	s2 =	simm.s32 @!p0 $0x0  }
0x1ff: {  	[smem:$0x7F8] =	sst s3;
	s3 =	simm.s32 $0x1;
	s2 =	simm.s32 @p0 $0x1  }
0x200: {  	v2, _, _ =	vpop (xrf0);
	s31 =	sadd.s32 s4, s30;
	[smem:$0x7FA] =	sst s2;
	s2 =	simm.s32 $0x1  }
0x201: {  	(v2sf) =	vpush v2, $0xF;
	v2, _, _ =	vpop (xrf0);
	s3 =	simm.s32 @!p1 $0x0;
	s2 =	simm.s32 @!p0 $0x0;
	p0 =	slt.s32 s31, s21  }
0x202: {  	(v2sf) =	vpush v2, $0xF;
	s4 =	simm.s32 $0x1;
	s0 =	sadd.s32 s3, s0;
	s3 =	simm.s32 @!p0 $0x0  }
0x203: {  	s0 =	sadd.s32 s2, s0;
	s5 =	spop (v2sf);
	s3 =	simm.s32 @p0 $0x1  }
0x204: {  	s6 =	spop (v2sf);
	[smem:$0x7FB] =	sst s3;
	s3 =	simm.s32 $0x1  }
0x205: {  	s2 =	sadd.s32 s31, s5;
	s7 =	spop (v2sf);
	s3 =	simm.s32 @!p0 $0x0  }
0x206: {  	p0 =	slt.s32 s2, s21;
	s8 =	spop (v2sf);
	s0 =	sadd.s32 s3, s0  }
0x207: {  	s5 =	simm.s32 @!p0 $0x0;
	s3 =	sadd.s32 s6, s2;
	s4 =	simm.s32 @!p0 $0x0  }
0x208: {  	s9 =	spop (v2sf);
	s5 =	simm.s32 @p0 $0x1;
	s0 =	sadd.s32 s4, s0  }
0x209: {  	s4 =	simm.s32 $0x1;
	p0 =	slt.s32 s3, s21;
	s14 =	sadd.s32 s7, s3  }
0x20a: {  	s7 =	simm.s32 $0x1;
	[smem:$0x7FC] =	sst s5;
	s6 =	simm.s32 @!p0 $0x0  }
0x20b: {  	s4 =	simm.s32 @!p0 $0x0;
	s5 =	sadd.s32 s8, s14;
	p5 =	slt.s32 s14, s21  }
0x20c: {  	s8 =	spop (v2sf);
	s6 =	simm.s32 @p0 $0x1;
	s0 =	sadd.s32 s4, s0  }
0x20d: {  	s7 =	simm.s32 @!p5 $0x0;
	s4 =	sadd.s32 s9, s5;
	p4 =	slt.s32 s5, s21  }
0x20e: {  	s9 =	simm.s32 $0x1;
	[smem:$0x7FD] =	sst s6;
	s6 =	simm.s32 $0x1  }
0x20f: {  	s0 =	sadd.s32 s7, s0;
	p3 =	slt.s32 s4, s21;
	s6 =	simm.s32 @!p4 $0x0  }
0x210: {  	s10 =	spop (v2sf);
	s9 =	simm.s32 @!p3 $0x0;
	s0 =	sadd.s32 s6, s0  }
0x211: {  	s0 =	sadd.s32 s9, s0;
	s9 =	spop (v2sf);
	[smem:$0x7F4] =	sst s1  }
0x212: {  	s1 =	sld [smem:$0x7F5];
	_ =	sdelay $0x2  }
0x213: {  	p6 =	seq.s32 s1, $0x1;
	s1 =	sld [smem:$0x7F4]  }
0x214: {  	s23 =	smov.u32 @p6 s24;
	s24 =	sld [smem:$0x7F6];
	_ =	sdelay $0x2  }
0x215: {  	p6 =	seq.s32 s24, $0x1  }
0x216: {  	s23 =	smov.u32 @p6 s25;
	s25 =	sld [smem:$0x7F7]  }
0x217: {  	s7 =	sadd.s32 s8, s4  }
0x218: {  	s8 =	simm.s32 $0x1;
	p1 =	slt.s32 s7, s21  }
0x219: {  	s6 =	sadd.s32 s10, s7;
	s10 =	simm.s32 $0x1;
	p6 =	seq.s32 s25, $0x1  }
0x21a: {  	p2 =	slt.s32 s6, s21;
	s23 =	smov.u32 @p6 s26;
	s26 =	sld [smem:$0x7F8]  }
0x21b: {  	s10 =	simm.s32 @!p1 $0x0;
	s8 =	simm.s32 @!p2 $0x0  }
0x21c: {  	s9 =	sadd.s32 s9, s6;
	s0 =	sadd.s32 s10, s0;
	s10 =	simm.s32 $0x1  }
0x21d: {  	p0 =	slt.s32 s9, s21;
	s0 =	sadd.s32 s8, s0;
	p6 =	seq.s32 s26, $0x1  }
0x21e: {  	s10 =	simm.s32 @!p0 $0x0;
	s23 =	smov.u32 @p6 s28;
	s28 =	sld [smem:$0x7F9]  }
0x21f: {  	s0 =	sadd.s32 s10, s0;
	s10 =	sld [smem:$0x7FA]  }
0x220: {  	s0 =	sshll.u32 s0, $0x4;
	s24 =	sld [smem:$0x7FB]  }
0x221: {  	v2 =	vld [tilespmem:s0+$0x10080];
	s25 =	sld [smem:$0x7FC];
	p6 =	seq.s32 s28, $0x1  }
0x222: {  	s26 =	sld [smem:$0x7FD];
	s23 =	smov.u32 @p6 s29;
	p6 =	seq.s32 s10, $0x1  }
0x223: {  	s23 =	smov.u32 @p6 s30;
	p6 =	seq.s32 s24, $0x1  }
0x224: {  	s23 =	smov.u32 @p6 s31;
	p6 =	seq.s32 s25, $0x1  }
0x225: {  	s23 =	smov.u32 @p6 s2;
	p6 =	seq.s32 s26, $0x1  }
0x226: {  	(xrf0) =	vadd.scan.msk.s32 $0xffff, v2;
	s23 =	smov.u32 @p6 s3  }
0x227: {  	s23 =	smov.u32 @p5 s14  }
0x228: {  	s23 =	smov.u32 @p4 s5  }
0x229: {  	s23 =	smov.u32 @p3 s4  }
0x22a: {  	s23 =	smov.u32 @p1 s7  }
0x22b: {  	s23 =	smov.u32 @p2 s6  }
0x22c: {  	v2, _, _ =	vpop (xrf0);
	s23 =	smov.u32 @p0 s9  }
0x22d: {  	v2 =	vadd.s32 s23, v2  }
0x22e: {  	vm0 =	vlt.s32 v2, s21  }
0x22f: {  	v2 =	vsel vm0, $0x1, v0  }
0x230: {  	(xrf0) =	vadd.scan.msk.s32 $0xffff, v2;
	_ =	sdelay $0x5  }
0x231: {  	v2, _, _ =	vpop (xrf0)  }
0x232: {  	(v2sf) =	vpush v2, $0xF;
	_ =	sdelay $0xe  }
0x233: {  	s28 =	spop (v2sf)  }
0x234: {  	s29 =	sshll.u32 s22, $0x9;
	s0 =	sadd.s32 s0, s28  }
0x235: {  	s30 =	rddreg [dreg:$0x5];
	s0 =	sor.u32 s29, s0  }
0x236: {  	[tilespmem:s1], [sflag:$0x1] =	stream.strided.gather [hbm4b:s30+s12], $0x8000, s13, s12, $0x38;
	v2 =	vmov s0;
	[tilespmem:$0x10880] =	vst v63  }
0x237: {  	s31 =	rddreg [dreg:$0x6];
	[tilespmem:$0x10000] =	vst v2  }
0x238: {  	[hbm4b:s31+s1] =	stream.linear.scatter [tilespmem:s17], [sflag:$0x3], $0x80, $0x38;
	[tilespmem:$0x10880] =	vst v63  }
0x239: {  	_ =	swait.ge [sflag:s18], $0x80  }
0x23a: {  	[sflag:s18] =	ssyncset.done $0x0  }
0x23b: {  	[sflag:s18] =	ssyncadd.s32 $0xFFFFFF80  }
0x23c: {  	_ =	swait.ge [sflag:s19], $0x8000  }
0x23d: {  	[sflag:s19] =	ssyncset.done $0x0  }
0x23e: {  	s21 =	simm.s32 $0x100C0;
	[sflag:s19] =	ssyncadd.s32 $0xFFFF8000  }
0x23f: {  	[tilespmem:s21+$0xFFFFFFC0] =	vst v0  }
0x240: {  	[tilespmem:s21+$0x30] =	vst v0  }
0x241: {  	[tilespmem:s21+$0x20] =	vst v0  }
0x242: {  	[tilespmem:s21+$0x10] =	vst v0  }
0x243: {  	[tilespmem:s21+$0x0] =	vst v0  }
0x244: {  	[tilespmem:s21+$0xFFFFFFF0] =	vst v0  }
0x245: {  	s22 =	simm.s32 $0x0;
	[tilespmem:s21+$0xFFFFFFE0] =	vst v0  }
.LBB2_20:
0x246: {  	s22 =	sadd.s32 $0x80, s22;
	[tilespmem:s21+$0xFFFFFFD0] =	vst v0;
	s21 =	sadd.s32 $0x80, s21;
	s0 =	simm.s32 $0x8040  }
0x247: {  	[tilespmem:s21+$0xFFFFFFC0] =	vst v0;
	p0 =	slt.u32 s22, $0x780  }
0x248: {  	[tilespmem:s21+$0x30] =	vst v0  }
.Ltmp9:
0x249: {  	[tilespmem:s21+$0x20] =	vst v0;
	(pc) =	sbr.rel @p0 .LBB2_20-.Ltmp9, $4  }
0x24a: {  	[tilespmem:s21+$0x10] =	vst v0  }
0x24b: {  	[tilespmem:s21+$0x0] =	vst v0  }
0x24c: {  	[tilespmem:s21+$0xFFFFFFF0] =	vst v0  }
0x24d: {  	[tilespmem:s21+$0xFFFFFFE0] =	vst v0  }
0x24e: {  	[tilespmem:s21+$0xFFFFFFD0] =	vst v0  }
0x24f: {  	v2 =	vld [tilespmem:s0+$0x30]  }
0x250: {  	v3 =	vld [tilespmem:s0+$0xFFFFFFD0]  }
0x251: {  	v4 =	vld [tilespmem:s0+$0xFFFFFFE0]  }
0x252: {  	v5 =	vld [tilespmem:s0+$0xFFFFFFF0]  }
0x253: {  	v6 =	vld [tilespmem:s0+$0x0]  }
0x254: {  	v2 =	vshrl.u32 v2, $0x14  }
0x255: {  	v3 =	vshrl.u32 v3, $0x14;
	v2 =	vand.u32 $0x7FF, v2  }
0x256: {  	v7 =	vld [tilespmem:s0+$0x10];
	v4 =	vshrl.u32 v4, $0x14;
	v3 =	vand.u32 $0x7FF, v3  }
0x257: {  	v8 =	vld [tilespmem:s0+$0x20];
	v5 =	vshrl.u32 v5, $0x14;
	v4 =	vand.u32 $0x7FF, v4  }
0x258: {  	v9 =	vld [tilespmem:s0+$0xFFFFFFC0];
	v6 =	vshrl.u32 v6, $0x14;
	v5 =	vand.u32 $0x7FF, v5  }
0x259: {  	v6 =	vand.u32 $0x7FF, v6  }
0x25a: {  	[tilespmem:v2+s16+$0x0] =	vst.idx.add.s32.msk $0xffff, v1  }
0x25b: {  	[tilespmem:v3+s16+$0x0] =	vst.idx.add.s32.msk $0xffff, v1  }
0x25c: {  	[tilespmem:v4+s16+$0x0] =	vst.idx.add.s32.msk $0xffff, v1  }
0x25d: {  	v2 =	vshrl.u32 v7, $0x14;
	v3 =	vshrl.u32 v8, $0x14;
	v4 =	vshrl.u32 v9, $0x14;
	[tilespmem:v5+s16+$0x0] =	vst.idx.add.s32.msk $0xffff, v1  }
0x25e: {  	s22 =	simm.s32 $0x0;
	s23 =	simm.s32 $0x80C0;
	[tilespmem:v6+s16+$0x0] =	vst.idx.add.s32.msk $0xffff, v1;
	v2 =	vand.u32 $0x7FF, v2;
	v3 =	vand.u32 $0x7FF, v3;
	v4 =	vand.u32 $0x7FF, v4  }
.LBB2_22:
0x25f: {  	v5 =	vld [tilespmem:s23+$0x30];
	s22 =	sadd.s32 $0x80, s22  }
0x260: {  	v6 =	vld [tilespmem:s23+$0xFFFFFFD0];
	p0 =	slt.u32 s22, $0x7F80  }
0x261: {  	v7 =	vld [tilespmem:s23+$0xFFFFFFE0]  }
0x262: {  	v8 =	vld [tilespmem:s23+$0xFFFFFFF0]  }
0x263: {  	v9 =	vld [tilespmem:s23+$0x0]  }
0x264: {  	v10 =	vld [tilespmem:s23+$0x10];
	v5 =	vshrl.u32 v5, $0x14  }
0x265: {  	v6 =	vshrl.u32 v6, $0x14;
	v11 =	vld [tilespmem:s23+$0x20];
	v5 =	vand.u32 $0x7FF, v5  }
0x266: {  	v12 =	vld [tilespmem:s23+$0xFFFFFFC0];
	v6 =	vand.u32 $0x7FF, v6;
	v7 =	vshrl.u32 v7, $0x14  }
0x267: {  	v7 =	vand.u32 $0x7FF, v7;
	v8 =	vshrl.u32 v8, $0x14;
	[tilespmem:v4+s16+$0x0] =	vst.idx.add.s32.msk $0xffff, v1  }
0x268: {  	v8 =	vand.u32 $0x7FF, v8;
	v4 =	vshrl.u32 v9, $0x14;
	[tilespmem:v2+s16+$0x0] =	vst.idx.add.s32.msk $0xffff, v1  }
0x269: {  	v9 =	vand.u32 $0x7FF, v4;
	v2 =	vshrl.u32 v10, $0x14;
	[tilespmem:v3+s16+$0x0] =	vst.idx.add.s32.msk $0xffff, v1  }
.Ltmp10:
0x26a: {  	s21 =	simm.s32 $0x0;
	s0 =	simm.s32 $0x100C0;
	v2 =	vand.u32 $0x7FF, v2;
	v3 =	vshrl.u32 v11, $0x14;
	[tilespmem:v5+s16+$0x0] =	vst.idx.add.s32.msk $0xffff, v1;
	(pc) =	sbr.rel @p0 .LBB2_22-.Ltmp10, $4  }
0x26b: {  	v4 =	vshrl.u32 v12, $0x14;
	[tilespmem:v6+s16+$0x0] =	vst.idx.add.s32.msk $0xffff, v1;
	v3 =	vand.u32 $0x7FF, v3  }
0x26c: {  	v4 =	vand.u32 $0x7FF, v4;
	[tilespmem:v7+s16+$0x0] =	vst.idx.add.s32.msk $0xffff, v1  }
0x26d: {  	[tilespmem:v8+s16+$0x0] =	vst.idx.add.s32.msk $0xffff, v1  }
0x26e: {  	s23 =	sadd.s32 $0x80, s23;
	[tilespmem:v9+s16+$0x0] =	vst.idx.add.s32.msk $0xffff, v1  }
0x26f: {  	_ =	sdelay $0x3  }
0x270: {  	[tilespmem:v4+s16+$0x0] =	vst.idx.add.s32.msk $0xffff, v1  }
0x271: {  	[tilespmem:v2+s16+$0x0] =	vst.idx.add.s32.msk $0xffff, v1  }
0x272: {  	[tilespmem:v3+s16+$0x0] =	vst.idx.add.s32.msk $0xffff, v1  }
0x273: {  	v2 =	vld [tilespmem:s0+$0xFFFFFFC0]  }
0x274: {  	v3 =	vld [tilespmem:s0+$0xFFFFFFD0]  }
0x275: {  	v4 =	vld [tilespmem:s0+$0xFFFFFFE0];
	_ =	sdelay $0x1  }
0x276: {  	v5 =	vld [tilespmem:s0+$0xFFFFFFF0]  }
0x277: {  	(xrf0) =	vadd.scan.msk.s32 $0xffff, v2;
	v2 =	vld [tilespmem:s0+$0x0]  }
0x278: {  	(xrf0) =	vadd.scan.msk.s32 $0xffff, v3  }
0x279: {  	(xrf0) =	vadd.scan.msk.s32 $0xffff, v4  }
0x27a: {  	v3 =	vld [tilespmem:s0+$0x10]  }
0x27b: {  	v4 =	vld [tilespmem:s0+$0x20];
	(xrf0) =	vadd.scan.msk.s32 $0xffff, v5  }
0x27c: {  	(xrf0) =	vadd.scan.msk.s32 $0xffff, v2  }
0x27d: {  	v2, _, _ =	vpop (xrf0)  }
0x27e: {  	(v2sf) =	vpush v2, $0xF;
	v2, _, _ =	vpop (xrf0)  }
0x27f: {  	(v2sf) =	vpush v2, $0xF;
	v2, _, _ =	vpop (xrf0);
	(xrf0) =	vadd.scan.msk.s32 $0xffff, v3  }
0x280: {  	(xrf0) =	vadd.scan.msk.s32 $0xffff, v4  }
0x281: {  	(v2sf) =	vpush v2, $0xF;
	v2, _, _ =	vpop (xrf0)  }
0x282: {  	(v2sf) =	vpush v2, $0xF;
	v2, _, _ =	vpop (xrf0)  }
0x283: {  	(v2sf) =	vpush v2, $0xF;
	v2 =	vld [tilespmem:s0+$0x30]  }
0x284: {  	s2 =	simm.s32 $0x10140  }
0x285: {  	v4 =	vld [tilespmem:s2+$0xFFFFFFC0];
	v3, _, _ =	vpop (xrf0)  }
0x286: {  	v5 =	vld [tilespmem:s2+$0xFFFFFFD0];
	(v2sf) =	vpush v3, $0xF;
	v3, _, _ =	vpop (xrf0)  }
0x287: {  	(v2sf) =	vpush v3, $0xF;
	v3 =	vld [tilespmem:s2+$0xFFFFFFE0]  }
0x288: {  	v6 =	vld [tilespmem:s2+$0xFFFFFFF0];
	(xrf0) =	vadd.scan.msk.s32 $0xffff, v2  }
0x289: {  	v2 =	vld [tilespmem:s2+$0x0]  }
0x28a: {  	(xrf0) =	vadd.scan.msk.s32 $0xffff, v4  }
0x28b: {  	(xrf0) =	vadd.scan.msk.s32 $0xffff, v5  }
0x28c: {  	(xrf0) =	vadd.scan.msk.s32 $0xffff, v3  }
0x28d: {  	(xrf0) =	vadd.scan.msk.s32 $0xffff, v6  }
0x28e: {  	v4 =	vld [tilespmem:s2+$0x10];
	(xrf0) =	vadd.scan.msk.s32 $0xffff, v2;
	v2, _, _ =	vpop (xrf0)  }
0x28f: {  	s23 =	simm.s32 $0x100;
	s22 =	simm.s32 $0x101C0;
	v5 =	vld [tilespmem:s2+$0x20];
	s9 =	spop (v2sf);
	(v2sf) =	vpush v2, $0xF  }
0x290: {  	s5 =	simm.s32 $0x1;
	s0 =	sadd.s32 $0x0, s9;
	s3 =	spop (v2sf)  }
0x291: {  	s6 =	simm.s32 $0x1;
	p1 =	slt.s32 s0, $0x4000;
	s3 =	sadd.s32 s3, s0  }
0x292: {  	s4 =	spop (v2sf);
	s5 =	simm.s32 @!p1 $0x0;
	p0 =	slt.s32 s3, $0x4000  }
0x293: {  	(xrf0) =	vadd.scan.msk.s32 $0xffff, v4;
	v2, _, _ =	vpop (xrf0);
	s7 =	spop (v2sf);
	s21 =	smov.u32 @p1 s0;
	s26 =	sadd.s32 s4, s3  }
0x294: {  	v6 =	vld [tilespmem:s2+$0x30];
	(xrf0) =	vadd.scan.msk.s32 $0xffff, v5;
	v3, _, _ =	vpop (xrf0);
	(v2sf) =	vpush v2, $0xF;
	s4 =	simm.s32 $0x1;
	s0 =	simm.s32 $0x1;
	s5 =	sadd.s32 $0x0, s5  }
0x295: {  	s6 =	simm.s32 @!p0 $0x0;
	p1 =	slt.s32 s26, $0x4000;
	(v2sf) =	vpush v3, $0xF;
	s21 =	smov.u32 @p0 s3  }
0x296: {  	s24 =	sadd.s32 s7, s26;
	s10 =	spop (v2sf);
	s14 =	sadd.s32 s6, s5;
	v2, _, _ =	vpop (xrf0)  }
0x297: {  	v4 =	vld [tilespmem:s22+$0xFFFFFFD0];
	s4 =	simm.s32 @!p1 $0x0;
	p0 =	slt.s32 s24, $0x4000;
	(v2sf) =	vpush v2, $0xF;
	v2, _, _ =	vpop (xrf0);
	s25 =	sadd.s32 s10, s24  }
0x298: {  	v5 =	vld [tilespmem:s22+$0xFFFFFFC0];
	s2 =	sadd.s32 s4, s14;
	s0 =	simm.s32 @!p0 $0x0;
	(v2sf) =	vpush v2, $0xF;
	v2, _, _ =	vpop (xrf0);
	s30 =	spop (v2sf)  }
0x299: {  	v3 =	vld [tilespmem:s22+$0xFFFFFFE0];
	s0 =	sadd.s32 s0, s2;
	(v2sf) =	vpush v2, $0xF;
	v7, _, _ =	vpop (xrf0);
	(xrf0) =	vadd.scan.msk.s32 $0xffff, v6;
	s28 =	sadd.s32 s30, s25;
	s31 =	spop (v2sf)  }
0x29a: {  	p4 =	slt.s32 s25, $0x4000;
	v2 =	vld [tilespmem:s22+$0xFFFFFFF0];
	(v2sf) =	vpush v7, $0xF;
	v6, _, _ =	vpop (xrf0);
	p3 =	slt.s32 s28, $0x4000;
	s29 =	sadd.s32 s31, s28  }
.LBB2_24:
0x29b: {  	s21 =	smov.u32 @p1 s26;
	s2 =	simm.s32 $0x1;
	p1 =	slt.s32 s29, $0x4000  }
0x29c: {  	s3 =	smov.u32 s22;
	s5 =	simm.s32 $0x1;
	s2 =	simm.s32 @!p4 $0x0  }
0x29d: {  	v7 =	vld [tilespmem:s22+$0x0];
	(v2sf) =	vpush v6, $0xF;
	s21 =	smov.u32 @p0 s24;
	s0 =	sadd.s32 s2, s0;
	s2 =	simm.s32 $0x1  }
0x29e: {  	s5 =	simm.s32 @!p3 $0x0;
	(xrf0) =	vadd.scan.msk.s32 $0xffff, v5;
	s4 =	spop (v2sf);
	s2 =	simm.s32 @!p1 $0x0  }
0x29f: {  	s21 =	smov.u32 @p4 s25;
	s4 =	sadd.s32 s4, s29;
	s0 =	sadd.s32 s5, s0;
	(xrf0) =	vadd.scan.msk.s32 $0xffff, v4;
	v4, _, _ =	vpop (xrf0)  }
0x2a0: {  	p0 =	slt.s32 s4, $0x4000;
	s0 =	sadd.s32 s2, s0;
	s2 =	simm.s32 $0x1;
	(xrf0) =	vadd.scan.msk.s32 $0xffff, v3;
	(v2sf) =	vpush v4, $0xF  }
0x2a1: {  	s21 =	smov.u32 @p3 s28;
	s2 =	simm.s32 @!p0 $0x0;
	v3 =	vld [tilespmem:s22+$0x10];
	(xrf0) =	vadd.scan.msk.s32 $0xffff, v2  }
0x2a2: {  	s23 =	sadd.s32 $0x80, s23;
	s21 =	smov.u32 @p1 s29;
	s0 =	sadd.s32 s2, s0;
	v2 =	vld [tilespmem:s22+$0x20];
	(xrf0) =	vadd.scan.msk.s32 $0xffff, v7  }
0x2a3: {  	p2 =	slt.u32 s23, $0x780;
	s21 =	smov.u32 @p0 s4;
	s2 =	spop (v2sf)  }
0x2a4: {  	s22 =	sadd.s32 $0x80, s22;
	v4, _, _ =	vpop (xrf0);
	s2 =	sadd.s32 s4, s2;
	s4 =	spop (v2sf)  }
0x2a5: {  	s5 =	simm.s32 $0x1;
	v6 =	vld [tilespmem:s3+$0x30];
	p0 =	slt.s32 s2, $0x4000;
	s3 =	sadd.s32 s4, s2  }
0x2a6: {  	(v2sf) =	vpush v4, $0xF;
	v4, _, _ =	vpop (xrf0);
	s4 =	spop (v2sf);
	s5 =	simm.s32 @!p0 $0x0;
	p1 =	slt.s32 s3, $0x4000  }
0x2a7: {  	s6 =	spop (v2sf);
	s21 =	smov.u32 @p0 s2;
	s26 =	sadd.s32 s4, s3  }
0x2a8: {  	(v2sf) =	vpush v4, $0xF;
	v4, _, _ =	vpop (xrf0);
	(xrf0) =	vadd.scan.msk.s32 $0xffff, v3;
	s2 =	simm.s32 $0x1;
	s0 =	sadd.s32 s5, s0;
	s5 =	simm.s32 $0x1  }
0x2a9: {  	(v2sf) =	vpush v4, $0xF;
	v3, _, _ =	vpop (xrf0);
	(xrf0) =	vadd.scan.msk.s32 $0xffff, v2;
	s7 =	spop (v2sf);
	s21 =	smov.u32 @p1 s3;
	s5 =	simm.s32 @!p1 $0x0  }
0x2aa: {  	s24 =	sadd.s32 s6, s26;
	p1 =	slt.s32 s26, $0x4000;
	(v2sf) =	vpush v3, $0xF;
	v2, _, _ =	vpop (xrf0);
	s0 =	sadd.s32 s5, s0  }
.Ltmp11:
0x2ab: {  	p0 =	slt.s32 s24, $0x4000;
	s2 =	simm.s32 @!p1 $0x0;
	(v2sf) =	vpush v2, $0xF;
	(pc) =	sbr.rel @p2 .LBB2_24-.Ltmp11, $4  }
0x2ac: {  	s25 =	sadd.s32 s7, s24;
	s0 =	sadd.s32 s2, s0;
	s2 =	simm.s32 $0x1;
	v5 =	vld [tilespmem:s22+$0xFFFFFFC0];
	(xrf0) =	vadd.scan.msk.s32 $0xffff, v6  }
0x2ad: {  	s2 =	simm.s32 @!p0 $0x0;
	v4 =	vld [tilespmem:s22+$0xFFFFFFD0];
	s3 =	spop (v2sf)  }
0x2ae: {  	s0 =	sadd.s32 s2, s0;
	v3 =	vld [tilespmem:s22+$0xFFFFFFE0];
	v6, _, _ =	vpop (xrf0);
	s28 =	sadd.s32 s3, s25;
	s2 =	spop (v2sf)  }
0x2af: {  	p4 =	slt.s32 s25, $0x4000;
	v2 =	vld [tilespmem:s22+$0xFFFFFFF0];
	(v2sf) =	vpush v6, $0xF;
	v6, _, _ =	vpop (xrf0);
	p3 =	slt.s32 s28, $0x4000;
	s29 =	sadd.s32 s2, s28  }
0x2b0: {  	s2 =	simm.s32 $0x1  }
0x2b1: {  	p2 =	slt.s32 s29, $0x4000;
	s3 =	simm.s32 $0x1;
	s21 =	smov.u32 @p1 s26  }
0x2b2: {  	s8 =	spop (v2sf);
	s4 =	simm.s32 $0x1;
	s2 =	simm.s32 @!p4 $0x0  }
0x2b3: {  	s3 =	simm.s32 @!p2 $0x0;
	s21 =	smov.u32 @p0 s24;
	s4 =	simm.s32 @!p3 $0x0  }
0x2b4: {  	s0 =	sadd.s32 s2, s0;
	s2 =	sadd.s32 s8, s29;
	s21 =	smov.u32 @p4 s25  }
0x2b5: {  	(v2sf) =	vpush v6, $0xF;
	v58 =	vld [tilespmem:s22+$0x0];
	(xrf0) =	vadd.scan.msk.s32 $0xffff, v5;
	s0 =	sadd.s32 s4, s0;
	p0 =	slt.s32 s2, $0x4000;
	s4 =	simm.s32 $0x1  }
0x2b6: {  	(xrf0) =	vadd.scan.msk.s32 $0xffff, v4;
	s21 =	smov.u32 @p3 s28;
	s0 =	sadd.s32 s3, s0;
	s4 =	simm.s32 @!p0 $0x0  }
0x2b7: {  	s21 =	smov.u32 @p2 s29;
	s0 =	sadd.s32 s4, s0;
	s9 =	spop (v2sf)  }
0x2b8: {  	v59, _, _ =	vpop (xrf0);
	(xrf0) =	vadd.scan.msk.s32 $0xffff, v3;
	s21 =	smov.u32 @p0 s2;
	s4 =	simm.s32 $0x1;
	s2 =	sadd.s32 s2, s9  }
0x2b9: {  	(v2sf) =	vpush v59, $0xF;
	(xrf0) =	vadd.scan.msk.s32 $0xffff, v2;
	s9 =	simm.s32 $0x1;
	s10 =	spop (v2sf);
	p1 =	slt.s32 s2, $0x4000  }
0x2ba: {  	v3 =	vld [tilespmem:s22+$0x10];
	(xrf0) =	vadd.scan.msk.s32 $0xffff, v58;
	s3 =	sadd.s32 s10, s2;
	s5 =	spop (v2sf);
	s4 =	simm.s32 @!p1 $0x0  }
0x2bb: {  	v2 =	vld [tilespmem:s22+$0x20];
	v60, _, _ =	vpop (xrf0);
	s21 =	smov.u32 @p1 s2;
	s2 =	simm.s32 $0x1;
	p0 =	slt.s32 s3, $0x4000  }
0x2bc: {  	(v2sf) =	vpush v60, $0xF;
	v61, _, _ =	vpop (xrf0);
	s6 =	spop (v2sf);
	s0 =	sadd.s32 s4, s0;
	s4 =	simm.s32 $0x1  }
0x2bd: {  	v63 =	vld [tilespmem:s22+$0x30];
	(v2sf) =	vpush v61, $0xF;
	s5 =	sadd.s32 s5, s3;
	s4 =	simm.s32 @!p0 $0x0;
	s7 =	spop (v2sf)  }
0x2be: {  	v62, _, _ =	vpop (xrf0);
	p2 =	slt.s32 s5, $0x4000;
	s21 =	smov.u32 @p0 s3;
	s0 =	sadd.s32 s4, s0  }
0x2bf: {  	(xrf0) =	vadd.scan.msk.s32 $0xffff, v3;
	(v2sf) =	vpush v62, $0xF;
	v3, _, _ =	vpop (xrf0);
	s4 =	sadd.s32 s6, s5;
	s2 =	simm.s32 @!p2 $0x0;
	s21 =	smov.u32 @p2 s5  }
0x2c0: {  	(xrf0) =	vadd.scan.msk.s32 $0xffff, v2;
	(v2sf) =	vpush v3, $0xF;
	v2, _, _ =	vpop (xrf0);
	p1 =	slt.s32 s4, $0x4000;
	s6 =	sadd.s32 s7, s4;
	s7 =	simm.s32 $0x1  }
0x2c1: {  	s5 =	simm.s32 $0x1;
	(v2sf) =	vpush v2, $0xF;
	s0 =	sadd.s32 s2, s0;
	s7 =	simm.s32 @!p1 $0x0  }
0x2c2: {  	(xrf0) =	vadd.scan.msk.s32 $0xffff, v63;
	p3 =	slt.s32 s6, $0x4000;
	s21 =	smov.u32 @p1 s4;
	s14 =	spop (v2sf)  }
0x2c3: {  	s0 =	sadd.s32 s7, s0;
	s5 =	simm.s32 @!p3 $0x0;
	s7 =	simm.s32 $0x1  }
0x2c4: {  	s21 =	smov.u32 @p3 s6;
	s2 =	sadd.s32 s14, s6;
	s22 =	spop (v2sf)  }
0x2c5: {  	s0 =	sadd.s32 s5, s0;
	s5 =	simm.s32 $0x1;
	s3 =	sadd.s32 s22, s2  }
0x2c6: {  	v2, _, _ =	vpop (xrf0);
	s6 =	simm.s32 $0x1;
	p0 =	slt.s32 s2, $0x4000;
	p2 =	slt.s32 s3, $0x4000  }
0x2c7: {  	(v2sf) =	vpush v2, $0xF;
	v2, _, _ =	vpop (xrf0);
	s9 =	simm.s32 @!p0 $0x0;
	s21 =	smov.u32 @p0 s2;
	s2 =	simm.s32 $0x1  }
0x2c8: {  	(v2sf) =	vpush v2, $0xF;
	v2, _, _ =	vpop (xrf0);
	s7 =	simm.s32 @!p2 $0x0;
	s8 =	spop (v2sf);
	s0 =	sadd.s32 s9, s0  }
0x2c9: {  	(v2sf) =	vpush v2, $0xF;
	s21 =	smov.u32 @p2 s3;
	s4 =	sadd.s32 s8, s3;
	s0 =	sadd.s32 s7, s0  }
0x2ca: {  	s7 =	simm.s32 $0x1;
	s8 =	simm.s32 $0x1;
	p1 =	slt.s32 s4, $0x4000  }
0x2cb: {  	s2 =	simm.s32 @!p1 $0x0;
	s21 =	smov.u32 @p1 s4;
	s23 =	spop (v2sf)  }
0x2cc: {  	s0 =	sadd.s32 s2, s0;
	s2 =	sadd.s32 s4, s23;
	s24 =	spop (v2sf)  }
0x2cd: {  	s4 =	simm.s32 $0x1;
	p0 =	slt.s32 s2, $0x4000;
	s3 =	sadd.s32 s24, s2  }
0x2ce: {  	s25 =	spop (v2sf);
	s5 =	simm.s32 @!p0 $0x0;
	p1 =	slt.s32 s3, $0x4000  }
0x2cf: {  	s26 =	spop (v2sf);
	s21 =	smov.u32 @p0 s2;
	s2 =	sadd.s32 s25, s3  }
0x2d0: {  	s0 =	sadd.s32 s5, s0;
	s6 =	simm.s32 @!p1 $0x0;
	s28 =	spop (v2sf)  }
0x2d1: {  	p2 =	slt.s32 s2, $0x4000;
	s21 =	smov.u32 @p1 s3;
	s3 =	sadd.s32 s26, s2  }
0x2d2: {  	s0 =	sadd.s32 s6, s0;
	s4 =	simm.s32 @!p2 $0x0;
	p0 =	slt.s32 s3, $0x4000  }
0x2d3: {  	s5 =	sadd.s32 s28, s3;
	s6 =	simm.s32 $0x1;
	s21 =	smov.u32 @p2 s2  }
0x2d4: {  	s0 =	sadd.s32 s4, s0;
	s6 =	simm.s32 @!p0 $0x0;
	p3 =	slt.s32 s5, $0x4000  }
0x2d5: {  	s2 =	simm.s32 $0x1;
	s0 =	sadd.s32 s6, s0;
	s7 =	simm.s32 @!p3 $0x0  }
0x2d6: {  	s21 =	smov.u32 @p0 s3;
	s29 =	spop (v2sf);
	s0 =	sadd.s32 s7, s0  }
0x2d7: {  	s7 =	simm.s32 $0x1;
	s4 =	sadd.s32 s29, s5;
	s30 =	spop (v2sf)  }
0x2d8: {  	p1 =	slt.s32 s4, $0x4000;
	s6 =	sadd.s32 s30, s4;
	s31 =	spop (v2sf)  }
0x2d9: {  	p2 =	slt.s32 s6, $0x4000;
	s8 =	simm.s32 @!p1 $0x0;
	s3 =	sadd.s32 s31, s6  }
0x2da: {  	s2 =	simm.s32 @!p2 $0x0;
	s0 =	sadd.s32 s8, s0;
	p0 =	slt.s32 s3, $0x4000  }
0x2db: {  	s0 =	sadd.s32 s2, s0;
	s7 =	simm.s32 @!p0 $0x0  }
0x2dc: {  	s0 =	sadd.s32 s7, s0  }
0x2dd: {  	s22 =	sshll.u32 s0, $0x4;
	s0 =	simm.s32 $0x100C0  }
0x2de: {  	v2 =	vld [tilespmem:s22+$0x10080];
	[tilespmem:s0+$0xFFFFFFC0] =	vst v0  }
0x2df: {  	[tilespmem:s0+$0x30] =	vst v0  }
0x2e0: {  	[tilespmem:s0+$0x20] =	vst v0  }
0x2e1: {  	s21 =	smov.u32 @p3 s5;
	[tilespmem:s0+$0x10] =	vst v0  }
0x2e2: {  	s21 =	smov.u32 @p1 s4;
	[tilespmem:s0+$0x0] =	vst v0  }
0x2e3: {  	s21 =	smov.u32 @p2 s6;
	[tilespmem:s0+$0xFFFFFFF0] =	vst v0  }
0x2e4: {  	s23 =	simm.s32 $0x0;
	s21 =	smov.u32 @p0 s3;
	[tilespmem:s0+$0xFFFFFFE0] =	vst v0  }
.LBB2_26:
0x2e5: {  	s23 =	sadd.s32 $0x80, s23;
	[tilespmem:s0+$0xFFFFFFD0] =	vst v0;
	s0 =	sadd.s32 $0x80, s0  }
0x2e6: {  	[tilespmem:s0+$0xFFFFFFC0] =	vst v0;
	p0 =	slt.u32 s23, $0x780  }
0x2e7: {  	[tilespmem:s0+$0x30] =	vst v0  }
.Ltmp12:
0x2e8: {  	[tilespmem:s0+$0x20] =	vst v0;
	(pc) =	sbr.rel @p0 .LBB2_26-.Ltmp12, $4  }
0x2e9: {  	[tilespmem:s0+$0x10] =	vst v0  }
0x2ea: {  	[tilespmem:s0+$0x0] =	vst v0  }
0x2eb: {  	[tilespmem:s0+$0xFFFFFFF0] =	vst v0  }
0x2ec: {  	[tilespmem:s0+$0xFFFFFFE0] =	vst v0  }
0x2ed: {  	(xrf0) =	vadd.scan.msk.s32 $0xffff, v2;
	_ =	sdelay $0x5  }
0x2ee: {  	v2, _, _ =	vpop (xrf0)  }
0x2ef: {  	v2 =	vadd.s32 s21, v2  }
0x2f0: {  	vm0 =	vlt.s32 v2, $0x4000  }
0x2f1: {  	v3 =	vsel vm0, $0x1, v0  }
0x2f2: {  	(xrf0) =	vadd.scan.msk.s32 $0xffff, v3;
	_ =	sdelay $0x5  }
0x2f3: {  	v3, _, _ =	vpop (xrf0)  }
0x2f4: {  	(v2sf) =	vpush v3, $0xF;
	_ =	sdelay $0x9  }
0x2f5: {  	[tilespmem:s0+$0xFFFFFFD0] =	vst v0;
	s31 =	simm.s32 $0x8040  }
0x2f6: {  	v5 =	vld [tilespmem:s31+$0x10]  }
0x2f7: {  	v7 =	vld [tilespmem:s31+$0x30]  }
0x2f8: {  	v8 =	vld [tilespmem:s31+$0xFFFFFFC0]  }
0x2f9: {  	v4 =	vld [tilespmem:s31+$0xFFFFFFD0]  }
0x2fa: {  	s30 =	spop (v2sf)  }
0x2fb: {  	v9 =	vld [tilespmem:s31+$0x20];
	v6 =	vshrl.u32 v5, $0x14;
	s22 =	sadd.s32 s22, s30  }
0x2fc: {  	v5 =	vshrl.u32 v5, $0x9;
	v10 =	vand.u32 $0x7FF, v6;
	v3 =	vmov s22  }
0x2fd: {  	v11 =	vshrl.u32 v8, $0x14;
	v12 =	vshrl.u32 v7, $0x9;
	v6 =	vld [tilespmem:s31+$0xFFFFFFE0];
	vm3 =	veq.s32 v10, v3  }
0x2fe: {  	v13 =	vshrl.u32 v4, $0x14;
	v14 =	vand.u32 $0x7FF, v5;
	v5 =	vshrl.u32 v7, $0x14  }
0x2ff: {  	v8 =	vshrl.u32 v8, $0x9;
	v7 =	vand.u32 $0x7FF, v11;
	v10 =	vand.u32 $0x7FF, v5  }
0x300: {  	v11 =	vshrl.u32 v9, $0x9;
	vm1 =	veq.s32 v7, v3;
	vm2 =	veq.s32 v10, v3;
	v10 =	vld [tilespmem:s31+$0xFFFFFFF0]  }
0x301: {  	v5 =	vand.u32 $0x7FF, v8;
	v7 =	vshrl.u32 v9, $0x14;
	v8 =	vand.u32 $0x7FF, v12  }
0x302: {  	v12 =	vshrl.u32 v6, $0x14;
	v9 =	vld [tilespmem:s31+$0x0];
	v15 =	vand.u32 $0x7FF, v7;
	v7 =	vand.u32 $0x7FF, v11  }
0x303: {  	s23 =	simm.s32 $0x0;
	s24 =	simm.s32 $0x80C0;
	v11 =	vand.u32 $0x7FF, v13;
	v12 =	vand.u32 $0x7FF, v12;
	[tilespmem:v14+s16+$0x0] =	vst.idx.add.s32.msk vm3, v1;
	vm3 =	veq.s32 v15, v3  }
.LBB2_28:
0x304: {  	v13 =	vld [tilespmem:s24+$0x10];
	s23 =	sadd.s32 $0x80, s23;
	v14 =	vshrl.u32 v4, $0x9;
	v4 =	vshrl.u32 v6, $0x9  }
0x305: {  	v15 =	vld [tilespmem:s24+$0x30];
	p0 =	slt.u32 s23, $0x7F80;
	v6 =	vshrl.u32 v10, $0x14;
	v10 =	vshrl.u32 v10, $0x9  }
0x306: {  	vm5 =	veq.s32 v12, v3;
	v6 =	vand.u32 $0x7FF, v6;
	[tilespmem:v8+s16+$0x0] =	vst.idx.add.s32.msk vm2, v1  }
0x307: {  	v12 =	vand.u32 $0x7FF, v4;
	v8 =	vld [tilespmem:s24+$0xFFFFFFC0];
	v16 =	vshrl.u32 v9, $0x14;
	v9 =	vshrl.u32 v9, $0x9  }
0x308: {  	vm2 =	veq.s32 v6, v3;
	v4 =	vld [tilespmem:s24+$0xFFFFFFD0];
	v6 =	vand.u32 $0x7FF, v16  }
0x309: {  	vm6 =	veq.s32 v11, v3;
	v10 =	vand.u32 $0x7FF, v10;
	vm4 =	veq.s32 v6, v3;
	[tilespmem:v7+s16+$0x0] =	vst.idx.add.s32.msk vm3, v1  }
0x30a: {  	[tilespmem:v5+s16+$0x0] =	vst.idx.add.s32.msk vm1, v1;
	v5 =	vand.u32 $0x7FF, v14  }
0x30b: {  	v9 =	vand.u32 $0x7FF, v9;
	v6 =	vshrl.u32 v13, $0x14;
	v7 =	vshrl.u32 v13, $0x9;
	v11 =	vld [tilespmem:s24+$0x20]  }
0x30c: {  	v13 =	vand.u32 $0x7FF, v6;
	[tilespmem:v12+s16+$0x0] =	vst.idx.add.s32.msk vm5, v1  }
0x30d: {  	vm3 =	veq.s32 v13, v3;
	v13 =	vshrl.u32 v15, $0x9;
	v12 =	vshrl.u32 v8, $0x14;
	v6 =	vld [tilespmem:s24+$0xFFFFFFE0]  }
0x30e: {  	v16 =	vand.u32 $0x7FF, v7;
	v7 =	vshrl.u32 v15, $0x14;
	v14 =	vshrl.u32 v4, $0x14;
	[tilespmem:v10+s16+$0x0] =	vst.idx.add.s32.msk vm2, v1  }
.Ltmp13:
0x30f: {  	v7 =	vand.u32 $0x7FF, v7;
	v8 =	vshrl.u32 v8, $0x9;
	v10 =	vand.u32 $0x7FF, v12;
	[tilespmem:v5+s16+$0x0] =	vst.idx.add.s32.msk vm6, v1;
	(pc) =	sbr.rel @p0 .LBB2_28-.Ltmp13, $4  }
0x310: {  	vm2 =	veq.s32 v7, v3;
	vm1 =	veq.s32 v10, v3;
	v5 =	vand.u32 $0x7FF, v8;
	v10 =	vld [tilespmem:s24+$0xFFFFFFF0]  }
0x311: {  	v8 =	vand.u32 $0x7FF, v13;
	v7 =	vshrl.u32 v11, $0x14;
	v11 =	vshrl.u32 v11, $0x9;
	[tilespmem:v9+s16+$0x0] =	vst.idx.add.s32.msk vm4, v1  }
0x312: {  	v13 =	vand.u32 $0x7FF, v7;
	v7 =	vand.u32 $0x7FF, v11;
	v12 =	vshrl.u32 v6, $0x14;
	v9 =	vld [tilespmem:s24+$0x0]  }
0x313: {  	v11 =	vand.u32 $0x7FF, v14;
	s24 =	sadd.s32 $0x80, s24;
	v12 =	vand.u32 $0x7FF, v12;
	[tilespmem:v16+s16+$0x0] =	vst.idx.add.s32.msk vm3, v1;
	vm3 =	veq.s32 v13, v3  }
0x314: {  	_ = 	snop  }
0x315: {  	v4 =	vshrl.u32 v4, $0x9;
	v6 =	vshrl.u32 v6, $0x9;
	v13 =	vshrl.u32 v10, $0x14  }
0x316: {  	vm4 =	veq.s32 v12, v3;
	v60 =	vshrl.u32 v10, $0x9;
	v61 =	vand.u32 $0x7FF, v13  }
0x317: {  	v6 =	vand.u32 $0x7FF, v6;
	v62 =	vshrl.u32 v9, $0x14;
	vm5 =	veq.s32 v61, v3  }
0x318: {  	vm6 =	veq.s32 v11, v3;
	v10 =	vand.u32 $0x7FF, v60;
	v63 =	vand.u32 $0x7FF, v62  }
0x319: {  	[tilespmem:v8+s16+$0x0] =	vst.idx.add.s32.msk vm2, v1;
	v8 =	vshrl.u32 v9, $0x9;
	vm15 =	veq.s32 v63, v3;
	v3 =	vand.u32 $0x7FF, v4  }
0x31a: {  	[tilespmem:v7+s16+$0x0] =	vst.idx.add.s32.msk vm3, v1;
	v4 =	vand.u32 $0x7FF, v8  }
0x31b: {  	[tilespmem:v5+s16+$0x0] =	vst.idx.add.s32.msk vm1, v1  }
0x31c: {  	[tilespmem:v6+s16+$0x0] =	vst.idx.add.s32.msk vm4, v1  }
0x31d: {  	v2 =	vxor.u32 $0x80000000, v2;
	[tilespmem:v10+s16+$0x0] =	vst.idx.add.s32.msk vm5, v1  }
0x31e: {  	v2 =	vnsel vm0, $0x80000000, v2;
	[tilespmem:v3+s16+$0x0] =	vst.idx.add.s32.msk vm6, v1  }
0x31f: {  	s0 =	simm.s32 $0x100C0;
	(xrf0) =	vmax.scan.msk.u32 $0xffff, v2;
	[tilespmem:v4+s16+$0x0] =	vst.idx.add.s32.msk vm15, v1  }
0x320: {  	v3 =	vld [tilespmem:s0+$0xFFFFFFC0]  }
0x321: {  	v2 =	vld [tilespmem:s0+$0xFFFFFFD0]  }
0x322: {  	v4 =	vld [tilespmem:s0+$0xFFFFFFE0];
	_ =	sdelay $0x1  }
0x323: {  	v5 =	vld [tilespmem:s0+$0xFFFFFFF0]  }
0x324: {  	v6, _, _ =	vpop (xrf0);
	(xrf0) =	vadd.scan.msk.s32 $0xffff, v3;
	v3 =	vld [tilespmem:s0+$0x0]  }
0x325: {  	(v2sf) =	vpush v6, $0xF;
	(xrf0) =	vadd.scan.msk.s32 $0xffff, v2  }
0x326: {  	(xrf0) =	vadd.scan.msk.s32 $0xffff, v4  }
0x327: {  	v2 =	vld [tilespmem:s0+$0x10]  }
0x328: {  	v4 =	vld [tilespmem:s0+$0x20];
	(xrf0) =	vadd.scan.msk.s32 $0xffff, v5  }
0x329: {  	(xrf0) =	vadd.scan.msk.s32 $0xffff, v3  }
0x32a: {  	v3, _, _ =	vpop (xrf0)  }
0x32b: {  	(v2sf) =	vpush v3, $0xF;
	v3, _, _ =	vpop (xrf0)  }
0x32c: {  	(v2sf) =	vpush v3, $0xF;
	v3, _, _ =	vpop (xrf0);
	(xrf0) =	vadd.scan.msk.s32 $0xffff, v2  }
0x32d: {  	(xrf0) =	vadd.scan.msk.s32 $0xffff, v4  }
0x32e: {  	(v2sf) =	vpush v3, $0xF;
	v2, _, _ =	vpop (xrf0)  }
0x32f: {  	(v2sf) =	vpush v2, $0xF;
	v2, _, _ =	vpop (xrf0)  }
0x330: {  	(v2sf) =	vpush v2, $0xF;
	v2 =	vld [tilespmem:s0+$0x30]  }
0x331: {  	s2 =	simm.s32 $0x10140  }
0x332: {  	v4 =	vld [tilespmem:s2+$0xFFFFFFC0];
	v3, _, _ =	vpop (xrf0)  }
0x333: {  	v5 =	vld [tilespmem:s2+$0xFFFFFFD0];
	(v2sf) =	vpush v3, $0xF;
	v3, _, _ =	vpop (xrf0)  }
0x334: {  	s6 =	spop (v2sf);
	(v2sf) =	vpush v3, $0xF;
	v3 =	vld [tilespmem:s2+$0xFFFFFFE0]  }
0x335: {  	v6 =	vld [tilespmem:s2+$0xFFFFFFF0];
	(xrf0) =	vadd.scan.msk.s32 $0xffff, v2  }
0x336: {  	v2 =	vld [tilespmem:s2+$0x0]  }
0x337: {  	(xrf0) =	vadd.scan.msk.s32 $0xffff, v4  }
0x338: {  	(xrf0) =	vadd.scan.msk.s32 $0xffff, v5  }
0x339: {  	(xrf0) =	vadd.scan.msk.s32 $0xffff, v3  }
0x33a: {  	s23 =	simm.s32 $0x0;
	s0 =	sxor.u32 $0x80000000, s6;
	(xrf0) =	vadd.scan.msk.s32 $0xffff, v6  }
0x33b: {  	s25 =	simm.s32 $0x100;
	s24 =	simm.s32 $0x101C0;
	p0 =	sgt.s32 s21, s0;
	v4 =	vld [tilespmem:s2+$0x10];
	(xrf0) =	vadd.scan.msk.s32 $0xffff, v2;
	v2, _, _ =	vpop (xrf0)  }
0x33c: {  	s5 =	simm.s32 $0x1;
	s0 =	smov.u32 @p0 s21;
	v5 =	vld [tilespmem:s2+$0x20];
	s7 =	spop (v2sf);
	(v2sf) =	vpush v2, $0xF  }
0x33d: {  	s21 =	ssub.s32 $0x4000, s0;
	s0 =	sadd.s32 $0x0, s7;
	s3 =	spop (v2sf)  }
0x33e: {  	s6 =	simm.s32 $0x1;
	p1 =	slt.s32 s0, s21;
	s3 =	sadd.s32 s3, s0  }
0x33f: {  	s4 =	spop (v2sf);
	s5 =	simm.s32 @!p1 $0x0;
	p0 =	slt.s32 s3, s21  }
0x340: {  	(xrf0) =	vadd.scan.msk.s32 $0xffff, v4;
	v2, _, _ =	vpop (xrf0);
	s7 =	spop (v2sf);
	s23 =	smov.u32 @p1 s0;
	s29 =	sadd.s32 s4, s3  }
0x341: {  	v6 =	vld [tilespmem:s2+$0x30];
	(xrf0) =	vadd.scan.msk.s32 $0xffff, v5;
	v3, _, _ =	vpop (xrf0);
	s4 =	simm.s32 $0x1;
	s0 =	simm.s32 $0x1;
	s8 =	spop (v2sf);
	(v2sf) =	vpush v2, $0xF  }
0x342: {  	s5 =	sadd.s32 $0x0, s5;
	s6 =	simm.s32 @!p0 $0x0;
	p1 =	slt.s32 s29, s21;
	(v2sf) =	vpush v3, $0xF  }
0x343: {  	s23 =	smov.u32 @p0 s3;
	s26 =	sadd.s32 s7, s29;
	s9 =	sadd.s32 s6, s5;
	v2, _, _ =	vpop (xrf0)  }
0x344: {  	v4 =	vld [tilespmem:s24+$0xFFFFFFD0];
	s4 =	simm.s32 @!p1 $0x0;
	p0 =	slt.s32 s26, s21;
	s28 =	sadd.s32 s8, s26;
	(v2sf) =	vpush v2, $0xF;
	v2, _, _ =	vpop (xrf0)  }
0x345: {  	v5 =	vld [tilespmem:s24+$0xFFFFFFC0];
	s2 =	sadd.s32 s4, s9;
	s0 =	simm.s32 @!p0 $0x0;
	(v2sf) =	vpush v2, $0xF;
	v2, _, _ =	vpop (xrf0);
	s10 =	spop (v2sf)  }
0x346: {  	v3 =	vld [tilespmem:s24+$0xFFFFFFE0];
	s0 =	sadd.s32 s0, s2;
	(v2sf) =	vpush v2, $0xF;
	v7, _, _ =	vpop (xrf0);
	s30 =	sadd.s32 s10, s28;
	s14 =	spop (v2sf);
	(xrf0) =	vadd.scan.msk.s32 $0xffff, v6  }
0x347: {  	p4 =	slt.s32 s28, s21;
	v2 =	vld [tilespmem:s24+$0xFFFFFFF0];
	(v2sf) =	vpush v7, $0xF;
	v6, _, _ =	vpop (xrf0);
	p3 =	slt.s32 s30, s21;
	s31 =	sadd.s32 s14, s30  }
.LBB2_30:
0x348: {  	s23 =	smov.u32 @p1 s29;
	s2 =	simm.s32 $0x1;
	p1 =	slt.s32 s31, s21  }
0x349: {  	s3 =	smov.u32 s24;
	s5 =	simm.s32 $0x1;
	s2 =	simm.s32 @!p4 $0x0  }
0x34a: {  	v7 =	vld [tilespmem:s24+$0x0];
	(v2sf) =	vpush v6, $0xF;
	s23 =	smov.u32 @p0 s26;
	s0 =	sadd.s32 s2, s0;
	s2 =	simm.s32 $0x1  }
0x34b: {  	s5 =	simm.s32 @!p3 $0x0;
	(xrf0) =	vadd.scan.msk.s32 $0xffff, v5;
	s4 =	spop (v2sf);
	s2 =	simm.s32 @!p1 $0x0  }
0x34c: {  	s23 =	smov.u32 @p4 s28;
	s4 =	sadd.s32 s4, s31;
	s0 =	sadd.s32 s5, s0;
	(xrf0) =	vadd.scan.msk.s32 $0xffff, v4;
	v4, _, _ =	vpop (xrf0)  }
0x34d: {  	p0 =	slt.s32 s4, s21;
	s0 =	sadd.s32 s2, s0;
	s2 =	simm.s32 $0x1;
	(xrf0) =	vadd.scan.msk.s32 $0xffff, v3;
	(v2sf) =	vpush v4, $0xF  }
0x34e: {  	s23 =	smov.u32 @p3 s30;
	s2 =	simm.s32 @!p0 $0x0;
	v3 =	vld [tilespmem:s24+$0x10];
	(xrf0) =	vadd.scan.msk.s32 $0xffff, v2  }
0x34f: {  	s25 =	sadd.s32 $0x80, s25;
	s23 =	smov.u32 @p1 s31;
	s0 =	sadd.s32 s2, s0;
	v2 =	vld [tilespmem:s24+$0x20];
	(xrf0) =	vadd.scan.msk.s32 $0xffff, v7  }
0x350: {  	p2 =	slt.u32 s25, $0x780;
	s23 =	smov.u32 @p0 s4;
	s2 =	spop (v2sf)  }
0x351: {  	s24 =	sadd.s32 $0x80, s24;
	v4, _, _ =	vpop (xrf0);
	s2 =	sadd.s32 s4, s2;
	s4 =	spop (v2sf)  }
0x352: {  	s5 =	simm.s32 $0x1;
	v6 =	vld [tilespmem:s3+$0x30];
	p0 =	slt.s32 s2, s21;
	s3 =	sadd.s32 s4, s2  }
0x353: {  	(v2sf) =	vpush v4, $0xF;
	v4, _, _ =	vpop (xrf0);
	s4 =	spop (v2sf);
	s5 =	simm.s32 @!p0 $0x0;
	p1 =	slt.s32 s3, s21  }
0x354: {  	s6 =	spop (v2sf);
	s23 =	smov.u32 @p0 s2;
	s29 =	sadd.s32 s4, s3  }
0x355: {  	(v2sf) =	vpush v4, $0xF;
	v4, _, _ =	vpop (xrf0);
	(xrf0) =	vadd.scan.msk.s32 $0xffff, v3;
	s2 =	simm.s32 $0x1;
	s0 =	sadd.s32 s5, s0;
	s5 =	simm.s32 $0x1  }
0x356: {  	(v2sf) =	vpush v4, $0xF;
	v3, _, _ =	vpop (xrf0);
	(xrf0) =	vadd.scan.msk.s32 $0xffff, v2;
	s7 =	spop (v2sf);
	s23 =	smov.u32 @p1 s3;
	s5 =	simm.s32 @!p1 $0x0  }
0x357: {  	s26 =	sadd.s32 s6, s29;
	p1 =	slt.s32 s29, s21;
	(v2sf) =	vpush v3, $0xF;
	v2, _, _ =	vpop (xrf0);
	s0 =	sadd.s32 s5, s0  }
.Ltmp14:
0x358: {  	p0 =	slt.s32 s26, s21;
	s2 =	simm.s32 @!p1 $0x0;
	(v2sf) =	vpush v2, $0xF;
	(pc) =	sbr.rel @p2 .LBB2_30-.Ltmp14, $4  }
0x359: {  	s28 =	sadd.s32 s7, s26;
	s0 =	sadd.s32 s2, s0;
	s2 =	simm.s32 $0x1;
	v5 =	vld [tilespmem:s24+$0xFFFFFFC0];
	(xrf0) =	vadd.scan.msk.s32 $0xffff, v6  }
0x35a: {  	s2 =	simm.s32 @!p0 $0x0;
	v4 =	vld [tilespmem:s24+$0xFFFFFFD0];
	s3 =	spop (v2sf)  }
0x35b: {  	s0 =	sadd.s32 s2, s0;
	v3 =	vld [tilespmem:s24+$0xFFFFFFE0];
	v6, _, _ =	vpop (xrf0);
	s30 =	sadd.s32 s3, s28;
	s2 =	spop (v2sf)  }
0x35c: {  	p4 =	slt.s32 s28, s21;
	v2 =	vld [tilespmem:s24+$0xFFFFFFF0];
	(v2sf) =	vpush v6, $0xF;
	v6, _, _ =	vpop (xrf0);
	p3 =	slt.s32 s30, s21;
	s31 =	sadd.s32 s2, s30  }
0x35d: {  	s2 =	simm.s32 $0x1  }
0x35e: {  	p2 =	slt.s32 s31, s21;
	s3 =	simm.s32 $0x1;
	s23 =	smov.u32 @p1 s29  }
0x35f: {  	s6 =	spop (v2sf);
	s4 =	simm.s32 $0x1;
	s2 =	simm.s32 @!p4 $0x0  }
0x360: {  	s3 =	simm.s32 @!p2 $0x0;
	s23 =	smov.u32 @p0 s26;
	s4 =	simm.s32 @!p3 $0x0  }
0x361: {  	s0 =	sadd.s32 s2, s0;
	s2 =	sadd.s32 s6, s31;
	s23 =	smov.u32 @p4 s28  }
0x362: {  	(v2sf) =	vpush v6, $0xF;
	v58 =	vld [tilespmem:s24+$0x0];
	(xrf0) =	vadd.scan.msk.s32 $0xffff, v5;
	s0 =	sadd.s32 s4, s0;
	p0 =	slt.s32 s2, s21;
	s4 =	simm.s32 $0x1  }
0x363: {  	(xrf0) =	vadd.scan.msk.s32 $0xffff, v4;
	s23 =	smov.u32 @p3 s30;
	s0 =	sadd.s32 s3, s0;
	s4 =	simm.s32 @!p0 $0x0  }
0x364: {  	s23 =	smov.u32 @p2 s31;
	s0 =	sadd.s32 s4, s0;
	s7 =	spop (v2sf)  }
0x365: {  	v59, _, _ =	vpop (xrf0);
	(xrf0) =	vadd.scan.msk.s32 $0xffff, v3;
	s23 =	smov.u32 @p0 s2;
	s2 =	sadd.s32 s2, s7;
	s8 =	spop (v2sf)  }
0x366: {  	(v2sf) =	vpush v59, $0xF;
	(xrf0) =	vadd.scan.msk.s32 $0xffff, v2;
	s4 =	simm.s32 $0x1;
	p1 =	slt.s32 s2, s21;
	s3 =	sadd.s32 s8, s2  }
0x367: {  	v3 =	vld [tilespmem:s24+$0x10];
	(xrf0) =	vadd.scan.msk.s32 $0xffff, v58;
	s5 =	spop (v2sf);
	s4 =	simm.s32 @!p1 $0x0;
	s23 =	smov.u32 @p1 s2  }
0x368: {  	v2 =	vld [tilespmem:s24+$0x20];
	v60, _, _ =	vpop (xrf0);
	s2 =	simm.s32 $0x1;
	p0 =	slt.s32 s3, s21;
	s6 =	spop (v2sf)  }
0x369: {  	(v2sf) =	vpush v60, $0xF;
	v61, _, _ =	vpop (xrf0);
	s0 =	sadd.s32 s4, s0;
	s4 =	simm.s32 $0x1;
	s5 =	sadd.s32 s5, s3  }
0x36a: {  	v63 =	vld [tilespmem:s24+$0x30];
	(v2sf) =	vpush v61, $0xF;
	s4 =	simm.s32 @!p0 $0x0;
	s7 =	spop (v2sf);
	p2 =	slt.s32 s5, s21  }
0x36b: {  	v62, _, _ =	vpop (xrf0);
	s23 =	smov.u32 @p0 s3;
	s0 =	sadd.s32 s4, s0;
	s4 =	sadd.s32 s6, s5  }
0x36c: {  	(xrf0) =	vadd.scan.msk.s32 $0xffff, v3;
	(v2sf) =	vpush v62, $0xF;
	v3, _, _ =	vpop (xrf0);
	s2 =	simm.s32 @!p2 $0x0;
	s23 =	smov.u32 @p2 s5;
	s5 =	simm.s32 $0x1  }
0x36d: {  	(xrf0) =	vadd.scan.msk.s32 $0xffff, v2;
	(v2sf) =	vpush v3, $0xF;
	v2, _, _ =	vpop (xrf0);
	p1 =	slt.s32 s4, s21;
	s6 =	sadd.s32 s7, s4;
	s7 =	simm.s32 $0x1  }
0x36e: {  	(v2sf) =	vpush v2, $0xF;
	s0 =	sadd.s32 s2, s0;
	s7 =	simm.s32 @!p1 $0x0;
	p3 =	slt.s32 s6, s21  }
0x36f: {  	(xrf0) =	vadd.scan.msk.s32 $0xffff, v63;
	s23 =	smov.u32 @p1 s4;
	s9 =	spop (v2sf);
	s0 =	sadd.s32 s7, s0  }
0x370: {  	s5 =	simm.s32 @!p3 $0x0;
	s7 =	simm.s32 $0x1;
	s23 =	smov.u32 @p3 s6  }
0x371: {  	s2 =	sadd.s32 s9, s6;
	s10 =	spop (v2sf);
	s9 =	simm.s32 $0x1  }
0x372: {  	s0 =	sadd.s32 s5, s0;
	s5 =	simm.s32 $0x1;
	s3 =	sadd.s32 s10, s2  }
0x373: {  	v2, _, _ =	vpop (xrf0);
	s6 =	simm.s32 $0x1;
	p0 =	slt.s32 s2, s21;
	p2 =	slt.s32 s3, s21  }
0x374: {  	(v2sf) =	vpush v2, $0xF;
	v2, _, _ =	vpop (xrf0);
	s9 =	simm.s32 @!p0 $0x0;
	s23 =	smov.u32 @p0 s2;
	s2 =	simm.s32 $0x1  }
0x375: {  	(v2sf) =	vpush v2, $0xF;
	v2, _, _ =	vpop (xrf0);
	s7 =	simm.s32 @!p2 $0x0;
	s8 =	spop (v2sf);
	s0 =	sadd.s32 s9, s0  }
0x376: {  	(v2sf) =	vpush v2, $0xF;
	s23 =	smov.u32 @p2 s3;
	s4 =	sadd.s32 s8, s3;
	s0 =	sadd.s32 s7, s0  }
0x377: {  	s7 =	simm.s32 $0x1;
	s8 =	simm.s32 $0x1;
	p1 =	slt.s32 s4, s21  }
0x378: {  	s2 =	simm.s32 @!p1 $0x0;
	s23 =	smov.u32 @p1 s4;
	s14 =	spop (v2sf)  }
0x379: {  	s0 =	sadd.s32 s2, s0;
	s2 =	sadd.s32 s4, s14;
	s24 =	spop (v2sf)  }
0x37a: {  	s4 =	simm.s32 $0x1;
	p0 =	slt.s32 s2, s21;
	s3 =	sadd.s32 s24, s2  }
0x37b: {  	s25 =	spop (v2sf);
	s5 =	simm.s32 @!p0 $0x0;
	p1 =	slt.s32 s3, s21  }
0x37c: {  	s26 =	spop (v2sf);
	s23 =	smov.u32 @p0 s2;
	s2 =	sadd.s32 s25, s3  }
0x37d: {  	s0 =	sadd.s32 s5, s0;
	s6 =	simm.s32 @!p1 $0x0;
	s28 =	spop (v2sf)  }
0x37e: {  	p2 =	slt.s32 s2, s21;
	s23 =	smov.u32 @p1 s3;
	s3 =	sadd.s32 s26, s2  }
0x37f: {  	s0 =	sadd.s32 s6, s0;
	s4 =	simm.s32 @!p2 $0x0;
	p0 =	slt.s32 s3, s21  }
0x380: {  	s5 =	sadd.s32 s28, s3;
	s6 =	simm.s32 $0x1;
	s23 =	smov.u32 @p2 s2  }
0x381: {  	s0 =	sadd.s32 s4, s0;
	s6 =	simm.s32 @!p0 $0x0;
	p3 =	slt.s32 s5, s21  }
0x382: {  	s2 =	simm.s32 $0x1;
	s0 =	sadd.s32 s6, s0;
	s7 =	simm.s32 @!p3 $0x0  }
0x383: {  	s23 =	smov.u32 @p0 s3;
	s29 =	spop (v2sf);
	s0 =	sadd.s32 s7, s0  }
0x384: {  	s7 =	simm.s32 $0x1;
	s4 =	sadd.s32 s29, s5;
	s30 =	spop (v2sf)  }
0x385: {  	p1 =	slt.s32 s4, s21;
	s6 =	sadd.s32 s30, s4;
	s31 =	spop (v2sf)  }
0x386: {  	p2 =	slt.s32 s6, s21;
	s8 =	simm.s32 @!p1 $0x0;
	s3 =	sadd.s32 s31, s6  }
0x387: {  	s2 =	simm.s32 @!p2 $0x0;
	s0 =	sadd.s32 s8, s0;
	p0 =	slt.s32 s3, s21  }
0x388: {  	s0 =	sadd.s32 s2, s0;
	s7 =	simm.s32 @!p0 $0x0  }
0x389: {  	s0 =	sadd.s32 s7, s0  }
0x38a: {  	s24 =	sshll.u32 s0, $0x4;
	s0 =	simm.s32 $0x100C0  }
0x38b: {  	v2 =	vld [tilespmem:s24+$0x10080];
	[tilespmem:s0+$0xFFFFFFC0] =	vst v0  }
0x38c: {  	[tilespmem:s0+$0x30] =	vst v0  }
0x38d: {  	[tilespmem:s0+$0x20] =	vst v0  }
0x38e: {  	s23 =	smov.u32 @p3 s5;
	[tilespmem:s0+$0x10] =	vst v0  }
0x38f: {  	s23 =	smov.u32 @p1 s4;
	[tilespmem:s0+$0x0] =	vst v0  }
0x390: {  	s23 =	smov.u32 @p2 s6;
	[tilespmem:s0+$0xFFFFFFF0] =	vst v0  }
0x391: {  	s25 =	simm.s32 $0x0;
	s23 =	smov.u32 @p0 s3;
	[tilespmem:s0+$0xFFFFFFE0] =	vst v0  }
.LBB2_32:
0x392: {  	s25 =	sadd.s32 $0x80, s25;
	[tilespmem:s0+$0xFFFFFFD0] =	vst v0;
	s0 =	sadd.s32 $0x80, s0  }
0x393: {  	[tilespmem:s0+$0xFFFFFFC0] =	vst v0;
	p0 =	slt.u32 s25, $0x180  }
0x394: {  	[tilespmem:s0+$0x30] =	vst v0  }
.Ltmp15:
0x395: {  	[tilespmem:s0+$0x20] =	vst v0;
	(pc) =	sbr.rel @p0 .LBB2_32-.Ltmp15, $4  }
0x396: {  	[tilespmem:s0+$0x10] =	vst v0  }
0x397: {  	[tilespmem:s0+$0x0] =	vst v0  }
0x398: {  	[tilespmem:s0+$0xFFFFFFF0] =	vst v0  }
0x399: {  	[tilespmem:s0+$0xFFFFFFE0] =	vst v0  }
0x39a: {  	(xrf0) =	vadd.scan.msk.s32 $0xffff, v2;
	_ =	sdelay $0x5  }
0x39b: {  	v2, _, _ =	vpop (xrf0)  }
0x39c: {  	v2 =	vadd.s32 s23, v2  }
0x39d: {  	vm0 =	vlt.s32 v2, s21  }
0x39e: {  	v3 =	vsel vm0, $0x1, v0  }
0x39f: {  	(xrf0) =	vadd.scan.msk.s32 $0xffff, v3;
	_ =	sdelay $0x5  }
0x3a0: {  	v3, _, _ =	vpop (xrf0)  }
0x3a1: {  	(v2sf) =	vpush v3, $0xF;
	_ =	sdelay $0x7  }
0x3a2: {  	[tilespmem:s0+$0xFFFFFFD0] =	vst v0;
	s31 =	simm.s32 $0x8040  }
0x3a3: {  	v6 =	vld [tilespmem:s31+$0x30]  }
0x3a4: {  	v5 =	vld [tilespmem:s31+$0xFFFFFFD0]  }
0x3a5: {  	v7 =	vld [tilespmem:s31+$0xFFFFFFE0]  }
0x3a6: {  	v9 =	vld [tilespmem:s31+$0xFFFFFFF0]  }
0x3a7: {  	v11 =	vld [tilespmem:s31+$0x0]  }
0x3a8: {  	v12 =	vld [tilespmem:s31+$0x10]  }
0x3a9: {  	v14 =	vld [tilespmem:s31+$0xFFFFFFC0];
	s30 =	spop (v2sf)  }
0x3aa: {  	s2 =	sshll.u32 s22, $0xB;
	v8 =	vshrl.u32 v6, $0x9;
	v10 =	vshrl.u32 v5, $0x9;
	v13 =	vand.u32 $0x1FF, v5;
	v5 =	vld [tilespmem:s31+$0x20];
	s0 =	sadd.s32 s24, s30  }
0x3ab: {  	v15 =	vshrl.u32 v7, $0x9;
	v59 =	vshrl.u32 v9, $0x9;
	v6 =	vand.u32 $0x1FF, v6;
	s22 =	sor.u32 s2, s0  }
0x3ac: {  	v60 =	vshrl.u32 v11, $0x9;
	v8 =	vand.u32 $0x3FFFFF, v8;
	v4 =	vmov s22  }
0x3ad: {  	v61 =	vshrl.u32 v12, $0x9;
	v10 =	vand.u32 $0x3FFFFF, v10;
	vm4 =	veq.s32 v8, v4  }
0x3ae: {  	v16 =	vshrl.u32 v14, $0x9;
	v9 =	vand.u32 $0x1FF, v9;
	vm7 =	veq.s32 v10, v4  }
0x3af: {  	v63 =	vand.u32 $0x3FFFFF, v16;
	v62 =	vshrl.u32 v5, $0x9;
	v3 =	vmov s21  }
0x3b0: {  	v8 =	vand.u32 $0x3FFFFF, v15;
	v10 =	vand.u32 $0x3FFFFF, v59;
	vm5 =	veq.s32 v63, v4  }
0x3b1: {  	vm0 =	veq.s32 v8, v4;
	v8 =	vand.u32 $0x3FFFFF, v60;
	vm1 =	veq.s32 v10, v4  }
0x3b2: {  	v10 =	vand.u32 $0x3FFFFF, v61;
	vm2 =	veq.s32 v8, v4;
	v8 =	vand.u32 $0x3FFFFF, v62  }
0x3b3: {  	vm3 =	veq.s32 v10, v4;
	v10 =	vand.u32 $0x1FF, v14;
	vm6 =	veq.s32 v8, v4;
	[tilespmem:v6+s16+$0x0] =	vst.idx.add.s32.msk vm4, v1  }
0x3b4: {  	s25 =	simm.s32 $0x80C0;
	s24 =	simm.s32 $0x0;
	v8 =	vand.u32 $0x1FF, v7;
	v7 =	vand.u32 $0x1FF, v11;
	[tilespmem:v13+s16+$0x0] =	vst.idx.add.s32.msk vm7, v1;
	v6 =	vand.u32 $0x1FF, v12  }
.LBB2_34:
0x3b5: {  	v11 =	vld [tilespmem:s25+$0x30];
	s24 =	sadd.s32 $0x80, s24;
	v12 =	vand.u32 $0x1FF, v5;
	vm4 =	vmmov vm6  }
0x3b6: {  	v5 =	vld [tilespmem:s25+$0xFFFFFFD0];
	p0 =	slt.u32 s24, $0x7F80  }
0x3b7: {  	v13 =	vld [tilespmem:s25+$0xFFFFFFE0]  }
0x3b8: {  	v14 =	vld [tilespmem:s25+$0xFFFFFFF0]  }
0x3b9: {  	v15 =	vld [tilespmem:s25+$0x0]  }
0x3ba: {  	v16 =	vld [tilespmem:s25+$0x10];
	v17 =	vshrl.u32 v11, $0x9  }
0x3bb: {  	v18 =	vshrl.u32 v5, $0x9;
	v19 =	vand.u32 $0x1FF, v5;
	v5 =	vld [tilespmem:s25+$0x20];
	v17 =	vand.u32 $0x3FFFFF, v17  }
0x3bc: {  	v20 =	vld [tilespmem:s25+$0xFFFFFFC0];
	v18 =	vand.u32 $0x3FFFFF, v18;
	v21 =	vshrl.u32 v13, $0x9;
	vm7 =	veq.s32 v17, v4  }
0x3bd: {  	v11 =	vand.u32 $0x1FF, v11;
	v17 =	vand.u32 $0x3FFFFF, v21;
	v21 =	vshrl.u32 v14, $0x9;
	[tilespmem:v10+s16+$0x0] =	vst.idx.add.s32.msk vm5, v1  }
0x3be: {  	vm8 =	veq.s32 v18, v4;
	v10 =	vand.u32 $0x3FFFFF, v21;
	v18 =	vshrl.u32 v15, $0x9;
	[tilespmem:v8+s16+$0x0] =	vst.idx.add.s32.msk vm0, v1  }
0x3bf: {  	vm0 =	veq.s32 v17, v4;
	v8 =	vand.u32 $0x3FFFFF, v18;
	v17 =	vshrl.u32 v16, $0x9;
	[tilespmem:v9+s16+$0x0] =	vst.idx.add.s32.msk vm1, v1  }
.Ltmp16:
0x3c0: {  	vm1 =	veq.s32 v10, v4;
	v9 =	vand.u32 $0x3FFFFF, v17;
	v10 =	vshrl.u32 v5, $0x9;
	[tilespmem:v7+s16+$0x0] =	vst.idx.add.s32.msk vm2, v1;
	(pc) =	sbr.rel @p0 .LBB2_34-.Ltmp16, $4  }
0x3c1: {  	vm2 =	veq.s32 v8, v4;
	v7 =	vshrl.u32 v20, $0x9;
	v8 =	vand.u32 $0x3FFFFF, v10;
	[tilespmem:v6+s16+$0x0] =	vst.idx.add.s32.msk vm3, v1  }
0x3c2: {  	vm3 =	veq.s32 v9, v4;
	v6 =	vand.u32 $0x3FFFFF, v7;
	vm6 =	veq.s32 v8, v4;
	[tilespmem:v11+s16+$0x0] =	vst.idx.add.s32.msk vm7, v1  }
0x3c3: {  	v10 =	vand.u32 $0x1FF, v20;
	v8 =	vand.u32 $0x1FF, v13;
	vm5 =	veq.s32 v6, v4;
	[tilespmem:v12+s16+$0x0] =	vst.idx.add.s32.msk vm4, v1  }
0x3c4: {  	s25 =	sadd.s32 $0x80, s25;
	v9 =	vand.u32 $0x1FF, v14;
	v7 =	vand.u32 $0x1FF, v15;
	v6 =	vand.u32 $0x1FF, v16;
	[tilespmem:v19+s16+$0x0] =	vst.idx.add.s32.msk vm8, v1  }
0x3c5: {  	_ =	sdelay $0x4  }
0x3c6: {  	v4 =	vand.u32 $0x1FF, v5;
	[tilespmem:v10+s16+$0x0] =	vst.idx.add.s32.msk vm5, v1  }
0x3c7: {  	[tilespmem:v8+s16+$0x0] =	vst.idx.add.s32.msk vm0, v1  }
0x3c8: {  	[tilespmem:v9+s16+$0x0] =	vst.idx.add.s32.msk vm1, v1  }
0x3c9: {  	[tilespmem:v7+s16+$0x0] =	vst.idx.add.s32.msk vm2, v1;
	vm15 =	vlt.s32 v2, v3;
	v2 =	vxor.u32 $0x80000000, v2  }
0x3ca: {  	[tilespmem:v6+s16+$0x0] =	vst.idx.add.s32.msk vm3, v1;
	v2 =	vnsel vm15, $0x80000000, v2  }
0x3cb: {  	s0 =	simm.s32 $0x100C0;
	(xrf0) =	vmax.scan.msk.u32 $0xffff, v2;
	[tilespmem:v4+s16+$0x0] =	vst.idx.add.s32.msk vm6, v1  }
0x3cc: {  	v3 =	vld [tilespmem:s0+$0xFFFFFFC0]  }
0x3cd: {  	v2 =	vld [tilespmem:s0+$0xFFFFFFD0]  }
0x3ce: {  	v4 =	vld [tilespmem:s0+$0xFFFFFFE0];
	_ =	sdelay $0x1  }
0x3cf: {  	v5 =	vld [tilespmem:s0+$0xFFFFFFF0]  }
0x3d0: {  	v6, _, _ =	vpop (xrf0);
	(xrf0) =	vadd.scan.msk.s32 $0xffff, v3;
	v3 =	vld [tilespmem:s0+$0x0]  }
0x3d1: {  	(v2sf) =	vpush v6, $0xF;
	(xrf0) =	vadd.scan.msk.s32 $0xffff, v2  }
0x3d2: {  	(xrf0) =	vadd.scan.msk.s32 $0xffff, v4  }
0x3d3: {  	v2 =	vld [tilespmem:s0+$0x10]  }
0x3d4: {  	v4 =	vld [tilespmem:s0+$0x20];
	(xrf0) =	vadd.scan.msk.s32 $0xffff, v5  }
0x3d5: {  	(xrf0) =	vadd.scan.msk.s32 $0xffff, v3  }
0x3d6: {  	v3, _, _ =	vpop (xrf0)  }
0x3d7: {  	(v2sf) =	vpush v3, $0xF;
	v3, _, _ =	vpop (xrf0)  }
0x3d8: {  	(v2sf) =	vpush v3, $0xF;
	v3, _, _ =	vpop (xrf0);
	(xrf0) =	vadd.scan.msk.s32 $0xffff, v2  }
0x3d9: {  	(xrf0) =	vadd.scan.msk.s32 $0xffff, v4  }
0x3da: {  	(v2sf) =	vpush v3, $0xF;
	v2, _, _ =	vpop (xrf0)  }
0x3db: {  	(v2sf) =	vpush v2, $0xF;
	v2, _, _ =	vpop (xrf0)  }
0x3dc: {  	(v2sf) =	vpush v2, $0xF;
	v2 =	vld [tilespmem:s0+$0x30]  }
0x3dd: {  	s2 =	simm.s32 $0x10140  }
0x3de: {  	v4 =	vld [tilespmem:s2+$0xFFFFFFC0];
	v3, _, _ =	vpop (xrf0)  }
0x3df: {  	v5 =	vld [tilespmem:s2+$0xFFFFFFD0];
	(v2sf) =	vpush v3, $0xF;
	v3, _, _ =	vpop (xrf0)  }
0x3e0: {  	s6 =	spop (v2sf);
	(v2sf) =	vpush v3, $0xF;
	v3 =	vld [tilespmem:s2+$0xFFFFFFE0]  }
0x3e1: {  	v6 =	vld [tilespmem:s2+$0xFFFFFFF0];
	(xrf0) =	vadd.scan.msk.s32 $0xffff, v2  }
0x3e2: {  	v2 =	vld [tilespmem:s2+$0x0]  }
0x3e3: {  	(xrf0) =	vadd.scan.msk.s32 $0xffff, v4  }
0x3e4: {  	(xrf0) =	vadd.scan.msk.s32 $0xffff, v5  }
0x3e5: {  	(xrf0) =	vadd.scan.msk.s32 $0xffff, v3  }
0x3e6: {  	s25 =	simm.s32 $0x100;
	s0 =	sxor.u32 $0x80000000, s6;
	(xrf0) =	vadd.scan.msk.s32 $0xffff, v6  }
0x3e7: {  	s24 =	simm.s32 $0x101C0;
	s5 =	simm.s32 $0x1;
	p0 =	sgt.s32 s23, s0;
	v4 =	vld [tilespmem:s2+$0x10];
	(xrf0) =	vadd.scan.msk.s32 $0xffff, v2;
	v2, _, _ =	vpop (xrf0)  }
0x3e8: {  	s6 =	simm.s32 $0x1;
	s0 =	smov.u32 @p0 s23;
	v5 =	vld [tilespmem:s2+$0x20];
	s7 =	spop (v2sf);
	(v2sf) =	vpush v2, $0xF  }
0x3e9: {  	s21 =	ssub.s32 s21, s0;
	s0 =	sadd.s32 $0x0, s7;
	s3 =	spop (v2sf)  }
0x3ea: {  	s23 =	simm.s32 $0x0;
	p1 =	slt.s32 s0, s21;
	s3 =	sadd.s32 s3, s0  }
0x3eb: {  	s4 =	spop (v2sf);
	s5 =	simm.s32 @!p1 $0x0;
	p0 =	slt.s32 s3, s21  }
0x3ec: {  	(xrf0) =	vadd.scan.msk.s32 $0xffff, v4;
	v2, _, _ =	vpop (xrf0);
	s7 =	spop (v2sf);
	s23 =	smov.u32 @p1 s0;
	s29 =	sadd.s32 s4, s3  }
0x3ed: {  	v6 =	vld [tilespmem:s2+$0x30];
	(xrf0) =	vadd.scan.msk.s32 $0xffff, v5;
	v3, _, _ =	vpop (xrf0);
	s4 =	simm.s32 $0x1;
	s0 =	simm.s32 $0x1;
	s8 =	spop (v2sf);
	(v2sf) =	vpush v2, $0xF  }
0x3ee: {  	s5 =	sadd.s32 $0x0, s5;
	s6 =	simm.s32 @!p0 $0x0;
	p2 =	slt.s32 s29, s21;
	(v2sf) =	vpush v3, $0xF  }
0x3ef: {  	s23 =	smov.u32 @p0 s3;
	s26 =	sadd.s32 s7, s29;
	s9 =	sadd.s32 s6, s5;
	v2, _, _ =	vpop (xrf0)  }
0x3f0: {  	v4 =	vld [tilespmem:s24+$0xFFFFFFE0];
	s4 =	simm.s32 @!p2 $0x0;
	p0 =	slt.s32 s26, s21;
	v3, _, _ =	vpop (xrf0);
	s28 =	sadd.s32 s8, s26;
	(v2sf) =	vpush v2, $0xF  }
0x3f1: {  	v5 =	vld [tilespmem:s24+$0xFFFFFFD0];
	s2 =	sadd.s32 s4, s9;
	s0 =	simm.s32 @!p0 $0x0;
	(v2sf) =	vpush v3, $0xF;
	v3, _, _ =	vpop (xrf0);
	s10 =	spop (v2sf)  }
0x3f2: {  	v2 =	vld [tilespmem:s24+$0xFFFFFFC0];
	s0 =	sadd.s32 s0, s2;
	(v2sf) =	vpush v3, $0xF;
	v7, _, _ =	vpop (xrf0);
	s30 =	sadd.s32 s10, s28;
	s14 =	spop (v2sf);
	(xrf0) =	vadd.scan.msk.s32 $0xffff, v6  }
0x3f3: {  	vm4 =	vmmov vm6;
	p4 =	slt.s32 s28, s21;
	v3 =	vld [tilespmem:s24+$0xFFFFFFF0];
	(v2sf) =	vpush v7, $0xF;
	v6, _, _ =	vpop (xrf0);
	p3 =	slt.s32 s30, s21;
	s31 =	sadd.s32 s14, s30  }
.LBB2_36:
0x3f4: {  	s23 =	smov.u32 @p2 s29;
	s2 =	simm.s32 $0x1;
	p1 =	slt.s32 s31, s21  }
0x3f5: {  	s3 =	smov.u32 s24;
	s5 =	simm.s32 $0x1;
	s2 =	simm.s32 @!p4 $0x0  }
0x3f6: {  	v7 =	vld [tilespmem:s24+$0x0];
	(v2sf) =	vpush v6, $0xF;
	s23 =	smov.u32 @p0 s26;
	s0 =	sadd.s32 s2, s0;
	s2 =	simm.s32 $0x1  }
0x3f7: {  	s5 =	simm.s32 @!p3 $0x0;
	(xrf0) =	vadd.scan.msk.s32 $0xffff, v2;
	s4 =	spop (v2sf);
	s2 =	simm.s32 @!p1 $0x0  }
0x3f8: {  	s23 =	smov.u32 @p4 s28;
	s4 =	sadd.s32 s4, s31;
	s0 =	sadd.s32 s5, s0;
	(xrf0) =	vadd.scan.msk.s32 $0xffff, v5;
	v2, _, _ =	vpop (xrf0)  }
0x3f9: {  	p0 =	slt.s32 s4, s21;
	s0 =	sadd.s32 s2, s0;
	s2 =	simm.s32 $0x1;
	(xrf0) =	vadd.scan.msk.s32 $0xffff, v4;
	(v2sf) =	vpush v2, $0xF  }
0x3fa: {  	s23 =	smov.u32 @p3 s30;
	s2 =	simm.s32 @!p0 $0x0;
	v2 =	vld [tilespmem:s24+$0x10];
	(xrf0) =	vadd.scan.msk.s32 $0xffff, v3  }
0x3fb: {  	s25 =	sadd.s32 $0x80, s25;
	s23 =	smov.u32 @p1 s31;
	s0 =	sadd.s32 s2, s0;
	v3 =	vld [tilespmem:s24+$0x20];
	(xrf0) =	vadd.scan.msk.s32 $0xffff, v7  }
0x3fc: {  	p1 =	slt.u32 s25, $0x180;
	s23 =	smov.u32 @p0 s4;
	s2 =	spop (v2sf)  }
0x3fd: {  	s24 =	sadd.s32 $0x80, s24;
	v4, _, _ =	vpop (xrf0);
	s2 =	sadd.s32 s4, s2;
	s4 =	spop (v2sf)  }
0x3fe: {  	s5 =	simm.s32 $0x1;
	v5 =	vld [tilespmem:s3+$0x30];
	p0 =	slt.s32 s2, s21;
	s3 =	sadd.s32 s4, s2  }
0x3ff: {  	(v2sf) =	vpush v4, $0xF;
	v4, _, _ =	vpop (xrf0);
	s4 =	spop (v2sf);
	s5 =	simm.s32 @!p0 $0x0;
	p2 =	slt.s32 s3, s21  }
0x400: {  	s6 =	spop (v2sf);
	s23 =	smov.u32 @p0 s2;
	s29 =	sadd.s32 s4, s3  }
0x401: {  	(v2sf) =	vpush v4, $0xF;
	v4, _, _ =	vpop (xrf0);
	(xrf0) =	vadd.scan.msk.s32 $0xffff, v2;
	s2 =	simm.s32 $0x1;
	s0 =	sadd.s32 s5, s0;
	s5 =	simm.s32 $0x1  }
0x402: {  	(v2sf) =	vpush v4, $0xF;
	v2, _, _ =	vpop (xrf0);
	(xrf0) =	vadd.scan.msk.s32 $0xffff, v3;
	s7 =	spop (v2sf);
	s23 =	smov.u32 @p2 s3;
	s5 =	simm.s32 @!p2 $0x0  }
0x403: {  	s26 =	sadd.s32 s6, s29;
	p2 =	slt.s32 s29, s21;
	(v2sf) =	vpush v2, $0xF;
	v2, _, _ =	vpop (xrf0);
	s0 =	sadd.s32 s5, s0  }
.Ltmp17:
0x404: {  	p0 =	slt.s32 s26, s21;
	s2 =	simm.s32 @!p2 $0x0;
	(v2sf) =	vpush v2, $0xF;
	(pc) =	sbr.rel @p1 .LBB2_36-.Ltmp17, $4  }
0x405: {  	s28 =	sadd.s32 s7, s26;
	s0 =	sadd.s32 s2, s0;
	s2 =	simm.s32 $0x1;
	v2 =	vld [tilespmem:s24+$0xFFFFFFC0];
	(xrf0) =	vadd.scan.msk.s32 $0xffff, v5  }
0x406: {  	s2 =	simm.s32 @!p0 $0x0;
	v5 =	vld [tilespmem:s24+$0xFFFFFFD0];
	s3 =	spop (v2sf)  }
0x407: {  	s0 =	sadd.s32 s2, s0;
	v4 =	vld [tilespmem:s24+$0xFFFFFFE0];
	v6, _, _ =	vpop (xrf0);
	s30 =	sadd.s32 s3, s28;
	s2 =	spop (v2sf)  }
0x408: {  	p4 =	slt.s32 s28, s21;
	v3 =	vld [tilespmem:s24+$0xFFFFFFF0];
	(v2sf) =	vpush v6, $0xF;
	v6, _, _ =	vpop (xrf0);
	p3 =	slt.s32 s30, s21;
	s31 =	sadd.s32 s2, s30  }
0x409: {  	s23 =	smov.u32 @p2 s29;
	s2 =	simm.s32 $0x1;
	p1 =	slt.s32 s31, s21  }
0x40a: {  	s3 =	simm.s32 $0x1;
	s4 =	spop (v2sf);
	s5 =	simm.s32 $0x1  }
0x40b: {  	s2 =	simm.s32 @!p4 $0x0;
	s3 =	simm.s32 @!p1 $0x0;
	s23 =	smov.u32 @p0 s26  }
0x40c: {  	(v2sf) =	vpush v6, $0xF;
	s5 =	simm.s32 @!p3 $0x0;
	s0 =	sadd.s32 s2, s0;
	s2 =	sadd.s32 s4, s31  }
0x40d: {  	(xrf0) =	vadd.scan.msk.s32 $0xffff, v2;
	s23 =	smov.u32 @p4 s28;
	s4 =	simm.s32 $0x1;
	s0 =	sadd.s32 s5, s0  }
0x40e: {  	v7 =	vld [tilespmem:s24+$0x0];
	p0 =	slt.s32 s2, s21;
	s23 =	smov.u32 @p3 s30;
	s0 =	sadd.s32 s3, s0  }
0x40f: {  	(xrf0) =	vadd.scan.msk.s32 $0xffff, v5;
	v2, _, _ =	vpop (xrf0);
	s4 =	simm.s32 @!p0 $0x0;
	s23 =	smov.u32 @p1 s31;
	s25 =	spop (v2sf)  }
0x410: {  	v62 =	vld [tilespmem:s24+$0x10];
	(xrf0) =	vadd.scan.msk.s32 $0xffff, v4;
	(v2sf) =	vpush v2, $0xF;
	s0 =	sadd.s32 s4, s0;
	s23 =	smov.u32 @p0 s2;
	s3 =	sadd.s32 s2, s25  }
0x411: {  	v63 =	vld [tilespmem:s24+$0x30];
	(xrf0) =	vadd.scan.msk.s32 $0xffff, v3;
	s4 =	simm.s32 $0x1;
	s26 =	spop (v2sf);
	p0 =	slt.s32 s3, s21  }
0x412: {  	v2 =	vld [tilespmem:s24+$0x20];
	s24 =	sadd.s32 s26, s3;
	s28 =	spop (v2sf);
	s4 =	simm.s32 @!p0 $0x0  }
0x413: {  	(xrf0) =	vadd.scan.msk.s32 $0xffff, v7;
	v3, _, _ =	vpop (xrf0);
	s23 =	smov.u32 @p0 s3;
	p1 =	slt.s32 s24, s21;
	s6 =	spop (v2sf)  }
0x414: {  	(v2sf) =	vpush v3, $0xF;
	s0 =	sadd.s32 s4, s0;
	s25 =	sadd.s32 s28, s24;
	s5 =	simm.s32 @!p1 $0x0  }
0x415: {  	v3, _, _ =	vpop (xrf0);
	s29 =	spop (v2sf);
	p0 =	slt.s32 s25, s21;
	s26 =	sadd.s32 s6, s25  }
0x416: {  	(v2sf) =	vpush v3, $0xF;
	v3, _, _ =	vpop (xrf0);
	s5 =	simm.s32 @p1 $0x1;
	s2 =	simm.s32 @!p0 $0x0;
	s28 =	sadd.s32 s29, s26  }
0x417: {  	(v2sf) =	vpush v3, $0xF;
	v3, _, _ =	vpop (xrf0);
	[smem:$0x7EB] =	sst s5;
	s5 =	simm.s32 $0x1;
	s2 =	simm.s32 @p0 $0x1  }
0x418: {  	(xrf0) =	vadd.scan.msk.s32 $0xffff, v62;
	(v2sf) =	vpush v3, $0xF;
	s5 =	simm.s32 @!p1 $0x0;
	[smem:$0x7EC] =	sst s2;
	s2 =	simm.s32 $0x1  }
0x419: {  	(xrf0) =	vadd.scan.msk.s32 $0xffff, v2;
	v2, _, _ =	vpop (xrf0);
	s0 =	sadd.s32 s5, s0;
	s2 =	simm.s32 @!p0 $0x0;
	p0 =	slt.s32 s26, s21  }
0x41a: {  	(v2sf) =	vpush v2, $0xF;
	s30 =	spop (v2sf);
	s3 =	simm.s32 @!p0 $0x0;
	s0 =	sadd.s32 s2, s0  }
0x41b: {  	s29 =	sadd.s32 s30, s28;
	s31 =	spop (v2sf);
	s3 =	simm.s32 @p0 $0x1  }
0x41c: {  	p1 =	slt.s32 s29, s21;
	[smem:$0x7ED] =	sst s3;
	s3 =	simm.s32 $0x1  }
0x41d: {  	s2 =	simm.s32 @!p1 $0x0;
	s3 =	simm.s32 @!p0 $0x0;
	p0 =	slt.s32 s28, s21  }
0x41e: {  	(xrf0) =	vadd.scan.msk.s32 $0xffff, v63;
	s30 =	sadd.s32 s31, s29;
	s2 =	simm.s32 @p1 $0x1;
	s4 =	simm.s32 @!p0 $0x0  }
0x41f: {  	v2, _, _ =	vpop (xrf0);
	s5 =	spop (v2sf);
	[smem:$0x7EF] =	sst s2;
	s4 =	simm.s32 @p0 $0x1  }
0x420: {  	(v2sf) =	vpush v2, $0xF;
	s0 =	sadd.s32 s3, s0;
	[smem:$0x7EE] =	sst s4;
	s4 =	simm.s32 $0x1  }
0x421: {  	s31 =	sadd.s32 s5, s30;
	s4 =	simm.s32 @!p0 $0x0;
	p0 =	slt.s32 s30, s21  }
0x422: {  	s5 =	simm.s32 $0x1;
	s2 =	simm.s32 @!p0 $0x0;
	s0 =	sadd.s32 s4, s0  }
0x423: {  	v2, _, _ =	vpop (xrf0);
	s4 =	simm.s32 $0x1;
	s6 =	spop (v2sf);
	s2 =	simm.s32 @p0 $0x1  }
0x424: {  	(v2sf) =	vpush v2, $0xF;
	v2, _, _ =	vpop (xrf0);
	s4 =	simm.s32 @!p1 $0x0;
	[smem:$0x7F0] =	sst s2;
	s2 =	simm.s32 $0x1  }
0x425: {  	(v2sf) =	vpush v2, $0xF;
	s7 =	spop (v2sf);
	s2 =	simm.s32 @!p0 $0x0;
	p0 =	slt.s32 s31, s21  }
0x426: {  	s0 =	sadd.s32 s4, s0;
	s8 =	spop (v2sf);
	s3 =	simm.s32 @!p0 $0x0  }
0x427: {  	s9 =	spop (v2sf);
	s0 =	sadd.s32 s2, s0;
	s3 =	simm.s32 @p0 $0x1  }
0x428: {  	s2 =	sadd.s32 s31, s6;
	[smem:$0x7F1] =	sst s3;
	s3 =	simm.s32 $0x1  }
0x429: {  	s10 =	spop (v2sf);
	s3 =	simm.s32 @!p0 $0x0;
	p0 =	slt.s32 s2, s21  }
0x42a: {  	s0 =	sadd.s32 s3, s0;
	s6 =	simm.s32 @!p0 $0x0;
	s5 =	simm.s32 @!p0 $0x0  }
0x42b: {  	s3 =	sadd.s32 s7, s2;
	s6 =	simm.s32 @p0 $0x1;
	s0 =	sadd.s32 s5, s0  }
0x42c: {  	s5 =	simm.s32 $0x1;
	p0 =	slt.s32 s3, s21;
	s4 =	sadd.s32 s8, s3  }
0x42d: {  	s8 =	simm.s32 $0x1;
	[smem:$0x7F2] =	sst s6;
	s7 =	simm.s32 @!p0 $0x0  }
0x42e: {  	s5 =	simm.s32 @!p0 $0x0;
	s6 =	sadd.s32 s9, s4;
	p5 =	slt.s32 s4, s21  }
0x42f: {  	s9 =	spop (v2sf);
	s7 =	simm.s32 @p0 $0x1;
	s0 =	sadd.s32 s5, s0  }
0x430: {  	s8 =	simm.s32 @!p5 $0x0;
	s5 =	sadd.s32 s10, s6;
	p4 =	slt.s32 s6, s21  }
0x431: {  	s10 =	simm.s32 $0x1;
	[smem:$0x7F3] =	sst s7;
	s7 =	simm.s32 $0x1  }
0x432: {  	s0 =	sadd.s32 s8, s0;
	p3 =	slt.s32 s5, s21;
	s7 =	simm.s32 @!p4 $0x0  }
0x433: {  	s14 =	spop (v2sf);
	s10 =	simm.s32 @!p3 $0x0;
	s0 =	sadd.s32 s7, s0  }
0x434: {  	s0 =	sadd.s32 s10, s0;
	s10 =	spop (v2sf);
	[smem:$0x7F4] =	sst s1  }
0x435: {  	s1 =	sld [smem:$0x7EB];
	_ =	sdelay $0x2  }
0x436: {  	p6 =	seq.s32 s1, $0x1;
	s1 =	sld [smem:$0x7F4]  }
0x437: {  	s23 =	smov.u32 @p6 s24;
	s24 =	sld [smem:$0x7EC];
	_ =	sdelay $0x2  }
0x438: {  	p6 =	seq.s32 s24, $0x1  }
0x439: {  	s23 =	smov.u32 @p6 s25;
	s25 =	sld [smem:$0x7ED];
	_ =	sdelay $0x2  }
0x43a: {  	p6 =	seq.s32 s25, $0x1  }
0x43b: {  	s23 =	smov.u32 @p6 s26;
	s26 =	sld [smem:$0x7EE]  }
0x43c: {  	s8 =	sadd.s32 s9, s5  }
0x43d: {  	s9 =	simm.s32 $0x1;
	p1 =	slt.s32 s8, s21  }
0x43e: {  	s7 =	sadd.s32 s14, s8;
	s14 =	simm.s32 $0x1;
	p6 =	seq.s32 s26, $0x1  }
0x43f: {  	p2 =	slt.s32 s7, s21;
	s23 =	smov.u32 @p6 s28;
	s28 =	sld [smem:$0x7EF]  }
0x440: {  	s14 =	simm.s32 @!p1 $0x0;
	s9 =	simm.s32 @!p2 $0x0;
	s10 =	sadd.s32 s10, s7  }
0x441: {  	s0 =	sadd.s32 s14, s0;
	s14 =	simm.s32 $0x1;
	p0 =	slt.s32 s10, s21  }
0x442: {  	s0 =	sadd.s32 s9, s0;
	s14 =	simm.s32 @!p0 $0x0;
	p6 =	seq.s32 s28, $0x1  }
0x443: {  	s0 =	sadd.s32 s14, s0;
	s23 =	smov.u32 @p6 s29;
	s29 =	sld [smem:$0x7F0]  }
0x444: {  	s0 =	sshll.u32 s0, $0x4;
	s14 =	sld [smem:$0x7F1]  }
0x445: {  	v2 =	vld [tilespmem:s0+$0x10080];
	s24 =	sld [smem:$0x7F2]  }
0x446: {  	s25 =	sld [smem:$0x7F3];
	p6 =	seq.s32 s29, $0x1  }
0x447: {  	s23 =	smov.u32 @p6 s30;
	p6 =	seq.s32 s14, $0x1  }
0x448: {  	s23 =	smov.u32 @p6 s31;
	p6 =	seq.s32 s24, $0x1  }
0x449: {  	s23 =	smov.u32 @p6 s2;
	p6 =	seq.s32 s25, $0x1  }
0x44a: {  	(xrf0) =	vadd.scan.msk.s32 $0xffff, v2;
	s23 =	smov.u32 @p6 s3  }
0x44b: {  	s23 =	smov.u32 @p5 s4  }
0x44c: {  	s23 =	smov.u32 @p4 s6  }
0x44d: {  	s23 =	smov.u32 @p3 s5  }
0x44e: {  	s23 =	smov.u32 @p1 s8  }
0x44f: {  	s23 =	smov.u32 @p2 s7  }
0x450: {  	v2, _, _ =	vpop (xrf0);
	s23 =	smov.u32 @p0 s10  }
0x451: {  	v2 =	vadd.s32 s23, v2  }
0x452: {  	vm0 =	vlt.s32 v2, s21  }
0x453: {  	v2 =	vsel vm0, $0x1, v0  }
0x454: {  	(xrf0) =	vadd.scan.msk.s32 $0xffff, v2;
	_ =	sdelay $0x5  }
0x455: {  	v2, _, _ =	vpop (xrf0)  }
0x456: {  	(v2sf) =	vpush v2, $0xF;
	_ =	sdelay $0xe  }
0x457: {  	s26 =	spop (v2sf)  }
0x458: {  	s28 =	sshll.u32 s22, $0x9;
	s0 =	sadd.s32 s0, s26  }
0x459: {  	s29 =	rddreg [dreg:$0x7];
	s30 =	simm.s32 $0x8000;
	s0 =	sor.u32 s28, s0  }
0x45a: {  	[tilespmem:s30], [sflag:$0x2] =	stream.strided.gather [hbm4b:s29+s12], $0x8000, s13, s12, $0x38;
	v2 =	vmov s0;
	[tilespmem:$0x10880] =	vst v63  }
0x45b: {  	s31 =	rddreg [dreg:$0x8];
	[tilespmem:$0x10000] =	vst v2  }
0x45c: {  	[hbm4b:s31+s1] =	stream.linear.scatter [tilespmem:s17], [sflag:$0x3], $0x80, $0x38;
	[tilespmem:$0x10880] =	vst v63  }
0x45d: {  	_ =	swait.ge [sflag:s18], $0x80  }
0x45e: {  	[sflag:s18] =	ssyncset.done $0x0  }
0x45f: {  	[sflag:s18] =	ssyncadd.s32 $0xFFFFFF80  }
0x460: {  	_ =	swait.ge [sflag:s15], $0x8000  }
0x461: {  	[sflag:s15] =	ssyncset.done $0x0  }
0x462: {  	s0 =	simm.s32 $0x100C0;
	[sflag:s15] =	ssyncadd.s32 $0xFFFF8000  }
0x463: {  	[tilespmem:s0+$0xFFFFFFC0] =	vst v0  }
0x464: {  	[tilespmem:s0+$0x30] =	vst v0  }
0x465: {  	[tilespmem:s0+$0x20] =	vst v0  }
0x466: {  	[tilespmem:s0+$0x10] =	vst v0  }
0x467: {  	[tilespmem:s0+$0x0] =	vst v0  }
0x468: {  	[tilespmem:s0+$0xFFFFFFF0] =	vst v0  }
0x469: {  	s21 =	simm.s32 $0x0;
	[tilespmem:s0+$0xFFFFFFE0] =	vst v0  }
.LBB2_38:
0x46a: {  	s21 =	sadd.s32 $0x80, s21;
	[tilespmem:s0+$0xFFFFFFD0] =	vst v0;
	s0 =	sadd.s32 $0x80, s0  }
0x46b: {  	[tilespmem:s0+$0xFFFFFFC0] =	vst v0;
	p0 =	slt.u32 s21, $0x780  }
0x46c: {  	[tilespmem:s0+$0x30] =	vst v0  }
.Ltmp18:
0x46d: {  	[tilespmem:s0+$0x20] =	vst v0;
	(pc) =	sbr.rel @p0 .LBB2_38-.Ltmp18, $4  }
0x46e: {  	[tilespmem:s0+$0x10] =	vst v0  }
0x46f: {  	[tilespmem:s0+$0x0] =	vst v0  }
0x470: {  	[tilespmem:s0+$0xFFFFFFF0] =	vst v0  }
0x471: {  	[tilespmem:s0+$0xFFFFFFE0] =	vst v0  }
0x472: {  	[tilespmem:s0+$0xFFFFFFD0] =	vst v0;
	s31 =	simm.s32 $0x40  }
0x473: {  	v2 =	vld [tilespmem:s31+$0x30]  }
0x474: {  	v3 =	vld [tilespmem:s31+$0xFFFFFFD0]  }
0x475: {  	v4 =	vld [tilespmem:s31+$0xFFFFFFE0]  }
0x476: {  	v5 =	vld [tilespmem:s31+$0xFFFFFFF0]  }
0x477: {  	v6 =	vld [tilespmem:s31+$0x0]  }
0x478: {  	v2 =	vshrl.u32 v2, $0x14  }
0x479: {  	v3 =	vshrl.u32 v3, $0x14;
	v2 =	vand.u32 $0x7FF, v2  }
0x47a: {  	v7 =	vld [tilespmem:s31+$0x10];
	v4 =	vshrl.u32 v4, $0x14;
	v3 =	vand.u32 $0x7FF, v3  }
0x47b: {  	v8 =	vld [tilespmem:s31+$0x20];
	v5 =	vshrl.u32 v5, $0x14;
	v4 =	vand.u32 $0x7FF, v4  }
0x47c: {  	v9 =	vld [tilespmem:s31+$0xFFFFFFC0];
	v6 =	vshrl.u32 v6, $0x14;
	v5 =	vand.u32 $0x7FF, v5  }
0x47d: {  	v6 =	vand.u32 $0x7FF, v6  }
0x47e: {  	[tilespmem:v2+s16+$0x0] =	vst.idx.add.s32.msk $0xffff, v1  }
0x47f: {  	[tilespmem:v3+s16+$0x0] =	vst.idx.add.s32.msk $0xffff, v1  }
0x480: {  	[tilespmem:v4+s16+$0x0] =	vst.idx.add.s32.msk $0xffff, v1  }
0x481: {  	v2 =	vshrl.u32 v7, $0x14;
	v3 =	vshrl.u32 v8, $0x14;
	v4 =	vshrl.u32 v9, $0x14;
	[tilespmem:v5+s16+$0x0] =	vst.idx.add.s32.msk $0xffff, v1  }
0x482: {  	s22 =	simm.s32 $0x0;
	s23 =	simm.s32 $0xC0;
	[tilespmem:v6+s16+$0x0] =	vst.idx.add.s32.msk $0xffff, v1;
	v2 =	vand.u32 $0x7FF, v2;
	v3 =	vand.u32 $0x7FF, v3;
	v4 =	vand.u32 $0x7FF, v4  }
.LBB2_40:
0x483: {  	v5 =	vld [tilespmem:s23+$0x30];
	s22 =	sadd.s32 $0x80, s22  }
0x484: {  	v6 =	vld [tilespmem:s23+$0xFFFFFFD0];
	p0 =	slt.u32 s22, $0x7F80  }
0x485: {  	v7 =	vld [tilespmem:s23+$0xFFFFFFE0]  }
0x486: {  	v8 =	vld [tilespmem:s23+$0xFFFFFFF0]  }
0x487: {  	v9 =	vld [tilespmem:s23+$0x0]  }
0x488: {  	v10 =	vld [tilespmem:s23+$0x10];
	v5 =	vshrl.u32 v5, $0x14  }
0x489: {  	v6 =	vshrl.u32 v6, $0x14;
	v11 =	vld [tilespmem:s23+$0x20];
	v5 =	vand.u32 $0x7FF, v5  }
0x48a: {  	v12 =	vld [tilespmem:s23+$0xFFFFFFC0];
	v6 =	vand.u32 $0x7FF, v6;
	v7 =	vshrl.u32 v7, $0x14  }
0x48b: {  	v7 =	vand.u32 $0x7FF, v7;
	v8 =	vshrl.u32 v8, $0x14;
	[tilespmem:v4+s16+$0x0] =	vst.idx.add.s32.msk $0xffff, v1  }
0x48c: {  	v8 =	vand.u32 $0x7FF, v8;
	v4 =	vshrl.u32 v9, $0x14;
	[tilespmem:v2+s16+$0x0] =	vst.idx.add.s32.msk $0xffff, v1  }
0x48d: {  	v9 =	vand.u32 $0x7FF, v4;
	v2 =	vshrl.u32 v10, $0x14;
	[tilespmem:v3+s16+$0x0] =	vst.idx.add.s32.msk $0xffff, v1  }
.Ltmp19:
0x48e: {  	s21 =	simm.s32 $0x0;
	s0 =	simm.s32 $0x100C0;
	v2 =	vand.u32 $0x7FF, v2;
	v3 =	vshrl.u32 v11, $0x14;
	[tilespmem:v5+s16+$0x0] =	vst.idx.add.s32.msk $0xffff, v1;
	(pc) =	sbr.rel @p0 .LBB2_40-.Ltmp19, $4  }
0x48f: {  	v4 =	vshrl.u32 v12, $0x14;
	[tilespmem:v6+s16+$0x0] =	vst.idx.add.s32.msk $0xffff, v1;
	v3 =	vand.u32 $0x7FF, v3  }
0x490: {  	v4 =	vand.u32 $0x7FF, v4;
	[tilespmem:v7+s16+$0x0] =	vst.idx.add.s32.msk $0xffff, v1  }
0x491: {  	[tilespmem:v8+s16+$0x0] =	vst.idx.add.s32.msk $0xffff, v1  }
0x492: {  	s23 =	sadd.s32 $0x80, s23;
	[tilespmem:v9+s16+$0x0] =	vst.idx.add.s32.msk $0xffff, v1  }
0x493: {  	_ =	sdelay $0x3  }
0x494: {  	[tilespmem:v4+s16+$0x0] =	vst.idx.add.s32.msk $0xffff, v1  }
0x495: {  	[tilespmem:v2+s16+$0x0] =	vst.idx.add.s32.msk $0xffff, v1  }
0x496: {  	[tilespmem:v3+s16+$0x0] =	vst.idx.add.s32.msk $0xffff, v1  }
0x497: {  	v2 =	vld [tilespmem:s0+$0xFFFFFFC0]  }
0x498: {  	v3 =	vld [tilespmem:s0+$0xFFFFFFD0]  }
0x499: {  	v4 =	vld [tilespmem:s0+$0xFFFFFFE0];
	_ =	sdelay $0x1  }
0x49a: {  	v5 =	vld [tilespmem:s0+$0xFFFFFFF0]  }
0x49b: {  	(xrf0) =	vadd.scan.msk.s32 $0xffff, v2;
	v2 =	vld [tilespmem:s0+$0x0]  }
0x49c: {  	(xrf0) =	vadd.scan.msk.s32 $0xffff, v3  }
0x49d: {  	(xrf0) =	vadd.scan.msk.s32 $0xffff, v4  }
0x49e: {  	v3 =	vld [tilespmem:s0+$0x10]  }
0x49f: {  	v4 =	vld [tilespmem:s0+$0x20];
	(xrf0) =	vadd.scan.msk.s32 $0xffff, v5  }
0x4a0: {  	(xrf0) =	vadd.scan.msk.s32 $0xffff, v2  }
0x4a1: {  	v2, _, _ =	vpop (xrf0)  }
0x4a2: {  	(v2sf) =	vpush v2, $0xF;
	v2, _, _ =	vpop (xrf0)  }
0x4a3: {  	(v2sf) =	vpush v2, $0xF;
	v2, _, _ =	vpop (xrf0);
	(xrf0) =	vadd.scan.msk.s32 $0xffff, v3  }
0x4a4: {  	(xrf0) =	vadd.scan.msk.s32 $0xffff, v4  }
0x4a5: {  	(v2sf) =	vpush v2, $0xF;
	v2, _, _ =	vpop (xrf0)  }
0x4a6: {  	(v2sf) =	vpush v2, $0xF;
	v2, _, _ =	vpop (xrf0)  }
0x4a7: {  	(v2sf) =	vpush v2, $0xF;
	v2 =	vld [tilespmem:s0+$0x30]  }
0x4a8: {  	s2 =	simm.s32 $0x10140  }
0x4a9: {  	v4 =	vld [tilespmem:s2+$0xFFFFFFC0];
	v3, _, _ =	vpop (xrf0)  }
0x4aa: {  	v5 =	vld [tilespmem:s2+$0xFFFFFFD0];
	(v2sf) =	vpush v3, $0xF;
	v3, _, _ =	vpop (xrf0)  }
0x4ab: {  	(v2sf) =	vpush v3, $0xF;
	v3 =	vld [tilespmem:s2+$0xFFFFFFE0]  }
0x4ac: {  	v6 =	vld [tilespmem:s2+$0xFFFFFFF0];
	(xrf0) =	vadd.scan.msk.s32 $0xffff, v2  }
0x4ad: {  	v2 =	vld [tilespmem:s2+$0x0]  }
0x4ae: {  	(xrf0) =	vadd.scan.msk.s32 $0xffff, v4  }
0x4af: {  	(xrf0) =	vadd.scan.msk.s32 $0xffff, v5  }
0x4b0: {  	(xrf0) =	vadd.scan.msk.s32 $0xffff, v3  }
0x4b1: {  	(xrf0) =	vadd.scan.msk.s32 $0xffff, v6  }
0x4b2: {  	v4 =	vld [tilespmem:s2+$0x10];
	(xrf0) =	vadd.scan.msk.s32 $0xffff, v2;
	v2, _, _ =	vpop (xrf0)  }
0x4b3: {  	s23 =	simm.s32 $0x100;
	s22 =	simm.s32 $0x101C0;
	v5 =	vld [tilespmem:s2+$0x20];
	s9 =	spop (v2sf);
	(v2sf) =	vpush v2, $0xF  }
0x4b4: {  	s5 =	simm.s32 $0x1;
	s0 =	sadd.s32 $0x0, s9;
	s3 =	spop (v2sf)  }
0x4b5: {  	s6 =	simm.s32 $0x1;
	p1 =	slt.s32 s0, $0x4000;
	s3 =	sadd.s32 s3, s0  }
0x4b6: {  	s4 =	spop (v2sf);
	s5 =	simm.s32 @!p1 $0x0;
	p0 =	slt.s32 s3, $0x4000  }
0x4b7: {  	(xrf0) =	vadd.scan.msk.s32 $0xffff, v4;
	v2, _, _ =	vpop (xrf0);
	s7 =	spop (v2sf);
	s21 =	smov.u32 @p1 s0;
	s26 =	sadd.s32 s4, s3  }
0x4b8: {  	v6 =	vld [tilespmem:s2+$0x30];
	(xrf0) =	vadd.scan.msk.s32 $0xffff, v5;
	v3, _, _ =	vpop (xrf0);
	(v2sf) =	vpush v2, $0xF;
	s4 =	simm.s32 $0x1;
	s0 =	simm.s32 $0x1;
	s5 =	sadd.s32 $0x0, s5  }
0x4b9: {  	s6 =	simm.s32 @!p0 $0x0;
	p1 =	slt.s32 s26, $0x4000;
	(v2sf) =	vpush v3, $0xF;
	s21 =	smov.u32 @p0 s3  }
0x4ba: {  	s24 =	sadd.s32 s7, s26;
	s10 =	spop (v2sf);
	s14 =	sadd.s32 s6, s5;
	v2, _, _ =	vpop (xrf0)  }
0x4bb: {  	v4 =	vld [tilespmem:s22+$0xFFFFFFD0];
	s4 =	simm.s32 @!p1 $0x0;
	p0 =	slt.s32 s24, $0x4000;
	(v2sf) =	vpush v2, $0xF;
	v2, _, _ =	vpop (xrf0);
	s25 =	sadd.s32 s10, s24  }
0x4bc: {  	v5 =	vld [tilespmem:s22+$0xFFFFFFC0];
	s2 =	sadd.s32 s4, s14;
	s0 =	simm.s32 @!p0 $0x0;
	(v2sf) =	vpush v2, $0xF;
	v2, _, _ =	vpop (xrf0);
	s30 =	spop (v2sf)  }
0x4bd: {  	v3 =	vld [tilespmem:s22+$0xFFFFFFE0];
	s0 =	sadd.s32 s0, s2;
	(v2sf) =	vpush v2, $0xF;
	v7, _, _ =	vpop (xrf0);
	(xrf0) =	vadd.scan.msk.s32 $0xffff, v6;
	s28 =	sadd.s32 s30, s25;
	s31 =	spop (v2sf)  }
0x4be: {  	p4 =	slt.s32 s25, $0x4000;
	v2 =	vld [tilespmem:s22+$0xFFFFFFF0];
	(v2sf) =	vpush v7, $0xF;
	v6, _, _ =	vpop (xrf0);
	p3 =	slt.s32 s28, $0x4000;
	s29 =	sadd.s32 s31, s28  }
.LBB2_42:
0x4bf: {  	s21 =	smov.u32 @p1 s26;
	s2 =	simm.s32 $0x1;
	p1 =	slt.s32 s29, $0x4000  }
0x4c0: {  	s3 =	smov.u32 s22;
	s5 =	simm.s32 $0x1;
	s2 =	simm.s32 @!p4 $0x0  }
0x4c1: {  	v7 =	vld [tilespmem:s22+$0x0];
	(v2sf) =	vpush v6, $0xF;
	s21 =	smov.u32 @p0 s24;
	s0 =	sadd.s32 s2, s0;
	s2 =	simm.s32 $0x1  }
0x4c2: {  	s5 =	simm.s32 @!p3 $0x0;
	(xrf0) =	vadd.scan.msk.s32 $0xffff, v5;
	s4 =	spop (v2sf);
	s2 =	simm.s32 @!p1 $0x0  }
0x4c3: {  	s21 =	smov.u32 @p4 s25;
	s4 =	sadd.s32 s4, s29;
	s0 =	sadd.s32 s5, s0;
	(xrf0) =	vadd.scan.msk.s32 $0xffff, v4;
	v4, _, _ =	vpop (xrf0)  }
0x4c4: {  	p0 =	slt.s32 s4, $0x4000;
	s0 =	sadd.s32 s2, s0;
	s2 =	simm.s32 $0x1;
	(xrf0) =	vadd.scan.msk.s32 $0xffff, v3;
	(v2sf) =	vpush v4, $0xF  }
0x4c5: {  	s21 =	smov.u32 @p3 s28;
	s2 =	simm.s32 @!p0 $0x0;
	v3 =	vld [tilespmem:s22+$0x10];
	(xrf0) =	vadd.scan.msk.s32 $0xffff, v2  }
0x4c6: {  	s23 =	sadd.s32 $0x80, s23;
	s21 =	smov.u32 @p1 s29;
	s0 =	sadd.s32 s2, s0;
	v2 =	vld [tilespmem:s22+$0x20];
	(xrf0) =	vadd.scan.msk.s32 $0xffff, v7  }
0x4c7: {  	p2 =	slt.u32 s23, $0x780;
	s21 =	smov.u32 @p0 s4;
	s2 =	spop (v2sf)  }
0x4c8: {  	s22 =	sadd.s32 $0x80, s22;
	v4, _, _ =	vpop (xrf0);
	s2 =	sadd.s32 s4, s2;
	s4 =	spop (v2sf)  }
0x4c9: {  	s5 =	simm.s32 $0x1;
	v6 =	vld [tilespmem:s3+$0x30];
	p0 =	slt.s32 s2, $0x4000;
	s3 =	sadd.s32 s4, s2  }
0x4ca: {  	(v2sf) =	vpush v4, $0xF;
	v4, _, _ =	vpop (xrf0);
	s4 =	spop (v2sf);
	s5 =	simm.s32 @!p0 $0x0;
	p1 =	slt.s32 s3, $0x4000  }
0x4cb: {  	s6 =	spop (v2sf);
	s21 =	smov.u32 @p0 s2;
	s26 =	sadd.s32 s4, s3  }
0x4cc: {  	(v2sf) =	vpush v4, $0xF;
	v4, _, _ =	vpop (xrf0);
	(xrf0) =	vadd.scan.msk.s32 $0xffff, v3;
	s2 =	simm.s32 $0x1;
	s0 =	sadd.s32 s5, s0;
	s5 =	simm.s32 $0x1  }
0x4cd: {  	(v2sf) =	vpush v4, $0xF;
	v3, _, _ =	vpop (xrf0);
	(xrf0) =	vadd.scan.msk.s32 $0xffff, v2;
	s7 =	spop (v2sf);
	s21 =	smov.u32 @p1 s3;
	s5 =	simm.s32 @!p1 $0x0  }
0x4ce: {  	s24 =	sadd.s32 s6, s26;
	p1 =	slt.s32 s26, $0x4000;
	(v2sf) =	vpush v3, $0xF;
	v2, _, _ =	vpop (xrf0);
	s0 =	sadd.s32 s5, s0  }
.Ltmp20:
0x4cf: {  	p0 =	slt.s32 s24, $0x4000;
	s2 =	simm.s32 @!p1 $0x0;
	(v2sf) =	vpush v2, $0xF;
	(pc) =	sbr.rel @p2 .LBB2_42-.Ltmp20, $4  }
0x4d0: {  	s25 =	sadd.s32 s7, s24;
	s0 =	sadd.s32 s2, s0;
	s2 =	simm.s32 $0x1;
	v5 =	vld [tilespmem:s22+$0xFFFFFFC0];
	(xrf0) =	vadd.scan.msk.s32 $0xffff, v6  }
0x4d1: {  	s2 =	simm.s32 @!p0 $0x0;
	v4 =	vld [tilespmem:s22+$0xFFFFFFD0];
	s3 =	spop (v2sf)  }
0x4d2: {  	s0 =	sadd.s32 s2, s0;
	v3 =	vld [tilespmem:s22+$0xFFFFFFE0];
	v6, _, _ =	vpop (xrf0);
	s28 =	sadd.s32 s3, s25;
	s2 =	spop (v2sf)  }
0x4d3: {  	p4 =	slt.s32 s25, $0x4000;
	v2 =	vld [tilespmem:s22+$0xFFFFFFF0];
	(v2sf) =	vpush v6, $0xF;
	v6, _, _ =	vpop (xrf0);
	p3 =	slt.s32 s28, $0x4000;
	s29 =	sadd.s32 s2, s28  }
0x4d4: {  	s2 =	simm.s32 $0x1  }
0x4d5: {  	p2 =	slt.s32 s29, $0x4000;
	s3 =	simm.s32 $0x1;
	s21 =	smov.u32 @p1 s26  }
0x4d6: {  	s8 =	spop (v2sf);
	s4 =	simm.s32 $0x1;
	s2 =	simm.s32 @!p4 $0x0  }
0x4d7: {  	s3 =	simm.s32 @!p2 $0x0;
	s21 =	smov.u32 @p0 s24;
	s4 =	simm.s32 @!p3 $0x0  }
0x4d8: {  	s0 =	sadd.s32 s2, s0;
	s2 =	sadd.s32 s8, s29;
	s21 =	smov.u32 @p4 s25  }
0x4d9: {  	(v2sf) =	vpush v6, $0xF;
	v58 =	vld [tilespmem:s22+$0x0];
	(xrf0) =	vadd.scan.msk.s32 $0xffff, v5;
	s0 =	sadd.s32 s4, s0;
	p0 =	slt.s32 s2, $0x4000;
	s4 =	simm.s32 $0x1  }
0x4da: {  	(xrf0) =	vadd.scan.msk.s32 $0xffff, v4;
	s21 =	smov.u32 @p3 s28;
	s0 =	sadd.s32 s3, s0;
	s4 =	simm.s32 @!p0 $0x0  }
0x4db: {  	s21 =	smov.u32 @p2 s29;
	s0 =	sadd.s32 s4, s0;
	s9 =	spop (v2sf)  }
0x4dc: {  	v59, _, _ =	vpop (xrf0);
	(xrf0) =	vadd.scan.msk.s32 $0xffff, v3;
	s21 =	smov.u32 @p0 s2;
	s4 =	simm.s32 $0x1;
	s2 =	sadd.s32 s2, s9  }
0x4dd: {  	(v2sf) =	vpush v59, $0xF;
	(xrf0) =	vadd.scan.msk.s32 $0xffff, v2;
	s9 =	simm.s32 $0x1;
	s10 =	spop (v2sf);
	p1 =	slt.s32 s2, $0x4000  }
0x4de: {  	v3 =	vld [tilespmem:s22+$0x10];
	(xrf0) =	vadd.scan.msk.s32 $0xffff, v58;
	s3 =	sadd.s32 s10, s2;
	s5 =	spop (v2sf);
	s4 =	simm.s32 @!p1 $0x0  }
0x4df: {  	v2 =	vld [tilespmem:s22+$0x20];
	v60, _, _ =	vpop (xrf0);
	s21 =	smov.u32 @p1 s2;
	s2 =	simm.s32 $0x1;
	p0 =	slt.s32 s3, $0x4000  }
0x4e0: {  	(v2sf) =	vpush v60, $0xF;
	v61, _, _ =	vpop (xrf0);
	s6 =	spop (v2sf);
	s0 =	sadd.s32 s4, s0;
	s4 =	simm.s32 $0x1  }
0x4e1: {  	v63 =	vld [tilespmem:s22+$0x30];
	(v2sf) =	vpush v61, $0xF;
	s5 =	sadd.s32 s5, s3;
	s4 =	simm.s32 @!p0 $0x0;
	s7 =	spop (v2sf)  }
0x4e2: {  	v62, _, _ =	vpop (xrf0);
	p2 =	slt.s32 s5, $0x4000;
	s21 =	smov.u32 @p0 s3;
	s0 =	sadd.s32 s4, s0  }
0x4e3: {  	(xrf0) =	vadd.scan.msk.s32 $0xffff, v3;
	(v2sf) =	vpush v62, $0xF;
	v3, _, _ =	vpop (xrf0);
	s4 =	sadd.s32 s6, s5;
	s2 =	simm.s32 @!p2 $0x0;
	s21 =	smov.u32 @p2 s5  }
0x4e4: {  	(xrf0) =	vadd.scan.msk.s32 $0xffff, v2;
	(v2sf) =	vpush v3, $0xF;
	v2, _, _ =	vpop (xrf0);
	p1 =	slt.s32 s4, $0x4000;
	s6 =	sadd.s32 s7, s4;
	s7 =	simm.s32 $0x1  }
0x4e5: {  	s5 =	simm.s32 $0x1;
	(v2sf) =	vpush v2, $0xF;
	s0 =	sadd.s32 s2, s0;
	s7 =	simm.s32 @!p1 $0x0  }
0x4e6: {  	(xrf0) =	vadd.scan.msk.s32 $0xffff, v63;
	p3 =	slt.s32 s6, $0x4000;
	s21 =	smov.u32 @p1 s4;
	s14 =	spop (v2sf)  }
0x4e7: {  	s0 =	sadd.s32 s7, s0;
	s5 =	simm.s32 @!p3 $0x0;
	s7 =	simm.s32 $0x1  }
0x4e8: {  	s21 =	smov.u32 @p3 s6;
	s2 =	sadd.s32 s14, s6;
	s22 =	spop (v2sf)  }
0x4e9: {  	s0 =	sadd.s32 s5, s0;
	s5 =	simm.s32 $0x1;
	s3 =	sadd.s32 s22, s2  }
0x4ea: {  	v2, _, _ =	vpop (xrf0);
	s6 =	simm.s32 $0x1;
	p0 =	slt.s32 s2, $0x4000;
	p2 =	slt.s32 s3, $0x4000  }
0x4eb: {  	(v2sf) =	vpush v2, $0xF;
	v2, _, _ =	vpop (xrf0);
	s9 =	simm.s32 @!p0 $0x0;
	s21 =	smov.u32 @p0 s2;
	s2 =	simm.s32 $0x1  }
0x4ec: {  	(v2sf) =	vpush v2, $0xF;
	v2, _, _ =	vpop (xrf0);
	s7 =	simm.s32 @!p2 $0x0;
	s8 =	spop (v2sf);
	s0 =	sadd.s32 s9, s0  }
0x4ed: {  	(v2sf) =	vpush v2, $0xF;
	s21 =	smov.u32 @p2 s3;
	s4 =	sadd.s32 s8, s3;
	s0 =	sadd.s32 s7, s0  }
0x4ee: {  	s7 =	simm.s32 $0x1;
	s8 =	simm.s32 $0x1;
	p1 =	slt.s32 s4, $0x4000  }
0x4ef: {  	s2 =	simm.s32 @!p1 $0x0;
	s21 =	smov.u32 @p1 s4;
	s23 =	spop (v2sf)  }
0x4f0: {  	s0 =	sadd.s32 s2, s0;
	s2 =	sadd.s32 s4, s23;
	s24 =	spop (v2sf)  }
0x4f1: {  	s4 =	simm.s32 $0x1;
	p0 =	slt.s32 s2, $0x4000;
	s3 =	sadd.s32 s24, s2  }
0x4f2: {  	s25 =	spop (v2sf);
	s5 =	simm.s32 @!p0 $0x0;
	p1 =	slt.s32 s3, $0x4000  }
0x4f3: {  	s26 =	spop (v2sf);
	s21 =	smov.u32 @p0 s2;
	s2 =	sadd.s32 s25, s3  }
0x4f4: {  	s0 =	sadd.s32 s5, s0;
	s6 =	simm.s32 @!p1 $0x0;
	s28 =	spop (v2sf)  }
0x4f5: {  	p2 =	slt.s32 s2, $0x4000;
	s21 =	smov.u32 @p1 s3;
	s3 =	sadd.s32 s26, s2  }
0x4f6: {  	s0 =	sadd.s32 s6, s0;
	s4 =	simm.s32 @!p2 $0x0;
	p0 =	slt.s32 s3, $0x4000  }
0x4f7: {  	s5 =	sadd.s32 s28, s3;
	s6 =	simm.s32 $0x1;
	s21 =	smov.u32 @p2 s2  }
0x4f8: {  	s0 =	sadd.s32 s4, s0;
	s6 =	simm.s32 @!p0 $0x0;
	p3 =	slt.s32 s5, $0x4000  }
0x4f9: {  	s2 =	simm.s32 $0x1;
	s0 =	sadd.s32 s6, s0;
	s7 =	simm.s32 @!p3 $0x0  }
0x4fa: {  	s21 =	smov.u32 @p0 s3;
	s29 =	spop (v2sf);
	s0 =	sadd.s32 s7, s0  }
0x4fb: {  	s7 =	simm.s32 $0x1;
	s4 =	sadd.s32 s29, s5;
	s30 =	spop (v2sf)  }
0x4fc: {  	p1 =	slt.s32 s4, $0x4000;
	s6 =	sadd.s32 s30, s4;
	s31 =	spop (v2sf)  }
0x4fd: {  	p2 =	slt.s32 s6, $0x4000;
	s8 =	simm.s32 @!p1 $0x0;
	s3 =	sadd.s32 s31, s6  }
0x4fe: {  	s2 =	simm.s32 @!p2 $0x0;
	s0 =	sadd.s32 s8, s0;
	p0 =	slt.s32 s3, $0x4000  }
0x4ff: {  	s0 =	sadd.s32 s2, s0;
	s7 =	simm.s32 @!p0 $0x0  }
0x500: {  	s0 =	sadd.s32 s7, s0  }
0x501: {  	s22 =	sshll.u32 s0, $0x4;
	s0 =	simm.s32 $0x100C0  }
0x502: {  	v2 =	vld [tilespmem:s22+$0x10080];
	[tilespmem:s0+$0xFFFFFFC0] =	vst v0  }
0x503: {  	[tilespmem:s0+$0x30] =	vst v0  }
0x504: {  	[tilespmem:s0+$0x20] =	vst v0  }
0x505: {  	s21 =	smov.u32 @p3 s5;
	[tilespmem:s0+$0x10] =	vst v0  }
0x506: {  	s21 =	smov.u32 @p1 s4;
	[tilespmem:s0+$0x0] =	vst v0  }
0x507: {  	s21 =	smov.u32 @p2 s6;
	[tilespmem:s0+$0xFFFFFFF0] =	vst v0  }
0x508: {  	s23 =	simm.s32 $0x0;
	s21 =	smov.u32 @p0 s3;
	[tilespmem:s0+$0xFFFFFFE0] =	vst v0  }
.LBB2_44:
0x509: {  	s23 =	sadd.s32 $0x80, s23;
	[tilespmem:s0+$0xFFFFFFD0] =	vst v0;
	s0 =	sadd.s32 $0x80, s0  }
0x50a: {  	[tilespmem:s0+$0xFFFFFFC0] =	vst v0;
	p0 =	slt.u32 s23, $0x780  }
0x50b: {  	[tilespmem:s0+$0x30] =	vst v0  }
.Ltmp21:
0x50c: {  	[tilespmem:s0+$0x20] =	vst v0;
	(pc) =	sbr.rel @p0 .LBB2_44-.Ltmp21, $4  }
0x50d: {  	[tilespmem:s0+$0x10] =	vst v0  }
0x50e: {  	[tilespmem:s0+$0x0] =	vst v0  }
0x50f: {  	[tilespmem:s0+$0xFFFFFFF0] =	vst v0  }
0x510: {  	[tilespmem:s0+$0xFFFFFFE0] =	vst v0  }
0x511: {  	(xrf0) =	vadd.scan.msk.s32 $0xffff, v2;
	_ =	sdelay $0x5  }
0x512: {  	v2, _, _ =	vpop (xrf0)  }
0x513: {  	v2 =	vadd.s32 s21, v2  }
0x514: {  	vm0 =	vlt.s32 v2, $0x4000  }
0x515: {  	v3 =	vsel vm0, $0x1, v0  }
0x516: {  	(xrf0) =	vadd.scan.msk.s32 $0xffff, v3;
	_ =	sdelay $0x5  }
0x517: {  	v3, _, _ =	vpop (xrf0)  }
0x518: {  	(v2sf) =	vpush v3, $0xF;
	_ =	sdelay $0x9  }
0x519: {  	[tilespmem:s0+$0xFFFFFFD0] =	vst v0;
	s31 =	simm.s32 $0x40  }
0x51a: {  	v5 =	vld [tilespmem:s31+$0x10]  }
0x51b: {  	v7 =	vld [tilespmem:s31+$0x30]  }
0x51c: {  	v8 =	vld [tilespmem:s31+$0xFFFFFFC0]  }
0x51d: {  	v4 =	vld [tilespmem:s31+$0xFFFFFFD0]  }
0x51e: {  	s30 =	spop (v2sf)  }
0x51f: {  	v9 =	vld [tilespmem:s31+$0x20];
	v6 =	vshrl.u32 v5, $0x14;
	s22 =	sadd.s32 s22, s30  }
0x520: {  	v5 =	vshrl.u32 v5, $0x9;
	v10 =	vand.u32 $0x7FF, v6;
	v3 =	vmov s22  }
0x521: {  	v11 =	vshrl.u32 v8, $0x14;
	v12 =	vshrl.u32 v7, $0x9;
	v6 =	vld [tilespmem:s31+$0xFFFFFFE0];
	vm3 =	veq.s32 v10, v3  }
0x522: {  	v13 =	vshrl.u32 v4, $0x14;
	v14 =	vand.u32 $0x7FF, v5;
	v5 =	vshrl.u32 v7, $0x14  }
0x523: {  	v8 =	vshrl.u32 v8, $0x9;
	v7 =	vand.u32 $0x7FF, v11;
	v10 =	vand.u32 $0x7FF, v5  }
0x524: {  	v11 =	vshrl.u32 v9, $0x9;
	vm1 =	veq.s32 v7, v3;
	vm2 =	veq.s32 v10, v3;
	v10 =	vld [tilespmem:s31+$0xFFFFFFF0]  }
0x525: {  	v5 =	vand.u32 $0x7FF, v8;
	v7 =	vshrl.u32 v9, $0x14;
	v8 =	vand.u32 $0x7FF, v12  }
0x526: {  	v12 =	vshrl.u32 v6, $0x14;
	v9 =	vld [tilespmem:s31+$0x0];
	v15 =	vand.u32 $0x7FF, v7;
	v7 =	vand.u32 $0x7FF, v11  }
0x527: {  	s23 =	simm.s32 $0x0;
	s24 =	simm.s32 $0xC0;
	v11 =	vand.u32 $0x7FF, v13;
	v12 =	vand.u32 $0x7FF, v12;
	[tilespmem:v14+s16+$0x0] =	vst.idx.add.s32.msk vm3, v1;
	vm3 =	veq.s32 v15, v3  }
.LBB2_46:
0x528: {  	v13 =	vld [tilespmem:s24+$0x10];
	s23 =	sadd.s32 $0x80, s23;
	v14 =	vshrl.u32 v4, $0x9;
	v4 =	vshrl.u32 v6, $0x9  }
0x529: {  	v15 =	vld [tilespmem:s24+$0x30];
	p0 =	slt.u32 s23, $0x7F80;
	v6 =	vshrl.u32 v10, $0x14;
	v10 =	vshrl.u32 v10, $0x9  }
0x52a: {  	vm5 =	veq.s32 v12, v3;
	v6 =	vand.u32 $0x7FF, v6;
	[tilespmem:v8+s16+$0x0] =	vst.idx.add.s32.msk vm2, v1  }
0x52b: {  	v12 =	vand.u32 $0x7FF, v4;
	v8 =	vld [tilespmem:s24+$0xFFFFFFC0];
	v16 =	vshrl.u32 v9, $0x14;
	v9 =	vshrl.u32 v9, $0x9  }
0x52c: {  	vm2 =	veq.s32 v6, v3;
	v4 =	vld [tilespmem:s24+$0xFFFFFFD0];
	v6 =	vand.u32 $0x7FF, v16  }
0x52d: {  	vm6 =	veq.s32 v11, v3;
	v10 =	vand.u32 $0x7FF, v10;
	vm4 =	veq.s32 v6, v3;
	[tilespmem:v7+s16+$0x0] =	vst.idx.add.s32.msk vm3, v1  }
0x52e: {  	[tilespmem:v5+s16+$0x0] =	vst.idx.add.s32.msk vm1, v1;
	v5 =	vand.u32 $0x7FF, v14  }
0x52f: {  	v9 =	vand.u32 $0x7FF, v9;
	v6 =	vshrl.u32 v13, $0x14;
	v7 =	vshrl.u32 v13, $0x9;
	v11 =	vld [tilespmem:s24+$0x20]  }
0x530: {  	v13 =	vand.u32 $0x7FF, v6;
	[tilespmem:v12+s16+$0x0] =	vst.idx.add.s32.msk vm5, v1  }
0x531: {  	vm3 =	veq.s32 v13, v3;
	v13 =	vshrl.u32 v15, $0x9;
	v12 =	vshrl.u32 v8, $0x14;
	v6 =	vld [tilespmem:s24+$0xFFFFFFE0]  }
0x532: {  	v16 =	vand.u32 $0x7FF, v7;
	v7 =	vshrl.u32 v15, $0x14;
	v14 =	vshrl.u32 v4, $0x14;
	[tilespmem:v10+s16+$0x0] =	vst.idx.add.s32.msk vm2, v1  }
.Ltmp22:
0x533: {  	v7 =	vand.u32 $0x7FF, v7;
	v8 =	vshrl.u32 v8, $0x9;
	v10 =	vand.u32 $0x7FF, v12;
	[tilespmem:v5+s16+$0x0] =	vst.idx.add.s32.msk vm6, v1;
	(pc) =	sbr.rel @p0 .LBB2_46-.Ltmp22, $4  }
0x534: {  	vm2 =	veq.s32 v7, v3;
	vm1 =	veq.s32 v10, v3;
	v5 =	vand.u32 $0x7FF, v8;
	v10 =	vld [tilespmem:s24+$0xFFFFFFF0]  }
0x535: {  	v8 =	vand.u32 $0x7FF, v13;
	v7 =	vshrl.u32 v11, $0x14;
	v11 =	vshrl.u32 v11, $0x9;
	[tilespmem:v9+s16+$0x0] =	vst.idx.add.s32.msk vm4, v1  }
0x536: {  	v13 =	vand.u32 $0x7FF, v7;
	v7 =	vand.u32 $0x7FF, v11;
	v12 =	vshrl.u32 v6, $0x14;
	v9 =	vld [tilespmem:s24+$0x0]  }
0x537: {  	v11 =	vand.u32 $0x7FF, v14;
	s24 =	sadd.s32 $0x80, s24;
	v12 =	vand.u32 $0x7FF, v12;
	[tilespmem:v16+s16+$0x0] =	vst.idx.add.s32.msk vm3, v1;
	vm3 =	veq.s32 v13, v3  }
0x538: {  	_ = 	snop  }
0x539: {  	v4 =	vshrl.u32 v4, $0x9;
	v6 =	vshrl.u32 v6, $0x9;
	v13 =	vshrl.u32 v10, $0x14  }
0x53a: {  	vm4 =	veq.s32 v12, v3;
	v60 =	vshrl.u32 v10, $0x9;
	v61 =	vand.u32 $0x7FF, v13  }
0x53b: {  	v6 =	vand.u32 $0x7FF, v6;
	v62 =	vshrl.u32 v9, $0x14;
	vm5 =	veq.s32 v61, v3  }
0x53c: {  	vm6 =	veq.s32 v11, v3;
	v10 =	vand.u32 $0x7FF, v60;
	v63 =	vand.u32 $0x7FF, v62  }
0x53d: {  	[tilespmem:v8+s16+$0x0] =	vst.idx.add.s32.msk vm2, v1;
	v8 =	vshrl.u32 v9, $0x9;
	vm15 =	veq.s32 v63, v3;
	v3 =	vand.u32 $0x7FF, v4  }
0x53e: {  	[tilespmem:v7+s16+$0x0] =	vst.idx.add.s32.msk vm3, v1;
	v4 =	vand.u32 $0x7FF, v8  }
0x53f: {  	[tilespmem:v5+s16+$0x0] =	vst.idx.add.s32.msk vm1, v1  }
0x540: {  	[tilespmem:v6+s16+$0x0] =	vst.idx.add.s32.msk vm4, v1  }
0x541: {  	v2 =	vxor.u32 $0x80000000, v2;
	[tilespmem:v10+s16+$0x0] =	vst.idx.add.s32.msk vm5, v1  }
0x542: {  	v2 =	vnsel vm0, $0x80000000, v2;
	[tilespmem:v3+s16+$0x0] =	vst.idx.add.s32.msk vm6, v1  }
0x543: {  	s0 =	simm.s32 $0x100C0;
	(xrf0) =	vmax.scan.msk.u32 $0xffff, v2;
	[tilespmem:v4+s16+$0x0] =	vst.idx.add.s32.msk vm15, v1  }
0x544: {  	v3 =	vld [tilespmem:s0+$0xFFFFFFC0]  }
0x545: {  	v2 =	vld [tilespmem:s0+$0xFFFFFFD0]  }
0x546: {  	v4 =	vld [tilespmem:s0+$0xFFFFFFE0];
	_ =	sdelay $0x1  }
0x547: {  	v5 =	vld [tilespmem:s0+$0xFFFFFFF0]  }
0x548: {  	v6, _, _ =	vpop (xrf0);
	(xrf0) =	vadd.scan.msk.s32 $0xffff, v3;
	v3 =	vld [tilespmem:s0+$0x0]  }
0x549: {  	(v2sf) =	vpush v6, $0xF;
	(xrf0) =	vadd.scan.msk.s32 $0xffff, v2  }
0x54a: {  	(xrf0) =	vadd.scan.msk.s32 $0xffff, v4  }
0x54b: {  	v2 =	vld [tilespmem:s0+$0x10]  }
0x54c: {  	v4 =	vld [tilespmem:s0+$0x20];
	(xrf0) =	vadd.scan.msk.s32 $0xffff, v5  }
0x54d: {  	(xrf0) =	vadd.scan.msk.s32 $0xffff, v3  }
0x54e: {  	v3, _, _ =	vpop (xrf0)  }
0x54f: {  	(v2sf) =	vpush v3, $0xF;
	v3, _, _ =	vpop (xrf0)  }
0x550: {  	(v2sf) =	vpush v3, $0xF;
	v3, _, _ =	vpop (xrf0);
	(xrf0) =	vadd.scan.msk.s32 $0xffff, v2  }
0x551: {  	(xrf0) =	vadd.scan.msk.s32 $0xffff, v4  }
0x552: {  	(v2sf) =	vpush v3, $0xF;
	v2, _, _ =	vpop (xrf0)  }
0x553: {  	(v2sf) =	vpush v2, $0xF;
	v2, _, _ =	vpop (xrf0)  }
0x554: {  	(v2sf) =	vpush v2, $0xF;
	v2 =	vld [tilespmem:s0+$0x30]  }
0x555: {  	s2 =	simm.s32 $0x10140  }
0x556: {  	v4 =	vld [tilespmem:s2+$0xFFFFFFC0];
	v3, _, _ =	vpop (xrf0)  }
0x557: {  	v5 =	vld [tilespmem:s2+$0xFFFFFFD0];
	(v2sf) =	vpush v3, $0xF;
	v3, _, _ =	vpop (xrf0)  }
0x558: {  	s6 =	spop (v2sf);
	(v2sf) =	vpush v3, $0xF;
	v3 =	vld [tilespmem:s2+$0xFFFFFFE0]  }
0x559: {  	v6 =	vld [tilespmem:s2+$0xFFFFFFF0];
	(xrf0) =	vadd.scan.msk.s32 $0xffff, v2  }
0x55a: {  	v2 =	vld [tilespmem:s2+$0x0]  }
0x55b: {  	(xrf0) =	vadd.scan.msk.s32 $0xffff, v4  }
0x55c: {  	(xrf0) =	vadd.scan.msk.s32 $0xffff, v5  }
0x55d: {  	(xrf0) =	vadd.scan.msk.s32 $0xffff, v3  }
0x55e: {  	s23 =	simm.s32 $0x0;
	s0 =	sxor.u32 $0x80000000, s6;
	(xrf0) =	vadd.scan.msk.s32 $0xffff, v6  }
0x55f: {  	s25 =	simm.s32 $0x100;
	s24 =	simm.s32 $0x101C0;
	p0 =	sgt.s32 s21, s0;
	v4 =	vld [tilespmem:s2+$0x10];
	(xrf0) =	vadd.scan.msk.s32 $0xffff, v2;
	v2, _, _ =	vpop (xrf0)  }
0x560: {  	s5 =	simm.s32 $0x1;
	s0 =	smov.u32 @p0 s21;
	v5 =	vld [tilespmem:s2+$0x20];
	s7 =	spop (v2sf);
	(v2sf) =	vpush v2, $0xF  }
0x561: {  	s21 =	ssub.s32 $0x4000, s0;
	s0 =	sadd.s32 $0x0, s7;
	s3 =	spop (v2sf)  }
0x562: {  	s6 =	simm.s32 $0x1;
	p1 =	slt.s32 s0, s21;
	s3 =	sadd.s32 s3, s0  }
0x563: {  	s4 =	spop (v2sf);
	s5 =	simm.s32 @!p1 $0x0;
	p0 =	slt.s32 s3, s21  }
0x564: {  	(xrf0) =	vadd.scan.msk.s32 $0xffff, v4;
	v2, _, _ =	vpop (xrf0);
	s7 =	spop (v2sf);
	s23 =	smov.u32 @p1 s0;
	s29 =	sadd.s32 s4, s3  }
0x565: {  	v6 =	vld [tilespmem:s2+$0x30];
	(xrf0) =	vadd.scan.msk.s32 $0xffff, v5;
	v3, _, _ =	vpop (xrf0);
	s4 =	simm.s32 $0x1;
	s0 =	simm.s32 $0x1;
	s8 =	spop (v2sf);
	(v2sf) =	vpush v2, $0xF  }
0x566: {  	s5 =	sadd.s32 $0x0, s5;
	s6 =	simm.s32 @!p0 $0x0;
	p1 =	slt.s32 s29, s21;
	(v2sf) =	vpush v3, $0xF  }
0x567: {  	s23 =	smov.u32 @p0 s3;
	s26 =	sadd.s32 s7, s29;
	s9 =	sadd.s32 s6, s5;
	v2, _, _ =	vpop (xrf0)  }
0x568: {  	v4 =	vld [tilespmem:s24+$0xFFFFFFD0];
	s4 =	simm.s32 @!p1 $0x0;
	p0 =	slt.s32 s26, s21;
	s28 =	sadd.s32 s8, s26;
	(v2sf) =	vpush v2, $0xF;
	v2, _, _ =	vpop (xrf0)  }
0x569: {  	v5 =	vld [tilespmem:s24+$0xFFFFFFC0];
	s2 =	sadd.s32 s4, s9;
	s0 =	simm.s32 @!p0 $0x0;
	(v2sf) =	vpush v2, $0xF;
	v2, _, _ =	vpop (xrf0);
	s10 =	spop (v2sf)  }
0x56a: {  	v3 =	vld [tilespmem:s24+$0xFFFFFFE0];
	s0 =	sadd.s32 s0, s2;
	(v2sf) =	vpush v2, $0xF;
	v7, _, _ =	vpop (xrf0);
	s30 =	sadd.s32 s10, s28;
	s14 =	spop (v2sf);
	(xrf0) =	vadd.scan.msk.s32 $0xffff, v6  }
0x56b: {  	p4 =	slt.s32 s28, s21;
	v2 =	vld [tilespmem:s24+$0xFFFFFFF0];
	(v2sf) =	vpush v7, $0xF;
	v6, _, _ =	vpop (xrf0);
	p3 =	slt.s32 s30, s21;
	s31 =	sadd.s32 s14, s30  }
.LBB2_48:
0x56c: {  	s23 =	smov.u32 @p1 s29;
	s2 =	simm.s32 $0x1;
	p1 =	slt.s32 s31, s21  }
0x56d: {  	s3 =	smov.u32 s24;
	s5 =	simm.s32 $0x1;
	s2 =	simm.s32 @!p4 $0x0  }
0x56e: {  	v7 =	vld [tilespmem:s24+$0x0];
	(v2sf) =	vpush v6, $0xF;
	s23 =	smov.u32 @p0 s26;
	s0 =	sadd.s32 s2, s0;
	s2 =	simm.s32 $0x1  }
0x56f: {  	s5 =	simm.s32 @!p3 $0x0;
	(xrf0) =	vadd.scan.msk.s32 $0xffff, v5;
	s4 =	spop (v2sf);
	s2 =	simm.s32 @!p1 $0x0  }
0x570: {  	s23 =	smov.u32 @p4 s28;
	s4 =	sadd.s32 s4, s31;
	s0 =	sadd.s32 s5, s0;
	(xrf0) =	vadd.scan.msk.s32 $0xffff, v4;
	v4, _, _ =	vpop (xrf0)  }
0x571: {  	p0 =	slt.s32 s4, s21;
	s0 =	sadd.s32 s2, s0;
	s2 =	simm.s32 $0x1;
	(xrf0) =	vadd.scan.msk.s32 $0xffff, v3;
	(v2sf) =	vpush v4, $0xF  }
0x572: {  	s23 =	smov.u32 @p3 s30;
	s2 =	simm.s32 @!p0 $0x0;
	v3 =	vld [tilespmem:s24+$0x10];
	(xrf0) =	vadd.scan.msk.s32 $0xffff, v2  }
0x573: {  	s25 =	sadd.s32 $0x80, s25;
	s23 =	smov.u32 @p1 s31;
	s0 =	sadd.s32 s2, s0;
	v2 =	vld [tilespmem:s24+$0x20];
	(xrf0) =	vadd.scan.msk.s32 $0xffff, v7  }
0x574: {  	p2 =	slt.u32 s25, $0x780;
	s23 =	smov.u32 @p0 s4;
	s2 =	spop (v2sf)  }
0x575: {  	s24 =	sadd.s32 $0x80, s24;
	v4, _, _ =	vpop (xrf0);
	s2 =	sadd.s32 s4, s2;
	s4 =	spop (v2sf)  }
0x576: {  	s5 =	simm.s32 $0x1;
	v6 =	vld [tilespmem:s3+$0x30];
	p0 =	slt.s32 s2, s21;
	s3 =	sadd.s32 s4, s2  }
0x577: {  	(v2sf) =	vpush v4, $0xF;
	v4, _, _ =	vpop (xrf0);
	s4 =	spop (v2sf);
	s5 =	simm.s32 @!p0 $0x0;
	p1 =	slt.s32 s3, s21  }
0x578: {  	s6 =	spop (v2sf);
	s23 =	smov.u32 @p0 s2;
	s29 =	sadd.s32 s4, s3  }
0x579: {  	(v2sf) =	vpush v4, $0xF;
	v4, _, _ =	vpop (xrf0);
	(xrf0) =	vadd.scan.msk.s32 $0xffff, v3;
	s2 =	simm.s32 $0x1;
	s0 =	sadd.s32 s5, s0;
	s5 =	simm.s32 $0x1  }
0x57a: {  	(v2sf) =	vpush v4, $0xF;
	v3, _, _ =	vpop (xrf0);
	(xrf0) =	vadd.scan.msk.s32 $0xffff, v2;
	s7 =	spop (v2sf);
	s23 =	smov.u32 @p1 s3;
	s5 =	simm.s32 @!p1 $0x0  }
0x57b: {  	s26 =	sadd.s32 s6, s29;
	p1 =	slt.s32 s29, s21;
	(v2sf) =	vpush v3, $0xF;
	v2, _, _ =	vpop (xrf0);
	s0 =	sadd.s32 s5, s0  }
.Ltmp23:
0x57c: {  	p0 =	slt.s32 s26, s21;
	s2 =	simm.s32 @!p1 $0x0;
	(v2sf) =	vpush v2, $0xF;
	(pc) =	sbr.rel @p2 .LBB2_48-.Ltmp23, $4  }
0x57d: {  	s28 =	sadd.s32 s7, s26;
	s0 =	sadd.s32 s2, s0;
	s2 =	simm.s32 $0x1;
	v5 =	vld [tilespmem:s24+$0xFFFFFFC0];
	(xrf0) =	vadd.scan.msk.s32 $0xffff, v6  }
0x57e: {  	s2 =	simm.s32 @!p0 $0x0;
	v4 =	vld [tilespmem:s24+$0xFFFFFFD0];
	s3 =	spop (v2sf)  }
0x57f: {  	s0 =	sadd.s32 s2, s0;
	v3 =	vld [tilespmem:s24+$0xFFFFFFE0];
	v6, _, _ =	vpop (xrf0);
	s30 =	sadd.s32 s3, s28;
	s2 =	spop (v2sf)  }
0x580: {  	p4 =	slt.s32 s28, s21;
	v2 =	vld [tilespmem:s24+$0xFFFFFFF0];
	(v2sf) =	vpush v6, $0xF;
	v6, _, _ =	vpop (xrf0);
	p3 =	slt.s32 s30, s21;
	s31 =	sadd.s32 s2, s30  }
0x581: {  	s2 =	simm.s32 $0x1  }
0x582: {  	p2 =	slt.s32 s31, s21;
	s3 =	simm.s32 $0x1;
	s23 =	smov.u32 @p1 s29  }
0x583: {  	s6 =	spop (v2sf);
	s4 =	simm.s32 $0x1;
	s2 =	simm.s32 @!p4 $0x0  }
0x584: {  	s3 =	simm.s32 @!p2 $0x0;
	s23 =	smov.u32 @p0 s26;
	s4 =	simm.s32 @!p3 $0x0  }
0x585: {  	s0 =	sadd.s32 s2, s0;
	s2 =	sadd.s32 s6, s31;
	s23 =	smov.u32 @p4 s28  }
0x586: {  	(v2sf) =	vpush v6, $0xF;
	v58 =	vld [tilespmem:s24+$0x0];
	(xrf0) =	vadd.scan.msk.s32 $0xffff, v5;
	s0 =	sadd.s32 s4, s0;
	p0 =	slt.s32 s2, s21;
	s4 =	simm.s32 $0x1  }
0x587: {  	(xrf0) =	vadd.scan.msk.s32 $0xffff, v4;
	s23 =	smov.u32 @p3 s30;
	s0 =	sadd.s32 s3, s0;
	s4 =	simm.s32 @!p0 $0x0  }
0x588: {  	s23 =	smov.u32 @p2 s31;
	s0 =	sadd.s32 s4, s0;
	s7 =	spop (v2sf)  }
0x589: {  	v59, _, _ =	vpop (xrf0);
	(xrf0) =	vadd.scan.msk.s32 $0xffff, v3;
	s23 =	smov.u32 @p0 s2;
	s2 =	sadd.s32 s2, s7;
	s8 =	spop (v2sf)  }
0x58a: {  	(v2sf) =	vpush v59, $0xF;
	(xrf0) =	vadd.scan.msk.s32 $0xffff, v2;
	s4 =	simm.s32 $0x1;
	p1 =	slt.s32 s2, s21;
	s3 =	sadd.s32 s8, s2  }
0x58b: {  	v3 =	vld [tilespmem:s24+$0x10];
	(xrf0) =	vadd.scan.msk.s32 $0xffff, v58;
	s5 =	spop (v2sf);
	s4 =	simm.s32 @!p1 $0x0;
	s23 =	smov.u32 @p1 s2  }
0x58c: {  	v2 =	vld [tilespmem:s24+$0x20];
	v60, _, _ =	vpop (xrf0);
	s2 =	simm.s32 $0x1;
	p0 =	slt.s32 s3, s21;
	s6 =	spop (v2sf)  }
0x58d: {  	(v2sf) =	vpush v60, $0xF;
	v61, _, _ =	vpop (xrf0);
	s0 =	sadd.s32 s4, s0;
	s4 =	simm.s32 $0x1;
	s5 =	sadd.s32 s5, s3  }
0x58e: {  	v63 =	vld [tilespmem:s24+$0x30];
	(v2sf) =	vpush v61, $0xF;
	s4 =	simm.s32 @!p0 $0x0;
	s7 =	spop (v2sf);
	p2 =	slt.s32 s5, s21  }
0x58f: {  	v62, _, _ =	vpop (xrf0);
	s23 =	smov.u32 @p0 s3;
	s0 =	sadd.s32 s4, s0;
	s4 =	sadd.s32 s6, s5  }
0x590: {  	(xrf0) =	vadd.scan.msk.s32 $0xffff, v3;
	(v2sf) =	vpush v62, $0xF;
	v3, _, _ =	vpop (xrf0);
	s2 =	simm.s32 @!p2 $0x0;
	s23 =	smov.u32 @p2 s5;
	s5 =	simm.s32 $0x1  }
0x591: {  	(xrf0) =	vadd.scan.msk.s32 $0xffff, v2;
	(v2sf) =	vpush v3, $0xF;
	v2, _, _ =	vpop (xrf0);
	p1 =	slt.s32 s4, s21;
	s6 =	sadd.s32 s7, s4;
	s7 =	simm.s32 $0x1  }
0x592: {  	(v2sf) =	vpush v2, $0xF;
	s0 =	sadd.s32 s2, s0;
	s7 =	simm.s32 @!p1 $0x0;
	p3 =	slt.s32 s6, s21  }
0x593: {  	(xrf0) =	vadd.scan.msk.s32 $0xffff, v63;
	s23 =	smov.u32 @p1 s4;
	s9 =	spop (v2sf);
	s0 =	sadd.s32 s7, s0  }
0x594: {  	s5 =	simm.s32 @!p3 $0x0;
	s7 =	simm.s32 $0x1;
	s23 =	smov.u32 @p3 s6  }
0x595: {  	s2 =	sadd.s32 s9, s6;
	s10 =	spop (v2sf);
	s9 =	simm.s32 $0x1  }
0x596: {  	s0 =	sadd.s32 s5, s0;
	s5 =	simm.s32 $0x1;
	s3 =	sadd.s32 s10, s2  }
0x597: {  	v2, _, _ =	vpop (xrf0);
	s6 =	simm.s32 $0x1;
	p0 =	slt.s32 s2, s21;
	p2 =	slt.s32 s3, s21  }
0x598: {  	(v2sf) =	vpush v2, $0xF;
	v2, _, _ =	vpop (xrf0);
	s9 =	simm.s32 @!p0 $0x0;
	s23 =	smov.u32 @p0 s2;
	s2 =	simm.s32 $0x1  }
0x599: {  	(v2sf) =	vpush v2, $0xF;
	v2, _, _ =	vpop (xrf0);
	s7 =	simm.s32 @!p2 $0x0;
	s8 =	spop (v2sf);
	s0 =	sadd.s32 s9, s0  }
0x59a: {  	(v2sf) =	vpush v2, $0xF;
	s23 =	smov.u32 @p2 s3;
	s4 =	sadd.s32 s8, s3;
	s0 =	sadd.s32 s7, s0  }
0x59b: {  	s7 =	simm.s32 $0x1;
	s8 =	simm.s32 $0x1;
	p1 =	slt.s32 s4, s21  }
0x59c: {  	s2 =	simm.s32 @!p1 $0x0;
	s23 =	smov.u32 @p1 s4;
	s14 =	spop (v2sf)  }
0x59d: {  	s0 =	sadd.s32 s2, s0;
	s2 =	sadd.s32 s4, s14;
	s24 =	spop (v2sf)  }
0x59e: {  	s4 =	simm.s32 $0x1;
	p0 =	slt.s32 s2, s21;
	s3 =	sadd.s32 s24, s2  }
0x59f: {  	s25 =	spop (v2sf);
	s5 =	simm.s32 @!p0 $0x0;
	p1 =	slt.s32 s3, s21  }
0x5a0: {  	s26 =	spop (v2sf);
	s23 =	smov.u32 @p0 s2;
	s2 =	sadd.s32 s25, s3  }
0x5a1: {  	s0 =	sadd.s32 s5, s0;
	s6 =	simm.s32 @!p1 $0x0;
	s28 =	spop (v2sf)  }
0x5a2: {  	p2 =	slt.s32 s2, s21;
	s23 =	smov.u32 @p1 s3;
	s3 =	sadd.s32 s26, s2  }
0x5a3: {  	s0 =	sadd.s32 s6, s0;
	s4 =	simm.s32 @!p2 $0x0;
	p0 =	slt.s32 s3, s21  }
0x5a4: {  	s5 =	sadd.s32 s28, s3;
	s6 =	simm.s32 $0x1;
	s23 =	smov.u32 @p2 s2  }
0x5a5: {  	s0 =	sadd.s32 s4, s0;
	s6 =	simm.s32 @!p0 $0x0;
	p3 =	slt.s32 s5, s21  }
0x5a6: {  	s2 =	simm.s32 $0x1;
	s0 =	sadd.s32 s6, s0;
	s7 =	simm.s32 @!p3 $0x0  }
0x5a7: {  	s23 =	smov.u32 @p0 s3;
	s29 =	spop (v2sf);
	s0 =	sadd.s32 s7, s0  }
0x5a8: {  	s7 =	simm.s32 $0x1;
	s4 =	sadd.s32 s29, s5;
	s30 =	spop (v2sf)  }
0x5a9: {  	p1 =	slt.s32 s4, s21;
	s6 =	sadd.s32 s30, s4;
	s31 =	spop (v2sf)  }
0x5aa: {  	p2 =	slt.s32 s6, s21;
	s8 =	simm.s32 @!p1 $0x0;
	s3 =	sadd.s32 s31, s6  }
0x5ab: {  	s2 =	simm.s32 @!p2 $0x0;
	s0 =	sadd.s32 s8, s0;
	p0 =	slt.s32 s3, s21  }
0x5ac: {  	s0 =	sadd.s32 s2, s0;
	s7 =	simm.s32 @!p0 $0x0  }
0x5ad: {  	s0 =	sadd.s32 s7, s0  }
0x5ae: {  	s24 =	sshll.u32 s0, $0x4;
	s0 =	simm.s32 $0x100C0  }
0x5af: {  	v2 =	vld [tilespmem:s24+$0x10080];
	[tilespmem:s0+$0xFFFFFFC0] =	vst v0  }
0x5b0: {  	[tilespmem:s0+$0x30] =	vst v0  }
0x5b1: {  	[tilespmem:s0+$0x20] =	vst v0  }
0x5b2: {  	s23 =	smov.u32 @p3 s5;
	[tilespmem:s0+$0x10] =	vst v0  }
0x5b3: {  	s23 =	smov.u32 @p1 s4;
	[tilespmem:s0+$0x0] =	vst v0  }
0x5b4: {  	s23 =	smov.u32 @p2 s6;
	[tilespmem:s0+$0xFFFFFFF0] =	vst v0  }
0x5b5: {  	s25 =	simm.s32 $0x0;
	s23 =	smov.u32 @p0 s3;
	[tilespmem:s0+$0xFFFFFFE0] =	vst v0  }
.LBB2_50:
0x5b6: {  	s25 =	sadd.s32 $0x80, s25;
	[tilespmem:s0+$0xFFFFFFD0] =	vst v0;
	s0 =	sadd.s32 $0x80, s0  }
0x5b7: {  	[tilespmem:s0+$0xFFFFFFC0] =	vst v0;
	p0 =	slt.u32 s25, $0x180  }
0x5b8: {  	[tilespmem:s0+$0x30] =	vst v0  }
.Ltmp24:
0x5b9: {  	[tilespmem:s0+$0x20] =	vst v0;
	(pc) =	sbr.rel @p0 .LBB2_50-.Ltmp24, $4  }
0x5ba: {  	[tilespmem:s0+$0x10] =	vst v0  }
0x5bb: {  	[tilespmem:s0+$0x0] =	vst v0  }
0x5bc: {  	[tilespmem:s0+$0xFFFFFFF0] =	vst v0  }
0x5bd: {  	[tilespmem:s0+$0xFFFFFFE0] =	vst v0  }
0x5be: {  	(xrf0) =	vadd.scan.msk.s32 $0xffff, v2;
	_ =	sdelay $0x5  }
0x5bf: {  	v2, _, _ =	vpop (xrf0)  }
0x5c0: {  	v2 =	vadd.s32 s23, v2  }
0x5c1: {  	vm0 =	vlt.s32 v2, s21  }
0x5c2: {  	v3 =	vsel vm0, $0x1, v0  }
0x5c3: {  	(xrf0) =	vadd.scan.msk.s32 $0xffff, v3;
	_ =	sdelay $0x5  }
0x5c4: {  	v3, _, _ =	vpop (xrf0)  }
0x5c5: {  	(v2sf) =	vpush v3, $0xF;
	_ =	sdelay $0x7  }
0x5c6: {  	[tilespmem:s0+$0xFFFFFFD0] =	vst v0;
	s31 =	simm.s32 $0x40  }
0x5c7: {  	v6 =	vld [tilespmem:s31+$0x30]  }
0x5c8: {  	v5 =	vld [tilespmem:s31+$0xFFFFFFD0]  }
0x5c9: {  	v7 =	vld [tilespmem:s31+$0xFFFFFFE0]  }
0x5ca: {  	v9 =	vld [tilespmem:s31+$0xFFFFFFF0]  }
0x5cb: {  	v11 =	vld [tilespmem:s31+$0x0]  }
0x5cc: {  	v12 =	vld [tilespmem:s31+$0x10]  }
0x5cd: {  	v14 =	vld [tilespmem:s31+$0xFFFFFFC0];
	s30 =	spop (v2sf)  }
0x5ce: {  	s2 =	sshll.u32 s22, $0xB;
	v8 =	vshrl.u32 v6, $0x9;
	v10 =	vshrl.u32 v5, $0x9;
	v13 =	vand.u32 $0x1FF, v5;
	v5 =	vld [tilespmem:s31+$0x20];
	s0 =	sadd.s32 s24, s30  }
0x5cf: {  	v15 =	vshrl.u32 v7, $0x9;
	v59 =	vshrl.u32 v9, $0x9;
	v6 =	vand.u32 $0x1FF, v6;
	s22 =	sor.u32 s2, s0  }
0x5d0: {  	v60 =	vshrl.u32 v11, $0x9;
	v8 =	vand.u32 $0x3FFFFF, v8;
	v4 =	vmov s22  }
0x5d1: {  	v61 =	vshrl.u32 v12, $0x9;
	v10 =	vand.u32 $0x3FFFFF, v10;
	vm4 =	veq.s32 v8, v4  }
0x5d2: {  	v16 =	vshrl.u32 v14, $0x9;
	v9 =	vand.u32 $0x1FF, v9;
	vm7 =	veq.s32 v10, v4  }
0x5d3: {  	v63 =	vand.u32 $0x3FFFFF, v16;
	v62 =	vshrl.u32 v5, $0x9;
	v3 =	vmov s21  }
0x5d4: {  	v8 =	vand.u32 $0x3FFFFF, v15;
	v10 =	vand.u32 $0x3FFFFF, v59;
	vm5 =	veq.s32 v63, v4  }
0x5d5: {  	vm0 =	veq.s32 v8, v4;
	v8 =	vand.u32 $0x3FFFFF, v60;
	vm1 =	veq.s32 v10, v4  }
0x5d6: {  	v10 =	vand.u32 $0x3FFFFF, v61;
	vm2 =	veq.s32 v8, v4;
	v8 =	vand.u32 $0x3FFFFF, v62  }
0x5d7: {  	vm3 =	veq.s32 v10, v4;
	v10 =	vand.u32 $0x1FF, v14;
	vm6 =	veq.s32 v8, v4;
	[tilespmem:v6+s16+$0x0] =	vst.idx.add.s32.msk vm4, v1  }
0x5d8: {  	s25 =	simm.s32 $0xC0;
	s24 =	simm.s32 $0x0;
	v8 =	vand.u32 $0x1FF, v7;
	v7 =	vand.u32 $0x1FF, v11;
	[tilespmem:v13+s16+$0x0] =	vst.idx.add.s32.msk vm7, v1;
	v6 =	vand.u32 $0x1FF, v12  }
.LBB2_52:
0x5d9: {  	v11 =	vld [tilespmem:s25+$0x30];
	s24 =	sadd.s32 $0x80, s24;
	v12 =	vand.u32 $0x1FF, v5;
	vm4 =	vmmov vm6  }
0x5da: {  	v5 =	vld [tilespmem:s25+$0xFFFFFFD0];
	p0 =	slt.u32 s24, $0x7F80  }
0x5db: {  	v13 =	vld [tilespmem:s25+$0xFFFFFFE0]  }
0x5dc: {  	v14 =	vld [tilespmem:s25+$0xFFFFFFF0]  }
0x5dd: {  	v15 =	vld [tilespmem:s25+$0x0]  }
0x5de: {  	v16 =	vld [tilespmem:s25+$0x10];
	v17 =	vshrl.u32 v11, $0x9  }
0x5df: {  	v18 =	vshrl.u32 v5, $0x9;
	v19 =	vand.u32 $0x1FF, v5;
	v5 =	vld [tilespmem:s25+$0x20];
	v17 =	vand.u32 $0x3FFFFF, v17  }
0x5e0: {  	v20 =	vld [tilespmem:s25+$0xFFFFFFC0];
	v18 =	vand.u32 $0x3FFFFF, v18;
	v21 =	vshrl.u32 v13, $0x9;
	vm7 =	veq.s32 v17, v4  }
0x5e1: {  	v11 =	vand.u32 $0x1FF, v11;
	v17 =	vand.u32 $0x3FFFFF, v21;
	v21 =	vshrl.u32 v14, $0x9;
	[tilespmem:v10+s16+$0x0] =	vst.idx.add.s32.msk vm5, v1  }
0x5e2: {  	vm8 =	veq.s32 v18, v4;
	v10 =	vand.u32 $0x3FFFFF, v21;
	v18 =	vshrl.u32 v15, $0x9;
	[tilespmem:v8+s16+$0x0] =	vst.idx.add.s32.msk vm0, v1  }
0x5e3: {  	vm0 =	veq.s32 v17, v4;
	v8 =	vand.u32 $0x3FFFFF, v18;
	v17 =	vshrl.u32 v16, $0x9;
	[tilespmem:v9+s16+$0x0] =	vst.idx.add.s32.msk vm1, v1  }
.Ltmp25:
0x5e4: {  	vm1 =	veq.s32 v10, v4;
	v9 =	vand.u32 $0x3FFFFF, v17;
	v10 =	vshrl.u32 v5, $0x9;
	[tilespmem:v7+s16+$0x0] =	vst.idx.add.s32.msk vm2, v1;
	(pc) =	sbr.rel @p0 .LBB2_52-.Ltmp25, $4  }
0x5e5: {  	vm2 =	veq.s32 v8, v4;
	v7 =	vshrl.u32 v20, $0x9;
	v8 =	vand.u32 $0x3FFFFF, v10;
	[tilespmem:v6+s16+$0x0] =	vst.idx.add.s32.msk vm3, v1  }
0x5e6: {  	vm3 =	veq.s32 v9, v4;
	v6 =	vand.u32 $0x3FFFFF, v7;
	vm6 =	veq.s32 v8, v4;
	[tilespmem:v11+s16+$0x0] =	vst.idx.add.s32.msk vm7, v1  }
0x5e7: {  	v10 =	vand.u32 $0x1FF, v20;
	v8 =	vand.u32 $0x1FF, v13;
	vm5 =	veq.s32 v6, v4;
	[tilespmem:v12+s16+$0x0] =	vst.idx.add.s32.msk vm4, v1  }
0x5e8: {  	s25 =	sadd.s32 $0x80, s25;
	v9 =	vand.u32 $0x1FF, v14;
	v7 =	vand.u32 $0x1FF, v15;
	v6 =	vand.u32 $0x1FF, v16;
	[tilespmem:v19+s16+$0x0] =	vst.idx.add.s32.msk vm8, v1  }
0x5e9: {  	_ =	sdelay $0x4  }
0x5ea: {  	v4 =	vand.u32 $0x1FF, v5;
	[tilespmem:v10+s16+$0x0] =	vst.idx.add.s32.msk vm5, v1  }
0x5eb: {  	[tilespmem:v8+s16+$0x0] =	vst.idx.add.s32.msk vm0, v1  }
0x5ec: {  	[tilespmem:v9+s16+$0x0] =	vst.idx.add.s32.msk vm1, v1  }
0x5ed: {  	[tilespmem:v7+s16+$0x0] =	vst.idx.add.s32.msk vm2, v1;
	vm15 =	vlt.s32 v2, v3;
	v2 =	vxor.u32 $0x80000000, v2  }
0x5ee: {  	[tilespmem:v6+s16+$0x0] =	vst.idx.add.s32.msk vm3, v1;
	v2 =	vnsel vm15, $0x80000000, v2  }
0x5ef: {  	s0 =	simm.s32 $0x100C0;
	(xrf0) =	vmax.scan.msk.u32 $0xffff, v2;
	[tilespmem:v4+s16+$0x0] =	vst.idx.add.s32.msk vm6, v1  }
0x5f0: {  	v3 =	vld [tilespmem:s0+$0xFFFFFFC0]  }
0x5f1: {  	v2 =	vld [tilespmem:s0+$0xFFFFFFD0]  }
0x5f2: {  	v4 =	vld [tilespmem:s0+$0xFFFFFFE0];
	_ =	sdelay $0x1  }
0x5f3: {  	v5 =	vld [tilespmem:s0+$0xFFFFFFF0]  }
0x5f4: {  	v6, _, _ =	vpop (xrf0);
	(xrf0) =	vadd.scan.msk.s32 $0xffff, v3;
	v3 =	vld [tilespmem:s0+$0x0]  }
0x5f5: {  	(v2sf) =	vpush v6, $0xF;
	(xrf0) =	vadd.scan.msk.s32 $0xffff, v2  }
0x5f6: {  	(xrf0) =	vadd.scan.msk.s32 $0xffff, v4  }
0x5f7: {  	v2 =	vld [tilespmem:s0+$0x10]  }
0x5f8: {  	v4 =	vld [tilespmem:s0+$0x20];
	(xrf0) =	vadd.scan.msk.s32 $0xffff, v5  }
0x5f9: {  	(xrf0) =	vadd.scan.msk.s32 $0xffff, v3  }
0x5fa: {  	v3, _, _ =	vpop (xrf0)  }
0x5fb: {  	(v2sf) =	vpush v3, $0xF;
	v3, _, _ =	vpop (xrf0)  }
0x5fc: {  	(v2sf) =	vpush v3, $0xF;
	v3, _, _ =	vpop (xrf0);
	(xrf0) =	vadd.scan.msk.s32 $0xffff, v2  }
0x5fd: {  	(xrf0) =	vadd.scan.msk.s32 $0xffff, v4  }
0x5fe: {  	(v2sf) =	vpush v3, $0xF;
	v2, _, _ =	vpop (xrf0)  }
0x5ff: {  	(v2sf) =	vpush v2, $0xF;
	v2, _, _ =	vpop (xrf0)  }
0x600: {  	(v2sf) =	vpush v2, $0xF;
	v2 =	vld [tilespmem:s0+$0x30]  }
0x601: {  	s2 =	simm.s32 $0x10140  }
0x602: {  	v4 =	vld [tilespmem:s2+$0xFFFFFFC0];
	v3, _, _ =	vpop (xrf0)  }
0x603: {  	v5 =	vld [tilespmem:s2+$0xFFFFFFD0];
	(v2sf) =	vpush v3, $0xF;
	v3, _, _ =	vpop (xrf0)  }
0x604: {  	s6 =	spop (v2sf);
	(v2sf) =	vpush v3, $0xF;
	v3 =	vld [tilespmem:s2+$0xFFFFFFE0]  }
0x605: {  	v6 =	vld [tilespmem:s2+$0xFFFFFFF0];
	(xrf0) =	vadd.scan.msk.s32 $0xffff, v2  }
0x606: {  	v2 =	vld [tilespmem:s2+$0x0]  }
0x607: {  	(xrf0) =	vadd.scan.msk.s32 $0xffff, v4  }
0x608: {  	(xrf0) =	vadd.scan.msk.s32 $0xffff, v5  }
0x609: {  	(xrf0) =	vadd.scan.msk.s32 $0xffff, v3  }
0x60a: {  	s25 =	simm.s32 $0x100;
	s0 =	sxor.u32 $0x80000000, s6;
	(xrf0) =	vadd.scan.msk.s32 $0xffff, v6  }
0x60b: {  	s24 =	simm.s32 $0x101C0;
	s5 =	simm.s32 $0x1;
	p0 =	sgt.s32 s23, s0;
	v4 =	vld [tilespmem:s2+$0x10];
	(xrf0) =	vadd.scan.msk.s32 $0xffff, v2;
	v2, _, _ =	vpop (xrf0)  }
0x60c: {  	s6 =	simm.s32 $0x1;
	s0 =	smov.u32 @p0 s23;
	v5 =	vld [tilespmem:s2+$0x20];
	s7 =	spop (v2sf);
	(v2sf) =	vpush v2, $0xF  }
0x60d: {  	s21 =	ssub.s32 s21, s0;
	s0 =	sadd.s32 $0x0, s7;
	s3 =	spop (v2sf)  }
0x60e: {  	s23 =	simm.s32 $0x0;
	p1 =	slt.s32 s0, s21;
	s3 =	sadd.s32 s3, s0  }
0x60f: {  	s4 =	spop (v2sf);
	s5 =	simm.s32 @!p1 $0x0;
	p0 =	slt.s32 s3, s21  }
0x610: {  	(xrf0) =	vadd.scan.msk.s32 $0xffff, v4;
	v2, _, _ =	vpop (xrf0);
	s7 =	spop (v2sf);
	s23 =	smov.u32 @p1 s0;
	s29 =	sadd.s32 s4, s3  }
0x611: {  	v6 =	vld [tilespmem:s2+$0x30];
	(xrf0) =	vadd.scan.msk.s32 $0xffff, v5;
	v3, _, _ =	vpop (xrf0);
	s4 =	simm.s32 $0x1;
	s0 =	simm.s32 $0x1;
	s8 =	spop (v2sf);
	(v2sf) =	vpush v2, $0xF  }
0x612: {  	s5 =	sadd.s32 $0x0, s5;
	s6 =	simm.s32 @!p0 $0x0;
	p2 =	slt.s32 s29, s21;
	(v2sf) =	vpush v3, $0xF  }
0x613: {  	s23 =	smov.u32 @p0 s3;
	s26 =	sadd.s32 s7, s29;
	s9 =	sadd.s32 s6, s5;
	v2, _, _ =	vpop (xrf0)  }
0x614: {  	v4 =	vld [tilespmem:s24+$0xFFFFFFE0];
	s4 =	simm.s32 @!p2 $0x0;
	p0 =	slt.s32 s26, s21;
	v3, _, _ =	vpop (xrf0);
	s28 =	sadd.s32 s8, s26;
	(v2sf) =	vpush v2, $0xF  }
0x615: {  	v5 =	vld [tilespmem:s24+$0xFFFFFFD0];
	s2 =	sadd.s32 s4, s9;
	s0 =	simm.s32 @!p0 $0x0;
	(v2sf) =	vpush v3, $0xF;
	v3, _, _ =	vpop (xrf0);
	s10 =	spop (v2sf)  }
0x616: {  	v2 =	vld [tilespmem:s24+$0xFFFFFFC0];
	s0 =	sadd.s32 s0, s2;
	(v2sf) =	vpush v3, $0xF;
	v7, _, _ =	vpop (xrf0);
	s30 =	sadd.s32 s10, s28;
	s14 =	spop (v2sf);
	(xrf0) =	vadd.scan.msk.s32 $0xffff, v6  }
0x617: {  	vm4 =	vmmov vm6;
	p4 =	slt.s32 s28, s21;
	v3 =	vld [tilespmem:s24+$0xFFFFFFF0];
	(v2sf) =	vpush v7, $0xF;
	v6, _, _ =	vpop (xrf0);
	p3 =	slt.s32 s30, s21;
	s31 =	sadd.s32 s14, s30  }
.LBB2_54:
0x618: {  	s23 =	smov.u32 @p2 s29;
	s2 =	simm.s32 $0x1;
	p1 =	slt.s32 s31, s21  }
0x619: {  	s3 =	smov.u32 s24;
	s5 =	simm.s32 $0x1;
	s2 =	simm.s32 @!p4 $0x0  }
0x61a: {  	v7 =	vld [tilespmem:s24+$0x0];
	(v2sf) =	vpush v6, $0xF;
	s23 =	smov.u32 @p0 s26;
	s0 =	sadd.s32 s2, s0;
	s2 =	simm.s32 $0x1  }
0x61b: {  	s5 =	simm.s32 @!p3 $0x0;
	(xrf0) =	vadd.scan.msk.s32 $0xffff, v2;
	s4 =	spop (v2sf);
	s2 =	simm.s32 @!p1 $0x0  }
0x61c: {  	s23 =	smov.u32 @p4 s28;
	s4 =	sadd.s32 s4, s31;
	s0 =	sadd.s32 s5, s0;
	(xrf0) =	vadd.scan.msk.s32 $0xffff, v5;
	v2, _, _ =	vpop (xrf0)  }
0x61d: {  	p0 =	slt.s32 s4, s21;
	s0 =	sadd.s32 s2, s0;
	s2 =	simm.s32 $0x1;
	(xrf0) =	vadd.scan.msk.s32 $0xffff, v4;
	(v2sf) =	vpush v2, $0xF  }
0x61e: {  	s23 =	smov.u32 @p3 s30;
	s2 =	simm.s32 @!p0 $0x0;
	v2 =	vld [tilespmem:s24+$0x10];
	(xrf0) =	vadd.scan.msk.s32 $0xffff, v3  }
0x61f: {  	s25 =	sadd.s32 $0x80, s25;
	s23 =	smov.u32 @p1 s31;
	s0 =	sadd.s32 s2, s0;
	v3 =	vld [tilespmem:s24+$0x20];
	(xrf0) =	vadd.scan.msk.s32 $0xffff, v7  }
0x620: {  	p1 =	slt.u32 s25, $0x180;
	s23 =	smov.u32 @p0 s4;
	s2 =	spop (v2sf)  }
0x621: {  	s24 =	sadd.s32 $0x80, s24;
	v4, _, _ =	vpop (xrf0);
	s2 =	sadd.s32 s4, s2;
	s4 =	spop (v2sf)  }
0x622: {  	s5 =	simm.s32 $0x1;
	v5 =	vld [tilespmem:s3+$0x30];
	p0 =	slt.s32 s2, s21;
	s3 =	sadd.s32 s4, s2  }
0x623: {  	(v2sf) =	vpush v4, $0xF;
	v4, _, _ =	vpop (xrf0);
	s4 =	spop (v2sf);
	s5 =	simm.s32 @!p0 $0x0;
	p2 =	slt.s32 s3, s21  }
0x624: {  	s6 =	spop (v2sf);
	s23 =	smov.u32 @p0 s2;
	s29 =	sadd.s32 s4, s3  }
0x625: {  	(v2sf) =	vpush v4, $0xF;
	v4, _, _ =	vpop (xrf0);
	(xrf0) =	vadd.scan.msk.s32 $0xffff, v2;
	s2 =	simm.s32 $0x1;
	s0 =	sadd.s32 s5, s0;
	s5 =	simm.s32 $0x1  }
0x626: {  	(v2sf) =	vpush v4, $0xF;
	v2, _, _ =	vpop (xrf0);
	(xrf0) =	vadd.scan.msk.s32 $0xffff, v3;
	s7 =	spop (v2sf);
	s23 =	smov.u32 @p2 s3;
	s5 =	simm.s32 @!p2 $0x0  }
0x627: {  	s26 =	sadd.s32 s6, s29;
	p2 =	slt.s32 s29, s21;
	(v2sf) =	vpush v2, $0xF;
	v2, _, _ =	vpop (xrf0);
	s0 =	sadd.s32 s5, s0  }
.Ltmp26:
0x628: {  	p0 =	slt.s32 s26, s21;
	s2 =	simm.s32 @!p2 $0x0;
	(v2sf) =	vpush v2, $0xF;
	(pc) =	sbr.rel @p1 .LBB2_54-.Ltmp26, $4  }
0x629: {  	s28 =	sadd.s32 s7, s26;
	s0 =	sadd.s32 s2, s0;
	s2 =	simm.s32 $0x1;
	v2 =	vld [tilespmem:s24+$0xFFFFFFC0];
	(xrf0) =	vadd.scan.msk.s32 $0xffff, v5  }
0x62a: {  	s2 =	simm.s32 @!p0 $0x0;
	v5 =	vld [tilespmem:s24+$0xFFFFFFD0];
	s3 =	spop (v2sf)  }
0x62b: {  	s0 =	sadd.s32 s2, s0;
	v4 =	vld [tilespmem:s24+$0xFFFFFFE0];
	v6, _, _ =	vpop (xrf0);
	s30 =	sadd.s32 s3, s28;
	s2 =	spop (v2sf)  }
0x62c: {  	p4 =	slt.s32 s28, s21;
	v3 =	vld [tilespmem:s24+$0xFFFFFFF0];
	(v2sf) =	vpush v6, $0xF;
	v6, _, _ =	vpop (xrf0);
	p3 =	slt.s32 s30, s21;
	s31 =	sadd.s32 s2, s30  }
0x62d: {  	s23 =	smov.u32 @p2 s29;
	s2 =	simm.s32 $0x1;
	p1 =	slt.s32 s31, s21  }
0x62e: {  	s3 =	simm.s32 $0x1;
	s4 =	spop (v2sf);
	s5 =	simm.s32 $0x1  }
0x62f: {  	s2 =	simm.s32 @!p4 $0x0;
	s3 =	simm.s32 @!p1 $0x0;
	s23 =	smov.u32 @p0 s26  }
0x630: {  	(v2sf) =	vpush v6, $0xF;
	s5 =	simm.s32 @!p3 $0x0;
	s0 =	sadd.s32 s2, s0;
	s2 =	sadd.s32 s4, s31  }
0x631: {  	(xrf0) =	vadd.scan.msk.s32 $0xffff, v2;
	s23 =	smov.u32 @p4 s28;
	s4 =	simm.s32 $0x1;
	s0 =	sadd.s32 s5, s0  }
0x632: {  	v7 =	vld [tilespmem:s24+$0x0];
	p0 =	slt.s32 s2, s21;
	s23 =	smov.u32 @p3 s30;
	s0 =	sadd.s32 s3, s0  }
0x633: {  	(xrf0) =	vadd.scan.msk.s32 $0xffff, v5;
	v2, _, _ =	vpop (xrf0);
	s4 =	simm.s32 @!p0 $0x0;
	s23 =	smov.u32 @p1 s31;
	s25 =	spop (v2sf)  }
0x634: {  	v62 =	vld [tilespmem:s24+$0x10];
	(xrf0) =	vadd.scan.msk.s32 $0xffff, v4;
	(v2sf) =	vpush v2, $0xF;
	s0 =	sadd.s32 s4, s0;
	s23 =	smov.u32 @p0 s2;
	s3 =	sadd.s32 s2, s25  }
0x635: {  	v63 =	vld [tilespmem:s24+$0x30];
	(xrf0) =	vadd.scan.msk.s32 $0xffff, v3;
	s4 =	simm.s32 $0x1;
	s26 =	spop (v2sf);
	p0 =	slt.s32 s3, s21  }
0x636: {  	v2 =	vld [tilespmem:s24+$0x20];
	s24 =	sadd.s32 s26, s3;
	s28 =	spop (v2sf);
	s4 =	simm.s32 @!p0 $0x0  }
0x637: {  	(xrf0) =	vadd.scan.msk.s32 $0xffff, v7;
	v3, _, _ =	vpop (xrf0);
	s23 =	smov.u32 @p0 s3;
	p1 =	slt.s32 s24, s21;
	s6 =	spop (v2sf)  }
0x638: {  	(v2sf) =	vpush v3, $0xF;
	s0 =	sadd.s32 s4, s0;
	s25 =	sadd.s32 s28, s24;
	s5 =	simm.s32 @!p1 $0x0  }
0x639: {  	v3, _, _ =	vpop (xrf0);
	s29 =	spop (v2sf);
	p0 =	slt.s32 s25, s21;
	s26 =	sadd.s32 s6, s25  }
0x63a: {  	(v2sf) =	vpush v3, $0xF;
	v3, _, _ =	vpop (xrf0);
	s5 =	simm.s32 @p1 $0x1;
	s2 =	simm.s32 @!p0 $0x0;
	s28 =	sadd.s32 s29, s26  }
0x63b: {  	(v2sf) =	vpush v3, $0xF;
	v3, _, _ =	vpop (xrf0);
	[smem:$0x7E2] =	sst s5;
	s5 =	simm.s32 $0x1;
	s2 =	simm.s32 @p0 $0x1  }
0x63c: {  	(xrf0) =	vadd.scan.msk.s32 $0xffff, v62;
	(v2sf) =	vpush v3, $0xF;
	s5 =	simm.s32 @!p1 $0x0;
	[smem:$0x7E3] =	sst s2;
	s2 =	simm.s32 $0x1  }
0x63d: {  	(xrf0) =	vadd.scan.msk.s32 $0xffff, v2;
	v2, _, _ =	vpop (xrf0);
	s0 =	sadd.s32 s5, s0;
	s2 =	simm.s32 @!p0 $0x0;
	p0 =	slt.s32 s26, s21  }
0x63e: {  	(v2sf) =	vpush v2, $0xF;
	s30 =	spop (v2sf);
	s3 =	simm.s32 @!p0 $0x0;
	s0 =	sadd.s32 s2, s0  }
0x63f: {  	s29 =	sadd.s32 s30, s28;
	s31 =	spop (v2sf);
	s3 =	simm.s32 @p0 $0x1  }
0x640: {  	p1 =	slt.s32 s29, s21;
	[smem:$0x7E4] =	sst s3;
	s3 =	simm.s32 $0x1  }
0x641: {  	s2 =	simm.s32 @!p1 $0x0;
	s3 =	simm.s32 @!p0 $0x0;
	p0 =	slt.s32 s28, s21  }
0x642: {  	(xrf0) =	vadd.scan.msk.s32 $0xffff, v63;
	s30 =	sadd.s32 s31, s29;
	s2 =	simm.s32 @p1 $0x1;
	s4 =	simm.s32 @!p0 $0x0  }
0x643: {  	v2, _, _ =	vpop (xrf0);
	s5 =	spop (v2sf);
	[smem:$0x7E6] =	sst s2;
	s4 =	simm.s32 @p0 $0x1  }
0x644: {  	(v2sf) =	vpush v2, $0xF;
	s0 =	sadd.s32 s3, s0;
	[smem:$0x7E5] =	sst s4;
	s4 =	simm.s32 $0x1  }
0x645: {  	s31 =	sadd.s32 s5, s30;
	s4 =	simm.s32 @!p0 $0x0;
	p0 =	slt.s32 s30, s21  }
0x646: {  	s5 =	simm.s32 $0x1;
	s2 =	simm.s32 @!p0 $0x0;
	s0 =	sadd.s32 s4, s0  }
0x647: {  	v2, _, _ =	vpop (xrf0);
	s4 =	simm.s32 $0x1;
	s6 =	spop (v2sf);
	s2 =	simm.s32 @p0 $0x1  }
0x648: {  	(v2sf) =	vpush v2, $0xF;
	v2, _, _ =	vpop (xrf0);
	s4 =	simm.s32 @!p1 $0x0;
	[smem:$0x7E7] =	sst s2;
	s2 =	simm.s32 $0x1  }
0x649: {  	(v2sf) =	vpush v2, $0xF;
	s7 =	spop (v2sf);
	s2 =	simm.s32 @!p0 $0x0;
	p0 =	slt.s32 s31, s21  }
0x64a: {  	s0 =	sadd.s32 s4, s0;
	s8 =	spop (v2sf);
	s3 =	simm.s32 @!p0 $0x0  }
0x64b: {  	s9 =	spop (v2sf);
	s0 =	sadd.s32 s2, s0;
	s3 =	simm.s32 @p0 $0x1  }
0x64c: {  	s2 =	sadd.s32 s31, s6;
	[smem:$0x7E8] =	sst s3;
	s3 =	simm.s32 $0x1  }
0x64d: {  	s10 =	spop (v2sf);
	s3 =	simm.s32 @!p0 $0x0;
	p0 =	slt.s32 s2, s21  }
0x64e: {  	s0 =	sadd.s32 s3, s0;
	s6 =	simm.s32 @!p0 $0x0;
	s5 =	simm.s32 @!p0 $0x0  }
0x64f: {  	s3 =	sadd.s32 s7, s2;
	s6 =	simm.s32 @p0 $0x1;
	s0 =	sadd.s32 s5, s0  }
0x650: {  	s5 =	simm.s32 $0x1;
	p0 =	slt.s32 s3, s21;
	s4 =	sadd.s32 s8, s3  }
0x651: {  	s8 =	simm.s32 $0x1;
	[smem:$0x7E9] =	sst s6;
	s7 =	simm.s32 @!p0 $0x0  }
0x652: {  	s5 =	simm.s32 @!p0 $0x0;
	s6 =	sadd.s32 s9, s4;
	p5 =	slt.s32 s4, s21  }
0x653: {  	s9 =	spop (v2sf);
	s7 =	simm.s32 @p0 $0x1;
	s0 =	sadd.s32 s5, s0  }
0x654: {  	s8 =	simm.s32 @!p5 $0x0;
	s5 =	sadd.s32 s10, s6;
	p4 =	slt.s32 s6, s21  }
0x655: {  	s10 =	simm.s32 $0x1;
	[smem:$0x7EA] =	sst s7;
	s7 =	simm.s32 $0x1  }
0x656: {  	s0 =	sadd.s32 s8, s0;
	p3 =	slt.s32 s5, s21;
	s7 =	simm.s32 @!p4 $0x0  }
0x657: {  	s14 =	spop (v2sf);
	s10 =	simm.s32 @!p3 $0x0;
	s0 =	sadd.s32 s7, s0  }
0x658: {  	s0 =	sadd.s32 s10, s0;
	s10 =	spop (v2sf);
	[smem:$0x7F4] =	sst s1  }
0x659: {  	s1 =	sld [smem:$0x7E2];
	_ =	sdelay $0x2  }
0x65a: {  	p6 =	seq.s32 s1, $0x1;
	s1 =	sld [smem:$0x7F4]  }
0x65b: {  	s23 =	smov.u32 @p6 s24;
	s24 =	sld [smem:$0x7E3]  }
0x65c: {  	s8 =	sadd.s32 s9, s5  }
0x65d: {  	s9 =	simm.s32 $0x1;
	p1 =	slt.s32 s8, s21  }
0x65e: {  	s7 =	sadd.s32 s14, s8;
	s14 =	simm.s32 $0x1;
	p6 =	seq.s32 s24, $0x1  }
0x65f: {  	p2 =	slt.s32 s7, s21;
	s23 =	smov.u32 @p6 s25;
	s25 =	sld [smem:$0x7E4]  }
0x660: {  	s14 =	simm.s32 @!p1 $0x0;
	s9 =	simm.s32 @!p2 $0x0  }
0x661: {  	s10 =	sadd.s32 s10, s7;
	s0 =	sadd.s32 s14, s0;
	s14 =	simm.s32 $0x1  }
0x662: {  	p0 =	slt.s32 s10, s21;
	s0 =	sadd.s32 s9, s0;
	p6 =	seq.s32 s25, $0x1  }
0x663: {  	s14 =	simm.s32 @!p0 $0x0;
	s23 =	smov.u32 @p6 s26;
	s26 =	sld [smem:$0x7E5]  }
0x664: {  	s0 =	sadd.s32 s14, s0;
	s14 =	sld [smem:$0x7E6]  }
0x665: {  	s24 =	sld [smem:$0x7E7]  }
0x666: {  	s0 =	sshll.u32 s0, $0x4;
	s25 =	sld [smem:$0x7E8];
	p6 =	seq.s32 s26, $0x1  }
0x667: {  	v2 =	vld [tilespmem:s0+$0x10080];
	s26 =	sld [smem:$0x7E9];
	s23 =	smov.u32 @p6 s28;
	p6 =	seq.s32 s14, $0x1  }
0x668: {  	s28 =	sld [smem:$0x7EA];
	s23 =	smov.u32 @p6 s29;
	p6 =	seq.s32 s24, $0x1  }
0x669: {  	s23 =	smov.u32 @p6 s30;
	p6 =	seq.s32 s25, $0x1  }
0x66a: {  	s23 =	smov.u32 @p6 s31;
	p6 =	seq.s32 s26, $0x1  }
0x66b: {  	s23 =	smov.u32 @p6 s2;
	p6 =	seq.s32 s28, $0x1  }
0x66c: {  	(xrf0) =	vadd.scan.msk.s32 $0xffff, v2;
	s23 =	smov.u32 @p6 s3  }
0x66d: {  	s23 =	smov.u32 @p5 s4  }
0x66e: {  	s23 =	smov.u32 @p4 s6  }
0x66f: {  	s23 =	smov.u32 @p3 s5  }
0x670: {  	s23 =	smov.u32 @p1 s8  }
0x671: {  	s23 =	smov.u32 @p2 s7  }
0x672: {  	v2, _, _ =	vpop (xrf0);
	s23 =	smov.u32 @p0 s10  }
0x673: {  	v2 =	vadd.s32 s23, v2  }
0x674: {  	vm0 =	vlt.s32 v2, s21  }
0x675: {  	v2 =	vsel vm0, $0x1, v0  }
0x676: {  	(xrf0) =	vadd.scan.msk.s32 $0xffff, v2;
	_ =	sdelay $0x5  }
0x677: {  	v2, _, _ =	vpop (xrf0)  }
0x678: {  	(v2sf) =	vpush v2, $0xF;
	_ =	sdelay $0xe  }
0x679: {  	s29 =	spop (v2sf)  }
0x67a: {  	s30 =	sshll.u32 s22, $0x9;
	s0 =	sadd.s32 s0, s29  }
0x67b: {  	s0 =	sor.u32 s30, s0  }
0x67c: {  	v2 =	vmov s0  }
0x67d: {  	s31 =	rddreg [dreg:$0x9];
	[tilespmem:$0x10000] =	vst v2  }
0x67e: {  	[hbm4b:s31+s1] =	stream.linear.scatter [tilespmem:s17], [sflag:$0x3], $0x80, $0x38;
	[tilespmem:$0x10880] =	vst v63  }
0x67f: {  	_ =	swait.ge [sflag:s18], $0x80  }
0x680: {  	[sflag:s18] =	ssyncset.done $0x0  }
0x681: {  	[sflag:s18] =	ssyncadd.s32 $0xFFFFFF80  }
0x682: {  	_ =	swait.ge [sflag:s19], $0x8000  }
0x683: {  	[sflag:s19] =	ssyncset.done $0x0  }
0x684: {  	s0 =	simm.s32 $0x100C0;
	[sflag:s19] =	ssyncadd.s32 $0xFFFF8000  }
0x685: {  	[tilespmem:s0+$0xFFFFFFC0] =	vst v0  }
0x686: {  	[tilespmem:s0+$0x30] =	vst v0  }
0x687: {  	[tilespmem:s0+$0x20] =	vst v0  }
0x688: {  	[tilespmem:s0+$0x10] =	vst v0  }
0x689: {  	[tilespmem:s0+$0x0] =	vst v0  }
0x68a: {  	[tilespmem:s0+$0xFFFFFFF0] =	vst v0  }
0x68b: {  	s21 =	simm.s32 $0x0;
	[tilespmem:s0+$0xFFFFFFE0] =	vst v0  }
.LBB2_56:
0x68c: {  	s21 =	sadd.s32 $0x80, s21;
	[tilespmem:s0+$0xFFFFFFD0] =	vst v0;
	s0 =	sadd.s32 $0x80, s0  }
0x68d: {  	[tilespmem:s0+$0xFFFFFFC0] =	vst v0;
	p0 =	slt.u32 s21, $0x780  }
0x68e: {  	[tilespmem:s0+$0x30] =	vst v0  }
.Ltmp27:
0x68f: {  	[tilespmem:s0+$0x20] =	vst v0;
	(pc) =	sbr.rel @p0 .LBB2_56-.Ltmp27, $4  }
0x690: {  	[tilespmem:s0+$0x10] =	vst v0  }
0x691: {  	[tilespmem:s0+$0x0] =	vst v0  }
0x692: {  	[tilespmem:s0+$0xFFFFFFF0] =	vst v0  }
0x693: {  	[tilespmem:s0+$0xFFFFFFE0] =	vst v0  }
0x694: {  	[tilespmem:s0+$0xFFFFFFD0] =	vst v0;
	s31 =	simm.s32 $0x8040  }
0x695: {  	v2 =	vld [tilespmem:s31+$0x30]  }
0x696: {  	v3 =	vld [tilespmem:s31+$0xFFFFFFD0]  }
0x697: {  	v4 =	vld [tilespmem:s31+$0xFFFFFFE0]  }
0x698: {  	v5 =	vld [tilespmem:s31+$0xFFFFFFF0]  }
0x699: {  	v6 =	vld [tilespmem:s31+$0x0]  }
0x69a: {  	v2 =	vshrl.u32 v2, $0x14  }
0x69b: {  	v3 =	vshrl.u32 v3, $0x14;
	v2 =	vand.u32 $0x7FF, v2  }
0x69c: {  	v7 =	vld [tilespmem:s31+$0x10];
	v4 =	vshrl.u32 v4, $0x14;
	v3 =	vand.u32 $0x7FF, v3  }
0x69d: {  	v8 =	vld [tilespmem:s31+$0x20];
	v5 =	vshrl.u32 v5, $0x14;
	v4 =	vand.u32 $0x7FF, v4  }
0x69e: {  	v9 =	vld [tilespmem:s31+$0xFFFFFFC0];
	v6 =	vshrl.u32 v6, $0x14;
	v5 =	vand.u32 $0x7FF, v5  }
0x69f: {  	v6 =	vand.u32 $0x7FF, v6  }
0x6a0: {  	[tilespmem:v2+s16+$0x0] =	vst.idx.add.s32.msk $0xffff, v1  }
0x6a1: {  	[tilespmem:v3+s16+$0x0] =	vst.idx.add.s32.msk $0xffff, v1  }
0x6a2: {  	[tilespmem:v4+s16+$0x0] =	vst.idx.add.s32.msk $0xffff, v1  }
0x6a3: {  	v2 =	vshrl.u32 v7, $0x14;
	v3 =	vshrl.u32 v8, $0x14;
	v4 =	vshrl.u32 v9, $0x14;
	[tilespmem:v5+s16+$0x0] =	vst.idx.add.s32.msk $0xffff, v1  }
0x6a4: {  	s22 =	simm.s32 $0x0;
	s23 =	simm.s32 $0x80C0;
	[tilespmem:v6+s16+$0x0] =	vst.idx.add.s32.msk $0xffff, v1;
	v2 =	vand.u32 $0x7FF, v2;
	v3 =	vand.u32 $0x7FF, v3;
	v4 =	vand.u32 $0x7FF, v4  }
.LBB2_58:
0x6a5: {  	v5 =	vld [tilespmem:s23+$0x30];
	s22 =	sadd.s32 $0x80, s22  }
0x6a6: {  	v6 =	vld [tilespmem:s23+$0xFFFFFFD0];
	p0 =	slt.u32 s22, $0x7F80  }
0x6a7: {  	v7 =	vld [tilespmem:s23+$0xFFFFFFE0]  }
0x6a8: {  	v8 =	vld [tilespmem:s23+$0xFFFFFFF0]  }
0x6a9: {  	v9 =	vld [tilespmem:s23+$0x0]  }
0x6aa: {  	v10 =	vld [tilespmem:s23+$0x10];
	v5 =	vshrl.u32 v5, $0x14  }
0x6ab: {  	v6 =	vshrl.u32 v6, $0x14;
	v11 =	vld [tilespmem:s23+$0x20];
	v5 =	vand.u32 $0x7FF, v5  }
0x6ac: {  	v12 =	vld [tilespmem:s23+$0xFFFFFFC0];
	v6 =	vand.u32 $0x7FF, v6;
	v7 =	vshrl.u32 v7, $0x14  }
0x6ad: {  	v7 =	vand.u32 $0x7FF, v7;
	v8 =	vshrl.u32 v8, $0x14;
	[tilespmem:v4+s16+$0x0] =	vst.idx.add.s32.msk $0xffff, v1  }
0x6ae: {  	v8 =	vand.u32 $0x7FF, v8;
	v4 =	vshrl.u32 v9, $0x14;
	[tilespmem:v2+s16+$0x0] =	vst.idx.add.s32.msk $0xffff, v1  }
0x6af: {  	v9 =	vand.u32 $0x7FF, v4;
	v2 =	vshrl.u32 v10, $0x14;
	[tilespmem:v3+s16+$0x0] =	vst.idx.add.s32.msk $0xffff, v1  }
.Ltmp28:
0x6b0: {  	s21 =	simm.s32 $0x0;
	s0 =	simm.s32 $0x100C0;
	v2 =	vand.u32 $0x7FF, v2;
	v3 =	vshrl.u32 v11, $0x14;
	[tilespmem:v5+s16+$0x0] =	vst.idx.add.s32.msk $0xffff, v1;
	(pc) =	sbr.rel @p0 .LBB2_58-.Ltmp28, $4  }
0x6b1: {  	v4 =	vshrl.u32 v12, $0x14;
	[tilespmem:v6+s16+$0x0] =	vst.idx.add.s32.msk $0xffff, v1;
	v3 =	vand.u32 $0x7FF, v3  }
0x6b2: {  	v4 =	vand.u32 $0x7FF, v4;
	[tilespmem:v7+s16+$0x0] =	vst.idx.add.s32.msk $0xffff, v1  }
0x6b3: {  	[tilespmem:v8+s16+$0x0] =	vst.idx.add.s32.msk $0xffff, v1  }
0x6b4: {  	s23 =	sadd.s32 $0x80, s23;
	[tilespmem:v9+s16+$0x0] =	vst.idx.add.s32.msk $0xffff, v1  }
0x6b5: {  	_ =	sdelay $0x3  }
0x6b6: {  	[tilespmem:v4+s16+$0x0] =	vst.idx.add.s32.msk $0xffff, v1  }
0x6b7: {  	[tilespmem:v2+s16+$0x0] =	vst.idx.add.s32.msk $0xffff, v1  }
0x6b8: {  	[tilespmem:v3+s16+$0x0] =	vst.idx.add.s32.msk $0xffff, v1  }
0x6b9: {  	v2 =	vld [tilespmem:s0+$0xFFFFFFC0]  }
0x6ba: {  	v3 =	vld [tilespmem:s0+$0xFFFFFFD0]  }
0x6bb: {  	v4 =	vld [tilespmem:s0+$0xFFFFFFE0];
	_ =	sdelay $0x1  }
0x6bc: {  	v5 =	vld [tilespmem:s0+$0xFFFFFFF0]  }
0x6bd: {  	(xrf0) =	vadd.scan.msk.s32 $0xffff, v2;
	v2 =	vld [tilespmem:s0+$0x0]  }
0x6be: {  	(xrf0) =	vadd.scan.msk.s32 $0xffff, v3  }
0x6bf: {  	(xrf0) =	vadd.scan.msk.s32 $0xffff, v4  }
0x6c0: {  	v3 =	vld [tilespmem:s0+$0x10]  }
0x6c1: {  	v4 =	vld [tilespmem:s0+$0x20];
	(xrf0) =	vadd.scan.msk.s32 $0xffff, v5  }
0x6c2: {  	(xrf0) =	vadd.scan.msk.s32 $0xffff, v2  }
0x6c3: {  	v2, _, _ =	vpop (xrf0)  }
0x6c4: {  	(v2sf) =	vpush v2, $0xF;
	v2, _, _ =	vpop (xrf0)  }
0x6c5: {  	(v2sf) =	vpush v2, $0xF;
	v2, _, _ =	vpop (xrf0);
	(xrf0) =	vadd.scan.msk.s32 $0xffff, v3  }
0x6c6: {  	(xrf0) =	vadd.scan.msk.s32 $0xffff, v4  }
0x6c7: {  	(v2sf) =	vpush v2, $0xF;
	v2, _, _ =	vpop (xrf0)  }
0x6c8: {  	(v2sf) =	vpush v2, $0xF;
	v2, _, _ =	vpop (xrf0)  }
0x6c9: {  	(v2sf) =	vpush v2, $0xF;
	v2 =	vld [tilespmem:s0+$0x30]  }
0x6ca: {  	s2 =	simm.s32 $0x10140  }
0x6cb: {  	v4 =	vld [tilespmem:s2+$0xFFFFFFC0];
	v3, _, _ =	vpop (xrf0)  }
0x6cc: {  	v5 =	vld [tilespmem:s2+$0xFFFFFFD0];
	(v2sf) =	vpush v3, $0xF;
	v3, _, _ =	vpop (xrf0)  }
0x6cd: {  	(v2sf) =	vpush v3, $0xF;
	v3 =	vld [tilespmem:s2+$0xFFFFFFE0]  }
0x6ce: {  	v6 =	vld [tilespmem:s2+$0xFFFFFFF0];
	(xrf0) =	vadd.scan.msk.s32 $0xffff, v2  }
0x6cf: {  	v2 =	vld [tilespmem:s2+$0x0]  }
0x6d0: {  	(xrf0) =	vadd.scan.msk.s32 $0xffff, v4  }
0x6d1: {  	(xrf0) =	vadd.scan.msk.s32 $0xffff, v5  }
0x6d2: {  	(xrf0) =	vadd.scan.msk.s32 $0xffff, v3  }
0x6d3: {  	(xrf0) =	vadd.scan.msk.s32 $0xffff, v6  }
0x6d4: {  	v4 =	vld [tilespmem:s2+$0x10];
	(xrf0) =	vadd.scan.msk.s32 $0xffff, v2;
	v2, _, _ =	vpop (xrf0)  }
0x6d5: {  	s23 =	simm.s32 $0x100;
	s22 =	simm.s32 $0x101C0;
	v5 =	vld [tilespmem:s2+$0x20];
	s9 =	spop (v2sf);
	(v2sf) =	vpush v2, $0xF  }
0x6d6: {  	s5 =	simm.s32 $0x1;
	s0 =	sadd.s32 $0x0, s9;
	s3 =	spop (v2sf)  }
0x6d7: {  	s6 =	simm.s32 $0x1;
	p1 =	slt.s32 s0, $0x4000;
	s3 =	sadd.s32 s3, s0  }
0x6d8: {  	s4 =	spop (v2sf);
	s5 =	simm.s32 @!p1 $0x0;
	p0 =	slt.s32 s3, $0x4000  }
0x6d9: {  	(xrf0) =	vadd.scan.msk.s32 $0xffff, v4;
	v2, _, _ =	vpop (xrf0);
	s7 =	spop (v2sf);
	s21 =	smov.u32 @p1 s0;
	s26 =	sadd.s32 s4, s3  }
0x6da: {  	v6 =	vld [tilespmem:s2+$0x30];
	(xrf0) =	vadd.scan.msk.s32 $0xffff, v5;
	v3, _, _ =	vpop (xrf0);
	(v2sf) =	vpush v2, $0xF;
	s4 =	simm.s32 $0x1;
	s0 =	simm.s32 $0x1;
	s5 =	sadd.s32 $0x0, s5  }
0x6db: {  	s6 =	simm.s32 @!p0 $0x0;
	p1 =	slt.s32 s26, $0x4000;
	(v2sf) =	vpush v3, $0xF;
	s21 =	smov.u32 @p0 s3  }
0x6dc: {  	s24 =	sadd.s32 s7, s26;
	s10 =	spop (v2sf);
	s14 =	sadd.s32 s6, s5;
	v2, _, _ =	vpop (xrf0)  }
0x6dd: {  	v4 =	vld [tilespmem:s22+$0xFFFFFFD0];
	s4 =	simm.s32 @!p1 $0x0;
	p0 =	slt.s32 s24, $0x4000;
	(v2sf) =	vpush v2, $0xF;
	v2, _, _ =	vpop (xrf0);
	s25 =	sadd.s32 s10, s24  }
0x6de: {  	v5 =	vld [tilespmem:s22+$0xFFFFFFC0];
	s2 =	sadd.s32 s4, s14;
	s0 =	simm.s32 @!p0 $0x0;
	(v2sf) =	vpush v2, $0xF;
	v2, _, _ =	vpop (xrf0);
	s30 =	spop (v2sf)  }
0x6df: {  	v3 =	vld [tilespmem:s22+$0xFFFFFFE0];
	s0 =	sadd.s32 s0, s2;
	(v2sf) =	vpush v2, $0xF;
	v7, _, _ =	vpop (xrf0);
	(xrf0) =	vadd.scan.msk.s32 $0xffff, v6;
	s28 =	sadd.s32 s30, s25;
	s31 =	spop (v2sf)  }
0x6e0: {  	p4 =	slt.s32 s25, $0x4000;
	v2 =	vld [tilespmem:s22+$0xFFFFFFF0];
	(v2sf) =	vpush v7, $0xF;
	v6, _, _ =	vpop (xrf0);
	p3 =	slt.s32 s28, $0x4000;
	s29 =	sadd.s32 s31, s28  }
.LBB2_60:
0x6e1: {  	s21 =	smov.u32 @p1 s26;
	s2 =	simm.s32 $0x1;
	p1 =	slt.s32 s29, $0x4000  }
0x6e2: {  	s3 =	smov.u32 s22;
	s5 =	simm.s32 $0x1;
	s2 =	simm.s32 @!p4 $0x0  }
0x6e3: {  	v7 =	vld [tilespmem:s22+$0x0];
	(v2sf) =	vpush v6, $0xF;
	s21 =	smov.u32 @p0 s24;
	s0 =	sadd.s32 s2, s0;
	s2 =	simm.s32 $0x1  }
0x6e4: {  	s5 =	simm.s32 @!p3 $0x0;
	(xrf0) =	vadd.scan.msk.s32 $0xffff, v5;
	s4 =	spop (v2sf);
	s2 =	simm.s32 @!p1 $0x0  }
0x6e5: {  	s21 =	smov.u32 @p4 s25;
	s4 =	sadd.s32 s4, s29;
	s0 =	sadd.s32 s5, s0;
	(xrf0) =	vadd.scan.msk.s32 $0xffff, v4;
	v4, _, _ =	vpop (xrf0)  }
0x6e6: {  	p0 =	slt.s32 s4, $0x4000;
	s0 =	sadd.s32 s2, s0;
	s2 =	simm.s32 $0x1;
	(xrf0) =	vadd.scan.msk.s32 $0xffff, v3;
	(v2sf) =	vpush v4, $0xF  }
0x6e7: {  	s21 =	smov.u32 @p3 s28;
	s2 =	simm.s32 @!p0 $0x0;
	v3 =	vld [tilespmem:s22+$0x10];
	(xrf0) =	vadd.scan.msk.s32 $0xffff, v2  }
0x6e8: {  	s23 =	sadd.s32 $0x80, s23;
	s21 =	smov.u32 @p1 s29;
	s0 =	sadd.s32 s2, s0;
	v2 =	vld [tilespmem:s22+$0x20];
	(xrf0) =	vadd.scan.msk.s32 $0xffff, v7  }
0x6e9: {  	p2 =	slt.u32 s23, $0x780;
	s21 =	smov.u32 @p0 s4;
	s2 =	spop (v2sf)  }
0x6ea: {  	s22 =	sadd.s32 $0x80, s22;
	v4, _, _ =	vpop (xrf0);
	s2 =	sadd.s32 s4, s2;
	s4 =	spop (v2sf)  }
0x6eb: {  	s5 =	simm.s32 $0x1;
	v6 =	vld [tilespmem:s3+$0x30];
	p0 =	slt.s32 s2, $0x4000;
	s3 =	sadd.s32 s4, s2  }
0x6ec: {  	(v2sf) =	vpush v4, $0xF;
	v4, _, _ =	vpop (xrf0);
	s4 =	spop (v2sf);
	s5 =	simm.s32 @!p0 $0x0;
	p1 =	slt.s32 s3, $0x4000  }
0x6ed: {  	s6 =	spop (v2sf);
	s21 =	smov.u32 @p0 s2;
	s26 =	sadd.s32 s4, s3  }
0x6ee: {  	(v2sf) =	vpush v4, $0xF;
	v4, _, _ =	vpop (xrf0);
	(xrf0) =	vadd.scan.msk.s32 $0xffff, v3;
	s2 =	simm.s32 $0x1;
	s0 =	sadd.s32 s5, s0;
	s5 =	simm.s32 $0x1  }
0x6ef: {  	(v2sf) =	vpush v4, $0xF;
	v3, _, _ =	vpop (xrf0);
	(xrf0) =	vadd.scan.msk.s32 $0xffff, v2;
	s7 =	spop (v2sf);
	s21 =	smov.u32 @p1 s3;
	s5 =	simm.s32 @!p1 $0x0  }
0x6f0: {  	s24 =	sadd.s32 s6, s26;
	p1 =	slt.s32 s26, $0x4000;
	(v2sf) =	vpush v3, $0xF;
	v2, _, _ =	vpop (xrf0);
	s0 =	sadd.s32 s5, s0  }
.Ltmp29:
0x6f1: {  	p0 =	slt.s32 s24, $0x4000;
	s2 =	simm.s32 @!p1 $0x0;
	(v2sf) =	vpush v2, $0xF;
	(pc) =	sbr.rel @p2 .LBB2_60-.Ltmp29, $4  }
0x6f2: {  	s25 =	sadd.s32 s7, s24;
	s0 =	sadd.s32 s2, s0;
	s2 =	simm.s32 $0x1;
	v5 =	vld [tilespmem:s22+$0xFFFFFFC0];
	(xrf0) =	vadd.scan.msk.s32 $0xffff, v6  }
0x6f3: {  	s2 =	simm.s32 @!p0 $0x0;
	v4 =	vld [tilespmem:s22+$0xFFFFFFD0];
	s3 =	spop (v2sf)  }
0x6f4: {  	s0 =	sadd.s32 s2, s0;
	v3 =	vld [tilespmem:s22+$0xFFFFFFE0];
	v6, _, _ =	vpop (xrf0);
	s28 =	sadd.s32 s3, s25;
	s2 =	spop (v2sf)  }
0x6f5: {  	p4 =	slt.s32 s25, $0x4000;
	v2 =	vld [tilespmem:s22+$0xFFFFFFF0];
	(v2sf) =	vpush v6, $0xF;
	v6, _, _ =	vpop (xrf0);
	p3 =	slt.s32 s28, $0x4000;
	s29 =	sadd.s32 s2, s28  }
0x6f6: {  	s2 =	simm.s32 $0x1  }
0x6f7: {  	p2 =	slt.s32 s29, $0x4000;
	s3 =	simm.s32 $0x1;
	s21 =	smov.u32 @p1 s26  }
0x6f8: {  	s8 =	spop (v2sf);
	s4 =	simm.s32 $0x1;
	s2 =	simm.s32 @!p4 $0x0  }
0x6f9: {  	s3 =	simm.s32 @!p2 $0x0;
	s21 =	smov.u32 @p0 s24;
	s4 =	simm.s32 @!p3 $0x0  }
0x6fa: {  	s0 =	sadd.s32 s2, s0;
	s2 =	sadd.s32 s8, s29;
	s21 =	smov.u32 @p4 s25  }
0x6fb: {  	(v2sf) =	vpush v6, $0xF;
	v58 =	vld [tilespmem:s22+$0x0];
	(xrf0) =	vadd.scan.msk.s32 $0xffff, v5;
	s0 =	sadd.s32 s4, s0;
	p0 =	slt.s32 s2, $0x4000;
	s4 =	simm.s32 $0x1  }
0x6fc: {  	(xrf0) =	vadd.scan.msk.s32 $0xffff, v4;
	s21 =	smov.u32 @p3 s28;
	s0 =	sadd.s32 s3, s0;
	s4 =	simm.s32 @!p0 $0x0  }
0x6fd: {  	s21 =	smov.u32 @p2 s29;
	s0 =	sadd.s32 s4, s0;
	s9 =	spop (v2sf)  }
0x6fe: {  	v59, _, _ =	vpop (xrf0);
	(xrf0) =	vadd.scan.msk.s32 $0xffff, v3;
	s21 =	smov.u32 @p0 s2;
	s4 =	simm.s32 $0x1;
	s2 =	sadd.s32 s2, s9  }
0x6ff: {  	(v2sf) =	vpush v59, $0xF;
	(xrf0) =	vadd.scan.msk.s32 $0xffff, v2;
	s9 =	simm.s32 $0x1;
	s10 =	spop (v2sf);
	p1 =	slt.s32 s2, $0x4000  }
0x700: {  	v3 =	vld [tilespmem:s22+$0x10];
	(xrf0) =	vadd.scan.msk.s32 $0xffff, v58;
	s3 =	sadd.s32 s10, s2;
	s5 =	spop (v2sf);
	s4 =	simm.s32 @!p1 $0x0  }
0x701: {  	v2 =	vld [tilespmem:s22+$0x20];
	v60, _, _ =	vpop (xrf0);
	s21 =	smov.u32 @p1 s2;
	s2 =	simm.s32 $0x1;
	p0 =	slt.s32 s3, $0x4000  }
0x702: {  	(v2sf) =	vpush v60, $0xF;
	v61, _, _ =	vpop (xrf0);
	s6 =	spop (v2sf);
	s0 =	sadd.s32 s4, s0;
	s4 =	simm.s32 $0x1  }
0x703: {  	v63 =	vld [tilespmem:s22+$0x30];
	(v2sf) =	vpush v61, $0xF;
	s5 =	sadd.s32 s5, s3;
	s4 =	simm.s32 @!p0 $0x0;
	s7 =	spop (v2sf)  }
0x704: {  	v62, _, _ =	vpop (xrf0);
	p2 =	slt.s32 s5, $0x4000;
	s21 =	smov.u32 @p0 s3;
	s0 =	sadd.s32 s4, s0  }
0x705: {  	(xrf0) =	vadd.scan.msk.s32 $0xffff, v3;
	(v2sf) =	vpush v62, $0xF;
	v3, _, _ =	vpop (xrf0);
	s4 =	sadd.s32 s6, s5;
	s2 =	simm.s32 @!p2 $0x0;
	s21 =	smov.u32 @p2 s5  }
0x706: {  	(xrf0) =	vadd.scan.msk.s32 $0xffff, v2;
	(v2sf) =	vpush v3, $0xF;
	v2, _, _ =	vpop (xrf0);
	p1 =	slt.s32 s4, $0x4000;
	s6 =	sadd.s32 s7, s4;
	s7 =	simm.s32 $0x1  }
0x707: {  	s5 =	simm.s32 $0x1;
	(v2sf) =	vpush v2, $0xF;
	s0 =	sadd.s32 s2, s0;
	s7 =	simm.s32 @!p1 $0x0  }
0x708: {  	(xrf0) =	vadd.scan.msk.s32 $0xffff, v63;
	p3 =	slt.s32 s6, $0x4000;
	s21 =	smov.u32 @p1 s4;
	s14 =	spop (v2sf)  }
0x709: {  	s0 =	sadd.s32 s7, s0;
	s5 =	simm.s32 @!p3 $0x0;
	s7 =	simm.s32 $0x1  }
0x70a: {  	s21 =	smov.u32 @p3 s6;
	s2 =	sadd.s32 s14, s6;
	s22 =	spop (v2sf)  }
0x70b: {  	s0 =	sadd.s32 s5, s0;
	s5 =	simm.s32 $0x1;
	s3 =	sadd.s32 s22, s2  }
0x70c: {  	v2, _, _ =	vpop (xrf0);
	s6 =	simm.s32 $0x1;
	p0 =	slt.s32 s2, $0x4000;
	p2 =	slt.s32 s3, $0x4000  }
0x70d: {  	(v2sf) =	vpush v2, $0xF;
	v2, _, _ =	vpop (xrf0);
	s9 =	simm.s32 @!p0 $0x0;
	s21 =	smov.u32 @p0 s2;
	s2 =	simm.s32 $0x1  }
0x70e: {  	(v2sf) =	vpush v2, $0xF;
	v2, _, _ =	vpop (xrf0);
	s7 =	simm.s32 @!p2 $0x0;
	s8 =	spop (v2sf);
	s0 =	sadd.s32 s9, s0  }
0x70f: {  	(v2sf) =	vpush v2, $0xF;
	s21 =	smov.u32 @p2 s3;
	s4 =	sadd.s32 s8, s3;
	s0 =	sadd.s32 s7, s0  }
0x710: {  	s7 =	simm.s32 $0x1;
	s8 =	simm.s32 $0x1;
	p1 =	slt.s32 s4, $0x4000  }
0x711: {  	s2 =	simm.s32 @!p1 $0x0;
	s21 =	smov.u32 @p1 s4;
	s23 =	spop (v2sf)  }
0x712: {  	s0 =	sadd.s32 s2, s0;
	s2 =	sadd.s32 s4, s23;
	s24 =	spop (v2sf)  }
0x713: {  	s4 =	simm.s32 $0x1;
	p0 =	slt.s32 s2, $0x4000;
	s3 =	sadd.s32 s24, s2  }
0x714: {  	s25 =	spop (v2sf);
	s5 =	simm.s32 @!p0 $0x0;
	p1 =	slt.s32 s3, $0x4000  }
0x715: {  	s26 =	spop (v2sf);
	s21 =	smov.u32 @p0 s2;
	s2 =	sadd.s32 s25, s3  }
0x716: {  	s0 =	sadd.s32 s5, s0;
	s6 =	simm.s32 @!p1 $0x0;
	s28 =	spop (v2sf)  }
0x717: {  	p2 =	slt.s32 s2, $0x4000;
	s21 =	smov.u32 @p1 s3;
	s3 =	sadd.s32 s26, s2  }
0x718: {  	s0 =	sadd.s32 s6, s0;
	s4 =	simm.s32 @!p2 $0x0;
	p0 =	slt.s32 s3, $0x4000  }
0x719: {  	s5 =	sadd.s32 s28, s3;
	s6 =	simm.s32 $0x1;
	s21 =	smov.u32 @p2 s2  }
0x71a: {  	s0 =	sadd.s32 s4, s0;
	s6 =	simm.s32 @!p0 $0x0;
	p3 =	slt.s32 s5, $0x4000  }
0x71b: {  	s2 =	simm.s32 $0x1;
	s0 =	sadd.s32 s6, s0;
	s7 =	simm.s32 @!p3 $0x0  }
0x71c: {  	s21 =	smov.u32 @p0 s3;
	s29 =	spop (v2sf);
	s0 =	sadd.s32 s7, s0  }
0x71d: {  	s7 =	simm.s32 $0x1;
	s4 =	sadd.s32 s29, s5;
	s30 =	spop (v2sf)  }
0x71e: {  	p1 =	slt.s32 s4, $0x4000;
	s6 =	sadd.s32 s30, s4;
	s31 =	spop (v2sf)  }
0x71f: {  	p2 =	slt.s32 s6, $0x4000;
	s8 =	simm.s32 @!p1 $0x0;
	s3 =	sadd.s32 s31, s6  }
0x720: {  	s2 =	simm.s32 @!p2 $0x0;
	s0 =	sadd.s32 s8, s0;
	p0 =	slt.s32 s3, $0x4000  }
0x721: {  	s0 =	sadd.s32 s2, s0;
	s7 =	simm.s32 @!p0 $0x0  }
0x722: {  	s0 =	sadd.s32 s7, s0  }
0x723: {  	s22 =	sshll.u32 s0, $0x4;
	s0 =	simm.s32 $0x100C0  }
0x724: {  	v2 =	vld [tilespmem:s22+$0x10080];
	[tilespmem:s0+$0xFFFFFFC0] =	vst v0  }
0x725: {  	[tilespmem:s0+$0x30] =	vst v0  }
0x726: {  	[tilespmem:s0+$0x20] =	vst v0  }
0x727: {  	s21 =	smov.u32 @p3 s5;
	[tilespmem:s0+$0x10] =	vst v0  }
0x728: {  	s21 =	smov.u32 @p1 s4;
	[tilespmem:s0+$0x0] =	vst v0  }
0x729: {  	s21 =	smov.u32 @p2 s6;
	[tilespmem:s0+$0xFFFFFFF0] =	vst v0  }
0x72a: {  	s23 =	simm.s32 $0x0;
	s21 =	smov.u32 @p0 s3;
	[tilespmem:s0+$0xFFFFFFE0] =	vst v0  }
.LBB2_62:
0x72b: {  	s23 =	sadd.s32 $0x80, s23;
	[tilespmem:s0+$0xFFFFFFD0] =	vst v0;
	s0 =	sadd.s32 $0x80, s0  }
0x72c: {  	[tilespmem:s0+$0xFFFFFFC0] =	vst v0;
	p0 =	slt.u32 s23, $0x780  }
0x72d: {  	[tilespmem:s0+$0x30] =	vst v0  }
.Ltmp30:
0x72e: {  	[tilespmem:s0+$0x20] =	vst v0;
	(pc) =	sbr.rel @p0 .LBB2_62-.Ltmp30, $4  }
0x72f: {  	[tilespmem:s0+$0x10] =	vst v0  }
0x730: {  	[tilespmem:s0+$0x0] =	vst v0  }
0x731: {  	[tilespmem:s0+$0xFFFFFFF0] =	vst v0  }
0x732: {  	[tilespmem:s0+$0xFFFFFFE0] =	vst v0  }
0x733: {  	(xrf0) =	vadd.scan.msk.s32 $0xffff, v2;
	_ =	sdelay $0x5  }
0x734: {  	v2, _, _ =	vpop (xrf0)  }
0x735: {  	v2 =	vadd.s32 s21, v2  }
0x736: {  	vm0 =	vlt.s32 v2, $0x4000  }
0x737: {  	v3 =	vsel vm0, $0x1, v0  }
0x738: {  	(xrf0) =	vadd.scan.msk.s32 $0xffff, v3;
	_ =	sdelay $0x5  }
0x739: {  	v3, _, _ =	vpop (xrf0)  }
0x73a: {  	(v2sf) =	vpush v3, $0xF;
	_ =	sdelay $0x9  }
0x73b: {  	[tilespmem:s0+$0xFFFFFFD0] =	vst v0;
	s31 =	simm.s32 $0x8040  }
0x73c: {  	v5 =	vld [tilespmem:s31+$0x10]  }
0x73d: {  	v7 =	vld [tilespmem:s31+$0x30]  }
0x73e: {  	v8 =	vld [tilespmem:s31+$0xFFFFFFC0]  }
0x73f: {  	v4 =	vld [tilespmem:s31+$0xFFFFFFD0]  }
0x740: {  	s30 =	spop (v2sf)  }
0x741: {  	v9 =	vld [tilespmem:s31+$0x20];
	v6 =	vshrl.u32 v5, $0x14;
	s22 =	sadd.s32 s22, s30  }
0x742: {  	v5 =	vshrl.u32 v5, $0x9;
	v10 =	vand.u32 $0x7FF, v6;
	v3 =	vmov s22  }
0x743: {  	v11 =	vshrl.u32 v8, $0x14;
	v12 =	vshrl.u32 v7, $0x9;
	v6 =	vld [tilespmem:s31+$0xFFFFFFE0];
	vm3 =	veq.s32 v10, v3  }
0x744: {  	v13 =	vshrl.u32 v4, $0x14;
	v14 =	vand.u32 $0x7FF, v5;
	v5 =	vshrl.u32 v7, $0x14  }
0x745: {  	v8 =	vshrl.u32 v8, $0x9;
	v7 =	vand.u32 $0x7FF, v11;
	v10 =	vand.u32 $0x7FF, v5  }
0x746: {  	v11 =	vshrl.u32 v9, $0x9;
	vm1 =	veq.s32 v7, v3;
	vm2 =	veq.s32 v10, v3;
	v10 =	vld [tilespmem:s31+$0xFFFFFFF0]  }
0x747: {  	v5 =	vand.u32 $0x7FF, v8;
	v7 =	vshrl.u32 v9, $0x14;
	v8 =	vand.u32 $0x7FF, v12  }
0x748: {  	v12 =	vshrl.u32 v6, $0x14;
	v9 =	vld [tilespmem:s31+$0x0];
	v15 =	vand.u32 $0x7FF, v7;
	v7 =	vand.u32 $0x7FF, v11  }
0x749: {  	s23 =	simm.s32 $0x0;
	s24 =	simm.s32 $0x80C0;
	v11 =	vand.u32 $0x7FF, v13;
	v12 =	vand.u32 $0x7FF, v12;
	[tilespmem:v14+s16+$0x0] =	vst.idx.add.s32.msk vm3, v1;
	vm3 =	veq.s32 v15, v3  }
.LBB2_64:
0x74a: {  	v13 =	vld [tilespmem:s24+$0x10];
	s23 =	sadd.s32 $0x80, s23;
	v14 =	vshrl.u32 v4, $0x9;
	v4 =	vshrl.u32 v6, $0x9  }
0x74b: {  	v15 =	vld [tilespmem:s24+$0x30];
	p0 =	slt.u32 s23, $0x7F80;
	v6 =	vshrl.u32 v10, $0x14;
	v10 =	vshrl.u32 v10, $0x9  }
0x74c: {  	vm5 =	veq.s32 v12, v3;
	v6 =	vand.u32 $0x7FF, v6;
	[tilespmem:v8+s16+$0x0] =	vst.idx.add.s32.msk vm2, v1  }
0x74d: {  	v12 =	vand.u32 $0x7FF, v4;
	v8 =	vld [tilespmem:s24+$0xFFFFFFC0];
	v16 =	vshrl.u32 v9, $0x14;
	v9 =	vshrl.u32 v9, $0x9  }
0x74e: {  	vm2 =	veq.s32 v6, v3;
	v4 =	vld [tilespmem:s24+$0xFFFFFFD0];
	v6 =	vand.u32 $0x7FF, v16  }
0x74f: {  	vm6 =	veq.s32 v11, v3;
	v10 =	vand.u32 $0x7FF, v10;
	vm4 =	veq.s32 v6, v3;
	[tilespmem:v7+s16+$0x0] =	vst.idx.add.s32.msk vm3, v1  }
0x750: {  	[tilespmem:v5+s16+$0x0] =	vst.idx.add.s32.msk vm1, v1;
	v5 =	vand.u32 $0x7FF, v14  }
0x751: {  	v9 =	vand.u32 $0x7FF, v9;
	v6 =	vshrl.u32 v13, $0x14;
	v7 =	vshrl.u32 v13, $0x9;
	v11 =	vld [tilespmem:s24+$0x20]  }
0x752: {  	v13 =	vand.u32 $0x7FF, v6;
	[tilespmem:v12+s16+$0x0] =	vst.idx.add.s32.msk vm5, v1  }
0x753: {  	vm3 =	veq.s32 v13, v3;
	v13 =	vshrl.u32 v15, $0x9;
	v12 =	vshrl.u32 v8, $0x14;
	v6 =	vld [tilespmem:s24+$0xFFFFFFE0]  }
0x754: {  	v16 =	vand.u32 $0x7FF, v7;
	v7 =	vshrl.u32 v15, $0x14;
	v14 =	vshrl.u32 v4, $0x14;
	[tilespmem:v10+s16+$0x0] =	vst.idx.add.s32.msk vm2, v1  }
.Ltmp31:
0x755: {  	v7 =	vand.u32 $0x7FF, v7;
	v8 =	vshrl.u32 v8, $0x9;
	v10 =	vand.u32 $0x7FF, v12;
	[tilespmem:v5+s16+$0x0] =	vst.idx.add.s32.msk vm6, v1;
	(pc) =	sbr.rel @p0 .LBB2_64-.Ltmp31, $4  }
0x756: {  	vm2 =	veq.s32 v7, v3;
	vm1 =	veq.s32 v10, v3;
	v5 =	vand.u32 $0x7FF, v8;
	v10 =	vld [tilespmem:s24+$0xFFFFFFF0]  }
0x757: {  	v8 =	vand.u32 $0x7FF, v13;
	v7 =	vshrl.u32 v11, $0x14;
	v11 =	vshrl.u32 v11, $0x9;
	[tilespmem:v9+s16+$0x0] =	vst.idx.add.s32.msk vm4, v1  }
0x758: {  	v13 =	vand.u32 $0x7FF, v7;
	v7 =	vand.u32 $0x7FF, v11;
	v12 =	vshrl.u32 v6, $0x14;
	v9 =	vld [tilespmem:s24+$0x0]  }
0x759: {  	v11 =	vand.u32 $0x7FF, v14;
	s24 =	sadd.s32 $0x80, s24;
	v12 =	vand.u32 $0x7FF, v12;
	[tilespmem:v16+s16+$0x0] =	vst.idx.add.s32.msk vm3, v1;
	vm3 =	veq.s32 v13, v3  }
0x75a: {  	_ = 	snop  }
0x75b: {  	v4 =	vshrl.u32 v4, $0x9;
	v6 =	vshrl.u32 v6, $0x9;
	v13 =	vshrl.u32 v10, $0x14  }
0x75c: {  	vm4 =	veq.s32 v12, v3;
	v60 =	vshrl.u32 v10, $0x9;
	v61 =	vand.u32 $0x7FF, v13  }
0x75d: {  	v6 =	vand.u32 $0x7FF, v6;
	v62 =	vshrl.u32 v9, $0x14;
	vm5 =	veq.s32 v61, v3  }
0x75e: {  	vm6 =	veq.s32 v11, v3;
	v10 =	vand.u32 $0x7FF, v60;
	v63 =	vand.u32 $0x7FF, v62  }
0x75f: {  	[tilespmem:v8+s16+$0x0] =	vst.idx.add.s32.msk vm2, v1;
	v8 =	vshrl.u32 v9, $0x9;
	vm15 =	veq.s32 v63, v3;
	v3 =	vand.u32 $0x7FF, v4  }
0x760: {  	[tilespmem:v7+s16+$0x0] =	vst.idx.add.s32.msk vm3, v1;
	v4 =	vand.u32 $0x7FF, v8  }
0x761: {  	[tilespmem:v5+s16+$0x0] =	vst.idx.add.s32.msk vm1, v1  }
0x762: {  	[tilespmem:v6+s16+$0x0] =	vst.idx.add.s32.msk vm4, v1  }
0x763: {  	v2 =	vxor.u32 $0x80000000, v2;
	[tilespmem:v10+s16+$0x0] =	vst.idx.add.s32.msk vm5, v1  }
0x764: {  	v2 =	vnsel vm0, $0x80000000, v2;
	[tilespmem:v3+s16+$0x0] =	vst.idx.add.s32.msk vm6, v1  }
0x765: {  	s0 =	simm.s32 $0x100C0;
	(xrf0) =	vmax.scan.msk.u32 $0xffff, v2;
	[tilespmem:v4+s16+$0x0] =	vst.idx.add.s32.msk vm15, v1  }
0x766: {  	v3 =	vld [tilespmem:s0+$0xFFFFFFC0]  }
0x767: {  	v2 =	vld [tilespmem:s0+$0xFFFFFFD0]  }
0x768: {  	v4 =	vld [tilespmem:s0+$0xFFFFFFE0];
	_ =	sdelay $0x1  }
0x769: {  	v5 =	vld [tilespmem:s0+$0xFFFFFFF0]  }
0x76a: {  	v6, _, _ =	vpop (xrf0);
	(xrf0) =	vadd.scan.msk.s32 $0xffff, v3;
	v3 =	vld [tilespmem:s0+$0x0]  }
0x76b: {  	(v2sf) =	vpush v6, $0xF;
	(xrf0) =	vadd.scan.msk.s32 $0xffff, v2  }
0x76c: {  	(xrf0) =	vadd.scan.msk.s32 $0xffff, v4  }
0x76d: {  	v2 =	vld [tilespmem:s0+$0x10]  }
0x76e: {  	v4 =	vld [tilespmem:s0+$0x20];
	(xrf0) =	vadd.scan.msk.s32 $0xffff, v5  }
0x76f: {  	(xrf0) =	vadd.scan.msk.s32 $0xffff, v3  }
0x770: {  	v3, _, _ =	vpop (xrf0)  }
0x771: {  	(v2sf) =	vpush v3, $0xF;
	v3, _, _ =	vpop (xrf0)  }
0x772: {  	(v2sf) =	vpush v3, $0xF;
	v3, _, _ =	vpop (xrf0);
	(xrf0) =	vadd.scan.msk.s32 $0xffff, v2  }
0x773: {  	(xrf0) =	vadd.scan.msk.s32 $0xffff, v4  }
0x774: {  	(v2sf) =	vpush v3, $0xF;
	v2, _, _ =	vpop (xrf0)  }
0x775: {  	(v2sf) =	vpush v2, $0xF;
	v2, _, _ =	vpop (xrf0)  }
0x776: {  	(v2sf) =	vpush v2, $0xF;
	v2 =	vld [tilespmem:s0+$0x30]  }
0x777: {  	s2 =	simm.s32 $0x10140  }
0x778: {  	v4 =	vld [tilespmem:s2+$0xFFFFFFC0];
	v3, _, _ =	vpop (xrf0)  }
0x779: {  	v5 =	vld [tilespmem:s2+$0xFFFFFFD0];
	(v2sf) =	vpush v3, $0xF;
	v3, _, _ =	vpop (xrf0)  }
0x77a: {  	s6 =	spop (v2sf);
	(v2sf) =	vpush v3, $0xF;
	v3 =	vld [tilespmem:s2+$0xFFFFFFE0]  }
0x77b: {  	v6 =	vld [tilespmem:s2+$0xFFFFFFF0];
	(xrf0) =	vadd.scan.msk.s32 $0xffff, v2  }
0x77c: {  	v2 =	vld [tilespmem:s2+$0x0]  }
0x77d: {  	(xrf0) =	vadd.scan.msk.s32 $0xffff, v4  }
0x77e: {  	(xrf0) =	vadd.scan.msk.s32 $0xffff, v5  }
0x77f: {  	(xrf0) =	vadd.scan.msk.s32 $0xffff, v3  }
0x780: {  	s23 =	simm.s32 $0x0;
	s0 =	sxor.u32 $0x80000000, s6;
	(xrf0) =	vadd.scan.msk.s32 $0xffff, v6  }
0x781: {  	s25 =	simm.s32 $0x100;
	s24 =	simm.s32 $0x101C0;
	p0 =	sgt.s32 s21, s0;
	v4 =	vld [tilespmem:s2+$0x10];
	(xrf0) =	vadd.scan.msk.s32 $0xffff, v2;
	v2, _, _ =	vpop (xrf0)  }
0x782: {  	s5 =	simm.s32 $0x1;
	s0 =	smov.u32 @p0 s21;
	v5 =	vld [tilespmem:s2+$0x20];
	s7 =	spop (v2sf);
	(v2sf) =	vpush v2, $0xF  }
0x783: {  	s21 =	ssub.s32 $0x4000, s0;
	s0 =	sadd.s32 $0x0, s7;
	s3 =	spop (v2sf)  }
0x784: {  	s6 =	simm.s32 $0x1;
	p1 =	slt.s32 s0, s21;
	s3 =	sadd.s32 s3, s0  }
0x785: {  	s4 =	spop (v2sf);
	s5 =	simm.s32 @!p1 $0x0;
	p0 =	slt.s32 s3, s21  }
0x786: {  	(xrf0) =	vadd.scan.msk.s32 $0xffff, v4;
	v2, _, _ =	vpop (xrf0);
	s7 =	spop (v2sf);
	s23 =	smov.u32 @p1 s0;
	s29 =	sadd.s32 s4, s3  }
0x787: {  	v6 =	vld [tilespmem:s2+$0x30];
	(xrf0) =	vadd.scan.msk.s32 $0xffff, v5;
	v3, _, _ =	vpop (xrf0);
	s4 =	simm.s32 $0x1;
	s0 =	simm.s32 $0x1;
	s8 =	spop (v2sf);
	(v2sf) =	vpush v2, $0xF  }
0x788: {  	s5 =	sadd.s32 $0x0, s5;
	s6 =	simm.s32 @!p0 $0x0;
	p1 =	slt.s32 s29, s21;
	(v2sf) =	vpush v3, $0xF  }
0x789: {  	s23 =	smov.u32 @p0 s3;
	s26 =	sadd.s32 s7, s29;
	s9 =	sadd.s32 s6, s5;
	v2, _, _ =	vpop (xrf0)  }
0x78a: {  	v4 =	vld [tilespmem:s24+$0xFFFFFFD0];
	s4 =	simm.s32 @!p1 $0x0;
	p0 =	slt.s32 s26, s21;
	s28 =	sadd.s32 s8, s26;
	(v2sf) =	vpush v2, $0xF;
	v2, _, _ =	vpop (xrf0)  }
0x78b: {  	v5 =	vld [tilespmem:s24+$0xFFFFFFC0];
	s2 =	sadd.s32 s4, s9;
	s0 =	simm.s32 @!p0 $0x0;
	(v2sf) =	vpush v2, $0xF;
	v2, _, _ =	vpop (xrf0);
	s10 =	spop (v2sf)  }
0x78c: {  	v3 =	vld [tilespmem:s24+$0xFFFFFFE0];
	s0 =	sadd.s32 s0, s2;
	(v2sf) =	vpush v2, $0xF;
	v7, _, _ =	vpop (xrf0);
	s30 =	sadd.s32 s10, s28;
	s14 =	spop (v2sf);
	(xrf0) =	vadd.scan.msk.s32 $0xffff, v6  }
0x78d: {  	p4 =	slt.s32 s28, s21;
	v2 =	vld [tilespmem:s24+$0xFFFFFFF0];
	(v2sf) =	vpush v7, $0xF;
	v6, _, _ =	vpop (xrf0);
	p3 =	slt.s32 s30, s21;
	s31 =	sadd.s32 s14, s30  }
.LBB2_66:
0x78e: {  	s23 =	smov.u32 @p1 s29;
	s2 =	simm.s32 $0x1;
	p1 =	slt.s32 s31, s21  }
0x78f: {  	s3 =	smov.u32 s24;
	s5 =	simm.s32 $0x1;
	s2 =	simm.s32 @!p4 $0x0  }
0x790: {  	v7 =	vld [tilespmem:s24+$0x0];
	(v2sf) =	vpush v6, $0xF;
	s23 =	smov.u32 @p0 s26;
	s0 =	sadd.s32 s2, s0;
	s2 =	simm.s32 $0x1  }
0x791: {  	s5 =	simm.s32 @!p3 $0x0;
	(xrf0) =	vadd.scan.msk.s32 $0xffff, v5;
	s4 =	spop (v2sf);
	s2 =	simm.s32 @!p1 $0x0  }
0x792: {  	s23 =	smov.u32 @p4 s28;
	s4 =	sadd.s32 s4, s31;
	s0 =	sadd.s32 s5, s0;
	(xrf0) =	vadd.scan.msk.s32 $0xffff, v4;
	v4, _, _ =	vpop (xrf0)  }
0x793: {  	p0 =	slt.s32 s4, s21;
	s0 =	sadd.s32 s2, s0;
	s2 =	simm.s32 $0x1;
	(xrf0) =	vadd.scan.msk.s32 $0xffff, v3;
	(v2sf) =	vpush v4, $0xF  }
0x794: {  	s23 =	smov.u32 @p3 s30;
	s2 =	simm.s32 @!p0 $0x0;
	v3 =	vld [tilespmem:s24+$0x10];
	(xrf0) =	vadd.scan.msk.s32 $0xffff, v2  }
0x795: {  	s25 =	sadd.s32 $0x80, s25;
	s23 =	smov.u32 @p1 s31;
	s0 =	sadd.s32 s2, s0;
	v2 =	vld [tilespmem:s24+$0x20];
	(xrf0) =	vadd.scan.msk.s32 $0xffff, v7  }
0x796: {  	p2 =	slt.u32 s25, $0x780;
	s23 =	smov.u32 @p0 s4;
	s2 =	spop (v2sf)  }
0x797: {  	s24 =	sadd.s32 $0x80, s24;
	v4, _, _ =	vpop (xrf0);
	s2 =	sadd.s32 s4, s2;
	s4 =	spop (v2sf)  }
0x798: {  	s5 =	simm.s32 $0x1;
	v6 =	vld [tilespmem:s3+$0x30];
	p0 =	slt.s32 s2, s21;
	s3 =	sadd.s32 s4, s2  }
0x799: {  	(v2sf) =	vpush v4, $0xF;
	v4, _, _ =	vpop (xrf0);
	s4 =	spop (v2sf);
	s5 =	simm.s32 @!p0 $0x0;
	p1 =	slt.s32 s3, s21  }
0x79a: {  	s6 =	spop (v2sf);
	s23 =	smov.u32 @p0 s2;
	s29 =	sadd.s32 s4, s3  }
0x79b: {  	(v2sf) =	vpush v4, $0xF;
	v4, _, _ =	vpop (xrf0);
	(xrf0) =	vadd.scan.msk.s32 $0xffff, v3;
	s2 =	simm.s32 $0x1;
	s0 =	sadd.s32 s5, s0;
	s5 =	simm.s32 $0x1  }
0x79c: {  	(v2sf) =	vpush v4, $0xF;
	v3, _, _ =	vpop (xrf0);
	(xrf0) =	vadd.scan.msk.s32 $0xffff, v2;
	s7 =	spop (v2sf);
	s23 =	smov.u32 @p1 s3;
	s5 =	simm.s32 @!p1 $0x0  }
0x79d: {  	s26 =	sadd.s32 s6, s29;
	p1 =	slt.s32 s29, s21;
	(v2sf) =	vpush v3, $0xF;
	v2, _, _ =	vpop (xrf0);
	s0 =	sadd.s32 s5, s0  }
.Ltmp32:
0x79e: {  	p0 =	slt.s32 s26, s21;
	s2 =	simm.s32 @!p1 $0x0;
	(v2sf) =	vpush v2, $0xF;
	(pc) =	sbr.rel @p2 .LBB2_66-.Ltmp32, $4  }
0x79f: {  	s28 =	sadd.s32 s7, s26;
	s0 =	sadd.s32 s2, s0;
	s2 =	simm.s32 $0x1;
	v5 =	vld [tilespmem:s24+$0xFFFFFFC0];
	(xrf0) =	vadd.scan.msk.s32 $0xffff, v6  }
0x7a0: {  	s2 =	simm.s32 @!p0 $0x0;
	v4 =	vld [tilespmem:s24+$0xFFFFFFD0];
	s3 =	spop (v2sf)  }
0x7a1: {  	s0 =	sadd.s32 s2, s0;
	v3 =	vld [tilespmem:s24+$0xFFFFFFE0];
	v6, _, _ =	vpop (xrf0);
	s30 =	sadd.s32 s3, s28;
	s2 =	spop (v2sf)  }
0x7a2: {  	p4 =	slt.s32 s28, s21;
	v2 =	vld [tilespmem:s24+$0xFFFFFFF0];
	(v2sf) =	vpush v6, $0xF;
	v6, _, _ =	vpop (xrf0);
	p3 =	slt.s32 s30, s21;
	s31 =	sadd.s32 s2, s30  }
0x7a3: {  	s2 =	simm.s32 $0x1  }
0x7a4: {  	p2 =	slt.s32 s31, s21;
	s3 =	simm.s32 $0x1;
	s23 =	smov.u32 @p1 s29  }
0x7a5: {  	s6 =	spop (v2sf);
	s4 =	simm.s32 $0x1;
	s2 =	simm.s32 @!p4 $0x0  }
0x7a6: {  	s3 =	simm.s32 @!p2 $0x0;
	s23 =	smov.u32 @p0 s26;
	s4 =	simm.s32 @!p3 $0x0  }
0x7a7: {  	s0 =	sadd.s32 s2, s0;
	s2 =	sadd.s32 s6, s31;
	s23 =	smov.u32 @p4 s28  }
0x7a8: {  	(v2sf) =	vpush v6, $0xF;
	v58 =	vld [tilespmem:s24+$0x0];
	(xrf0) =	vadd.scan.msk.s32 $0xffff, v5;
	s0 =	sadd.s32 s4, s0;
	p0 =	slt.s32 s2, s21;
	s4 =	simm.s32 $0x1  }
0x7a9: {  	(xrf0) =	vadd.scan.msk.s32 $0xffff, v4;
	s23 =	smov.u32 @p3 s30;
	s0 =	sadd.s32 s3, s0;
	s4 =	simm.s32 @!p0 $0x0  }
0x7aa: {  	s23 =	smov.u32 @p2 s31;
	s0 =	sadd.s32 s4, s0;
	s7 =	spop (v2sf)  }
0x7ab: {  	v59, _, _ =	vpop (xrf0);
	(xrf0) =	vadd.scan.msk.s32 $0xffff, v3;
	s23 =	smov.u32 @p0 s2;
	s2 =	sadd.s32 s2, s7;
	s8 =	spop (v2sf)  }
0x7ac: {  	(v2sf) =	vpush v59, $0xF;
	(xrf0) =	vadd.scan.msk.s32 $0xffff, v2;
	s4 =	simm.s32 $0x1;
	p1 =	slt.s32 s2, s21;
	s3 =	sadd.s32 s8, s2  }
0x7ad: {  	v3 =	vld [tilespmem:s24+$0x10];
	(xrf0) =	vadd.scan.msk.s32 $0xffff, v58;
	s5 =	spop (v2sf);
	s4 =	simm.s32 @!p1 $0x0;
	s23 =	smov.u32 @p1 s2  }
0x7ae: {  	v2 =	vld [tilespmem:s24+$0x20];
	v60, _, _ =	vpop (xrf0);
	s2 =	simm.s32 $0x1;
	p0 =	slt.s32 s3, s21;
	s6 =	spop (v2sf)  }
0x7af: {  	(v2sf) =	vpush v60, $0xF;
	v61, _, _ =	vpop (xrf0);
	s0 =	sadd.s32 s4, s0;
	s4 =	simm.s32 $0x1;
	s5 =	sadd.s32 s5, s3  }
0x7b0: {  	v63 =	vld [tilespmem:s24+$0x30];
	(v2sf) =	vpush v61, $0xF;
	s4 =	simm.s32 @!p0 $0x0;
	s7 =	spop (v2sf);
	p2 =	slt.s32 s5, s21  }
0x7b1: {  	v62, _, _ =	vpop (xrf0);
	s23 =	smov.u32 @p0 s3;
	s0 =	sadd.s32 s4, s0;
	s4 =	sadd.s32 s6, s5  }
0x7b2: {  	(xrf0) =	vadd.scan.msk.s32 $0xffff, v3;
	(v2sf) =	vpush v62, $0xF;
	v3, _, _ =	vpop (xrf0);
	s2 =	simm.s32 @!p2 $0x0;
	s23 =	smov.u32 @p2 s5;
	s5 =	simm.s32 $0x1  }
0x7b3: {  	(xrf0) =	vadd.scan.msk.s32 $0xffff, v2;
	(v2sf) =	vpush v3, $0xF;
	v2, _, _ =	vpop (xrf0);
	p1 =	slt.s32 s4, s21;
	s6 =	sadd.s32 s7, s4;
	s7 =	simm.s32 $0x1  }
0x7b4: {  	(v2sf) =	vpush v2, $0xF;
	s0 =	sadd.s32 s2, s0;
	s7 =	simm.s32 @!p1 $0x0;
	p3 =	slt.s32 s6, s21  }
0x7b5: {  	(xrf0) =	vadd.scan.msk.s32 $0xffff, v63;
	s23 =	smov.u32 @p1 s4;
	s9 =	spop (v2sf);
	s0 =	sadd.s32 s7, s0  }
0x7b6: {  	s5 =	simm.s32 @!p3 $0x0;
	s7 =	simm.s32 $0x1;
	s23 =	smov.u32 @p3 s6  }
0x7b7: {  	s2 =	sadd.s32 s9, s6;
	s10 =	spop (v2sf);
	s9 =	simm.s32 $0x1  }
0x7b8: {  	s0 =	sadd.s32 s5, s0;
	s5 =	simm.s32 $0x1;
	s3 =	sadd.s32 s10, s2  }
0x7b9: {  	v2, _, _ =	vpop (xrf0);
	s6 =	simm.s32 $0x1;
	p0 =	slt.s32 s2, s21;
	p2 =	slt.s32 s3, s21  }
0x7ba: {  	(v2sf) =	vpush v2, $0xF;
	v2, _, _ =	vpop (xrf0);
	s9 =	simm.s32 @!p0 $0x0;
	s23 =	smov.u32 @p0 s2;
	s2 =	simm.s32 $0x1  }
0x7bb: {  	(v2sf) =	vpush v2, $0xF;
	v2, _, _ =	vpop (xrf0);
	s7 =	simm.s32 @!p2 $0x0;
	s8 =	spop (v2sf);
	s0 =	sadd.s32 s9, s0  }
0x7bc: {  	(v2sf) =	vpush v2, $0xF;
	s23 =	smov.u32 @p2 s3;
	s4 =	sadd.s32 s8, s3;
	s0 =	sadd.s32 s7, s0  }
0x7bd: {  	s7 =	simm.s32 $0x1;
	s8 =	simm.s32 $0x1;
	p1 =	slt.s32 s4, s21  }
0x7be: {  	s2 =	simm.s32 @!p1 $0x0;
	s23 =	smov.u32 @p1 s4;
	s14 =	spop (v2sf)  }
0x7bf: {  	s0 =	sadd.s32 s2, s0;
	s2 =	sadd.s32 s4, s14;
	s24 =	spop (v2sf)  }
0x7c0: {  	s4 =	simm.s32 $0x1;
	p0 =	slt.s32 s2, s21;
	s3 =	sadd.s32 s24, s2  }
0x7c1: {  	s25 =	spop (v2sf);
	s5 =	simm.s32 @!p0 $0x0;
	p1 =	slt.s32 s3, s21  }
0x7c2: {  	s26 =	spop (v2sf);
	s23 =	smov.u32 @p0 s2;
	s2 =	sadd.s32 s25, s3  }
0x7c3: {  	s0 =	sadd.s32 s5, s0;
	s6 =	simm.s32 @!p1 $0x0;
	s28 =	spop (v2sf)  }
0x7c4: {  	p2 =	slt.s32 s2, s21;
	s23 =	smov.u32 @p1 s3;
	s3 =	sadd.s32 s26, s2  }
0x7c5: {  	s0 =	sadd.s32 s6, s0;
	s4 =	simm.s32 @!p2 $0x0;
	p0 =	slt.s32 s3, s21  }
0x7c6: {  	s5 =	sadd.s32 s28, s3;
	s6 =	simm.s32 $0x1;
	s23 =	smov.u32 @p2 s2  }
0x7c7: {  	s0 =	sadd.s32 s4, s0;
	s6 =	simm.s32 @!p0 $0x0;
	p3 =	slt.s32 s5, s21  }
0x7c8: {  	s2 =	simm.s32 $0x1;
	s0 =	sadd.s32 s6, s0;
	s7 =	simm.s32 @!p3 $0x0  }
0x7c9: {  	s23 =	smov.u32 @p0 s3;
	s29 =	spop (v2sf);
	s0 =	sadd.s32 s7, s0  }
0x7ca: {  	s7 =	simm.s32 $0x1;
	s4 =	sadd.s32 s29, s5;
	s30 =	spop (v2sf)  }
0x7cb: {  	p1 =	slt.s32 s4, s21;
	s6 =	sadd.s32 s30, s4;
	s31 =	spop (v2sf)  }
0x7cc: {  	p2 =	slt.s32 s6, s21;
	s8 =	simm.s32 @!p1 $0x0;
	s3 =	sadd.s32 s31, s6  }
0x7cd: {  	s2 =	simm.s32 @!p2 $0x0;
	s0 =	sadd.s32 s8, s0;
	p0 =	slt.s32 s3, s21  }
0x7ce: {  	s0 =	sadd.s32 s2, s0;
	s7 =	simm.s32 @!p0 $0x0  }
0x7cf: {  	s0 =	sadd.s32 s7, s0  }
0x7d0: {  	s24 =	sshll.u32 s0, $0x4;
	s0 =	simm.s32 $0x100C0  }
0x7d1: {  	v2 =	vld [tilespmem:s24+$0x10080];
	[tilespmem:s0+$0xFFFFFFC0] =	vst v0  }
0x7d2: {  	[tilespmem:s0+$0x30] =	vst v0  }
0x7d3: {  	[tilespmem:s0+$0x20] =	vst v0  }
0x7d4: {  	s23 =	smov.u32 @p3 s5;
	[tilespmem:s0+$0x10] =	vst v0  }
0x7d5: {  	s23 =	smov.u32 @p1 s4;
	[tilespmem:s0+$0x0] =	vst v0  }
0x7d6: {  	s23 =	smov.u32 @p2 s6;
	[tilespmem:s0+$0xFFFFFFF0] =	vst v0  }
0x7d7: {  	s25 =	simm.s32 $0x0;
	s23 =	smov.u32 @p0 s3;
	[tilespmem:s0+$0xFFFFFFE0] =	vst v0  }
.LBB2_68:
0x7d8: {  	s25 =	sadd.s32 $0x80, s25;
	[tilespmem:s0+$0xFFFFFFD0] =	vst v0;
	s0 =	sadd.s32 $0x80, s0  }
0x7d9: {  	[tilespmem:s0+$0xFFFFFFC0] =	vst v0;
	p0 =	slt.u32 s25, $0x180  }
0x7da: {  	[tilespmem:s0+$0x30] =	vst v0  }
.Ltmp33:
0x7db: {  	[tilespmem:s0+$0x20] =	vst v0;
	(pc) =	sbr.rel @p0 .LBB2_68-.Ltmp33, $4  }
0x7dc: {  	[tilespmem:s0+$0x10] =	vst v0  }
0x7dd: {  	[tilespmem:s0+$0x0] =	vst v0  }
0x7de: {  	[tilespmem:s0+$0xFFFFFFF0] =	vst v0  }
0x7df: {  	[tilespmem:s0+$0xFFFFFFE0] =	vst v0  }
0x7e0: {  	(xrf0) =	vadd.scan.msk.s32 $0xffff, v2;
	_ =	sdelay $0x5  }
0x7e1: {  	v2, _, _ =	vpop (xrf0)  }
0x7e2: {  	v2 =	vadd.s32 s23, v2  }
0x7e3: {  	vm0 =	vlt.s32 v2, s21  }
0x7e4: {  	v3 =	vsel vm0, $0x1, v0  }
0x7e5: {  	(xrf0) =	vadd.scan.msk.s32 $0xffff, v3;
	_ =	sdelay $0x5  }
0x7e6: {  	v3, _, _ =	vpop (xrf0)  }
0x7e7: {  	(v2sf) =	vpush v3, $0xF;
	_ =	sdelay $0x7  }
0x7e8: {  	[tilespmem:s0+$0xFFFFFFD0] =	vst v0;
	s31 =	simm.s32 $0x8040  }
0x7e9: {  	v6 =	vld [tilespmem:s31+$0x30]  }
0x7ea: {  	v5 =	vld [tilespmem:s31+$0xFFFFFFD0]  }
0x7eb: {  	v7 =	vld [tilespmem:s31+$0xFFFFFFE0]  }
0x7ec: {  	v9 =	vld [tilespmem:s31+$0xFFFFFFF0]  }
0x7ed: {  	v11 =	vld [tilespmem:s31+$0x0]  }
0x7ee: {  	v12 =	vld [tilespmem:s31+$0x10]  }
0x7ef: {  	v14 =	vld [tilespmem:s31+$0xFFFFFFC0];
	s30 =	spop (v2sf)  }
0x7f0: {  	s2 =	sshll.u32 s22, $0xB;
	v8 =	vshrl.u32 v6, $0x9;
	v10 =	vshrl.u32 v5, $0x9;
	v13 =	vand.u32 $0x1FF, v5;
	v5 =	vld [tilespmem:s31+$0x20];
	s0 =	sadd.s32 s24, s30  }
0x7f1: {  	v15 =	vshrl.u32 v7, $0x9;
	v59 =	vshrl.u32 v9, $0x9;
	v6 =	vand.u32 $0x1FF, v6;
	s22 =	sor.u32 s2, s0  }
0x7f2: {  	v60 =	vshrl.u32 v11, $0x9;
	v8 =	vand.u32 $0x3FFFFF, v8;
	v4 =	vmov s22  }
0x7f3: {  	v61 =	vshrl.u32 v12, $0x9;
	v10 =	vand.u32 $0x3FFFFF, v10;
	vm4 =	veq.s32 v8, v4  }
0x7f4: {  	v16 =	vshrl.u32 v14, $0x9;
	v9 =	vand.u32 $0x1FF, v9;
	vm7 =	veq.s32 v10, v4  }
0x7f5: {  	v63 =	vand.u32 $0x3FFFFF, v16;
	v62 =	vshrl.u32 v5, $0x9;
	v3 =	vmov s21  }
0x7f6: {  	v8 =	vand.u32 $0x3FFFFF, v15;
	v10 =	vand.u32 $0x3FFFFF, v59;
	vm5 =	veq.s32 v63, v4  }
0x7f7: {  	vm0 =	veq.s32 v8, v4;
	v8 =	vand.u32 $0x3FFFFF, v60;
	vm1 =	veq.s32 v10, v4  }
0x7f8: {  	v10 =	vand.u32 $0x3FFFFF, v61;
	vm2 =	veq.s32 v8, v4;
	v8 =	vand.u32 $0x3FFFFF, v62  }
0x7f9: {  	vm3 =	veq.s32 v10, v4;
	v10 =	vand.u32 $0x1FF, v14;
	vm6 =	veq.s32 v8, v4;
	[tilespmem:v6+s16+$0x0] =	vst.idx.add.s32.msk vm4, v1  }
0x7fa: {  	s25 =	simm.s32 $0x80C0;
	s24 =	simm.s32 $0x0;
	v8 =	vand.u32 $0x1FF, v7;
	v7 =	vand.u32 $0x1FF, v11;
	[tilespmem:v13+s16+$0x0] =	vst.idx.add.s32.msk vm7, v1;
	v6 =	vand.u32 $0x1FF, v12  }
.LBB2_70:
0x7fb: {  	v11 =	vld [tilespmem:s25+$0x30];
	s24 =	sadd.s32 $0x80, s24;
	v12 =	vand.u32 $0x1FF, v5;
	vm4 =	vmmov vm6  }
0x7fc: {  	v5 =	vld [tilespmem:s25+$0xFFFFFFD0];
	p0 =	slt.u32 s24, $0x7F80  }
0x7fd: {  	v13 =	vld [tilespmem:s25+$0xFFFFFFE0]  }
0x7fe: {  	v14 =	vld [tilespmem:s25+$0xFFFFFFF0]  }
0x7ff: {  	v15 =	vld [tilespmem:s25+$0x0]  }
0x800: {  	v16 =	vld [tilespmem:s25+$0x10];
	v17 =	vshrl.u32 v11, $0x9  }
0x801: {  	v18 =	vshrl.u32 v5, $0x9;
	v19 =	vand.u32 $0x1FF, v5;
	v5 =	vld [tilespmem:s25+$0x20];
	v17 =	vand.u32 $0x3FFFFF, v17  }
0x802: {  	v20 =	vld [tilespmem:s25+$0xFFFFFFC0];
	v18 =	vand.u32 $0x3FFFFF, v18;
	v21 =	vshrl.u32 v13, $0x9;
	vm7 =	veq.s32 v17, v4  }
0x803: {  	v11 =	vand.u32 $0x1FF, v11;
	v17 =	vand.u32 $0x3FFFFF, v21;
	v21 =	vshrl.u32 v14, $0x9;
	[tilespmem:v10+s16+$0x0] =	vst.idx.add.s32.msk vm5, v1  }
0x804: {  	vm8 =	veq.s32 v18, v4;
	v10 =	vand.u32 $0x3FFFFF, v21;
	v18 =	vshrl.u32 v15, $0x9;
	[tilespmem:v8+s16+$0x0] =	vst.idx.add.s32.msk vm0, v1  }
0x805: {  	vm0 =	veq.s32 v17, v4;
	v8 =	vand.u32 $0x3FFFFF, v18;
	v17 =	vshrl.u32 v16, $0x9;
	[tilespmem:v9+s16+$0x0] =	vst.idx.add.s32.msk vm1, v1  }
.Ltmp34:
0x806: {  	vm1 =	veq.s32 v10, v4;
	v9 =	vand.u32 $0x3FFFFF, v17;
	v10 =	vshrl.u32 v5, $0x9;
	[tilespmem:v7+s16+$0x0] =	vst.idx.add.s32.msk vm2, v1;
	(pc) =	sbr.rel @p0 .LBB2_70-.Ltmp34, $4  }
0x807: {  	vm2 =	veq.s32 v8, v4;
	v7 =	vshrl.u32 v20, $0x9;
	v8 =	vand.u32 $0x3FFFFF, v10;
	[tilespmem:v6+s16+$0x0] =	vst.idx.add.s32.msk vm3, v1  }
0x808: {  	vm3 =	veq.s32 v9, v4;
	v6 =	vand.u32 $0x3FFFFF, v7;
	vm6 =	veq.s32 v8, v4;
	[tilespmem:v11+s16+$0x0] =	vst.idx.add.s32.msk vm7, v1  }
0x809: {  	v10 =	vand.u32 $0x1FF, v20;
	v8 =	vand.u32 $0x1FF, v13;
	vm5 =	veq.s32 v6, v4;
	[tilespmem:v12+s16+$0x0] =	vst.idx.add.s32.msk vm4, v1  }
0x80a: {  	s25 =	sadd.s32 $0x80, s25;
	v9 =	vand.u32 $0x1FF, v14;
	v7 =	vand.u32 $0x1FF, v15;
	v6 =	vand.u32 $0x1FF, v16;
	[tilespmem:v19+s16+$0x0] =	vst.idx.add.s32.msk vm8, v1  }
0x80b: {  	_ =	sdelay $0x4  }
0x80c: {  	v4 =	vand.u32 $0x1FF, v5;
	[tilespmem:v10+s16+$0x0] =	vst.idx.add.s32.msk vm5, v1  }
0x80d: {  	[tilespmem:v8+s16+$0x0] =	vst.idx.add.s32.msk vm0, v1  }
0x80e: {  	[tilespmem:v9+s16+$0x0] =	vst.idx.add.s32.msk vm1, v1  }
0x80f: {  	[tilespmem:v7+s16+$0x0] =	vst.idx.add.s32.msk vm2, v1;
	vm15 =	vlt.s32 v2, v3;
	v2 =	vxor.u32 $0x80000000, v2  }
0x810: {  	[tilespmem:v6+s16+$0x0] =	vst.idx.add.s32.msk vm3, v1;
	v2 =	vnsel vm15, $0x80000000, v2  }
0x811: {  	s0 =	simm.s32 $0x100C0;
	(xrf0) =	vmax.scan.msk.u32 $0xffff, v2;
	[tilespmem:v4+s16+$0x0] =	vst.idx.add.s32.msk vm6, v1  }
0x812: {  	v3 =	vld [tilespmem:s0+$0xFFFFFFC0]  }
0x813: {  	v2 =	vld [tilespmem:s0+$0xFFFFFFD0]  }
0x814: {  	v4 =	vld [tilespmem:s0+$0xFFFFFFE0];
	_ =	sdelay $0x1  }
0x815: {  	v5 =	vld [tilespmem:s0+$0xFFFFFFF0]  }
0x816: {  	v6, _, _ =	vpop (xrf0);
	(xrf0) =	vadd.scan.msk.s32 $0xffff, v3;
	v3 =	vld [tilespmem:s0+$0x0]  }
0x817: {  	(v2sf) =	vpush v6, $0xF;
	(xrf0) =	vadd.scan.msk.s32 $0xffff, v2  }
0x818: {  	(xrf0) =	vadd.scan.msk.s32 $0xffff, v4  }
0x819: {  	v2 =	vld [tilespmem:s0+$0x10]  }
0x81a: {  	v4 =	vld [tilespmem:s0+$0x20];
	(xrf0) =	vadd.scan.msk.s32 $0xffff, v5  }
0x81b: {  	(xrf0) =	vadd.scan.msk.s32 $0xffff, v3  }
0x81c: {  	v3, _, _ =	vpop (xrf0)  }
0x81d: {  	(v2sf) =	vpush v3, $0xF;
	v3, _, _ =	vpop (xrf0)  }
0x81e: {  	(v2sf) =	vpush v3, $0xF;
	v3, _, _ =	vpop (xrf0);
	(xrf0) =	vadd.scan.msk.s32 $0xffff, v2  }
0x81f: {  	(xrf0) =	vadd.scan.msk.s32 $0xffff, v4  }
0x820: {  	(v2sf) =	vpush v3, $0xF;
	v2, _, _ =	vpop (xrf0)  }
0x821: {  	(v2sf) =	vpush v2, $0xF;
	v2, _, _ =	vpop (xrf0)  }
0x822: {  	(v2sf) =	vpush v2, $0xF;
	v2 =	vld [tilespmem:s0+$0x30]  }
0x823: {  	s2 =	simm.s32 $0x10140  }
0x824: {  	v4 =	vld [tilespmem:s2+$0xFFFFFFC0];
	v3, _, _ =	vpop (xrf0)  }
0x825: {  	v5 =	vld [tilespmem:s2+$0xFFFFFFD0];
	(v2sf) =	vpush v3, $0xF;
	v3, _, _ =	vpop (xrf0)  }
0x826: {  	s6 =	spop (v2sf);
	(v2sf) =	vpush v3, $0xF;
	v3 =	vld [tilespmem:s2+$0xFFFFFFE0]  }
0x827: {  	v6 =	vld [tilespmem:s2+$0xFFFFFFF0];
	(xrf0) =	vadd.scan.msk.s32 $0xffff, v2  }
0x828: {  	v2 =	vld [tilespmem:s2+$0x0]  }
0x829: {  	(xrf0) =	vadd.scan.msk.s32 $0xffff, v4  }
0x82a: {  	(xrf0) =	vadd.scan.msk.s32 $0xffff, v5  }
0x82b: {  	(xrf0) =	vadd.scan.msk.s32 $0xffff, v3  }
0x82c: {  	s25 =	simm.s32 $0x100;
	s0 =	sxor.u32 $0x80000000, s6;
	(xrf0) =	vadd.scan.msk.s32 $0xffff, v6  }
0x82d: {  	s24 =	simm.s32 $0x101C0;
	s5 =	simm.s32 $0x1;
	p0 =	sgt.s32 s23, s0;
	v4 =	vld [tilespmem:s2+$0x10];
	(xrf0) =	vadd.scan.msk.s32 $0xffff, v2;
	v2, _, _ =	vpop (xrf0)  }
0x82e: {  	s6 =	simm.s32 $0x1;
	s0 =	smov.u32 @p0 s23;
	v5 =	vld [tilespmem:s2+$0x20];
	s7 =	spop (v2sf);
	(v2sf) =	vpush v2, $0xF  }
0x82f: {  	s21 =	ssub.s32 s21, s0;
	s0 =	sadd.s32 $0x0, s7;
	s3 =	spop (v2sf)  }
0x830: {  	s23 =	simm.s32 $0x0;
	p1 =	slt.s32 s0, s21;
	s3 =	sadd.s32 s3, s0  }
0x831: {  	s4 =	spop (v2sf);
	s5 =	simm.s32 @!p1 $0x0;
	p0 =	slt.s32 s3, s21  }
0x832: {  	(xrf0) =	vadd.scan.msk.s32 $0xffff, v4;
	v2, _, _ =	vpop (xrf0);
	s7 =	spop (v2sf);
	s23 =	smov.u32 @p1 s0;
	s29 =	sadd.s32 s4, s3  }
0x833: {  	v6 =	vld [tilespmem:s2+$0x30];
	(xrf0) =	vadd.scan.msk.s32 $0xffff, v5;
	v3, _, _ =	vpop (xrf0);
	s4 =	simm.s32 $0x1;
	s0 =	simm.s32 $0x1;
	s8 =	spop (v2sf);
	(v2sf) =	vpush v2, $0xF  }
0x834: {  	s5 =	sadd.s32 $0x0, s5;
	s6 =	simm.s32 @!p0 $0x0;
	p2 =	slt.s32 s29, s21;
	(v2sf) =	vpush v3, $0xF  }
0x835: {  	s23 =	smov.u32 @p0 s3;
	s26 =	sadd.s32 s7, s29;
	s9 =	sadd.s32 s6, s5;
	v2, _, _ =	vpop (xrf0)  }
0x836: {  	v4 =	vld [tilespmem:s24+$0xFFFFFFE0];
	s4 =	simm.s32 @!p2 $0x0;
	p0 =	slt.s32 s26, s21;
	v3, _, _ =	vpop (xrf0);
	s28 =	sadd.s32 s8, s26;
	(v2sf) =	vpush v2, $0xF  }
0x837: {  	v5 =	vld [tilespmem:s24+$0xFFFFFFD0];
	s2 =	sadd.s32 s4, s9;
	s0 =	simm.s32 @!p0 $0x0;
	(v2sf) =	vpush v3, $0xF;
	v3, _, _ =	vpop (xrf0);
	s10 =	spop (v2sf)  }
0x838: {  	v2 =	vld [tilespmem:s24+$0xFFFFFFC0];
	s0 =	sadd.s32 s0, s2;
	(v2sf) =	vpush v3, $0xF;
	v7, _, _ =	vpop (xrf0);
	s30 =	sadd.s32 s10, s28;
	s14 =	spop (v2sf);
	(xrf0) =	vadd.scan.msk.s32 $0xffff, v6  }
0x839: {  	vm4 =	vmmov vm6;
	p4 =	slt.s32 s28, s21;
	v3 =	vld [tilespmem:s24+$0xFFFFFFF0];
	(v2sf) =	vpush v7, $0xF;
	v6, _, _ =	vpop (xrf0);
	p3 =	slt.s32 s30, s21;
	s31 =	sadd.s32 s14, s30  }
.LBB2_72:
0x83a: {  	s23 =	smov.u32 @p2 s29;
	s2 =	simm.s32 $0x1;
	p1 =	slt.s32 s31, s21  }
0x83b: {  	s3 =	smov.u32 s24;
	s5 =	simm.s32 $0x1;
	s2 =	simm.s32 @!p4 $0x0  }
0x83c: {  	v7 =	vld [tilespmem:s24+$0x0];
	(v2sf) =	vpush v6, $0xF;
	s23 =	smov.u32 @p0 s26;
	s0 =	sadd.s32 s2, s0;
	s2 =	simm.s32 $0x1  }
0x83d: {  	s5 =	simm.s32 @!p3 $0x0;
	(xrf0) =	vadd.scan.msk.s32 $0xffff, v2;
	s4 =	spop (v2sf);
	s2 =	simm.s32 @!p1 $0x0  }
0x83e: {  	s23 =	smov.u32 @p4 s28;
	s4 =	sadd.s32 s4, s31;
	s0 =	sadd.s32 s5, s0;
	(xrf0) =	vadd.scan.msk.s32 $0xffff, v5;
	v2, _, _ =	vpop (xrf0)  }
0x83f: {  	p0 =	slt.s32 s4, s21;
	s0 =	sadd.s32 s2, s0;
	s2 =	simm.s32 $0x1;
	(xrf0) =	vadd.scan.msk.s32 $0xffff, v4;
	(v2sf) =	vpush v2, $0xF  }
0x840: {  	s23 =	smov.u32 @p3 s30;
	s2 =	simm.s32 @!p0 $0x0;
	v2 =	vld [tilespmem:s24+$0x10];
	(xrf0) =	vadd.scan.msk.s32 $0xffff, v3  }
0x841: {  	s25 =	sadd.s32 $0x80, s25;
	s23 =	smov.u32 @p1 s31;
	s0 =	sadd.s32 s2, s0;
	v3 =	vld [tilespmem:s24+$0x20];
	(xrf0) =	vadd.scan.msk.s32 $0xffff, v7  }
0x842: {  	p1 =	slt.u32 s25, $0x180;
	s23 =	smov.u32 @p0 s4;
	s2 =	spop (v2sf)  }
0x843: {  	s24 =	sadd.s32 $0x80, s24;
	v4, _, _ =	vpop (xrf0);
	s2 =	sadd.s32 s4, s2;
	s4 =	spop (v2sf)  }
0x844: {  	s5 =	simm.s32 $0x1;
	v5 =	vld [tilespmem:s3+$0x30];
	p0 =	slt.s32 s2, s21;
	s3 =	sadd.s32 s4, s2  }
0x845: {  	(v2sf) =	vpush v4, $0xF;
	v4, _, _ =	vpop (xrf0);
	s4 =	spop (v2sf);
	s5 =	simm.s32 @!p0 $0x0;
	p2 =	slt.s32 s3, s21  }
0x846: {  	s6 =	spop (v2sf);
	s23 =	smov.u32 @p0 s2;
	s29 =	sadd.s32 s4, s3  }
0x847: {  	(v2sf) =	vpush v4, $0xF;
	v4, _, _ =	vpop (xrf0);
	(xrf0) =	vadd.scan.msk.s32 $0xffff, v2;
	s2 =	simm.s32 $0x1;
	s0 =	sadd.s32 s5, s0;
	s5 =	simm.s32 $0x1  }
0x848: {  	(v2sf) =	vpush v4, $0xF;
	v2, _, _ =	vpop (xrf0);
	(xrf0) =	vadd.scan.msk.s32 $0xffff, v3;
	s7 =	spop (v2sf);
	s23 =	smov.u32 @p2 s3;
	s5 =	simm.s32 @!p2 $0x0  }
0x849: {  	s26 =	sadd.s32 s6, s29;
	p2 =	slt.s32 s29, s21;
	(v2sf) =	vpush v2, $0xF;
	v2, _, _ =	vpop (xrf0);
	s0 =	sadd.s32 s5, s0  }
.Ltmp35:
0x84a: {  	p0 =	slt.s32 s26, s21;
	s2 =	simm.s32 @!p2 $0x0;
	(v2sf) =	vpush v2, $0xF;
	(pc) =	sbr.rel @p1 .LBB2_72-.Ltmp35, $4  }
0x84b: {  	s28 =	sadd.s32 s7, s26;
	s0 =	sadd.s32 s2, s0;
	s2 =	simm.s32 $0x1;
	v2 =	vld [tilespmem:s24+$0xFFFFFFC0];
	(xrf0) =	vadd.scan.msk.s32 $0xffff, v5  }
0x84c: {  	s2 =	simm.s32 @!p0 $0x0;
	v5 =	vld [tilespmem:s24+$0xFFFFFFD0];
	s3 =	spop (v2sf)  }
0x84d: {  	s0 =	sadd.s32 s2, s0;
	v4 =	vld [tilespmem:s24+$0xFFFFFFE0];
	v6, _, _ =	vpop (xrf0);
	s30 =	sadd.s32 s3, s28;
	s2 =	spop (v2sf)  }
0x84e: {  	p4 =	slt.s32 s28, s21;
	v3 =	vld [tilespmem:s24+$0xFFFFFFF0];
	(v2sf) =	vpush v6, $0xF;
	v6, _, _ =	vpop (xrf0);
	p3 =	slt.s32 s30, s21;
	s31 =	sadd.s32 s2, s30  }
0x84f: {  	s23 =	smov.u32 @p2 s29;
	s2 =	simm.s32 $0x1;
	p1 =	slt.s32 s31, s21  }
0x850: {  	s3 =	simm.s32 $0x1;
	s4 =	spop (v2sf);
	s5 =	simm.s32 $0x1  }
0x851: {  	s2 =	simm.s32 @!p4 $0x0;
	s3 =	simm.s32 @!p1 $0x0;
	s23 =	smov.u32 @p0 s26  }
0x852: {  	(v2sf) =	vpush v6, $0xF;
	s5 =	simm.s32 @!p3 $0x0;
	s0 =	sadd.s32 s2, s0;
	s2 =	sadd.s32 s4, s31  }
0x853: {  	(xrf0) =	vadd.scan.msk.s32 $0xffff, v2;
	s23 =	smov.u32 @p4 s28;
	s4 =	simm.s32 $0x1;
	s0 =	sadd.s32 s5, s0  }
0x854: {  	v7 =	vld [tilespmem:s24+$0x0];
	p0 =	slt.s32 s2, s21;
	s23 =	smov.u32 @p3 s30;
	s0 =	sadd.s32 s3, s0  }
0x855: {  	(xrf0) =	vadd.scan.msk.s32 $0xffff, v5;
	v2, _, _ =	vpop (xrf0);
	s4 =	simm.s32 @!p0 $0x0;
	s23 =	smov.u32 @p1 s31;
	s25 =	spop (v2sf)  }
0x856: {  	v62 =	vld [tilespmem:s24+$0x10];
	(xrf0) =	vadd.scan.msk.s32 $0xffff, v4;
	(v2sf) =	vpush v2, $0xF;
	s0 =	sadd.s32 s4, s0;
	s23 =	smov.u32 @p0 s2;
	s3 =	sadd.s32 s2, s25  }
0x857: {  	v63 =	vld [tilespmem:s24+$0x30];
	(xrf0) =	vadd.scan.msk.s32 $0xffff, v3;
	s4 =	simm.s32 $0x1;
	s26 =	spop (v2sf);
	p0 =	slt.s32 s3, s21  }
0x858: {  	v2 =	vld [tilespmem:s24+$0x20];
	s24 =	sadd.s32 s26, s3;
	s28 =	spop (v2sf);
	s4 =	simm.s32 @!p0 $0x0  }
0x859: {  	(xrf0) =	vadd.scan.msk.s32 $0xffff, v7;
	v3, _, _ =	vpop (xrf0);
	s23 =	smov.u32 @p0 s3;
	p1 =	slt.s32 s24, s21;
	s6 =	spop (v2sf)  }
0x85a: {  	(v2sf) =	vpush v3, $0xF;
	s0 =	sadd.s32 s4, s0;
	s25 =	sadd.s32 s28, s24;
	s5 =	simm.s32 @!p1 $0x0  }
0x85b: {  	v3, _, _ =	vpop (xrf0);
	s29 =	spop (v2sf);
	p0 =	slt.s32 s25, s21;
	s26 =	sadd.s32 s6, s25  }
0x85c: {  	(v2sf) =	vpush v3, $0xF;
	v3, _, _ =	vpop (xrf0);
	s5 =	simm.s32 @p1 $0x1;
	s2 =	simm.s32 @!p0 $0x0;
	s28 =	sadd.s32 s29, s26  }
0x85d: {  	(v2sf) =	vpush v3, $0xF;
	v3, _, _ =	vpop (xrf0);
	[smem:$0x7D9] =	sst s5;
	s5 =	simm.s32 $0x1;
	s2 =	simm.s32 @p0 $0x1  }
0x85e: {  	(xrf0) =	vadd.scan.msk.s32 $0xffff, v62;
	(v2sf) =	vpush v3, $0xF;
	s5 =	simm.s32 @!p1 $0x0;
	[smem:$0x7DA] =	sst s2;
	s2 =	simm.s32 $0x1  }
0x85f: {  	(xrf0) =	vadd.scan.msk.s32 $0xffff, v2;
	v2, _, _ =	vpop (xrf0);
	s0 =	sadd.s32 s5, s0;
	s2 =	simm.s32 @!p0 $0x0;
	p0 =	slt.s32 s26, s21  }
0x860: {  	(v2sf) =	vpush v2, $0xF;
	s30 =	spop (v2sf);
	s3 =	simm.s32 @!p0 $0x0;
	s0 =	sadd.s32 s2, s0  }
0x861: {  	s29 =	sadd.s32 s30, s28;
	s31 =	spop (v2sf);
	s3 =	simm.s32 @p0 $0x1  }
0x862: {  	p1 =	slt.s32 s29, s21;
	[smem:$0x7DB] =	sst s3;
	s3 =	simm.s32 $0x1  }
0x863: {  	s2 =	simm.s32 @!p1 $0x0;
	s3 =	simm.s32 @!p0 $0x0;
	p0 =	slt.s32 s28, s21  }
0x864: {  	(xrf0) =	vadd.scan.msk.s32 $0xffff, v63;
	s30 =	sadd.s32 s31, s29;
	s2 =	simm.s32 @p1 $0x1;
	s4 =	simm.s32 @!p0 $0x0  }
0x865: {  	v2, _, _ =	vpop (xrf0);
	s5 =	spop (v2sf);
	[smem:$0x7DD] =	sst s2;
	s4 =	simm.s32 @p0 $0x1  }
0x866: {  	(v2sf) =	vpush v2, $0xF;
	s0 =	sadd.s32 s3, s0;
	[smem:$0x7DC] =	sst s4;
	s4 =	simm.s32 $0x1  }
0x867: {  	s31 =	sadd.s32 s5, s30;
	s4 =	simm.s32 @!p0 $0x0;
	p0 =	slt.s32 s30, s21  }
0x868: {  	s5 =	simm.s32 $0x1;
	s2 =	simm.s32 @!p0 $0x0;
	s0 =	sadd.s32 s4, s0  }
0x869: {  	v2, _, _ =	vpop (xrf0);
	s4 =	simm.s32 $0x1;
	s6 =	spop (v2sf);
	s2 =	simm.s32 @p0 $0x1  }
0x86a: {  	(v2sf) =	vpush v2, $0xF;
	v2, _, _ =	vpop (xrf0);
	s4 =	simm.s32 @!p1 $0x0;
	[smem:$0x7DE] =	sst s2;
	s2 =	simm.s32 $0x1  }
0x86b: {  	(v2sf) =	vpush v2, $0xF;
	s7 =	spop (v2sf);
	s2 =	simm.s32 @!p0 $0x0;
	p0 =	slt.s32 s31, s21  }
0x86c: {  	s0 =	sadd.s32 s4, s0;
	s8 =	spop (v2sf);
	s3 =	simm.s32 @!p0 $0x0  }
0x86d: {  	s9 =	spop (v2sf);
	s0 =	sadd.s32 s2, s0;
	s3 =	simm.s32 @p0 $0x1  }
0x86e: {  	s2 =	sadd.s32 s31, s6;
	[smem:$0x7DF] =	sst s3;
	s3 =	simm.s32 $0x1  }
0x86f: {  	s10 =	spop (v2sf);
	s3 =	simm.s32 @!p0 $0x0;
	p0 =	slt.s32 s2, s21  }
0x870: {  	s0 =	sadd.s32 s3, s0;
	s6 =	simm.s32 @!p0 $0x0;
	s5 =	simm.s32 @!p0 $0x0  }
0x871: {  	s3 =	sadd.s32 s7, s2;
	s6 =	simm.s32 @p0 $0x1;
	s0 =	sadd.s32 s5, s0  }
0x872: {  	s5 =	simm.s32 $0x1;
	p0 =	slt.s32 s3, s21;
	s4 =	sadd.s32 s8, s3  }
0x873: {  	s8 =	simm.s32 $0x1;
	[smem:$0x7E0] =	sst s6;
	s7 =	simm.s32 @!p0 $0x0  }
0x874: {  	s5 =	simm.s32 @!p0 $0x0;
	s6 =	sadd.s32 s9, s4;
	p5 =	slt.s32 s4, s21  }
0x875: {  	s9 =	spop (v2sf);
	s7 =	simm.s32 @p0 $0x1;
	s0 =	sadd.s32 s5, s0  }
0x876: {  	s8 =	simm.s32 @!p5 $0x0;
	s5 =	sadd.s32 s10, s6;
	p4 =	slt.s32 s6, s21  }
0x877: {  	s10 =	simm.s32 $0x1;
	[smem:$0x7E1] =	sst s7;
	s7 =	simm.s32 $0x1  }
0x878: {  	s0 =	sadd.s32 s8, s0;
	p3 =	slt.s32 s5, s21;
	s7 =	simm.s32 @!p4 $0x0  }
0x879: {  	s14 =	spop (v2sf);
	s10 =	simm.s32 @!p3 $0x0;
	s0 =	sadd.s32 s7, s0  }
0x87a: {  	s0 =	sadd.s32 s10, s0;
	s10 =	spop (v2sf);
	[smem:$0x7F4] =	sst s1  }
0x87b: {  	s1 =	sld [smem:$0x7D9];
	_ =	sdelay $0x2  }
0x87c: {  	p6 =	seq.s32 s1, $0x1;
	s1 =	sld [smem:$0x7F4]  }
0x87d: {  	s23 =	smov.u32 @p6 s24;
	s24 =	sld [smem:$0x7DA]  }
0x87e: {  	s8 =	sadd.s32 s9, s5  }
0x87f: {  	s9 =	simm.s32 $0x1;
	p1 =	slt.s32 s8, s21  }
0x880: {  	s7 =	sadd.s32 s14, s8;
	s14 =	simm.s32 $0x1;
	p6 =	seq.s32 s24, $0x1  }
0x881: {  	p2 =	slt.s32 s7, s21;
	s23 =	smov.u32 @p6 s25;
	s25 =	sld [smem:$0x7DB]  }
0x882: {  	s14 =	simm.s32 @!p1 $0x0;
	s9 =	simm.s32 @!p2 $0x0  }
0x883: {  	s10 =	sadd.s32 s10, s7;
	s0 =	sadd.s32 s14, s0;
	s14 =	simm.s32 $0x1  }
0x884: {  	p0 =	slt.s32 s10, s21;
	s0 =	sadd.s32 s9, s0;
	p6 =	seq.s32 s25, $0x1  }
0x885: {  	s14 =	simm.s32 @!p0 $0x0;
	s23 =	smov.u32 @p6 s26;
	s26 =	sld [smem:$0x7DC]  }
0x886: {  	s0 =	sadd.s32 s14, s0;
	s14 =	sld [smem:$0x7DD]  }
0x887: {  	s24 =	sld [smem:$0x7DE]  }
0x888: {  	s0 =	sshll.u32 s0, $0x4;
	s25 =	sld [smem:$0x7DF];
	p6 =	seq.s32 s26, $0x1  }
0x889: {  	v2 =	vld [tilespmem:s0+$0x10080];
	s26 =	sld [smem:$0x7E0];
	s23 =	smov.u32 @p6 s28;
	p6 =	seq.s32 s14, $0x1  }
0x88a: {  	s28 =	sld [smem:$0x7E1];
	s23 =	smov.u32 @p6 s29;
	p6 =	seq.s32 s24, $0x1  }
0x88b: {  	s23 =	smov.u32 @p6 s30;
	p6 =	seq.s32 s25, $0x1  }
0x88c: {  	s23 =	smov.u32 @p6 s31;
	p6 =	seq.s32 s26, $0x1  }
0x88d: {  	s23 =	smov.u32 @p6 s2;
	p6 =	seq.s32 s28, $0x1  }
0x88e: {  	(xrf0) =	vadd.scan.msk.s32 $0xffff, v2;
	s23 =	smov.u32 @p6 s3  }
0x88f: {  	s23 =	smov.u32 @p5 s4  }
0x890: {  	s23 =	smov.u32 @p4 s6  }
0x891: {  	s23 =	smov.u32 @p3 s5  }
0x892: {  	s23 =	smov.u32 @p1 s8  }
0x893: {  	s23 =	smov.u32 @p2 s7  }
0x894: {  	v2, _, _ =	vpop (xrf0);
	s23 =	smov.u32 @p0 s10  }
0x895: {  	v2 =	vadd.s32 s23, v2  }
0x896: {  	vm0 =	vlt.s32 v2, s21  }
0x897: {  	v2 =	vsel vm0, $0x1, v0  }
0x898: {  	(xrf0) =	vadd.scan.msk.s32 $0xffff, v2;
	_ =	sdelay $0x5  }
0x899: {  	v2, _, _ =	vpop (xrf0)  }
0x89a: {  	(v2sf) =	vpush v2, $0xF;
	_ =	sdelay $0xe  }
0x89b: {  	s29 =	spop (v2sf)  }
0x89c: {  	s30 =	sshll.u32 s22, $0x9;
	s0 =	sadd.s32 s0, s29  }
0x89d: {  	s20 =	sadd.s32 $0x1, s20;
	s0 =	sor.u32 s30, s0  }
0x89e: {  	p0 =	sne.s32 s20, s11;
	v2 =	vmov s0  }
.Ltmp36:
0x89f: {  	s31 =	rddreg [dreg:$0xa];
	[tilespmem:$0x10000] =	vst v2;
	(pc) =	sbr.rel @p0 .LBB2_1-.Ltmp36, $4  }
0x8a0: {  	[hbm4b:s31+s1] =	stream.linear.scatter [tilespmem:s17], [sflag:$0x3], $0x80, $0x38;
	[tilespmem:$0x10880] =	vst v63  }
0x8a1: {  	_ =	swait.ge [sflag:s18], $0x80  }
0x8a2: {  	[sflag:s18] =	ssyncset.done $0x0  }
0x8a3: {  	[sflag:s18] =	ssyncadd.s32 $0xFFFFFF80  }
0x8a4: {  	_ =	sfence.sel $0x180000  }
0x8a5: {  	[bflag:$0x0] =	sbarrier.arrive $0xFFFF  }
0x8a6: {  	_ =	strace $0x90000047  }
0x8a7: {  	s0 =	stileid.u32;
	[bflag:$0x2] =	sbarrier.arrive $0xFFFF  }
0x8a8: {  	p0 =	sne.s32 s0, $0x0;
	s0 =	rddreg [dreg:$0x2]  }
0x8a9: {  	s0 =	sadd.s32 @!p0 $0x100000, s0  }
0x8aa: {  	[sflag:s0] =	ssyncadd.tile.s32 @!p0 $0x1;
	_ =	shalt  }
.Lfunc_end2:
_tile_overlayer_lowered:
.L_overlay_start_2:
0x8ab: {  	(tag) =	ssettag $0x2  }
0x8ac: {  	s0 =	rddreg [dreg:$0x0];
	s2 =	stileid.u32  }
0x8ad: {  	s1 =	rddreg [dreg:$0x1];
	p0 =	sne.s32 s2, $0x0  }
0x8ae: {  	s3 =	rddreg [dreg:$0x2];
	[bflag:$0x3] =	sbarrier.arrive $0xFFFF;
	s2 =	simm.s32 @!p0 $0x1C03  }
0x8af: {  	[timem:s3], [sflag:s2] =	dma.local @!p0 [hbm:s0], s1  }
0x8b0: {  	s0 =	simm.s32 @!p0 $0x3  }
0x8b1: {  	_ =	swait.ge @!p0 [sflag:s0], s1  }
0x8b2: {  	s1 =	ssub.s32 @!p0 $0x0, s1;
	[sflag:s0] =	ssyncset.done @!p0 $0x0  }
0x8b3: {  	[sflag:s0] =	ssyncadd.s32 @!p0 s1  }
0x8b4: {  	[bflag:$0x3] =	sbarrier.arrive $0xFFFF  }
0x8b5: {  	_ =	shalt  }

</sc_bundles>
